<compile_context>
chip_gen: v7x
topology: tpu7x:2x2x1
jax: 0.10.2.dev20260603
libtpu: 0.0.44.dev20260713+nightly
codegen_flags: <defaults>
</compile_context>

<pallas_src>
import functools

import jax
import jax.numpy as jnp
from jax import lax
from jax.experimental import pallas as pl
from jax.experimental.pallas import tpu as pltpu
from jax.experimental.pallas import tpu_sc as plsc

N = 10000
E = 320000
D = 128
DE = 16
DH = 256
G = 64

NC = 2
NS = 16
NW = NC * NS
GCH = 40
K = 5
GRP = K * GCH
NPW = 624
NTAIL = N - NS * NPW

EA = 192000
EB = E - EA

TE = 2000

K2 = 2
GRP2 = K2 * GCH
IDXC = 100
NGB = IDXC // K2

_sc_mesh = plsc.VectorSubcoreMesh(core_axis_name="c", subcore_axis_name="s",
                                  num_cores=NC, num_subcores=NS)



def _make_gather(ne):
    epw = ne // NW
    ndma = epw // GCH
    ng = epw // GRP
    assert ng * GRP == epw and ng % 2 == 0

    @functools.partial(
        pl.kernel,
        out_type=(jax.ShapeDtypeStruct((ne, D), jnp.float32),
                  jax.ShapeDtypeStruct((ne, D), jnp.float32)),
        mesh=_sc_mesh,
        scratch_types=[
            pltpu.VMEM((ndma, GCH), jnp.int32),
            pltpu.VMEM((GRP, D), jnp.float32),
            pltpu.VMEM((GRP, D), jnp.float32),
            pltpu.SemaphoreType.DMA,
            pltpu.SemaphoreType.DMA,
            pltpu.SemaphoreType.DMA,
            pltpu.SemaphoreType.DMA,
        ],
    )
    def gather(h_hbm, src_hbm, dst_hbm, hs_hbm, hd_hbm,
               idx_v, rows0, rows1, sem0, sem1, wsem0, wsem1):
        cid = lax.axis_index("c")
        sid = lax.axis_index("s")
        wid = sid * NC + cid
        base = wid * epw

        for ind_hbm, out_hbm in ((src_hbm, hs_hbm), (dst_hbm, hd_hbm)):
            pltpu.sync_copy(ind_hbm.at[wid], idx_v)

            def fire(g, rows, sem):
                for b in range(K):
                    pltpu.async_copy(h_hbm.at[idx_v.at[g * K + b]],
                                     rows.at[pl.ds(b * GCH, GCH)], sem)

            def drain(rows, sem):
                for b in range(K):
                    pltpu.make_async_copy(h_hbm.at[pl.ds(0, GCH)],
                                          rows.at[pl.ds(b * GCH, GCH)],
                                          sem).wait()

            def process(g, rows, sem, wsem, orows, osem, owsem, fire_guard):
                @pl.when(g >= 1)
                def _():
                    pltpu.make_async_copy(orows, out_hbm.at[pl.ds(base, GRP)],
                                          owsem).wait()
                if fire_guard is None:
                    fire(g + 1, orows, osem)
                else:
                    @pl.when(fire_guard)
                    def _():
                        fire(g + 1, orows, osem)
                drain(rows, sem)
                pltpu.async_copy(rows, out_hbm.at[pl.ds(base + g * GRP, GRP)],
                                 wsem)

            fire(0, rows0, sem0)

            @pl.loop(0, ng, step=2)
            def _(g):
                process(g, rows0, sem0, wsem0, rows1, sem1, wsem1, None)
                process(g + 1, rows1, sem1, wsem1, rows0, sem0, wsem0,
                        g + 2 < ng)

            pltpu.make_async_copy(rows1, out_hbm.at[pl.ds(base, GRP)],
                                  wsem1).wait()

    return gather


_gather_a = _make_gather(EA)
_gather_b = _make_gather(EB)



GCH2 = 80
IDXC2 = 50


def _make_scatter(ne, nblk):
    epw2 = ne // NS
    assert nblk * IDXC2 * GCH2 == epw2

    @functools.partial(
        pl.kernel,
        out_type=jax.ShapeDtypeStruct((N, D), jnp.float32),
        mesh=_sc_mesh,
        scratch_types=[
            pltpu.VMEM((IDXC2, GCH2), jnp.int32),
            pltpu.VMEM((GCH2, D), jnp.float32),
            pltpu.VMEM((GCH2, D), jnp.float32),
            pltpu.VMEM_SHARED((N, D), jnp.float32),
            pltpu.SemaphoreType.DMA,
            pltpu.SemaphoreType.DMA,
            pltpu.SemaphoreType.DMA,
            pltpu.SemaphoreType.DMA,
        ],
    )
    def scatter(m_hbm, dsti_hbm, zeros_hbm, out_hbm,
                idx_v, rows0, rows1, acc, sem0, sem1, ssem0, ssem1):
        cid = lax.axis_index("c")
        sid = lax.axis_index("s")

        @pl.when(cid == 0)
        def _():
            pltpu.sync_copy(zeros_hbm.at[pl.ds(sid * NPW, NPW)],
                            acc.at[pl.ds(sid * NPW, NPW)])

            @pl.when(sid == NS - 1)
            def _():
                pltpu.sync_copy(zeros_hbm.at[pl.ds(NS * NPW, NTAIL)],
                                acc.at[pl.ds(NS * NPW, NTAIL)])

        plsc.subcore_barrier()

        @pl.when(cid == 0)
        def _():
            def fire(bbase, g, rows, sem):
                pltpu.async_copy(m_hbm.at[pl.ds(bbase + g * GCH2, GCH2)],
                                 rows, sem)

            def drain_add(orows, ssem):
                pltpu.make_async_copy(orows, acc.at[pl.ds(0, GCH2)],
                                      ssem).wait()

            def process(bbase, g, rows, sem, ssem_cur, orows, osem, ssem_opp,
                        fire_guard):
                @pl.when(g >= 1)
                def _():
                    drain_add(orows, ssem_opp)
                if fire_guard is None:
                    fire(bbase, g + 1, orows, osem)
                else:
                    @pl.when(fire_guard)
                    def _():
                        fire(bbase, g + 1, orows, osem)
                pltpu.make_async_copy(m_hbm.at[pl.ds(0, GCH2)], rows,
                                      sem).wait()
                pltpu.async_copy(rows, acc.at[idx_v.at[g]], ssem_cur,
                                 add=True)

            for ib in range(nblk):
                pltpu.sync_copy(dsti_hbm.at[sid].at[ib], idx_v)
                bbase = sid * epw2 + ib * (IDXC2 * GCH2)
                fire(bbase, 0, rows0, sem0)

                @pl.loop(0, IDXC2, step=2)
                def _(g):
                    process(bbase, g, rows0, sem0, ssem0, rows1, sem1, ssem1,
                            None)
                    process(bbase, g + 1, rows1, sem1, ssem1, rows0, sem0,
                            ssem0, g + 2 < IDXC2)

                drain_add(rows1, ssem1)

        plsc.subcore_barrier()

        @pl.when(cid == 0)
        def _():
            pltpu.sync_copy(acc.at[pl.ds(sid * NPW, NPW)],
                            out_hbm.at[pl.ds(sid * NPW, NPW)])

            @pl.when(sid == NS - 1)
            def _():
                pltpu.sync_copy(acc.at[pl.ds(NS * NPW, NTAIL)],
                                out_hbm.at[pl.ds(NS * NPW, NTAIL)])

    return scatter


_scatter_a = _make_scatter(EA, 3)
_scatter_b = _make_scatter(EB, 2)



def _edge_mlp_body(hd_ref, hs_ref, ea_ref, w1d_ref, w1s_ref, w1e_ref, b1_ref,
                   w2_ref, b2_ref, m_ref):
    t = (jnp.dot(hd_ref[...].astype(jnp.bfloat16), w1d_ref[...],
                 preferred_element_type=jnp.float32)
         + jnp.dot(hs_ref[...].astype(jnp.bfloat16), w1s_ref[...],
                   preferred_element_type=jnp.float32)
         + jnp.dot(ea_ref[...], w1e_ref[...], preferred_element_type=jnp.float32)
         + b1_ref[...])
    t = t * lax.logistic(t)
    m_ref[...] = jnp.dot(t.astype(jnp.bfloat16), w2_ref[...],
                         preferred_element_type=jnp.float32) + b2_ref[...]


def _edge_mlp(hd, hs, ea, W1d, W1s, W1e, b1, W2, b2):
    ne = hd.shape[0]
    grid = (ne // TE,)
    full = lambda shape: pl.BlockSpec(shape, lambda i: (0, 0))
    return pl.pallas_call(
        _edge_mlp_body,
        grid=grid,
        in_specs=[
            pl.BlockSpec((TE, D), lambda i: (i, 0)),
            pl.BlockSpec((TE, D), lambda i: (i, 0)),
            pl.BlockSpec((TE, DE), lambda i: (i, 0)),
            full((D, DH)), full((D, DH)), full((DE, DH)), full((1, DH)),
            full((DH, D)), full((1, D)),
        ],
        out_specs=pl.BlockSpec((TE, D), lambda i: (i, 0)),
        out_shape=jax.ShapeDtypeStruct((ne, D), jnp.float32),
    )(hd, hs, ea, W1d, W1s, W1e, b1, W2, b2)



def _update_norm_body(h_ref, a0_ref, a1_ref, wu1h_ref, wu1a_ref,
                      bu1_ref, wu2_ref, bu2_ref, batch_ref, gnw_ref, gnb_ref,
                      gna_ref, out_ref):
    h = h_ref[...]
    agg = a0_ref[...] + a1_ref[...]
    t = (jnp.dot(h, wu1h_ref[...], preferred_element_type=jnp.float32)
         + jnp.dot(agg, wu1a_ref[...], preferred_element_type=jnp.float32)
         + bu1_ref[...])
    t = t * lax.logistic(t)
    dh = jnp.dot(t, wu2_ref[...], preferred_element_type=jnp.float32) + bu2_ref[...]
    h2 = h + dh
    oh = (batch_ref[...] == lax.broadcasted_iota(jnp.int32, (1, G), 1)).astype(jnp.float32)
    counts = jnp.maximum(jnp.sum(oh, axis=0, keepdims=True), 1.0)
    inv_counts = jnp.reshape(1.0 / counts, (G, 1))
    seg = lax.dot_general(oh, h2, (((0,), (0,)), ((), ())),
                          preferred_element_type=jnp.float32)
    mean = seg * inv_counts
    out = h2 - gna_ref[...] * jnp.dot(oh, mean, preferred_element_type=jnp.float32)
    var = lax.dot_general(oh, out * out, (((0,), (0,)), ((), ())),
                          preferred_element_type=jnp.float32) * inv_counts
    inv = lax.rsqrt(var + 1e-5)
    out = out * jnp.dot(oh, inv, preferred_element_type=jnp.float32)
    out_ref[...] = gnw_ref[...] * out + gnb_ref[...]


def _update_norm(h, agg0, agg1, Wu1h, Wu1a, bu1, Wu2, bu2, batch2d,
                 gnw, gnb, gna):
    return pl.pallas_call(
        _update_norm_body,
        out_shape=jax.ShapeDtypeStruct((N, D), jnp.float32),
    )(h, agg0, agg1, Wu1h, Wu1a, bu1, Wu2, bu2, batch2d, gnw, gnb, gna)


def kernel(h, edge_index, edge_attr, batch,
           W_msg1, b_msg1, W_msg2, b_msg2,
           W_upd1, b_upd1, W_upd2, b_upd2,
           gn_weight, gn_bias, gn_alpha):
    src = edge_index[0].astype(jnp.int32)
    dst = edge_index[1].astype(jnp.int32)
    W1d = W_msg1[:D].astype(jnp.bfloat16)
    W1s = W_msg1[D:2 * D].astype(jnp.bfloat16)
    W1e = W_msg1[2 * D:].astype(jnp.bfloat16)
    W2b = W_msg2.astype(jnp.bfloat16)
    eab = edge_attr.astype(jnp.bfloat16)
    b1 = b_msg1.reshape(1, DH)
    b2 = b_msg2.reshape(1, D)
    Wu1h = W_upd1[:D]
    Wu1a = W_upd1[D:]
    bu1 = b_upd1.reshape(1, DH)
    bu2 = b_upd2.reshape(1, D)
    gnw = gn_weight.reshape(1, D)
    gnb = gn_bias.reshape(1, D)
    gna = gn_alpha.reshape(1, D)
    batch2d = batch.astype(jnp.int32).reshape(N, 1)
    zeros = jnp.zeros((N, D), jnp.float32)

    def chunk_inputs(lo, ne):
        s = lax.dynamic_slice_in_dim(src, lo, ne)
        d = lax.dynamic_slice_in_dim(dst, lo, ne)
        s_r = s.reshape(NW, ne // NW // GCH, GCH)
        d_r = d.reshape(NW, ne // NW // GCH, GCH)
        ea_c = lax.dynamic_slice_in_dim(eab, lo, ne)
        return s_r, d_r, ea_c, d

    chunks = ((0, EA, _gather_a, _scatter_a, 3),
              (EA, EB, _gather_b, _scatter_b, 2))

    gathered = []
    for lo, ne, gather_f, _, _ in chunks:
        s_r, d_r, ea_c, dflat = chunk_inputs(lo, ne)
        hs, hd = gather_f(h, s_r, d_r)
        gathered.append((hs, hd, ea_c, dflat))

    aggs = []
    for (lo, ne, _, scatter_f, nblk), (hs, hd, ea_c, dflat) in zip(chunks, gathered):
        m = _edge_mlp(hd, hs, ea_c, W1d, W1s, W1e, b1, W2b, b2)
        aggs.append(scatter_f(m, dflat.reshape(NS, nblk, IDXC2, GCH2), zeros))

    return _update_norm(h, aggs[0], aggs[1], Wu1h, Wu1a, bu1,
                        W_upd2, bu2, batch2d, gnw, gnb, gna)

# --- scband reference (transcript-rebuilt; emitter-appended) ---
"""Pipeline reference for scband-edge-mp-84894323573138 (READ-ONLY COPY).

The authoritative reference and input builder live on the scoring server;
editing this copy changes nothing except your own understanding.
"""

import jax, jax.numpy as jnp
import numpy as np

N = 10000
E = 320000
D = 128
DE = 16
DH = 256
G = 64


def setup_inputs(seed: int = 0) -> dict:
    key = jax.random.key(seed)
    ks = jax.random.split(key, 16)
    h = jax.random.normal(ks[0], (N, D), dtype=jnp.float32)
    edge_index = jax.random.randint(ks[1], (2, E), 0, N)
    edge_attr = jax.random.normal(ks[2], (E, DE), dtype=jnp.float32)
    batch = jnp.sort(jax.random.randint(ks[3], (N,), 0, G))
    d_in1 = 2 * D + DE
    W_msg1 = jax.random.normal(ks[4], (d_in1, DH), dtype=jnp.float32) / np.sqrt(d_in1)
    b_msg1 = jnp.zeros((DH,), dtype=jnp.float32)
    W_msg2 = jax.random.normal(ks[5], (DH, D), dtype=jnp.float32) / np.sqrt(DH)
    b_msg2 = jnp.zeros((D,), dtype=jnp.float32)
    W_upd1 = jax.random.normal(ks[6], (2 * D, DH), dtype=jnp.float32) / np.sqrt(2 * D)
    b_upd1 = jnp.zeros((DH,), dtype=jnp.float32)
    W_upd2 = jax.random.normal(ks[7], (DH, D), dtype=jnp.float32) / np.sqrt(DH)
    b_upd2 = jnp.zeros((D,), dtype=jnp.float32)
    gn_weight = jnp.ones((D,), dtype=jnp.float32)
    gn_bias = jnp.zeros((D,), dtype=jnp.float32)
    gn_alpha = jnp.ones((D,), dtype=jnp.float32)
    return {"h": h, "edge_index": edge_index, "edge_attr": edge_attr, "batch": batch,
            "W_msg1": W_msg1, "b_msg1": b_msg1, "W_msg2": W_msg2, "b_msg2": b_msg2,
            "W_upd1": W_upd1, "b_upd1": b_upd1, "W_upd2": W_upd2, "b_upd2": b_upd2,
            "gn_weight": gn_weight, "gn_bias": gn_bias, "gn_alpha": gn_alpha}


def reference(h, edge_index, edge_attr, batch,
              W_msg1, b_msg1, W_msg2, b_msg2,
              W_upd1, b_upd1, W_upd2, b_upd2,
              gn_weight, gn_bias, gn_alpha):
    src = edge_index[0]
    dst = edge_index[1]
    # m_ij = MLP([h_dst, h_src, e_ij])  (eval mode: dropout is identity)
    m_in = jnp.concatenate([h[dst], h[src], edge_attr], axis=-1)
    m = jax.nn.silu(m_in @ W_msg1 + b_msg1) @ W_msg2 + b_msg2
    # agg_i = sum over incoming edges (scatter-add by dst)
    agg = jax.ops.segment_sum(m, dst, num_segments=h.shape[0])
    upd_in = jnp.concatenate([h, agg], axis=-1)
    dh = jax.nn.silu(upd_in @ W_upd1 + b_upd1) @ W_upd2 + b_upd2
    h2 = h + dh
    # GraphNorm: per-graph mean/var with learnable mean scale alpha
    eps = 1e-5
    ones = jnp.ones((h2.shape[0], 1), dtype=h2.dtype)
    counts = jax.ops.segment_sum(ones, batch, num_segments=G)
    counts = jnp.maximum(counts, 1.0)
    mean = jax.ops.segment_sum(h2, batch, num_segments=G) / counts
    out = h2 - gn_alpha * mean[batch]
    var = jax.ops.segment_sum(out * out, batch, num_segments=G) / counts
    out = out / jnp.sqrt(var[batch] + eps)
    return gn_weight * out + gn_bias

if __name__ == "__main__":
    import jax
    _d = setup_inputs()
    print(jax.jit(kernel)(*tuple(_d.values())))

</pallas_src>

<mosaic_0001>
#map = affine_map<(d0, d1) -> (0, 0)>
#map1 = affine_map<(d0, d1) -> (0, 0, 0, 0)>
module attributes {stable_mosaic.version = 14 : i64} {
  func.func @scatter(%arg0: i32, %arg1: i32, %arg2: memref<192000x128xf32, #tpu.memory_space<hbm>>, %arg3: memref<16x3x50x80xi32, #tpu.memory_space<hbm>>, %arg4: memref<10000x128xf32, #tpu.memory_space<hbm>>, %arg5: memref<10000x128xf32, #tpu.memory_space<hbm>>, %arg6: memref<50x80xi32, #tpu.memory_space<vmem>>, %arg7: memref<80x128xf32, #tpu.memory_space<vmem>>, %arg8: memref<80x128xf32, #tpu.memory_space<vmem>>, %arg9: memref<10000x128xf32, #tpu.memory_space<vmem_shared>>, %arg10: memref<!tpu.dma_semaphore, #tpu.memory_space<semaphore_mem>>, %arg11: memref<!tpu.dma_semaphore, #tpu.memory_space<semaphore_mem>>, %arg12: memref<!tpu.dma_semaphore, #tpu.memory_space<semaphore_mem>>, %arg13: memref<!tpu.dma_semaphore, #tpu.memory_space<semaphore_mem>>) attributes {dimension_semantics = [#tpu.dimension_semantics<core_parallel>, #tpu.dimension_semantics<subcore_parallel>], iteration_bounds = array<i64: 2, 16>, scalar_prefetch = 0 : i64, scratch_operands = 8 : i64, tpu.core_type = #tpu.core_type<sc_vector_subcore>, window_params = [{transform_indices = #map}, {transform_indices = #map1}, {transform_indices = #map}, {transform_indices = #map}]} {
    %eq3A = arith.constant 0 : i32
    %eq3A_0 = arith.cmpi eq, %arg0, %eq3A : i32
    %convert_element_type3A = arith.extui %eq3A_0 : i1 to i32
    %cond3A = arith.constant 0 : i32
    %cond3A_1 = arith.cmpi ne, %convert_element_type3A, %cond3A : i32
    scf.if %cond3A_1 {
      %mul3A = arith.constant 624 : i32
      %mul3A_13 = arith.muli %arg1, %mul3A : i32
      %mul3A_14 = arith.constant 624 : i32
      %mul3A_15 = arith.muli %arg1, %mul3A_14 : i32
      "tpu.region"() ({
        %run_scoped3A = tpu.sem_alloc : memref<!tpu.dma_semaphore, #tpu.memory_space<semaphore_mem>>
        %dma_start3A = arith.constant 0 : i32
        %dma_start3A_21 = tpu.memref_slice %arg9[%mul3A_15, %dma_start3A] : memref<10000x128xf32, #tpu.memory_space<vmem_shared>> -> memref<624x128xf32, #tpu.memory_space<vmem_shared>>
        %dma_start3A_22 = arith.constant 0 : i32
        %dma_start3A_23 = tpu.memref_slice %arg4[%mul3A_13, %dma_start3A_22] : memref<10000x128xf32, #tpu.memory_space<hbm>> -> memref<624x128xf32, #tpu.memory_space<hbm>>
        tpu.enqueue_dma source(%dma_start3A_23 : memref<624x128xf32, #tpu.memory_space<hbm>>) target(%dma_start3A_21 : memref<624x128xf32, #tpu.memory_space<vmem_shared>>) target_semaphore(%run_scoped3A : memref<!tpu.dma_semaphore, #tpu.memory_space<semaphore_mem>>)
        %dma_wait3A = arith.constant 0 : i32
        %dma_wait3A_24 = tpu.memref_slice %arg9[%mul3A_15, %dma_wait3A] : memref<10000x128xf32, #tpu.memory_space<vmem_shared>> -> memref<624x128xf32, #tpu.memory_space<vmem_shared>>
        %dma_wait3A_25 = arith.constant 0 : i32
        %dma_wait3A_26 = tpu.memref_slice %arg4[%mul3A_13, %dma_wait3A_25] : memref<10000x128xf32, #tpu.memory_space<hbm>> -> memref<624x128xf32, #tpu.memory_space<hbm>>
        tpu.wait_dma2 semaphore(%run_scoped3A : memref<!tpu.dma_semaphore, #tpu.memory_space<semaphore_mem>>) src(%dma_wait3A_26 : memref<624x128xf32, #tpu.memory_space<hbm>>) dst(%dma_wait3A_24 : memref<624x128xf32, #tpu.memory_space<vmem_shared>>)
        tpu.yield
      }) : () -> ()
      %eq3A_16 = arith.constant 15 : i32
      %eq3A_17 = arith.cmpi eq, %arg1, %eq3A_16 : i32
      %convert_element_type3A_18 = arith.extui %eq3A_17 : i1 to i32
      %cond3A_19 = arith.constant 0 : i32
      %cond3A_20 = arith.cmpi ne, %convert_element_type3A_18, %cond3A_19 : i32
      scf.if %cond3A_20 {
        "tpu.region"() ({
          %run_scoped3A = tpu.sem_alloc : memref<!tpu.dma_semaphore, #tpu.memory_space<semaphore_mem>>
          %dma_start3A = arith.constant 9984 : i32
          %dma_start3A_21 = arith.constant 0 : i32
          %dma_start3A_22 = tpu.memref_slice %arg9[%dma_start3A, %dma_start3A_21] : memref<10000x128xf32, #tpu.memory_space<vmem_shared>> -> memref<16x128xf32, #tpu.memory_space<vmem_shared>>
          %dma_start3A_23 = arith.constant 9984 : i32
          %dma_start3A_24 = arith.constant 0 : i32
          %dma_start3A_25 = tpu.memref_slice %arg4[%dma_start3A_23, %dma_start3A_24] : memref<10000x128xf32, #tpu.memory_space<hbm>> -> memref<16x128xf32, #tpu.memory_space<hbm>>
          tpu.enqueue_dma source(%dma_start3A_25 : memref<16x128xf32, #tpu.memory_space<hbm>>) target(%dma_start3A_22 : memref<16x128xf32, #tpu.memory_space<vmem_shared>>) target_semaphore(%run_scoped3A : memref<!tpu.dma_semaphore, #tpu.memory_space<semaphore_mem>>)
          %dma_wait3A = arith.constant 9984 : i32
          %dma_wait3A_26 = arith.constant 0 : i32
          %dma_wait3A_27 = tpu.memref_slice %arg9[%dma_wait3A, %dma_wait3A_26] : memref<10000x128xf32, #tpu.memory_space<vmem_shared>> -> memref<16x128xf32, #tpu.memory_space<vmem_shared>>
          %dma_wait3A_28 = arith.constant 9984 : i32
          %dma_wait3A_29 = arith.constant 0 : i32
          %dma_wait3A_30 = tpu.memref_slice %arg4[%dma_wait3A_28, %dma_wait3A_29] : memref<10000x128xf32, #tpu.memory_space<hbm>> -> memref<16x128xf32, #tpu.memory_space<hbm>>
          tpu.wait_dma2 semaphore(%run_scoped3A : memref<!tpu.dma_semaphore, #tpu.memory_space<semaphore_mem>>) src(%dma_wait3A_30 : memref<16x128xf32, #tpu.memory_space<hbm>>) dst(%dma_wait3A_27 : memref<16x128xf32, #tpu.memory_space<vmem_shared>>)
          tpu.yield
        }) : () -> ()
      } else {
      }
    } else {
    }
    %barrier3A = arith.constant 0 : index
    tpu.barrier barrier_id(%barrier3A)
    %eq3A_2 = arith.constant 0 : i32
    %eq3A_3 = arith.cmpi eq, %arg0, %eq3A_2 : i32
    %convert_element_type3A_4 = arith.extui %eq3A_3 : i1 to i32
    %cond3A_5 = arith.constant 0 : i32
    %cond3A_6 = arith.cmpi ne, %convert_element_type3A_4, %cond3A_5 : i32
    scf.if %cond3A_6 {
      %run_scoped3A = arith.constant 0 : i32
      "tpu.region"() ({
        %run_scoped3A_73 = tpu.sem_alloc : memref<!tpu.dma_semaphore, #tpu.memory_space<semaphore_mem>>
        %dma_start3A_74 = arith.constant 0 : i32
        %dma_start3A_75 = arith.constant 0 : i32
        %dma_start3A_76 = arith.constant 0 : i32
        %dma_start3A_77 = tpu.memref_slice %arg3[%arg1, %dma_start3A_74, %dma_start3A_75, %dma_start3A_76] : memref<16x3x50x80xi32, #tpu.memory_space<hbm>> -> memref<1x3x50x80xi32, #tpu.memory_space<hbm>>
        %dma_start3A_78 = tpu.memref_squeeze %dma_start3A_77 : memref<1x3x50x80xi32, #tpu.memory_space<hbm>> -> memref<3x50x80xi32, #tpu.memory_space<hbm>>
        %dma_start3A_79 = arith.constant 0 : i32
        %dma_start3A_80 = arith.constant 0 : i32
        %dma_start3A_81 = tpu.memref_slice %dma_start3A_78[%run_scoped3A, %dma_start3A_79, %dma_start3A_80] : memref<3x50x80xi32, #tpu.memory_space<hbm>> -> memref<1x50x80xi32, #tpu.memory_space<hbm>>
        %dma_start3A_82 = tpu.memref_squeeze %dma_start3A_81 : memref<1x50x80xi32, #tpu.memory_space<hbm>> -> memref<50x80xi32, #tpu.memory_space<hbm>>
        %dma_start3A_83 = arith.constant 0 : i32
        %dma_start3A_84 = arith.constant 0 : i32
        %dma_start3A_85 = arith.constant 0 : i32
        %dma_start3A_86 = tpu.memref_slice %arg3[%arg1, %dma_start3A_83, %dma_start3A_84, %dma_start3A_85] : memref<16x3x50x80xi32, #tpu.memory_space<hbm>> -> memref<1x3x50x80xi32, #tpu.memory_space<hbm>>
        %dma_start3A_87 = tpu.memref_squeeze %dma_start3A_86 : memref<1x3x50x80xi32, #tpu.memory_space<hbm>> -> memref<3x50x80xi32, #tpu.memory_space<hbm>>
        %dma_start3A_88 = arith.constant 0 : i32
        %dma_start3A_89 = arith.constant 0 : i32
        %dma_start3A_90 = tpu.memref_slice %dma_start3A_87[%run_scoped3A, %dma_start3A_88, %dma_start3A_89] : memref<3x50x80xi32, #tpu.memory_space<hbm>> -> memref<1x50x80xi32, #tpu.memory_space<hbm>>
        %dma_start3A_91 = tpu.memref_squeeze %dma_start3A_90 : memref<1x50x80xi32, #tpu.memory_space<hbm>> -> memref<50x80xi32, #tpu.memory_space<hbm>>
        tpu.enqueue_dma source(%dma_start3A_91 : memref<50x80xi32, #tpu.memory_space<hbm>>) target(%arg6 : memref<50x80xi32, #tpu.memory_space<vmem>>) target_semaphore(%run_scoped3A_73 : memref<!tpu.dma_semaphore, #tpu.memory_space<semaphore_mem>>)
        %dma_wait3A_92 = arith.constant 0 : i32
        %dma_wait3A_93 = arith.constant 0 : i32
        %dma_wait3A_94 = arith.constant 0 : i32
        %dma_wait3A_95 = tpu.memref_slice %arg3[%arg1, %dma_wait3A_92, %dma_wait3A_93, %dma_wait3A_94] : memref<16x3x50x80xi32, #tpu.memory_space<hbm>> -> memref<1x3x50x80xi32, #tpu.memory_space<hbm>>
        %dma_wait3A_96 = tpu.memref_squeeze %dma_wait3A_95 : memref<1x3x50x80xi32, #tpu.memory_space<hbm>> -> memref<3x50x80xi32, #tpu.memory_space<hbm>>
        %dma_wait3A_97 = arith.constant 0 : i32
        %dma_wait3A_98 = arith.constant 0 : i32
        %dma_wait3A_99 = tpu.memref_slice %dma_wait3A_96[%run_scoped3A, %dma_wait3A_97, %dma_wait3A_98] : memref<3x50x80xi32, #tpu.memory_space<hbm>> -> memref<1x50x80xi32, #tpu.memory_space<hbm>>
        %dma_wait3A_100 = tpu.memref_squeeze %dma_wait3A_99 : memref<1x50x80xi32, #tpu.memory_space<hbm>> -> memref<50x80xi32, #tpu.memory_space<hbm>>
        %dma_wait3A_101 = arith.constant 0 : i32
        %dma_wait3A_102 = arith.constant 0 : i32
        %dma_wait3A_103 = arith.constant 0 : i32
        %dma_wait3A_104 = tpu.memref_slice %arg3[%arg1, %dma_wait3A_101, %dma_wait3A_102, %dma_wait3A_103] : memref<16x3x50x80xi32, #tpu.memory_space<hbm>> -> memref<1x3x50x80xi32, #tpu.memory_space<hbm>>
        %dma_wait3A_105 = tpu.memref_squeeze %dma_wait3A_104 : memref<1x3x50x80xi32, #tpu.memory_space<hbm>> -> memref<3x50x80xi32, #tpu.memory_space<hbm>>
        %dma_wait3A_106 = arith.constant 0 : i32
        %dma_wait3A_107 = arith.constant 0 : i32
        %dma_wait3A_108 = tpu.memref_slice %dma_wait3A_105[%run_scoped3A, %dma_wait3A_106, %dma_wait3A_107] : memref<3x50x80xi32, #tpu.memory_space<hbm>> -> memref<1x50x80xi32, #tpu.memory_space<hbm>>
        %dma_wait3A_109 = tpu.memref_squeeze %dma_wait3A_108 : memref<1x50x80xi32, #tpu.memory_space<hbm>> -> memref<50x80xi32, #tpu.memory_space<hbm>>
        tpu.wait_dma2 semaphore(%run_scoped3A_73 : memref<!tpu.dma_semaphore, #tpu.memory_space<semaphore_mem>>) src(%dma_wait3A_109 : memref<50x80xi32, #tpu.memory_space<hbm>>) dst(%arg6 : memref<50x80xi32, #tpu.memory_space<vmem>>)
        tpu.yield
      }) : () -> ()
      %mul3A = arith.constant 12000 : i32
      %mul3A_13 = arith.muli %arg1, %mul3A : i32
      %add3A = arith.constant 0 : i32
      %add3A_14 = arith.addi %mul3A_13, %add3A : i32
      %add3A_15 = arith.constant 0 : i32
      %add3A_16 = arith.addi %add3A_14, %add3A_15 : i32
      %dma_start3A = arith.constant 0 : i32
      %dma_start3A_17 = tpu.memref_slice %arg2[%add3A_16, %dma_start3A] : memref<192000x128xf32, #tpu.memory_space<hbm>> -> memref<80x128xf32, #tpu.memory_space<hbm>>
      %dma_start3A_18 = arith.constant 0 : i32
      %dma_start3A_19 = tpu.memref_slice %arg2[%add3A_16, %dma_start3A_18] : memref<192000x128xf32, #tpu.memory_space<hbm>> -> memref<80x128xf32, #tpu.memory_space<hbm>>
      tpu.enqueue_dma source(%dma_start3A_19 : memref<80x128xf32, #tpu.memory_space<hbm>>) target(%arg7 : memref<80x128xf32, #tpu.memory_space<vmem>>) target_semaphore(%arg10 : memref<!tpu.dma_semaphore, #tpu.memory_space<semaphore_mem>>)
      %scan3A = arith.constant 0 : i32
      %scan3A_20 = arith.constant 25 : i32
      %scan3A_21 = arith.addi %scan3A, %scan3A_20 : i32
      %scan3A_22 = arith.constant 1 : i32
      scf.for %scan3A_73 = %scan3A to %scan3A_21 step %scan3A_22  : i32 {
        %mul3A_74 = arith.constant 2 : i32
        %mul3A_75 = arith.muli %scan3A_73, %mul3A_74 : i32
        %add3A_76 = arith.constant 0 : i32
        %add3A_77 = arith.addi %add3A_76, %mul3A_75 : i32
        %ge3A = arith.constant 1 : i32
        %ge3A_78 = arith.cmpi sge, %add3A_77, %ge3A : i32
        %convert_element_type3A_79 = arith.extui %ge3A_78 : i1 to i32
        %cond3A_80 = arith.constant 0 : i32
        %cond3A_81 = arith.cmpi ne, %convert_element_type3A_79, %cond3A_80 : i32
        scf.if %cond3A_81 {
          %dma_wait3A_128 = arith.constant 0 : i32
          %dma_wait3A_129 = arith.constant 0 : i32
          %dma_wait3A_130 = tpu.memref_slice %arg9[%dma_wait3A_128, %dma_wait3A_129] : memref<10000x128xf32, #tpu.memory_space<vmem_shared>> -> memref<80x128xf32, #tpu.memory_space<vmem_shared>>
          %dma_wait3A_131 = arith.constant 0 : i32
          %dma_wait3A_132 = arith.constant 0 : i32
          %dma_wait3A_133 = tpu.memref_slice %arg9[%dma_wait3A_131, %dma_wait3A_132] : memref<10000x128xf32, #tpu.memory_space<vmem_shared>> -> memref<80x128xf32, #tpu.memory_space<vmem_shared>>
          tpu.wait_dma2 semaphore(%arg13 : memref<!tpu.dma_semaphore, #tpu.memory_space<semaphore_mem>>) src(%arg8 : memref<80x128xf32, #tpu.memory_space<vmem>>) dst(%dma_wait3A_133 : memref<80x128xf32, #tpu.memory_space<vmem_shared>>)
        } else {
        }
        %add3A_82 = arith.constant 1 : i32
        %add3A_83 = arith.addi %add3A_77, %add3A_82 : i32
        %mul3A_84 = arith.constant 80 : i32
        %mul3A_85 = arith.muli %add3A_83, %mul3A_84 : i32
        %add3A_86 = arith.addi %add3A_14, %mul3A_85 : i32
        %dma_start3A_87 = arith.constant 0 : i32
        %dma_start3A_88 = tpu.memref_slice %arg2[%add3A_86, %dma_start3A_87] : memref<192000x128xf32, #tpu.memory_space<hbm>> -> memref<80x128xf32, #tpu.memory_space<hbm>>
        %dma_start3A_89 = arith.constant 0 : i32
        %dma_start3A_90 = tpu.memref_slice %arg2[%add3A_86, %dma_start3A_89] : memref<192000x128xf32, #tpu.memory_space<hbm>> -> memref<80x128xf32, #tpu.memory_space<hbm>>
        tpu.enqueue_dma source(%dma_start3A_90 : memref<80x128xf32, #tpu.memory_space<hbm>>) target(%arg8 : memref<80x128xf32, #tpu.memory_space<vmem>>) target_semaphore(%arg11 : memref<!tpu.dma_semaphore, #tpu.memory_space<semaphore_mem>>)
        %dma_wait3A_91 = arith.constant 0 : i32
        %dma_wait3A_92 = arith.constant 0 : i32
        %dma_wait3A_93 = tpu.memref_slice %arg2[%dma_wait3A_91, %dma_wait3A_92] : memref<192000x128xf32, #tpu.memory_space<hbm>> -> memref<80x128xf32, #tpu.memory_space<hbm>>
        %dma_wait3A_94 = arith.constant 0 : i32
        %dma_wait3A_95 = arith.constant 0 : i32
        %dma_wait3A_96 = tpu.memref_slice %arg2[%dma_wait3A_94, %dma_wait3A_95] : memref<192000x128xf32, #tpu.memory_space<hbm>> -> memref<80x128xf32, #tpu.memory_space<hbm>>
        tpu.wait_dma2 semaphore(%arg10 : memref<!tpu.dma_semaphore, #tpu.memory_space<semaphore_mem>>) src(%dma_wait3A_96 : memref<80x128xf32, #tpu.memory_space<hbm>>) dst(%arg7 : memref<80x128xf32, #tpu.memory_space<vmem>>)
        %dma_start3A_97 = arith.constant 0 : i32
        %dma_start3A_98 = tpu.memref_slice %arg6[%add3A_77, %dma_start3A_97] : memref<50x80xi32, #tpu.memory_space<vmem>> -> memref<1x80xi32, #tpu.memory_space<vmem>>
        %dma_start3A_99 = tpu.memref_squeeze %dma_start3A_98 : memref<1x80xi32, #tpu.memory_space<vmem>> -> memref<80xi32, #tpu.memory_space<vmem>>
        %dma_start3A_100 = arith.constant 0 : i32
        %dma_start3A_101 = arith.constant 0 : i32
        %dma_start3A_102 = tpu.memref_slice %arg9[%dma_start3A_100, %dma_start3A_101] : memref<10000x128xf32, #tpu.memory_space<vmem_shared>> -> memref<10000x128xf32, #tpu.memory_space<vmem_shared>>
        tpu.enqueue_indirect_dma source(%arg7 : memref<80x128xf32, #tpu.memory_space<vmem>>) target(%dma_start3A_102 : memref<10000x128xf32, #tpu.memory_space<vmem_shared>>) offsets(%dma_start3A_99 : memref<80xi32, #tpu.memory_space<vmem>>) semaphore(%arg12 : memref<!tpu.dma_semaphore, #tpu.memory_space<semaphore_mem>>) {add = true}
        %add3A_103 = arith.constant 1 : i32
        %add3A_104 = arith.addi %add3A_77, %add3A_103 : i32
        %add3A_105 = arith.constant 2 : i32
        %add3A_106 = arith.addi %add3A_77, %add3A_105 : i32
        %lt3A = arith.constant 50 : i32
        %lt3A_107 = arith.cmpi slt, %add3A_106, %lt3A : i32
        %ge3A_108 = arith.constant 1 : i32
        %ge3A_109 = arith.cmpi sge, %add3A_104, %ge3A_108 : i32
        %convert_element_type3A_110 = arith.extui %ge3A_109 : i1 to i32
        %cond3A_111 = arith.constant 0 : i32
        %cond3A_112 = arith.cmpi ne, %convert_element_type3A_110, %cond3A_111 : i32
        scf.if %cond3A_112 {
          %dma_wait3A_128 = arith.constant 0 : i32
          %dma_wait3A_129 = arith.constant 0 : i32
          %dma_wait3A_130 = tpu.memref_slice %arg9[%dma_wait3A_128, %dma_wait3A_129] : memref<10000x128xf32, #tpu.memory_space<vmem_shared>> -> memref<80x128xf32, #tpu.memory_space<vmem_shared>>
          %dma_wait3A_131 = arith.constant 0 : i32
          %dma_wait3A_132 = arith.constant 0 : i32
          %dma_wait3A_133 = tpu.memref_slice %arg9[%dma_wait3A_131, %dma_wait3A_132] : memref<10000x128xf32, #tpu.memory_space<vmem_shared>> -> memref<80x128xf32, #tpu.memory_space<vmem_shared>>
          tpu.wait_dma2 semaphore(%arg12 : memref<!tpu.dma_semaphore, #tpu.memory_space<semaphore_mem>>) src(%arg7 : memref<80x128xf32, #tpu.memory_space<vmem>>) dst(%dma_wait3A_133 : memref<80x128xf32, #tpu.memory_space<vmem_shared>>)
        } else {
        }
        %convert_element_type3A_113 = arith.extui %lt3A_107 : i1 to i32
        %cond3A_114 = arith.constant 0 : i32
        %cond3A_115 = arith.cmpi ne, %convert_element_type3A_113, %cond3A_114 : i32
        scf.if %cond3A_115 {
          %add3A_128 = arith.constant 1 : i32
          %add3A_129 = arith.addi %add3A_104, %add3A_128 : i32
          %mul3A_130 = arith.constant 80 : i32
          %mul3A_131 = arith.muli %add3A_129, %mul3A_130 : i32
          %add3A_132 = arith.addi %add3A_14, %mul3A_131 : i32
          %dma_start3A_133 = arith.constant 0 : i32
          %dma_start3A_134 = tpu.memref_slice %arg2[%add3A_132, %dma_start3A_133] : memref<192000x128xf32, #tpu.memory_space<hbm>> -> memref<80x128xf32, #tpu.memory_space<hbm>>
          %dma_start3A_135 = arith.constant 0 : i32
          %dma_start3A_136 = tpu.memref_slice %arg2[%add3A_132, %dma_start3A_135] : memref<192000x128xf32, #tpu.memory_space<hbm>> -> memref<80x128xf32, #tpu.memory_space<hbm>>
          tpu.enqueue_dma source(%dma_start3A_136 : memref<80x128xf32, #tpu.memory_space<hbm>>) target(%arg7 : memref<80x128xf32, #tpu.memory_space<vmem>>) target_semaphore(%arg10 : memref<!tpu.dma_semaphore, #tpu.memory_space<semaphore_mem>>)
        } else {
        }
        %dma_wait3A_116 = arith.constant 0 : i32
        %dma_wait3A_117 = arith.constant 0 : i32
        %dma_wait3A_118 = tpu.memref_slice %arg2[%dma_wait3A_116, %dma_wait3A_117] : memref<192000x128xf32, #tpu.memory_space<hbm>> -> memref<80x128xf32, #tpu.memory_space<hbm>>
        %dma_wait3A_119 = arith.constant 0 : i32
        %dma_wait3A_120 = arith.constant 0 : i32
        %dma_wait3A_121 = tpu.memref_slice %arg2[%dma_wait3A_119, %dma_wait3A_120] : memref<192000x128xf32, #tpu.memory_space<hbm>> -> memref<80x128xf32, #tpu.memory_space<hbm>>
        tpu.wait_dma2 semaphore(%arg11 : memref<!tpu.dma_semaphore, #tpu.memory_space<semaphore_mem>>) src(%dma_wait3A_121 : memref<80x128xf32, #tpu.memory_space<hbm>>) dst(%arg8 : memref<80x128xf32, #tpu.memory_space<vmem>>)
        %dma_start3A_122 = arith.constant 0 : i32
        %dma_start3A_123 = tpu.memref_slice %arg6[%add3A_104, %dma_start3A_122] : memref<50x80xi32, #tpu.memory_space<vmem>> -> memref<1x80xi32, #tpu.memory_space<vmem>>
        %dma_start3A_124 = tpu.memref_squeeze %dma_start3A_123 : memref<1x80xi32, #tpu.memory_space<vmem>> -> memref<80xi32, #tpu.memory_space<vmem>>
        %dma_start3A_125 = arith.constant 0 : i32
        %dma_start3A_126 = arith.constant 0 : i32
        %dma_start3A_127 = tpu.memref_slice %arg9[%dma_start3A_125, %dma_start3A_126] : memref<10000x128xf32, #tpu.memory_space<vmem_shared>> -> memref<10000x128xf32, #tpu.memory_space<vmem_shared>>
        tpu.enqueue_indirect_dma source(%arg8 : memref<80x128xf32, #tpu.memory_space<vmem>>) target(%dma_start3A_127 : memref<10000x128xf32, #tpu.memory_space<vmem_shared>>) offsets(%dma_start3A_124 : memref<80xi32, #tpu.memory_space<vmem>>) semaphore(%arg13 : memref<!tpu.dma_semaphore, #tpu.memory_space<semaphore_mem>>) {add = true}
      }
      %scan3A_23 = arith.constant 25 : i32
      %dma_wait3A = arith.constant 0 : i32
      %dma_wait3A_24 = arith.constant 0 : i32
      %dma_wait3A_25 = tpu.memref_slice %arg9[%dma_wait3A, %dma_wait3A_24] : memref<10000x128xf32, #tpu.memory_space<vmem_shared>> -> memref<80x128xf32, #tpu.memory_space<vmem_shared>>
      %dma_wait3A_26 = arith.constant 0 : i32
      %dma_wait3A_27 = arith.constant 0 : i32
      %dma_wait3A_28 = tpu.memref_slice %arg9[%dma_wait3A_26, %dma_wait3A_27] : memref<10000x128xf32, #tpu.memory_space<vmem_shared>> -> memref<80x128xf32, #tpu.memory_space<vmem_shared>>
      tpu.wait_dma2 semaphore(%arg13 : memref<!tpu.dma_semaphore, #tpu.memory_space<semaphore_mem>>) src(%arg8 : memref<80x128xf32, #tpu.memory_space<vmem>>) dst(%dma_wait3A_28 : memref<80x128xf32, #tpu.memory_space<vmem_shared>>)
      %run_scoped3A_29 = arith.constant 1 : i32
      "tpu.region"() ({
        %run_scoped3A_73 = tpu.sem_alloc : memref<!tpu.dma_semaphore, #tpu.memory_space<semaphore_mem>>
        %dma_start3A_74 = arith.constant 0 : i32
        %dma_start3A_75 = arith.constant 0 : i32
        %dma_start3A_76 = arith.constant 0 : i32
        %dma_start3A_77 = tpu.memref_slice %arg3[%arg1, %dma_start3A_74, %dma_start3A_75, %dma_start3A_76] : memref<16x3x50x80xi32, #tpu.memory_space<hbm>> -> memref<1x3x50x80xi32, #tpu.memory_space<hbm>>
        %dma_start3A_78 = tpu.memref_squeeze %dma_start3A_77 : memref<1x3x50x80xi32, #tpu.memory_space<hbm>> -> memref<3x50x80xi32, #tpu.memory_space<hbm>>
        %dma_start3A_79 = arith.constant 0 : i32
        %dma_start3A_80 = arith.constant 0 : i32
        %dma_start3A_81 = tpu.memref_slice %dma_start3A_78[%run_scoped3A_29, %dma_start3A_79, %dma_start3A_80] : memref<3x50x80xi32, #tpu.memory_space<hbm>> -> memref<1x50x80xi32, #tpu.memory_space<hbm>>
        %dma_start3A_82 = tpu.memref_squeeze %dma_start3A_81 : memref<1x50x80xi32, #tpu.memory_space<hbm>> -> memref<50x80xi32, #tpu.memory_space<hbm>>
        %dma_start3A_83 = arith.constant 0 : i32
        %dma_start3A_84 = arith.constant 0 : i32
        %dma_start3A_85 = arith.constant 0 : i32
        %dma_start3A_86 = tpu.memref_slice %arg3[%arg1, %dma_start3A_83, %dma_start3A_84, %dma_start3A_85] : memref<16x3x50x80xi32, #tpu.memory_space<hbm>> -> memref<1x3x50x80xi32, #tpu.memory_space<hbm>>
        %dma_start3A_87 = tpu.memref_squeeze %dma_start3A_86 : memref<1x3x50x80xi32, #tpu.memory_space<hbm>> -> memref<3x50x80xi32, #tpu.memory_space<hbm>>
        %dma_start3A_88 = arith.constant 0 : i32
        %dma_start3A_89 = arith.constant 0 : i32
        %dma_start3A_90 = tpu.memref_slice %dma_start3A_87[%run_scoped3A_29, %dma_start3A_88, %dma_start3A_89] : memref<3x50x80xi32, #tpu.memory_space<hbm>> -> memref<1x50x80xi32, #tpu.memory_space<hbm>>
        %dma_start3A_91 = tpu.memref_squeeze %dma_start3A_90 : memref<1x50x80xi32, #tpu.memory_space<hbm>> -> memref<50x80xi32, #tpu.memory_space<hbm>>
        tpu.enqueue_dma source(%dma_start3A_91 : memref<50x80xi32, #tpu.memory_space<hbm>>) target(%arg6 : memref<50x80xi32, #tpu.memory_space<vmem>>) target_semaphore(%run_scoped3A_73 : memref<!tpu.dma_semaphore, #tpu.memory_space<semaphore_mem>>)
        %dma_wait3A_92 = arith.constant 0 : i32
        %dma_wait3A_93 = arith.constant 0 : i32
        %dma_wait3A_94 = arith.constant 0 : i32
        %dma_wait3A_95 = tpu.memref_slice %arg3[%arg1, %dma_wait3A_92, %dma_wait3A_93, %dma_wait3A_94] : memref<16x3x50x80xi32, #tpu.memory_space<hbm>> -> memref<1x3x50x80xi32, #tpu.memory_space<hbm>>
        %dma_wait3A_96 = tpu.memref_squeeze %dma_wait3A_95 : memref<1x3x50x80xi32, #tpu.memory_space<hbm>> -> memref<3x50x80xi32, #tpu.memory_space<hbm>>
        %dma_wait3A_97 = arith.constant 0 : i32
        %dma_wait3A_98 = arith.constant 0 : i32
        %dma_wait3A_99 = tpu.memref_slice %dma_wait3A_96[%run_scoped3A_29, %dma_wait3A_97, %dma_wait3A_98] : memref<3x50x80xi32, #tpu.memory_space<hbm>> -> memref<1x50x80xi32, #tpu.memory_space<hbm>>
        %dma_wait3A_100 = tpu.memref_squeeze %dma_wait3A_99 : memref<1x50x80xi32, #tpu.memory_space<hbm>> -> memref<50x80xi32, #tpu.memory_space<hbm>>
        %dma_wait3A_101 = arith.constant 0 : i32
        %dma_wait3A_102 = arith.constant 0 : i32
        %dma_wait3A_103 = arith.constant 0 : i32
        %dma_wait3A_104 = tpu.memref_slice %arg3[%arg1, %dma_wait3A_101, %dma_wait3A_102, %dma_wait3A_103] : memref<16x3x50x80xi32, #tpu.memory_space<hbm>> -> memref<1x3x50x80xi32, #tpu.memory_space<hbm>>
        %dma_wait3A_105 = tpu.memref_squeeze %dma_wait3A_104 : memref<1x3x50x80xi32, #tpu.memory_space<hbm>> -> memref<3x50x80xi32, #tpu.memory_space<hbm>>
        %dma_wait3A_106 = arith.constant 0 : i32
        %dma_wait3A_107 = arith.constant 0 : i32
        %dma_wait3A_108 = tpu.memref_slice %dma_wait3A_105[%run_scoped3A_29, %dma_wait3A_106, %dma_wait3A_107] : memref<3x50x80xi32, #tpu.memory_space<hbm>> -> memref<1x50x80xi32, #tpu.memory_space<hbm>>
        %dma_wait3A_109 = tpu.memref_squeeze %dma_wait3A_108 : memref<1x50x80xi32, #tpu.memory_space<hbm>> -> memref<50x80xi32, #tpu.memory_space<hbm>>
        tpu.wait_dma2 semaphore(%run_scoped3A_73 : memref<!tpu.dma_semaphore, #tpu.memory_space<semaphore_mem>>) src(%dma_wait3A_109 : memref<50x80xi32, #tpu.memory_space<hbm>>) dst(%arg6 : memref<50x80xi32, #tpu.memory_space<vmem>>)
        tpu.yield
      }) : () -> ()
      %mul3A_30 = arith.constant 12000 : i32
      %mul3A_31 = arith.muli %arg1, %mul3A_30 : i32
      %add3A_32 = arith.constant 4000 : i32
      %add3A_33 = arith.addi %mul3A_31, %add3A_32 : i32
      %add3A_34 = arith.constant 0 : i32
      %add3A_35 = arith.addi %add3A_33, %add3A_34 : i32
      %dma_start3A_36 = arith.constant 0 : i32
      %dma_start3A_37 = tpu.memref_slice %arg2[%add3A_35, %dma_start3A_36] : memref<192000x128xf32, #tpu.memory_space<hbm>> -> memref<80x128xf32, #tpu.memory_space<hbm>>
      %dma_start3A_38 = arith.constant 0 : i32
      %dma_start3A_39 = tpu.memref_slice %arg2[%add3A_35, %dma_start3A_38] : memref<192000x128xf32, #tpu.memory_space<hbm>> -> memref<80x128xf32, #tpu.memory_space<hbm>>
      tpu.enqueue_dma source(%dma_start3A_39 : memref<80x128xf32, #tpu.memory_space<hbm>>) target(%arg7 : memref<80x128xf32, #tpu.memory_space<vmem>>) target_semaphore(%arg10 : memref<!tpu.dma_semaphore, #tpu.memory_space<semaphore_mem>>)
      %scan3A_40 = arith.constant 0 : i32
      %scan3A_41 = arith.constant 25 : i32
      %scan3A_42 = arith.addi %scan3A_40, %scan3A_41 : i32
      %scan3A_43 = arith.constant 1 : i32
      scf.for %scan3A_73 = %scan3A_40 to %scan3A_42 step %scan3A_43  : i32 {
        %mul3A_74 = arith.constant 2 : i32
        %mul3A_75 = arith.muli %scan3A_73, %mul3A_74 : i32
        %add3A_76 = arith.constant 0 : i32
        %add3A_77 = arith.addi %add3A_76, %mul3A_75 : i32
        %ge3A = arith.constant 1 : i32
        %ge3A_78 = arith.cmpi sge, %add3A_77, %ge3A : i32
        %convert_element_type3A_79 = arith.extui %ge3A_78 : i1 to i32
        %cond3A_80 = arith.constant 0 : i32
        %cond3A_81 = arith.cmpi ne, %convert_element_type3A_79, %cond3A_80 : i32
        scf.if %cond3A_81 {
          %dma_wait3A_128 = arith.constant 0 : i32
          %dma_wait3A_129 = arith.constant 0 : i32
          %dma_wait3A_130 = tpu.memref_slice %arg9[%dma_wait3A_128, %dma_wait3A_129] : memref<10000x128xf32, #tpu.memory_space<vmem_shared>> -> memref<80x128xf32, #tpu.memory_space<vmem_shared>>
          %dma_wait3A_131 = arith.constant 0 : i32
          %dma_wait3A_132 = arith.constant 0 : i32
          %dma_wait3A_133 = tpu.memref_slice %arg9[%dma_wait3A_131, %dma_wait3A_132] : memref<10000x128xf32, #tpu.memory_space<vmem_shared>> -> memref<80x128xf32, #tpu.memory_space<vmem_shared>>
          tpu.wait_dma2 semaphore(%arg13 : memref<!tpu.dma_semaphore, #tpu.memory_space<semaphore_mem>>) src(%arg8 : memref<80x128xf32, #tpu.memory_space<vmem>>) dst(%dma_wait3A_133 : memref<80x128xf32, #tpu.memory_space<vmem_shared>>)
        } else {
        }
        %add3A_82 = arith.constant 1 : i32
        %add3A_83 = arith.addi %add3A_77, %add3A_82 : i32
        %mul3A_84 = arith.constant 80 : i32
        %mul3A_85 = arith.muli %add3A_83, %mul3A_84 : i32
        %add3A_86 = arith.addi %add3A_33, %mul3A_85 : i32
        %dma_start3A_87 = arith.constant 0 : i32
        %dma_start3A_88 = tpu.memref_slice %arg2[%add3A_86, %dma_start3A_87] : memref<192000x128xf32, #tpu.memory_space<hbm>> -> memref<80x128xf32, #tpu.memory_space<hbm>>
        %dma_start3A_89 = arith.constant 0 : i32
        %dma_start3A_90 = tpu.memref_slice %arg2[%add3A_86, %dma_start3A_89] : memref<192000x128xf32, #tpu.memory_space<hbm>> -> memref<80x128xf32, #tpu.memory_space<hbm>>
        tpu.enqueue_dma source(%dma_start3A_90 : memref<80x128xf32, #tpu.memory_space<hbm>>) target(%arg8 : memref<80x128xf32, #tpu.memory_space<vmem>>) target_semaphore(%arg11 : memref<!tpu.dma_semaphore, #tpu.memory_space<semaphore_mem>>)
        %dma_wait3A_91 = arith.constant 0 : i32
        %dma_wait3A_92 = arith.constant 0 : i32
        %dma_wait3A_93 = tpu.memref_slice %arg2[%dma_wait3A_91, %dma_wait3A_92] : memref<192000x128xf32, #tpu.memory_space<hbm>> -> memref<80x128xf32, #tpu.memory_space<hbm>>
        %dma_wait3A_94 = arith.constant 0 : i32
        %dma_wait3A_95 = arith.constant 0 : i32
        %dma_wait3A_96 = tpu.memref_slice %arg2[%dma_wait3A_94, %dma_wait3A_95] : memref<192000x128xf32, #tpu.memory_space<hbm>> -> memref<80x128xf32, #tpu.memory_space<hbm>>
        tpu.wait_dma2 semaphore(%arg10 : memref<!tpu.dma_semaphore, #tpu.memory_space<semaphore_mem>>) src(%dma_wait3A_96 : memref<80x128xf32, #tpu.memory_space<hbm>>) dst(%arg7 : memref<80x128xf32, #tpu.memory_space<vmem>>)
        %dma_start3A_97 = arith.constant 0 : i32
        %dma_start3A_98 = tpu.memref_slice %arg6[%add3A_77, %dma_start3A_97] : memref<50x80xi32, #tpu.memory_space<vmem>> -> memref<1x80xi32, #tpu.memory_space<vmem>>
        %dma_start3A_99 = tpu.memref_squeeze %dma_start3A_98 : memref<1x80xi32, #tpu.memory_space<vmem>> -> memref<80xi32, #tpu.memory_space<vmem>>
        %dma_start3A_100 = arith.constant 0 : i32
        %dma_start3A_101 = arith.constant 0 : i32
        %dma_start3A_102 = tpu.memref_slice %arg9[%dma_start3A_100, %dma_start3A_101] : memref<10000x128xf32, #tpu.memory_space<vmem_shared>> -> memref<10000x128xf32, #tpu.memory_space<vmem_shared>>
        tpu.enqueue_indirect_dma source(%arg7 : memref<80x128xf32, #tpu.memory_space<vmem>>) target(%dma_start3A_102 : memref<10000x128xf32, #tpu.memory_space<vmem_shared>>) offsets(%dma_start3A_99 : memref<80xi32, #tpu.memory_space<vmem>>) semaphore(%arg12 : memref<!tpu.dma_semaphore, #tpu.memory_space<semaphore_mem>>) {add = true}
        %add3A_103 = arith.constant 1 : i32
        %add3A_104 = arith.addi %add3A_77, %add3A_103 : i32
        %add3A_105 = arith.constant 2 : i32
        %add3A_106 = arith.addi %add3A_77, %add3A_105 : i32
        %lt3A = arith.constant 50 : i32
        %lt3A_107 = arith.cmpi slt, %add3A_106, %lt3A : i32
        %ge3A_108 = arith.constant 1 : i32
        %ge3A_109 = arith.cmpi sge, %add3A_104, %ge3A_108 : i32
        %convert_element_type3A_110 = arith.extui %ge3A_109 : i1 to i32
        %cond3A_111 = arith.constant 0 : i32
        %cond3A_112 = arith.cmpi ne, %convert_element_type3A_110, %cond3A_111 : i32
        scf.if %cond3A_112 {
          %dma_wait3A_128 = arith.constant 0 : i32
          %dma_wait3A_129 = arith.constant 0 : i32
          %dma_wait3A_130 = tpu.memref_slice %arg9[%dma_wait3A_128, %dma_wait3A_129] : memref<10000x128xf32, #tpu.memory_space<vmem_shared>> -> memref<80x128xf32, #tpu.memory_space<vmem_shared>>
          %dma_wait3A_131 = arith.constant 0 : i32
          %dma_wait3A_132 = arith.constant 0 : i32
          %dma_wait3A_133 = tpu.memref_slice %arg9[%dma_wait3A_131, %dma_wait3A_132] : memref<10000x128xf32, #tpu.memory_space<vmem_shared>> -> memref<80x128xf32, #tpu.memory_space<vmem_shared>>
          tpu.wait_dma2 semaphore(%arg12 : memref<!tpu.dma_semaphore, #tpu.memory_space<semaphore_mem>>) src(%arg7 : memref<80x128xf32, #tpu.memory_space<vmem>>) dst(%dma_wait3A_133 : memref<80x128xf32, #tpu.memory_space<vmem_shared>>)
        } else {
        }
        %convert_element_type3A_113 = arith.extui %lt3A_107 : i1 to i32
        %cond3A_114 = arith.constant 0 : i32
        %cond3A_115 = arith.cmpi ne, %convert_element_type3A_113, %cond3A_114 : i32
        scf.if %cond3A_115 {
          %add3A_128 = arith.constant 1 : i32
          %add3A_129 = arith.addi %add3A_104, %add3A_128 : i32
          %mul3A_130 = arith.constant 80 : i32
          %mul3A_131 = arith.muli %add3A_129, %mul3A_130 : i32
          %add3A_132 = arith.addi %add3A_33, %mul3A_131 : i32
          %dma_start3A_133 = arith.constant 0 : i32
          %dma_start3A_134 = tpu.memref_slice %arg2[%add3A_132, %dma_start3A_133] : memref<192000x128xf32, #tpu.memory_space<hbm>> -> memref<80x128xf32, #tpu.memory_space<hbm>>
          %dma_start3A_135 = arith.constant 0 : i32
          %dma_start3A_136 = tpu.memref_slice %arg2[%add3A_132, %dma_start3A_135] : memref<192000x128xf32, #tpu.memory_space<hbm>> -> memref<80x128xf32, #tpu.memory_space<hbm>>
          tpu.enqueue_dma source(%dma_start3A_136 : memref<80x128xf32, #tpu.memory_space<hbm>>) target(%arg7 : memref<80x128xf32, #tpu.memory_space<vmem>>) target_semaphore(%arg10 : memref<!tpu.dma_semaphore, #tpu.memory_space<semaphore_mem>>)
        } else {
        }
        %dma_wait3A_116 = arith.constant 0 : i32
        %dma_wait3A_117 = arith.constant 0 : i32
        %dma_wait3A_118 = tpu.memref_slice %arg2[%dma_wait3A_116, %dma_wait3A_117] : memref<192000x128xf32, #tpu.memory_space<hbm>> -> memref<80x128xf32, #tpu.memory_space<hbm>>
        %dma_wait3A_119 = arith.constant 0 : i32
        %dma_wait3A_120 = arith.constant 0 : i32
        %dma_wait3A_121 = tpu.memref_slice %arg2[%dma_wait3A_119, %dma_wait3A_120] : memref<192000x128xf32, #tpu.memory_space<hbm>> -> memref<80x128xf32, #tpu.memory_space<hbm>>
        tpu.wait_dma2 semaphore(%arg11 : memref<!tpu.dma_semaphore, #tpu.memory_space<semaphore_mem>>) src(%dma_wait3A_121 : memref<80x128xf32, #tpu.memory_space<hbm>>) dst(%arg8 : memref<80x128xf32, #tpu.memory_space<vmem>>)
        %dma_start3A_122 = arith.constant 0 : i32
        %dma_start3A_123 = tpu.memref_slice %arg6[%add3A_104, %dma_start3A_122] : memref<50x80xi32, #tpu.memory_space<vmem>> -> memref<1x80xi32, #tpu.memory_space<vmem>>
        %dma_start3A_124 = tpu.memref_squeeze %dma_start3A_123 : memref<1x80xi32, #tpu.memory_space<vmem>> -> memref<80xi32, #tpu.memory_space<vmem>>
        %dma_start3A_125 = arith.constant 0 : i32
        %dma_start3A_126 = arith.constant 0 : i32
        %dma_start3A_127 = tpu.memref_slice %arg9[%dma_start3A_125, %dma_start3A_126] : memref<10000x128xf32, #tpu.memory_space<vmem_shared>> -> memref<10000x128xf32, #tpu.memory_space<vmem_shared>>
        tpu.enqueue_indirect_dma source(%arg8 : memref<80x128xf32, #tpu.memory_space<vmem>>) target(%dma_start3A_127 : memref<10000x128xf32, #tpu.memory_space<vmem_shared>>) offsets(%dma_start3A_124 : memref<80xi32, #tpu.memory_space<vmem>>) semaphore(%arg13 : memref<!tpu.dma_semaphore, #tpu.memory_space<semaphore_mem>>) {add = true}
      }
      %scan3A_44 = arith.constant 25 : i32
      %dma_wait3A_45 = arith.constant 0 : i32
      %dma_wait3A_46 = arith.constant 0 : i32
      %dma_wait3A_47 = tpu.memref_slice %arg9[%dma_wait3A_45, %dma_wait3A_46] : memref<10000x128xf32, #tpu.memory_space<vmem_shared>> -> memref<80x128xf32, #tpu.memory_space<vmem_shared>>
      %dma_wait3A_48 = arith.constant 0 : i32
      %dma_wait3A_49 = arith.constant 0 : i32
      %dma_wait3A_50 = tpu.memref_slice %arg9[%dma_wait3A_48, %dma_wait3A_49] : memref<10000x128xf32, #tpu.memory_space<vmem_shared>> -> memref<80x128xf32, #tpu.memory_space<vmem_shared>>
      tpu.wait_dma2 semaphore(%arg13 : memref<!tpu.dma_semaphore, #tpu.memory_space<semaphore_mem>>) src(%arg8 : memref<80x128xf32, #tpu.memory_space<vmem>>) dst(%dma_wait3A_50 : memref<80x128xf32, #tpu.memory_space<vmem_shared>>)
      %run_scoped3A_51 = arith.constant 2 : i32
      "tpu.region"() ({
        %run_scoped3A_73 = tpu.sem_alloc : memref<!tpu.dma_semaphore, #tpu.memory_space<semaphore_mem>>
        %dma_start3A_74 = arith.constant 0 : i32
        %dma_start3A_75 = arith.constant 0 : i32
        %dma_start3A_76 = arith.constant 0 : i32
        %dma_start3A_77 = tpu.memref_slice %arg3[%arg1, %dma_start3A_74, %dma_start3A_75, %dma_start3A_76] : memref<16x3x50x80xi32, #tpu.memory_space<hbm>> -> memref<1x3x50x80xi32, #tpu.memory_space<hbm>>
        %dma_start3A_78 = tpu.memref_squeeze %dma_start3A_77 : memref<1x3x50x80xi32, #tpu.memory_space<hbm>> -> memref<3x50x80xi32, #tpu.memory_space<hbm>>
        %dma_start3A_79 = arith.constant 0 : i32
        %dma_start3A_80 = arith.constant 0 : i32
        %dma_start3A_81 = tpu.memref_slice %dma_start3A_78[%run_scoped3A_51, %dma_start3A_79, %dma_start3A_80] : memref<3x50x80xi32, #tpu.memory_space<hbm>> -> memref<1x50x80xi32, #tpu.memory_space<hbm>>
        %dma_start3A_82 = tpu.memref_squeeze %dma_start3A_81 : memref<1x50x80xi32, #tpu.memory_space<hbm>> -> memref<50x80xi32, #tpu.memory_space<hbm>>
        %dma_start3A_83 = arith.constant 0 : i32
        %dma_start3A_84 = arith.constant 0 : i32
        %dma_start3A_85 = arith.constant 0 : i32
        %dma_start3A_86 = tpu.memref_slice %arg3[%arg1, %dma_start3A_83, %dma_start3A_84, %dma_start3A_85] : memref<16x3x50x80xi32, #tpu.memory_space<hbm>> -> memref<1x3x50x80xi32, #tpu.memory_space<hbm>>
        %dma_start3A_87 = tpu.memref_squeeze %dma_start3A_86 : memref<1x3x50x80xi32, #tpu.memory_space<hbm>> -> memref<3x50x80xi32, #tpu.memory_space<hbm>>
        %dma_start3A_88 = arith.constant 0 : i32
        %dma_start3A_89 = arith.constant 0 : i32
        %dma_start3A_90 = tpu.memref_slice %dma_start3A_87[%run_scoped3A_51, %dma_start3A_88, %dma_start3A_89] : memref<3x50x80xi32, #tpu.memory_space<hbm>> -> memref<1x50x80xi32, #tpu.memory_space<hbm>>
        %dma_start3A_91 = tpu.memref_squeeze %dma_start3A_90 : memref<1x50x80xi32, #tpu.memory_space<hbm>> -> memref<50x80xi32, #tpu.memory_space<hbm>>
        tpu.enqueue_dma source(%dma_start3A_91 : memref<50x80xi32, #tpu.memory_space<hbm>>) target(%arg6 : memref<50x80xi32, #tpu.memory_space<vmem>>) target_semaphore(%run_scoped3A_73 : memref<!tpu.dma_semaphore, #tpu.memory_space<semaphore_mem>>)
        %dma_wait3A_92 = arith.constant 0 : i32
        %dma_wait3A_93 = arith.constant 0 : i32
        %dma_wait3A_94 = arith.constant 0 : i32
        %dma_wait3A_95 = tpu.memref_slice %arg3[%arg1, %dma_wait3A_92, %dma_wait3A_93, %dma_wait3A_94] : memref<16x3x50x80xi32, #tpu.memory_space<hbm>> -> memref<1x3x50x80xi32, #tpu.memory_space<hbm>>
        %dma_wait3A_96 = tpu.memref_squeeze %dma_wait3A_95 : memref<1x3x50x80xi32, #tpu.memory_space<hbm>> -> memref<3x50x80xi32, #tpu.memory_space<hbm>>
        %dma_wait3A_97 = arith.constant 0 : i32
        %dma_wait3A_98 = arith.constant 0 : i32
        %dma_wait3A_99 = tpu.memref_slice %dma_wait3A_96[%run_scoped3A_51, %dma_wait3A_97, %dma_wait3A_98] : memref<3x50x80xi32, #tpu.memory_space<hbm>> -> memref<1x50x80xi32, #tpu.memory_space<hbm>>
        %dma_wait3A_100 = tpu.memref_squeeze %dma_wait3A_99 : memref<1x50x80xi32, #tpu.memory_space<hbm>> -> memref<50x80xi32, #tpu.memory_space<hbm>>
        %dma_wait3A_101 = arith.constant 0 : i32
        %dma_wait3A_102 = arith.constant 0 : i32
        %dma_wait3A_103 = arith.constant 0 : i32
        %dma_wait3A_104 = tpu.memref_slice %arg3[%arg1, %dma_wait3A_101, %dma_wait3A_102, %dma_wait3A_103] : memref<16x3x50x80xi32, #tpu.memory_space<hbm>> -> memref<1x3x50x80xi32, #tpu.memory_space<hbm>>
        %dma_wait3A_105 = tpu.memref_squeeze %dma_wait3A_104 : memref<1x3x50x80xi32, #tpu.memory_space<hbm>> -> memref<3x50x80xi32, #tpu.memory_space<hbm>>
        %dma_wait3A_106 = arith.constant 0 : i32
        %dma_wait3A_107 = arith.constant 0 : i32
        %dma_wait3A_108 = tpu.memref_slice %dma_wait3A_105[%run_scoped3A_51, %dma_wait3A_106, %dma_wait3A_107] : memref<3x50x80xi32, #tpu.memory_space<hbm>> -> memref<1x50x80xi32, #tpu.memory_space<hbm>>
        %dma_wait3A_109 = tpu.memref_squeeze %dma_wait3A_108 : memref<1x50x80xi32, #tpu.memory_space<hbm>> -> memref<50x80xi32, #tpu.memory_space<hbm>>
        tpu.wait_dma2 semaphore(%run_scoped3A_73 : memref<!tpu.dma_semaphore, #tpu.memory_space<semaphore_mem>>) src(%dma_wait3A_109 : memref<50x80xi32, #tpu.memory_space<hbm>>) dst(%arg6 : memref<50x80xi32, #tpu.memory_space<vmem>>)
        tpu.yield
      }) : () -> ()
      %mul3A_52 = arith.constant 12000 : i32
      %mul3A_53 = arith.muli %arg1, %mul3A_52 : i32
      %add3A_54 = arith.constant 8000 : i32
      %add3A_55 = arith.addi %mul3A_53, %add3A_54 : i32
      %add3A_56 = arith.constant 0 : i32
      %add3A_57 = arith.addi %add3A_55, %add3A_56 : i32
      %dma_start3A_58 = arith.constant 0 : i32
      %dma_start3A_59 = tpu.memref_slice %arg2[%add3A_57, %dma_start3A_58] : memref<192000x128xf32, #tpu.memory_space<hbm>> -> memref<80x128xf32, #tpu.memory_space<hbm>>
      %dma_start3A_60 = arith.constant 0 : i32
      %dma_start3A_61 = tpu.memref_slice %arg2[%add3A_57, %dma_start3A_60] : memref<192000x128xf32, #tpu.memory_space<hbm>> -> memref<80x128xf32, #tpu.memory_space<hbm>>
      tpu.enqueue_dma source(%dma_start3A_61 : memref<80x128xf32, #tpu.memory_space<hbm>>) target(%arg7 : memref<80x128xf32, #tpu.memory_space<vmem>>) target_semaphore(%arg10 : memref<!tpu.dma_semaphore, #tpu.memory_space<semaphore_mem>>)
      %scan3A_62 = arith.constant 0 : i32
      %scan3A_63 = arith.constant 25 : i32
      %scan3A_64 = arith.addi %scan3A_62, %scan3A_63 : i32
      %scan3A_65 = arith.constant 1 : i32
      scf.for %scan3A_73 = %scan3A_62 to %scan3A_64 step %scan3A_65  : i32 {
        %mul3A_74 = arith.constant 2 : i32
        %mul3A_75 = arith.muli %scan3A_73, %mul3A_74 : i32
        %add3A_76 = arith.constant 0 : i32
        %add3A_77 = arith.addi %add3A_76, %mul3A_75 : i32
        %ge3A = arith.constant 1 : i32
        %ge3A_78 = arith.cmpi sge, %add3A_77, %ge3A : i32
        %convert_element_type3A_79 = arith.extui %ge3A_78 : i1 to i32
        %cond3A_80 = arith.constant 0 : i32
        %cond3A_81 = arith.cmpi ne, %convert_element_type3A_79, %cond3A_80 : i32
        scf.if %cond3A_81 {
          %dma_wait3A_128 = arith.constant 0 : i32
          %dma_wait3A_129 = arith.constant 0 : i32
          %dma_wait3A_130 = tpu.memref_slice %arg9[%dma_wait3A_128, %dma_wait3A_129] : memref<10000x128xf32, #tpu.memory_space<vmem_shared>> -> memref<80x128xf32, #tpu.memory_space<vmem_shared>>
          %dma_wait3A_131 = arith.constant 0 : i32
          %dma_wait3A_132 = arith.constant 0 : i32
          %dma_wait3A_133 = tpu.memref_slice %arg9[%dma_wait3A_131, %dma_wait3A_132] : memref<10000x128xf32, #tpu.memory_space<vmem_shared>> -> memref<80x128xf32, #tpu.memory_space<vmem_shared>>
          tpu.wait_dma2 semaphore(%arg13 : memref<!tpu.dma_semaphore, #tpu.memory_space<semaphore_mem>>) src(%arg8 : memref<80x128xf32, #tpu.memory_space<vmem>>) dst(%dma_wait3A_133 : memref<80x128xf32, #tpu.memory_space<vmem_shared>>)
        } else {
        }
        %add3A_82 = arith.constant 1 : i32
        %add3A_83 = arith.addi %add3A_77, %add3A_82 : i32
        %mul3A_84 = arith.constant 80 : i32
        %mul3A_85 = arith.muli %add3A_83, %mul3A_84 : i32
        %add3A_86 = arith.addi %add3A_55, %mul3A_85 : i32
        %dma_start3A_87 = arith.constant 0 : i32
        %dma_start3A_88 = tpu.memref_slice %arg2[%add3A_86, %dma_start3A_87] : memref<192000x128xf32, #tpu.memory_space<hbm>> -> memref<80x128xf32, #tpu.memory_space<hbm>>
        %dma_start3A_89 = arith.constant 0 : i32
        %dma_start3A_90 = tpu.memref_slice %arg2[%add3A_86, %dma_start3A_89] : memref<192000x128xf32, #tpu.memory_space<hbm>> -> memref<80x128xf32, #tpu.memory_space<hbm>>
        tpu.enqueue_dma source(%dma_start3A_90 : memref<80x128xf32, #tpu.memory_space<hbm>>) target(%arg8 : memref<80x128xf32, #tpu.memory_space<vmem>>) target_semaphore(%arg11 : memref<!tpu.dma_semaphore, #tpu.memory_space<semaphore_mem>>)
        %dma_wait3A_91 = arith.constant 0 : i32
        %dma_wait3A_92 = arith.constant 0 : i32
        %dma_wait3A_93 = tpu.memref_slice %arg2[%dma_wait3A_91, %dma_wait3A_92] : memref<192000x128xf32, #tpu.memory_space<hbm>> -> memref<80x128xf32, #tpu.memory_space<hbm>>
        %dma_wait3A_94 = arith.constant 0 : i32
        %dma_wait3A_95 = arith.constant 0 : i32
        %dma_wait3A_96 = tpu.memref_slice %arg2[%dma_wait3A_94, %dma_wait3A_95] : memref<192000x128xf32, #tpu.memory_space<hbm>> -> memref<80x128xf32, #tpu.memory_space<hbm>>
        tpu.wait_dma2 semaphore(%arg10 : memref<!tpu.dma_semaphore, #tpu.memory_space<semaphore_mem>>) src(%dma_wait3A_96 : memref<80x128xf32, #tpu.memory_space<hbm>>) dst(%arg7 : memref<80x128xf32, #tpu.memory_space<vmem>>)
        %dma_start3A_97 = arith.constant 0 : i32
        %dma_start3A_98 = tpu.memref_slice %arg6[%add3A_77, %dma_start3A_97] : memref<50x80xi32, #tpu.memory_space<vmem>> -> memref<1x80xi32, #tpu.memory_space<vmem>>
        %dma_start3A_99 = tpu.memref_squeeze %dma_start3A_98 : memref<1x80xi32, #tpu.memory_space<vmem>> -> memref<80xi32, #tpu.memory_space<vmem>>
        %dma_start3A_100 = arith.constant 0 : i32
        %dma_start3A_101 = arith.constant 0 : i32
        %dma_start3A_102 = tpu.memref_slice %arg9[%dma_start3A_100, %dma_start3A_101] : memref<10000x128xf32, #tpu.memory_space<vmem_shared>> -> memref<10000x128xf32, #tpu.memory_space<vmem_shared>>
        tpu.enqueue_indirect_dma source(%arg7 : memref<80x128xf32, #tpu.memory_space<vmem>>) target(%dma_start3A_102 : memref<10000x128xf32, #tpu.memory_space<vmem_shared>>) offsets(%dma_start3A_99 : memref<80xi32, #tpu.memory_space<vmem>>) semaphore(%arg12 : memref<!tpu.dma_semaphore, #tpu.memory_space<semaphore_mem>>) {add = true}
        %add3A_103 = arith.constant 1 : i32
        %add3A_104 = arith.addi %add3A_77, %add3A_103 : i32
        %add3A_105 = arith.constant 2 : i32
        %add3A_106 = arith.addi %add3A_77, %add3A_105 : i32
        %lt3A = arith.constant 50 : i32
        %lt3A_107 = arith.cmpi slt, %add3A_106, %lt3A : i32
        %ge3A_108 = arith.constant 1 : i32
        %ge3A_109 = arith.cmpi sge, %add3A_104, %ge3A_108 : i32
        %convert_element_type3A_110 = arith.extui %ge3A_109 : i1 to i32
        %cond3A_111 = arith.constant 0 : i32
        %cond3A_112 = arith.cmpi ne, %convert_element_type3A_110, %cond3A_111 : i32
        scf.if %cond3A_112 {
          %dma_wait3A_128 = arith.constant 0 : i32
          %dma_wait3A_129 = arith.constant 0 : i32
          %dma_wait3A_130 = tpu.memref_slice %arg9[%dma_wait3A_128, %dma_wait3A_129] : memref<10000x128xf32, #tpu.memory_space<vmem_shared>> -> memref<80x128xf32, #tpu.memory_space<vmem_shared>>
          %dma_wait3A_131 = arith.constant 0 : i32
          %dma_wait3A_132 = arith.constant 0 : i32
          %dma_wait3A_133 = tpu.memref_slice %arg9[%dma_wait3A_131, %dma_wait3A_132] : memref<10000x128xf32, #tpu.memory_space<vmem_shared>> -> memref<80x128xf32, #tpu.memory_space<vmem_shared>>
          tpu.wait_dma2 semaphore(%arg12 : memref<!tpu.dma_semaphore, #tpu.memory_space<semaphore_mem>>) src(%arg7 : memref<80x128xf32, #tpu.memory_space<vmem>>) dst(%dma_wait3A_133 : memref<80x128xf32, #tpu.memory_space<vmem_shared>>)
        } else {
        }
        %convert_element_type3A_113 = arith.extui %lt3A_107 : i1 to i32
        %cond3A_114 = arith.constant 0 : i32
        %cond3A_115 = arith.cmpi ne, %convert_element_type3A_113, %cond3A_114 : i32
        scf.if %cond3A_115 {
          %add3A_128 = arith.constant 1 : i32
          %add3A_129 = arith.addi %add3A_104, %add3A_128 : i32
          %mul3A_130 = arith.constant 80 : i32
          %mul3A_131 = arith.muli %add3A_129, %mul3A_130 : i32
          %add3A_132 = arith.addi %add3A_55, %mul3A_131 : i32
          %dma_start3A_133 = arith.constant 0 : i32
          %dma_start3A_134 = tpu.memref_slice %arg2[%add3A_132, %dma_start3A_133] : memref<192000x128xf32, #tpu.memory_space<hbm>> -> memref<80x128xf32, #tpu.memory_space<hbm>>
          %dma_start3A_135 = arith.constant 0 : i32
          %dma_start3A_136 = tpu.memref_slice %arg2[%add3A_132, %dma_start3A_135] : memref<192000x128xf32, #tpu.memory_space<hbm>> -> memref<80x128xf32, #tpu.memory_space<hbm>>
          tpu.enqueue_dma source(%dma_start3A_136 : memref<80x128xf32, #tpu.memory_space<hbm>>) target(%arg7 : memref<80x128xf32, #tpu.memory_space<vmem>>) target_semaphore(%arg10 : memref<!tpu.dma_semaphore, #tpu.memory_space<semaphore_mem>>)
        } else {
        }
        %dma_wait3A_116 = arith.constant 0 : i32
        %dma_wait3A_117 = arith.constant 0 : i32
        %dma_wait3A_118 = tpu.memref_slice %arg2[%dma_wait3A_116, %dma_wait3A_117] : memref<192000x128xf32, #tpu.memory_space<hbm>> -> memref<80x128xf32, #tpu.memory_space<hbm>>
        %dma_wait3A_119 = arith.constant 0 : i32
        %dma_wait3A_120 = arith.constant 0 : i32
        %dma_wait3A_121 = tpu.memref_slice %arg2[%dma_wait3A_119, %dma_wait3A_120] : memref<192000x128xf32, #tpu.memory_space<hbm>> -> memref<80x128xf32, #tpu.memory_space<hbm>>
        tpu.wait_dma2 semaphore(%arg11 : memref<!tpu.dma_semaphore, #tpu.memory_space<semaphore_mem>>) src(%dma_wait3A_121 : memref<80x128xf32, #tpu.memory_space<hbm>>) dst(%arg8 : memref<80x128xf32, #tpu.memory_space<vmem>>)
        %dma_start3A_122 = arith.constant 0 : i32
        %dma_start3A_123 = tpu.memref_slice %arg6[%add3A_104, %dma_start3A_122] : memref<50x80xi32, #tpu.memory_space<vmem>> -> memref<1x80xi32, #tpu.memory_space<vmem>>
        %dma_start3A_124 = tpu.memref_squeeze %dma_start3A_123 : memref<1x80xi32, #tpu.memory_space<vmem>> -> memref<80xi32, #tpu.memory_space<vmem>>
        %dma_start3A_125 = arith.constant 0 : i32
        %dma_start3A_126 = arith.constant 0 : i32
        %dma_start3A_127 = tpu.memref_slice %arg9[%dma_start3A_125, %dma_start3A_126] : memref<10000x128xf32, #tpu.memory_space<vmem_shared>> -> memref<10000x128xf32, #tpu.memory_space<vmem_shared>>
        tpu.enqueue_indirect_dma source(%arg8 : memref<80x128xf32, #tpu.memory_space<vmem>>) target(%dma_start3A_127 : memref<10000x128xf32, #tpu.memory_space<vmem_shared>>) offsets(%dma_start3A_124 : memref<80xi32, #tpu.memory_space<vmem>>) semaphore(%arg13 : memref<!tpu.dma_semaphore, #tpu.memory_space<semaphore_mem>>) {add = true}
      }
      %scan3A_66 = arith.constant 25 : i32
      %dma_wait3A_67 = arith.constant 0 : i32
      %dma_wait3A_68 = arith.constant 0 : i32
      %dma_wait3A_69 = tpu.memref_slice %arg9[%dma_wait3A_67, %dma_wait3A_68] : memref<10000x128xf32, #tpu.memory_space<vmem_shared>> -> memref<80x128xf32, #tpu.memory_space<vmem_shared>>
      %dma_wait3A_70 = arith.constant 0 : i32
      %dma_wait3A_71 = arith.constant 0 : i32
      %dma_wait3A_72 = tpu.memref_slice %arg9[%dma_wait3A_70, %dma_wait3A_71] : memref<10000x128xf32, #tpu.memory_space<vmem_shared>> -> memref<80x128xf32, #tpu.memory_space<vmem_shared>>
      tpu.wait_dma2 semaphore(%arg13 : memref<!tpu.dma_semaphore, #tpu.memory_space<semaphore_mem>>) src(%arg8 : memref<80x128xf32, #tpu.memory_space<vmem>>) dst(%dma_wait3A_72 : memref<80x128xf32, #tpu.memory_space<vmem_shared>>)
    } else {
    }
    %barrier3A_7 = arith.constant 0 : index
    tpu.barrier barrier_id(%barrier3A_7)
    %eq3A_8 = arith.constant 0 : i32
    %eq3A_9 = arith.cmpi eq, %arg0, %eq3A_8 : i32
    %convert_element_type3A_10 = arith.extui %eq3A_9 : i1 to i32
    %cond3A_11 = arith.constant 0 : i32
    %cond3A_12 = arith.cmpi ne, %convert_element_type3A_10, %cond3A_11 : i32
    scf.if %cond3A_12 {
      %mul3A = arith.constant 624 : i32
      %mul3A_13 = arith.muli %arg1, %mul3A : i32
      %mul3A_14 = arith.constant 624 : i32
      %mul3A_15 = arith.muli %arg1, %mul3A_14 : i32
      "tpu.region"() ({
        %run_scoped3A = tpu.sem_alloc : memref<!tpu.dma_semaphore, #tpu.memory_space<semaphore_mem>>
        %dma_start3A = arith.constant 0 : i32
        %dma_start3A_21 = tpu.memref_slice %arg5[%mul3A_15, %dma_start3A] : memref<10000x128xf32, #tpu.memory_space<hbm>> -> memref<624x128xf32, #tpu.memory_space<hbm>>
        %dma_start3A_22 = arith.constant 0 : i32
        %dma_start3A_23 = tpu.memref_slice %arg9[%mul3A_13, %dma_start3A_22] : memref<10000x128xf32, #tpu.memory_space<vmem_shared>> -> memref<624x128xf32, #tpu.memory_space<vmem_shared>>
        tpu.enqueue_dma source(%dma_start3A_23 : memref<624x128xf32, #tpu.memory_space<vmem_shared>>) target(%dma_start3A_21 : memref<624x128xf32, #tpu.memory_space<hbm>>) target_semaphore(%run_scoped3A : memref<!tpu.dma_semaphore, #tpu.memory_space<semaphore_mem>>)
        %dma_wait3A = arith.constant 0 : i32
        %dma_wait3A_24 = tpu.memref_slice %arg5[%mul3A_15, %dma_wait3A] : memref<10000x128xf32, #tpu.memory_space<hbm>> -> memref<624x128xf32, #tpu.memory_space<hbm>>
        %dma_wait3A_25 = arith.constant 0 : i32
        %dma_wait3A_26 = tpu.memref_slice %arg9[%mul3A_13, %dma_wait3A_25] : memref<10000x128xf32, #tpu.memory_space<vmem_shared>> -> memref<624x128xf32, #tpu.memory_space<vmem_shared>>
        tpu.wait_dma2 semaphore(%run_scoped3A : memref<!tpu.dma_semaphore, #tpu.memory_space<semaphore_mem>>) src(%dma_wait3A_26 : memref<624x128xf32, #tpu.memory_space<vmem_shared>>) dst(%dma_wait3A_24 : memref<624x128xf32, #tpu.memory_space<hbm>>)
        tpu.yield
      }) : () -> ()
      %eq3A_16 = arith.constant 15 : i32
      %eq3A_17 = arith.cmpi eq, %arg1, %eq3A_16 : i32
      %convert_element_type3A_18 = arith.extui %eq3A_17 : i1 to i32
      %cond3A_19 = arith.constant 0 : i32
      %cond3A_20 = arith.cmpi ne, %convert_element_type3A_18, %cond3A_19 : i32
      scf.if %cond3A_20 {
        "tpu.region"() ({
          %run_scoped3A = tpu.sem_alloc : memref<!tpu.dma_semaphore, #tpu.memory_space<semaphore_mem>>
          %dma_start3A = arith.constant 9984 : i32
          %dma_start3A_21 = arith.constant 0 : i32
          %dma_start3A_22 = tpu.memref_slice %arg5[%dma_start3A, %dma_start3A_21] : memref<10000x128xf32, #tpu.memory_space<hbm>> -> memref<16x128xf32, #tpu.memory_space<hbm>>
          %dma_start3A_23 = arith.constant 9984 : i32
          %dma_start3A_24 = arith.constant 0 : i32
          %dma_start3A_25 = tpu.memref_slice %arg9[%dma_start3A_23, %dma_start3A_24] : memref<10000x128xf32, #tpu.memory_space<vmem_shared>> -> memref<16x128xf32, #tpu.memory_space<vmem_shared>>
          tpu.enqueue_dma source(%dma_start3A_25 : memref<16x128xf32, #tpu.memory_space<vmem_shared>>) target(%dma_start3A_22 : memref<16x128xf32, #tpu.memory_space<hbm>>) target_semaphore(%run_scoped3A : memref<!tpu.dma_semaphore, #tpu.memory_space<semaphore_mem>>)
          %dma_wait3A = arith.constant 9984 : i32
          %dma_wait3A_26 = arith.constant 0 : i32
          %dma_wait3A_27 = tpu.memref_slice %arg5[%dma_wait3A, %dma_wait3A_26] : memref<10000x128xf32, #tpu.memory_space<hbm>> -> memref<16x128xf32, #tpu.memory_space<hbm>>
          %dma_wait3A_28 = arith.constant 9984 : i32
          %dma_wait3A_29 = arith.constant 0 : i32
          %dma_wait3A_30 = tpu.memref_slice %arg9[%dma_wait3A_28, %dma_wait3A_29] : memref<10000x128xf32, #tpu.memory_space<vmem_shared>> -> memref<16x128xf32, #tpu.memory_space<vmem_shared>>
          tpu.wait_dma2 semaphore(%run_scoped3A : memref<!tpu.dma_semaphore, #tpu.memory_space<semaphore_mem>>) src(%dma_wait3A_30 : memref<16x128xf32, #tpu.memory_space<vmem_shared>>) dst(%dma_wait3A_27 : memref<16x128xf32, #tpu.memory_space<hbm>>)
          tpu.yield
        }) : () -> ()
      } else {
      }
    } else {
    }
    return
  }
}

#map = affine_map<(d0, d1) -> (0, 0)>
#map1 = affine_map<(d0, d1) -> (0, 0, 0, 0)>
module attributes {stable_mosaic.version = 14 : i64} {
  func.func @scatter(%arg0: i32, %arg1: i32, %arg2: memref<128000x128xf32, #tpu.memory_space<hbm>>, %arg3: memref<16x2x50x80xi32, #tpu.memory_space<hbm>>, %arg4: memref<10000x128xf32, #tpu.memory_space<hbm>>, %arg5: memref<10000x128xf32, #tpu.memory_space<hbm>>, %arg6: memref<50x80xi32, #tpu.memory_space<vmem>>, %arg7: memref<80x128xf32, #tpu.memory_space<vmem>>, %arg8: memref<80x128xf32, #tpu.memory_space<vmem>>, %arg9: memref<10000x128xf32, #tpu.memory_space<vmem_shared>>, %arg10: memref<!tpu.dma_semaphore, #tpu.memory_space<semaphore_mem>>, %arg11: memref<!tpu.dma_semaphore, #tpu.memory_space<semaphore_mem>>, %arg12: memref<!tpu.dma_semaphore, #tpu.memory_space<semaphore_mem>>, %arg13: memref<!tpu.dma_semaphore, #tpu.memory_space<semaphore_mem>>) attributes {dimension_semantics = [#tpu.dimension_semantics<core_parallel>, #tpu.dimension_semantics<subcore_parallel>], iteration_bounds = array<i64: 2, 16>, scalar_prefetch = 0 : i64, scratch_operands = 8 : i64, tpu.core_type = #tpu.core_type<sc_vector_subcore>, window_params = [{transform_indices = #map}, {transform_indices = #map1}, {transform_indices = #map}, {transform_indices = #map}]} {
    %eq3A = arith.constant 0 : i32
    %eq3A_0 = arith.cmpi eq, %arg0, %eq3A : i32
    %convert_element_type3A = arith.extui %eq3A_0 : i1 to i32
    %cond3A = arith.constant 0 : i32
    %cond3A_1 = arith.cmpi ne, %convert_element_type3A, %cond3A : i32
    scf.if %cond3A_1 {
      %mul3A = arith.constant 624 : i32
      %mul3A_13 = arith.muli %arg1, %mul3A : i32
      %mul3A_14 = arith.constant 624 : i32
      %mul3A_15 = arith.muli %arg1, %mul3A_14 : i32
      "tpu.region"() ({
        %run_scoped3A = tpu.sem_alloc : memref<!tpu.dma_semaphore, #tpu.memory_space<semaphore_mem>>
        %dma_start3A = arith.constant 0 : i32
        %dma_start3A_21 = tpu.memref_slice %arg9[%mul3A_15, %dma_start3A] : memref<10000x128xf32, #tpu.memory_space<vmem_shared>> -> memref<624x128xf32, #tpu.memory_space<vmem_shared>>
        %dma_start3A_22 = arith.constant 0 : i32
        %dma_start3A_23 = tpu.memref_slice %arg4[%mul3A_13, %dma_start3A_22] : memref<10000x128xf32, #tpu.memory_space<hbm>> -> memref<624x128xf32, #tpu.memory_space<hbm>>
        tpu.enqueue_dma source(%dma_start3A_23 : memref<624x128xf32, #tpu.memory_space<hbm>>) target(%dma_start3A_21 : memref<624x128xf32, #tpu.memory_space<vmem_shared>>) target_semaphore(%run_scoped3A : memref<!tpu.dma_semaphore, #tpu.memory_space<semaphore_mem>>)
        %dma_wait3A = arith.constant 0 : i32
        %dma_wait3A_24 = tpu.memref_slice %arg9[%mul3A_15, %dma_wait3A] : memref<10000x128xf32, #tpu.memory_space<vmem_shared>> -> memref<624x128xf32, #tpu.memory_space<vmem_shared>>
        %dma_wait3A_25 = arith.constant 0 : i32
        %dma_wait3A_26 = tpu.memref_slice %arg4[%mul3A_13, %dma_wait3A_25] : memref<10000x128xf32, #tpu.memory_space<hbm>> -> memref<624x128xf32, #tpu.memory_space<hbm>>
        tpu.wait_dma2 semaphore(%run_scoped3A : memref<!tpu.dma_semaphore, #tpu.memory_space<semaphore_mem>>) src(%dma_wait3A_26 : memref<624x128xf32, #tpu.memory_space<hbm>>) dst(%dma_wait3A_24 : memref<624x128xf32, #tpu.memory_space<vmem_shared>>)
        tpu.yield
      }) : () -> ()
      %eq3A_16 = arith.constant 15 : i32
      %eq3A_17 = arith.cmpi eq, %arg1, %eq3A_16 : i32
      %convert_element_type3A_18 = arith.extui %eq3A_17 : i1 to i32
      %cond3A_19 = arith.constant 0 : i32
      %cond3A_20 = arith.cmpi ne, %convert_element_type3A_18, %cond3A_19 : i32
      scf.if %cond3A_20 {
        "tpu.region"() ({
          %run_scoped3A = tpu.sem_alloc : memref<!tpu.dma_semaphore, #tpu.memory_space<semaphore_mem>>
          %dma_start3A = arith.constant 9984 : i32
          %dma_start3A_21 = arith.constant 0 : i32
          %dma_start3A_22 = tpu.memref_slice %arg9[%dma_start3A, %dma_start3A_21] : memref<10000x128xf32, #tpu.memory_space<vmem_shared>> -> memref<16x128xf32, #tpu.memory_space<vmem_shared>>
          %dma_start3A_23 = arith.constant 9984 : i32
          %dma_start3A_24 = arith.constant 0 : i32
          %dma_start3A_25 = tpu.memref_slice %arg4[%dma_start3A_23, %dma_start3A_24] : memref<10000x128xf32, #tpu.memory_space<hbm>> -> memref<16x128xf32, #tpu.memory_space<hbm>>
          tpu.enqueue_dma source(%dma_start3A_25 : memref<16x128xf32, #tpu.memory_space<hbm>>) target(%dma_start3A_22 : memref<16x128xf32, #tpu.memory_space<vmem_shared>>) target_semaphore(%run_scoped3A : memref<!tpu.dma_semaphore, #tpu.memory_space<semaphore_mem>>)
          %dma_wait3A = arith.constant 9984 : i32
          %dma_wait3A_26 = arith.constant 0 : i32
          %dma_wait3A_27 = tpu.memref_slice %arg9[%dma_wait3A, %dma_wait3A_26] : memref<10000x128xf32, #tpu.memory_space<vmem_shared>> -> memref<16x128xf32, #tpu.memory_space<vmem_shared>>
          %dma_wait3A_28 = arith.constant 9984 : i32
          %dma_wait3A_29 = arith.constant 0 : i32
          %dma_wait3A_30 = tpu.memref_slice %arg4[%dma_wait3A_28, %dma_wait3A_29] : memref<10000x128xf32, #tpu.memory_space<hbm>> -> memref<16x128xf32, #tpu.memory_space<hbm>>
          tpu.wait_dma2 semaphore(%run_scoped3A : memref<!tpu.dma_semaphore, #tpu.memory_space<semaphore_mem>>) src(%dma_wait3A_30 : memref<16x128xf32, #tpu.memory_space<hbm>>) dst(%dma_wait3A_27 : memref<16x128xf32, #tpu.memory_space<vmem_shared>>)
          tpu.yield
        }) : () -> ()
      } else {
      }
    } else {
    }
    %barrier3A = arith.constant 0 : index
    tpu.barrier barrier_id(%barrier3A)
    %eq3A_2 = arith.constant 0 : i32
    %eq3A_3 = arith.cmpi eq, %arg0, %eq3A_2 : i32
    %convert_element_type3A_4 = arith.extui %eq3A_3 : i1 to i32
    %cond3A_5 = arith.constant 0 : i32
    %cond3A_6 = arith.cmpi ne, %convert_element_type3A_4, %cond3A_5 : i32
    scf.if %cond3A_6 {
      %run_scoped3A = arith.constant 0 : i32
      "tpu.region"() ({
        %run_scoped3A_51 = tpu.sem_alloc : memref<!tpu.dma_semaphore, #tpu.memory_space<semaphore_mem>>
        %dma_start3A_52 = arith.constant 0 : i32
        %dma_start3A_53 = arith.constant 0 : i32
        %dma_start3A_54 = arith.constant 0 : i32
        %dma_start3A_55 = tpu.memref_slice %arg3[%arg1, %dma_start3A_52, %dma_start3A_53, %dma_start3A_54] : memref<16x2x50x80xi32, #tpu.memory_space<hbm>> -> memref<1x2x50x80xi32, #tpu.memory_space<hbm>>
        %dma_start3A_56 = tpu.memref_squeeze %dma_start3A_55 : memref<1x2x50x80xi32, #tpu.memory_space<hbm>> -> memref<2x50x80xi32, #tpu.memory_space<hbm>>
        %dma_start3A_57 = arith.constant 0 : i32
        %dma_start3A_58 = arith.constant 0 : i32
        %dma_start3A_59 = tpu.memref_slice %dma_start3A_56[%run_scoped3A, %dma_start3A_57, %dma_start3A_58] : memref<2x50x80xi32, #tpu.memory_space<hbm>> -> memref<1x50x80xi32, #tpu.memory_space<hbm>>
        %dma_start3A_60 = tpu.memref_squeeze %dma_start3A_59 : memref<1x50x80xi32, #tpu.memory_space<hbm>> -> memref<50x80xi32, #tpu.memory_space<hbm>>
        %dma_start3A_61 = arith.constant 0 : i32
        %dma_start3A_62 = arith.constant 0 : i32
        %dma_start3A_63 = arith.constant 0 : i32
        %dma_start3A_64 = tpu.memref_slice %arg3[%arg1, %dma_start3A_61, %dma_start3A_62, %dma_start3A_63] : memref<16x2x50x80xi32, #tpu.memory_space<hbm>> -> memref<1x2x50x80xi32, #tpu.memory_space<hbm>>
        %dma_start3A_65 = tpu.memref_squeeze %dma_start3A_64 : memref<1x2x50x80xi32, #tpu.memory_space<hbm>> -> memref<2x50x80xi32, #tpu.memory_space<hbm>>
        %dma_start3A_66 = arith.constant 0 : i32
        %dma_start3A_67 = arith.constant 0 : i32
        %dma_start3A_68 = tpu.memref_slice %dma_start3A_65[%run_scoped3A, %dma_start3A_66, %dma_start3A_67] : memref<2x50x80xi32, #tpu.memory_space<hbm>> -> memref<1x50x80xi32, #tpu.memory_space<hbm>>
        %dma_start3A_69 = tpu.memref_squeeze %dma_start3A_68 : memref<1x50x80xi32, #tpu.memory_space<hbm>> -> memref<50x80xi32, #tpu.memory_space<hbm>>
        tpu.enqueue_dma source(%dma_start3A_69 : memref<50x80xi32, #tpu.memory_space<hbm>>) target(%arg6 : memref<50x80xi32, #tpu.memory_space<vmem>>) target_semaphore(%run_scoped3A_51 : memref<!tpu.dma_semaphore, #tpu.memory_space<semaphore_mem>>)
        %dma_wait3A_70 = arith.constant 0 : i32
        %dma_wait3A_71 = arith.constant 0 : i32
        %dma_wait3A_72 = arith.constant 0 : i32
        %dma_wait3A_73 = tpu.memref_slice %arg3[%arg1, %dma_wait3A_70, %dma_wait3A_71, %dma_wait3A_72] : memref<16x2x50x80xi32, #tpu.memory_space<hbm>> -> memref<1x2x50x80xi32, #tpu.memory_space<hbm>>
        %dma_wait3A_74 = tpu.memref_squeeze %dma_wait3A_73 : memref<1x2x50x80xi32, #tpu.memory_space<hbm>> -> memref<2x50x80xi32, #tpu.memory_space<hbm>>
        %dma_wait3A_75 = arith.constant 0 : i32
        %dma_wait3A_76 = arith.constant 0 : i32
        %dma_wait3A_77 = tpu.memref_slice %dma_wait3A_74[%run_scoped3A, %dma_wait3A_75, %dma_wait3A_76] : memref<2x50x80xi32, #tpu.memory_space<hbm>> -> memref<1x50x80xi32, #tpu.memory_space<hbm>>
        %dma_wait3A_78 = tpu.memref_squeeze %dma_wait3A_77 : memref<1x50x80xi32, #tpu.memory_space<hbm>> -> memref<50x80xi32, #tpu.memory_space<hbm>>
        %dma_wait3A_79 = arith.constant 0 : i32
        %dma_wait3A_80 = arith.constant 0 : i32
        %dma_wait3A_81 = arith.constant 0 : i32
        %dma_wait3A_82 = tpu.memref_slice %arg3[%arg1, %dma_wait3A_79, %dma_wait3A_80, %dma_wait3A_81] : memref<16x2x50x80xi32, #tpu.memory_space<hbm>> -> memref<1x2x50x80xi32, #tpu.memory_space<hbm>>
        %dma_wait3A_83 = tpu.memref_squeeze %dma_wait3A_82 : memref<1x2x50x80xi32, #tpu.memory_space<hbm>> -> memref<2x50x80xi32, #tpu.memory_space<hbm>>
        %dma_wait3A_84 = arith.constant 0 : i32
        %dma_wait3A_85 = arith.constant 0 : i32
        %dma_wait3A_86 = tpu.memref_slice %dma_wait3A_83[%run_scoped3A, %dma_wait3A_84, %dma_wait3A_85] : memref<2x50x80xi32, #tpu.memory_space<hbm>> -> memref<1x50x80xi32, #tpu.memory_space<hbm>>
        %dma_wait3A_87 = tpu.memref_squeeze %dma_wait3A_86 : memref<1x50x80xi32, #tpu.memory_space<hbm>> -> memref<50x80xi32, #tpu.memory_space<hbm>>
        tpu.wait_dma2 semaphore(%run_scoped3A_51 : memref<!tpu.dma_semaphore, #tpu.memory_space<semaphore_mem>>) src(%dma_wait3A_87 : memref<50x80xi32, #tpu.memory_space<hbm>>) dst(%arg6 : memref<50x80xi32, #tpu.memory_space<vmem>>)
        tpu.yield
      }) : () -> ()
      %mul3A = arith.constant 8000 : i32
      %mul3A_13 = arith.muli %arg1, %mul3A : i32
      %add3A = arith.constant 0 : i32
      %add3A_14 = arith.addi %mul3A_13, %add3A : i32
      %add3A_15 = arith.constant 0 : i32
      %add3A_16 = arith.addi %add3A_14, %add3A_15 : i32
      %dma_start3A = arith.constant 0 : i32
      %dma_start3A_17 = tpu.memref_slice %arg2[%add3A_16, %dma_start3A] : memref<128000x128xf32, #tpu.memory_space<hbm>> -> memref<80x128xf32, #tpu.memory_space<hbm>>
      %dma_start3A_18 = arith.constant 0 : i32
      %dma_start3A_19 = tpu.memref_slice %arg2[%add3A_16, %dma_start3A_18] : memref<128000x128xf32, #tpu.memory_space<hbm>> -> memref<80x128xf32, #tpu.memory_space<hbm>>
      tpu.enqueue_dma source(%dma_start3A_19 : memref<80x128xf32, #tpu.memory_space<hbm>>) target(%arg7 : memref<80x128xf32, #tpu.memory_space<vmem>>) target_semaphore(%arg10 : memref<!tpu.dma_semaphore, #tpu.memory_space<semaphore_mem>>)
      %scan3A = arith.constant 0 : i32
      %scan3A_20 = arith.constant 25 : i32
      %scan3A_21 = arith.addi %scan3A, %scan3A_20 : i32
      %scan3A_22 = arith.constant 1 : i32
      scf.for %scan3A_51 = %scan3A to %scan3A_21 step %scan3A_22  : i32 {
        %mul3A_52 = arith.constant 2 : i32
        %mul3A_53 = arith.muli %scan3A_51, %mul3A_52 : i32
        %add3A_54 = arith.constant 0 : i32
        %add3A_55 = arith.addi %add3A_54, %mul3A_53 : i32
        %ge3A = arith.constant 1 : i32
        %ge3A_56 = arith.cmpi sge, %add3A_55, %ge3A : i32
        %convert_element_type3A_57 = arith.extui %ge3A_56 : i1 to i32
        %cond3A_58 = arith.constant 0 : i32
        %cond3A_59 = arith.cmpi ne, %convert_element_type3A_57, %cond3A_58 : i32
        scf.if %cond3A_59 {
          %dma_wait3A_106 = arith.constant 0 : i32
          %dma_wait3A_107 = arith.constant 0 : i32
          %dma_wait3A_108 = tpu.memref_slice %arg9[%dma_wait3A_106, %dma_wait3A_107] : memref<10000x128xf32, #tpu.memory_space<vmem_shared>> -> memref<80x128xf32, #tpu.memory_space<vmem_shared>>
          %dma_wait3A_109 = arith.constant 0 : i32
          %dma_wait3A_110 = arith.constant 0 : i32
          %dma_wait3A_111 = tpu.memref_slice %arg9[%dma_wait3A_109, %dma_wait3A_110] : memref<10000x128xf32, #tpu.memory_space<vmem_shared>> -> memref<80x128xf32, #tpu.memory_space<vmem_shared>>
          tpu.wait_dma2 semaphore(%arg13 : memref<!tpu.dma_semaphore, #tpu.memory_space<semaphore_mem>>) src(%arg8 : memref<80x128xf32, #tpu.memory_space<vmem>>) dst(%dma_wait3A_111 : memref<80x128xf32, #tpu.memory_space<vmem_shared>>)
        } else {
        }
        %add3A_60 = arith.constant 1 : i32
        %add3A_61 = arith.addi %add3A_55, %add3A_60 : i32
        %mul3A_62 = arith.constant 80 : i32
        %mul3A_63 = arith.muli %add3A_61, %mul3A_62 : i32
        %add3A_64 = arith.addi %add3A_14, %mul3A_63 : i32
        %dma_start3A_65 = arith.constant 0 : i32
        %dma_start3A_66 = tpu.memref_slice %arg2[%add3A_64, %dma_start3A_65] : memref<128000x128xf32, #tpu.memory_space<hbm>> -> memref<80x128xf32, #tpu.memory_space<hbm>>
        %dma_start3A_67 = arith.constant 0 : i32
        %dma_start3A_68 = tpu.memref_slice %arg2[%add3A_64, %dma_start3A_67] : memref<128000x128xf32, #tpu.memory_space<hbm>> -> memref<80x128xf32, #tpu.memory_space<hbm>>
        tpu.enqueue_dma source(%dma_start3A_68 : memref<80x128xf32, #tpu.memory_space<hbm>>) target(%arg8 : memref<80x128xf32, #tpu.memory_space<vmem>>) target_semaphore(%arg11 : memref<!tpu.dma_semaphore, #tpu.memory_space<semaphore_mem>>)
        %dma_wait3A_69 = arith.constant 0 : i32
        %dma_wait3A_70 = arith.constant 0 : i32
        %dma_wait3A_71 = tpu.memref_slice %arg2[%dma_wait3A_69, %dma_wait3A_70] : memref<128000x128xf32, #tpu.memory_space<hbm>> -> memref<80x128xf32, #tpu.memory_space<hbm>>
        %dma_wait3A_72 = arith.constant 0 : i32
        %dma_wait3A_73 = arith.constant 0 : i32
        %dma_wait3A_74 = tpu.memref_slice %arg2[%dma_wait3A_72, %dma_wait3A_73] : memref<128000x128xf32, #tpu.memory_space<hbm>> -> memref<80x128xf32, #tpu.memory_space<hbm>>
        tpu.wait_dma2 semaphore(%arg10 : memref<!tpu.dma_semaphore, #tpu.memory_space<semaphore_mem>>) src(%dma_wait3A_74 : memref<80x128xf32, #tpu.memory_space<hbm>>) dst(%arg7 : memref<80x128xf32, #tpu.memory_space<vmem>>)
        %dma_start3A_75 = arith.constant 0 : i32
        %dma_start3A_76 = tpu.memref_slice %arg6[%add3A_55, %dma_start3A_75] : memref<50x80xi32, #tpu.memory_space<vmem>> -> memref<1x80xi32, #tpu.memory_space<vmem>>
        %dma_start3A_77 = tpu.memref_squeeze %dma_start3A_76 : memref<1x80xi32, #tpu.memory_space<vmem>> -> memref<80xi32, #tpu.memory_space<vmem>>
        %dma_start3A_78 = arith.constant 0 : i32
        %dma_start3A_79 = arith.constant 0 : i32
        %dma_start3A_80 = tpu.memref_slice %arg9[%dma_start3A_78, %dma_start3A_79] : memref<10000x128xf32, #tpu.memory_space<vmem_shared>> -> memref<10000x128xf32, #tpu.memory_space<vmem_shared>>
        tpu.enqueue_indirect_dma source(%arg7 : memref<80x128xf32, #tpu.memory_space<vmem>>) target(%dma_start3A_80 : memref<10000x128xf32, #tpu.memory_space<vmem_shared>>) offsets(%dma_start3A_77 : memref<80xi32, #tpu.memory_space<vmem>>) semaphore(%arg12 : memref<!tpu.dma_semaphore, #tpu.memory_space<semaphore_mem>>) {add = true}
        %add3A_81 = arith.constant 1 : i32
        %add3A_82 = arith.addi %add3A_55, %add3A_81 : i32
        %add3A_83 = arith.constant 2 : i32
        %add3A_84 = arith.addi %add3A_55, %add3A_83 : i32
        %lt3A = arith.constant 50 : i32
        %lt3A_85 = arith.cmpi slt, %add3A_84, %lt3A : i32
        %ge3A_86 = arith.constant 1 : i32
        %ge3A_87 = arith.cmpi sge, %add3A_82, %ge3A_86 : i32
        %convert_element_type3A_88 = arith.extui %ge3A_87 : i1 to i32
        %cond3A_89 = arith.constant 0 : i32
        %cond3A_90 = arith.cmpi ne, %convert_element_type3A_88, %cond3A_89 : i32
        scf.if %cond3A_90 {
          %dma_wait3A_106 = arith.constant 0 : i32
          %dma_wait3A_107 = arith.constant 0 : i32
          %dma_wait3A_108 = tpu.memref_slice %arg9[%dma_wait3A_106, %dma_wait3A_107] : memref<10000x128xf32, #tpu.memory_space<vmem_shared>> -> memref<80x128xf32, #tpu.memory_space<vmem_shared>>
          %dma_wait3A_109 = arith.constant 0 : i32
          %dma_wait3A_110 = arith.constant 0 : i32
          %dma_wait3A_111 = tpu.memref_slice %arg9[%dma_wait3A_109, %dma_wait3A_110] : memref<10000x128xf32, #tpu.memory_space<vmem_shared>> -> memref<80x128xf32, #tpu.memory_space<vmem_shared>>
          tpu.wait_dma2 semaphore(%arg12 : memref<!tpu.dma_semaphore, #tpu.memory_space<semaphore_mem>>) src(%arg7 : memref<80x128xf32, #tpu.memory_space<vmem>>) dst(%dma_wait3A_111 : memref<80x128xf32, #tpu.memory_space<vmem_shared>>)
        } else {
        }
        %convert_element_type3A_91 = arith.extui %lt3A_85 : i1 to i32
        %cond3A_92 = arith.constant 0 : i32
        %cond3A_93 = arith.cmpi ne, %convert_element_type3A_91, %cond3A_92 : i32
        scf.if %cond3A_93 {
          %add3A_106 = arith.constant 1 : i32
          %add3A_107 = arith.addi %add3A_82, %add3A_106 : i32
          %mul3A_108 = arith.constant 80 : i32
          %mul3A_109 = arith.muli %add3A_107, %mul3A_108 : i32
          %add3A_110 = arith.addi %add3A_14, %mul3A_109 : i32
          %dma_start3A_111 = arith.constant 0 : i32
          %dma_start3A_112 = tpu.memref_slice %arg2[%add3A_110, %dma_start3A_111] : memref<128000x128xf32, #tpu.memory_space<hbm>> -> memref<80x128xf32, #tpu.memory_space<hbm>>
          %dma_start3A_113 = arith.constant 0 : i32
          %dma_start3A_114 = tpu.memref_slice %arg2[%add3A_110, %dma_start3A_113] : memref<128000x128xf32, #tpu.memory_space<hbm>> -> memref<80x128xf32, #tpu.memory_space<hbm>>
          tpu.enqueue_dma source(%dma_start3A_114 : memref<80x128xf32, #tpu.memory_space<hbm>>) target(%arg7 : memref<80x128xf32, #tpu.memory_space<vmem>>) target_semaphore(%arg10 : memref<!tpu.dma_semaphore, #tpu.memory_space<semaphore_mem>>)
        } else {
        }
        %dma_wait3A_94 = arith.constant 0 : i32
        %dma_wait3A_95 = arith.constant 0 : i32
        %dma_wait3A_96 = tpu.memref_slice %arg2[%dma_wait3A_94, %dma_wait3A_95] : memref<128000x128xf32, #tpu.memory_space<hbm>> -> memref<80x128xf32, #tpu.memory_space<hbm>>
        %dma_wait3A_97 = arith.constant 0 : i32
        %dma_wait3A_98 = arith.constant 0 : i32
        %dma_wait3A_99 = tpu.memref_slice %arg2[%dma_wait3A_97, %dma_wait3A_98] : memref<128000x128xf32, #tpu.memory_space<hbm>> -> memref<80x128xf32, #tpu.memory_space<hbm>>
        tpu.wait_dma2 semaphore(%arg11 : memref<!tpu.dma_semaphore, #tpu.memory_space<semaphore_mem>>) src(%dma_wait3A_99 : memref<80x128xf32, #tpu.memory_space<hbm>>) dst(%arg8 : memref<80x128xf32, #tpu.memory_space<vmem>>)
        %dma_start3A_100 = arith.constant 0 : i32
        %dma_start3A_101 = tpu.memref_slice %arg6[%add3A_82, %dma_start3A_100] : memref<50x80xi32, #tpu.memory_space<vmem>> -> memref<1x80xi32, #tpu.memory_space<vmem>>
        %dma_start3A_102 = tpu.memref_squeeze %dma_start3A_101 : memref<1x80xi32, #tpu.memory_space<vmem>> -> memref<80xi32, #tpu.memory_space<vmem>>
        %dma_start3A_103 = arith.constant 0 : i32
        %dma_start3A_104 = arith.constant 0 : i32
        %dma_start3A_105 = tpu.memref_slice %arg9[%dma_start3A_103, %dma_start3A_104] : memref<10000x128xf32, #tpu.memory_space<vmem_shared>> -> memref<10000x128xf32, #tpu.memory_space<vmem_shared>>
        tpu.enqueue_indirect_dma source(%arg8 : memref<80x128xf32, #tpu.memory_space<vmem>>) target(%dma_start3A_105 : memref<10000x128xf32, #tpu.memory_space<vmem_shared>>) offsets(%dma_start3A_102 : memref<80xi32, #tpu.memory_space<vmem>>) semaphore(%arg13 : memref<!tpu.dma_semaphore, #tpu.memory_space<semaphore_mem>>) {add = true}
      }
      %scan3A_23 = arith.constant 25 : i32
      %dma_wait3A = arith.constant 0 : i32
      %dma_wait3A_24 = arith.constant 0 : i32
      %dma_wait3A_25 = tpu.memref_slice %arg9[%dma_wait3A, %dma_wait3A_24] : memref<10000x128xf32, #tpu.memory_space<vmem_shared>> -> memref<80x128xf32, #tpu.memory_space<vmem_shared>>
      %dma_wait3A_26 = arith.constant 0 : i32
      %dma_wait3A_27 = arith.constant 0 : i32
      %dma_wait3A_28 = tpu.memref_slice %arg9[%dma_wait3A_26, %dma_wait3A_27] : memref<10000x128xf32, #tpu.memory_space<vmem_shared>> -> memref<80x128xf32, #tpu.memory_space<vmem_shared>>
      tpu.wait_dma2 semaphore(%arg13 : memref<!tpu.dma_semaphore, #tpu.memory_space<semaphore_mem>>) src(%arg8 : memref<80x128xf32, #tpu.memory_space<vmem>>) dst(%dma_wait3A_28 : memref<80x128xf32, #tpu.memory_space<vmem_shared>>)
      %run_scoped3A_29 = arith.constant 1 : i32
      "tpu.region"() ({
        %run_scoped3A_51 = tpu.sem_alloc : memref<!tpu.dma_semaphore, #tpu.memory_space<semaphore_mem>>
        %dma_start3A_52 = arith.constant 0 : i32
        %dma_start3A_53 = arith.constant 0 : i32
        %dma_start3A_54 = arith.constant 0 : i32
        %dma_start3A_55 = tpu.memref_slice %arg3[%arg1, %dma_start3A_52, %dma_start3A_53, %dma_start3A_54] : memref<16x2x50x80xi32, #tpu.memory_space<hbm>> -> memref<1x2x50x80xi32, #tpu.memory_space<hbm>>
        %dma_start3A_56 = tpu.memref_squeeze %dma_start3A_55 : memref<1x2x50x80xi32, #tpu.memory_space<hbm>> -> memref<2x50x80xi32, #tpu.memory_space<hbm>>
        %dma_start3A_57 = arith.constant 0 : i32
        %dma_start3A_58 = arith.constant 0 : i32
        %dma_start3A_59 = tpu.memref_slice %dma_start3A_56[%run_scoped3A_29, %dma_start3A_57, %dma_start3A_58] : memref<2x50x80xi32, #tpu.memory_space<hbm>> -> memref<1x50x80xi32, #tpu.memory_space<hbm>>
        %dma_start3A_60 = tpu.memref_squeeze %dma_start3A_59 : memref<1x50x80xi32, #tpu.memory_space<hbm>> -> memref<50x80xi32, #tpu.memory_space<hbm>>
        %dma_start3A_61 = arith.constant 0 : i32
        %dma_start3A_62 = arith.constant 0 : i32
        %dma_start3A_63 = arith.constant 0 : i32
        %dma_start3A_64 = tpu.memref_slice %arg3[%arg1, %dma_start3A_61, %dma_start3A_62, %dma_start3A_63] : memref<16x2x50x80xi32, #tpu.memory_space<hbm>> -> memref<1x2x50x80xi32, #tpu.memory_space<hbm>>
        %dma_start3A_65 = tpu.memref_squeeze %dma_start3A_64 : memref<1x2x50x80xi32, #tpu.memory_space<hbm>> -> memref<2x50x80xi32, #tpu.memory_space<hbm>>
        %dma_start3A_66 = arith.constant 0 : i32
        %dma_start3A_67 = arith.constant 0 : i32
        %dma_start3A_68 = tpu.memref_slice %dma_start3A_65[%run_scoped3A_29, %dma_start3A_66, %dma_start3A_67] : memref<2x50x80xi32, #tpu.memory_space<hbm>> -> memref<1x50x80xi32, #tpu.memory_space<hbm>>
        %dma_start3A_69 = tpu.memref_squeeze %dma_start3A_68 : memref<1x50x80xi32, #tpu.memory_space<hbm>> -> memref<50x80xi32, #tpu.memory_space<hbm>>
        tpu.enqueue_dma source(%dma_start3A_69 : memref<50x80xi32, #tpu.memory_space<hbm>>) target(%arg6 : memref<50x80xi32, #tpu.memory_space<vmem>>) target_semaphore(%run_scoped3A_51 : memref<!tpu.dma_semaphore, #tpu.memory_space<semaphore_mem>>)
        %dma_wait3A_70 = arith.constant 0 : i32
        %dma_wait3A_71 = arith.constant 0 : i32
        %dma_wait3A_72 = arith.constant 0 : i32
        %dma_wait3A_73 = tpu.memref_slice %arg3[%arg1, %dma_wait3A_70, %dma_wait3A_71, %dma_wait3A_72] : memref<16x2x50x80xi32, #tpu.memory_space<hbm>> -> memref<1x2x50x80xi32, #tpu.memory_space<hbm>>
        %dma_wait3A_74 = tpu.memref_squeeze %dma_wait3A_73 : memref<1x2x50x80xi32, #tpu.memory_space<hbm>> -> memref<2x50x80xi32, #tpu.memory_space<hbm>>
        %dma_wait3A_75 = arith.constant 0 : i32
        %dma_wait3A_76 = arith.constant 0 : i32
        %dma_wait3A_77 = tpu.memref_slice %dma_wait3A_74[%run_scoped3A_29, %dma_wait3A_75, %dma_wait3A_76] : memref<2x50x80xi32, #tpu.memory_space<hbm>> -> memref<1x50x80xi32, #tpu.memory_space<hbm>>
        %dma_wait3A_78 = tpu.memref_squeeze %dma_wait3A_77 : memref<1x50x80xi32, #tpu.memory_space<hbm>> -> memref<50x80xi32, #tpu.memory_space<hbm>>
        %dma_wait3A_79 = arith.constant 0 : i32
        %dma_wait3A_80 = arith.constant 0 : i32
        %dma_wait3A_81 = arith.constant 0 : i32
        %dma_wait3A_82 = tpu.memref_slice %arg3[%arg1, %dma_wait3A_79, %dma_wait3A_80, %dma_wait3A_81] : memref<16x2x50x80xi32, #tpu.memory_space<hbm>> -> memref<1x2x50x80xi32, #tpu.memory_space<hbm>>
        %dma_wait3A_83 = tpu.memref_squeeze %dma_wait3A_82 : memref<1x2x50x80xi32, #tpu.memory_space<hbm>> -> memref<2x50x80xi32, #tpu.memory_space<hbm>>
        %dma_wait3A_84 = arith.constant 0 : i32
        %dma_wait3A_85 = arith.constant 0 : i32
        %dma_wait3A_86 = tpu.memref_slice %dma_wait3A_83[%run_scoped3A_29, %dma_wait3A_84, %dma_wait3A_85] : memref<2x50x80xi32, #tpu.memory_space<hbm>> -> memref<1x50x80xi32, #tpu.memory_space<hbm>>
        %dma_wait3A_87 = tpu.memref_squeeze %dma_wait3A_86 : memref<1x50x80xi32, #tpu.memory_space<hbm>> -> memref<50x80xi32, #tpu.memory_space<hbm>>
        tpu.wait_dma2 semaphore(%run_scoped3A_51 : memref<!tpu.dma_semaphore, #tpu.memory_space<semaphore_mem>>) src(%dma_wait3A_87 : memref<50x80xi32, #tpu.memory_space<hbm>>) dst(%arg6 : memref<50x80xi32, #tpu.memory_space<vmem>>)
        tpu.yield
      }) : () -> ()
      %mul3A_30 = arith.constant 8000 : i32
      %mul3A_31 = arith.muli %arg1, %mul3A_30 : i32
      %add3A_32 = arith.constant 4000 : i32
      %add3A_33 = arith.addi %mul3A_31, %add3A_32 : i32
      %add3A_34 = arith.constant 0 : i32
      %add3A_35 = arith.addi %add3A_33, %add3A_34 : i32
      %dma_start3A_36 = arith.constant 0 : i32
      %dma_start3A_37 = tpu.memref_slice %arg2[%add3A_35, %dma_start3A_36] : memref<128000x128xf32, #tpu.memory_space<hbm>> -> memref<80x128xf32, #tpu.memory_space<hbm>>
      %dma_start3A_38 = arith.constant 0 : i32
      %dma_start3A_39 = tpu.memref_slice %arg2[%add3A_35, %dma_start3A_38] : memref<128000x128xf32, #tpu.memory_space<hbm>> -> memref<80x128xf32, #tpu.memory_space<hbm>>
      tpu.enqueue_dma source(%dma_start3A_39 : memref<80x128xf32, #tpu.memory_space<hbm>>) target(%arg7 : memref<80x128xf32, #tpu.memory_space<vmem>>) target_semaphore(%arg10 : memref<!tpu.dma_semaphore, #tpu.memory_space<semaphore_mem>>)
      %scan3A_40 = arith.constant 0 : i32
      %scan3A_41 = arith.constant 25 : i32
      %scan3A_42 = arith.addi %scan3A_40, %scan3A_41 : i32
      %scan3A_43 = arith.constant 1 : i32
      scf.for %scan3A_51 = %scan3A_40 to %scan3A_42 step %scan3A_43  : i32 {
        %mul3A_52 = arith.constant 2 : i32
        %mul3A_53 = arith.muli %scan3A_51, %mul3A_52 : i32
        %add3A_54 = arith.constant 0 : i32
        %add3A_55 = arith.addi %add3A_54, %mul3A_53 : i32
        %ge3A = arith.constant 1 : i32
        %ge3A_56 = arith.cmpi sge, %add3A_55, %ge3A : i32
        %convert_element_type3A_57 = arith.extui %ge3A_56 : i1 to i32
        %cond3A_58 = arith.constant 0 : i32
        %cond3A_59 = arith.cmpi ne, %convert_element_type3A_57, %cond3A_58 : i32
        scf.if %cond3A_59 {
          %dma_wait3A_106 = arith.constant 0 : i32
          %dma_wait3A_107 = arith.constant 0 : i32
          %dma_wait3A_108 = tpu.memref_slice %arg9[%dma_wait3A_106, %dma_wait3A_107] : memref<10000x128xf32, #tpu.memory_space<vmem_shared>> -> memref<80x128xf32, #tpu.memory_space<vmem_shared>>
          %dma_wait3A_109 = arith.constant 0 : i32
          %dma_wait3A_110 = arith.constant 0 : i32
          %dma_wait3A_111 = tpu.memref_slice %arg9[%dma_wait3A_109, %dma_wait3A_110] : memref<10000x128xf32, #tpu.memory_space<vmem_shared>> -> memref<80x128xf32, #tpu.memory_space<vmem_shared>>
          tpu.wait_dma2 semaphore(%arg13 : memref<!tpu.dma_semaphore, #tpu.memory_space<semaphore_mem>>) src(%arg8 : memref<80x128xf32, #tpu.memory_space<vmem>>) dst(%dma_wait3A_111 : memref<80x128xf32, #tpu.memory_space<vmem_shared>>)
        } else {
        }
        %add3A_60 = arith.constant 1 : i32
        %add3A_61 = arith.addi %add3A_55, %add3A_60 : i32
        %mul3A_62 = arith.constant 80 : i32
        %mul3A_63 = arith.muli %add3A_61, %mul3A_62 : i32
        %add3A_64 = arith.addi %add3A_33, %mul3A_63 : i32
        %dma_start3A_65 = arith.constant 0 : i32
        %dma_start3A_66 = tpu.memref_slice %arg2[%add3A_64, %dma_start3A_65] : memref<128000x128xf32, #tpu.memory_space<hbm>> -> memref<80x128xf32, #tpu.memory_space<hbm>>
        %dma_start3A_67 = arith.constant 0 : i32
        %dma_start3A_68 = tpu.memref_slice %arg2[%add3A_64, %dma_start3A_67] : memref<128000x128xf32, #tpu.memory_space<hbm>> -> memref<80x128xf32, #tpu.memory_space<hbm>>
        tpu.enqueue_dma source(%dma_start3A_68 : memref<80x128xf32, #tpu.memory_space<hbm>>) target(%arg8 : memref<80x128xf32, #tpu.memory_space<vmem>>) target_semaphore(%arg11 : memref<!tpu.dma_semaphore, #tpu.memory_space<semaphore_mem>>)
        %dma_wait3A_69 = arith.constant 0 : i32
        %dma_wait3A_70 = arith.constant 0 : i32
        %dma_wait3A_71 = tpu.memref_slice %arg2[%dma_wait3A_69, %dma_wait3A_70] : memref<128000x128xf32, #tpu.memory_space<hbm>> -> memref<80x128xf32, #tpu.memory_space<hbm>>
        %dma_wait3A_72 = arith.constant 0 : i32
        %dma_wait3A_73 = arith.constant 0 : i32
        %dma_wait3A_74 = tpu.memref_slice %arg2[%dma_wait3A_72, %dma_wait3A_73] : memref<128000x128xf32, #tpu.memory_space<hbm>> -> memref<80x128xf32, #tpu.memory_space<hbm>>
        tpu.wait_dma2 semaphore(%arg10 : memref<!tpu.dma_semaphore, #tpu.memory_space<semaphore_mem>>) src(%dma_wait3A_74 : memref<80x128xf32, #tpu.memory_space<hbm>>) dst(%arg7 : memref<80x128xf32, #tpu.memory_space<vmem>>)
        %dma_start3A_75 = arith.constant 0 : i32
        %dma_start3A_76 = tpu.memref_slice %arg6[%add3A_55, %dma_start3A_75] : memref<50x80xi32, #tpu.memory_space<vmem>> -> memref<1x80xi32, #tpu.memory_space<vmem>>
        %dma_start3A_77 = tpu.memref_squeeze %dma_start3A_76 : memref<1x80xi32, #tpu.memory_space<vmem>> -> memref<80xi32, #tpu.memory_space<vmem>>
        %dma_start3A_78 = arith.constant 0 : i32
        %dma_start3A_79 = arith.constant 0 : i32
        %dma_start3A_80 = tpu.memref_slice %arg9[%dma_start3A_78, %dma_start3A_79] : memref<10000x128xf32, #tpu.memory_space<vmem_shared>> -> memref<10000x128xf32, #tpu.memory_space<vmem_shared>>
        tpu.enqueue_indirect_dma source(%arg7 : memref<80x128xf32, #tpu.memory_space<vmem>>) target(%dma_start3A_80 : memref<10000x128xf32, #tpu.memory_space<vmem_shared>>) offsets(%dma_start3A_77 : memref<80xi32, #tpu.memory_space<vmem>>) semaphore(%arg12 : memref<!tpu.dma_semaphore, #tpu.memory_space<semaphore_mem>>) {add = true}
        %add3A_81 = arith.constant 1 : i32
        %add3A_82 = arith.addi %add3A_55, %add3A_81 : i32
        %add3A_83 = arith.constant 2 : i32
        %add3A_84 = arith.addi %add3A_55, %add3A_83 : i32
        %lt3A = arith.constant 50 : i32
        %lt3A_85 = arith.cmpi slt, %add3A_84, %lt3A : i32
        %ge3A_86 = arith.constant 1 : i32
        %ge3A_87 = arith.cmpi sge, %add3A_82, %ge3A_86 : i32
        %convert_element_type3A_88 = arith.extui %ge3A_87 : i1 to i32
        %cond3A_89 = arith.constant 0 : i32
        %cond3A_90 = arith.cmpi ne, %convert_element_type3A_88, %cond3A_89 : i32
        scf.if %cond3A_90 {
          %dma_wait3A_106 = arith.constant 0 : i32
          %dma_wait3A_107 = arith.constant 0 : i32
          %dma_wait3A_108 = tpu.memref_slice %arg9[%dma_wait3A_106, %dma_wait3A_107] : memref<10000x128xf32, #tpu.memory_space<vmem_shared>> -> memref<80x128xf32, #tpu.memory_space<vmem_shared>>
          %dma_wait3A_109 = arith.constant 0 : i32
          %dma_wait3A_110 = arith.constant 0 : i32
          %dma_wait3A_111 = tpu.memref_slice %arg9[%dma_wait3A_109, %dma_wait3A_110] : memref<10000x128xf32, #tpu.memory_space<vmem_shared>> -> memref<80x128xf32, #tpu.memory_space<vmem_shared>>
          tpu.wait_dma2 semaphore(%arg12 : memref<!tpu.dma_semaphore, #tpu.memory_space<semaphore_mem>>) src(%arg7 : memref<80x128xf32, #tpu.memory_space<vmem>>) dst(%dma_wait3A_111 : memref<80x128xf32, #tpu.memory_space<vmem_shared>>)
        } else {
        }
        %convert_element_type3A_91 = arith.extui %lt3A_85 : i1 to i32
        %cond3A_92 = arith.constant 0 : i32
        %cond3A_93 = arith.cmpi ne, %convert_element_type3A_91, %cond3A_92 : i32
        scf.if %cond3A_93 {
          %add3A_106 = arith.constant 1 : i32
          %add3A_107 = arith.addi %add3A_82, %add3A_106 : i32
          %mul3A_108 = arith.constant 80 : i32
          %mul3A_109 = arith.muli %add3A_107, %mul3A_108 : i32
          %add3A_110 = arith.addi %add3A_33, %mul3A_109 : i32
          %dma_start3A_111 = arith.constant 0 : i32
          %dma_start3A_112 = tpu.memref_slice %arg2[%add3A_110, %dma_start3A_111] : memref<128000x128xf32, #tpu.memory_space<hbm>> -> memref<80x128xf32, #tpu.memory_space<hbm>>
          %dma_start3A_113 = arith.constant 0 : i32
          %dma_start3A_114 = tpu.memref_slice %arg2[%add3A_110, %dma_start3A_113] : memref<128000x128xf32, #tpu.memory_space<hbm>> -> memref<80x128xf32, #tpu.memory_space<hbm>>
          tpu.enqueue_dma source(%dma_start3A_114 : memref<80x128xf32, #tpu.memory_space<hbm>>) target(%arg7 : memref<80x128xf32, #tpu.memory_space<vmem>>) target_semaphore(%arg10 : memref<!tpu.dma_semaphore, #tpu.memory_space<semaphore_mem>>)
        } else {
        }
        %dma_wait3A_94 = arith.constant 0 : i32
        %dma_wait3A_95 = arith.constant 0 : i32
        %dma_wait3A_96 = tpu.memref_slice %arg2[%dma_wait3A_94, %dma_wait3A_95] : memref<128000x128xf32, #tpu.memory_space<hbm>> -> memref<80x128xf32, #tpu.memory_space<hbm>>
        %dma_wait3A_97 = arith.constant 0 : i32
        %dma_wait3A_98 = arith.constant 0 : i32
        %dma_wait3A_99 = tpu.memref_slice %arg2[%dma_wait3A_97, %dma_wait3A_98] : memref<128000x128xf32, #tpu.memory_space<hbm>> -> memref<80x128xf32, #tpu.memory_space<hbm>>
        tpu.wait_dma2 semaphore(%arg11 : memref<!tpu.dma_semaphore, #tpu.memory_space<semaphore_mem>>) src(%dma_wait3A_99 : memref<80x128xf32, #tpu.memory_space<hbm>>) dst(%arg8 : memref<80x128xf32, #tpu.memory_space<vmem>>)
        %dma_start3A_100 = arith.constant 0 : i32
        %dma_start3A_101 = tpu.memref_slice %arg6[%add3A_82, %dma_start3A_100] : memref<50x80xi32, #tpu.memory_space<vmem>> -> memref<1x80xi32, #tpu.memory_space<vmem>>
        %dma_start3A_102 = tpu.memref_squeeze %dma_start3A_101 : memref<1x80xi32, #tpu.memory_space<vmem>> -> memref<80xi32, #tpu.memory_space<vmem>>
        %dma_start3A_103 = arith.constant 0 : i32
        %dma_start3A_104 = arith.constant 0 : i32
        %dma_start3A_105 = tpu.memref_slice %arg9[%dma_start3A_103, %dma_start3A_104] : memref<10000x128xf32, #tpu.memory_space<vmem_shared>> -> memref<10000x128xf32, #tpu.memory_space<vmem_shared>>
        tpu.enqueue_indirect_dma source(%arg8 : memref<80x128xf32, #tpu.memory_space<vmem>>) target(%dma_start3A_105 : memref<10000x128xf32, #tpu.memory_space<vmem_shared>>) offsets(%dma_start3A_102 : memref<80xi32, #tpu.memory_space<vmem>>) semaphore(%arg13 : memref<!tpu.dma_semaphore, #tpu.memory_space<semaphore_mem>>) {add = true}
      }
      %scan3A_44 = arith.constant 25 : i32
      %dma_wait3A_45 = arith.constant 0 : i32
      %dma_wait3A_46 = arith.constant 0 : i32
      %dma_wait3A_47 = tpu.memref_slice %arg9[%dma_wait3A_45, %dma_wait3A_46] : memref<10000x128xf32, #tpu.memory_space<vmem_shared>> -> memref<80x128xf32, #tpu.memory_space<vmem_shared>>
      %dma_wait3A_48 = arith.constant 0 : i32
      %dma_wait3A_49 = arith.constant 0 : i32
      %dma_wait3A_50 = tpu.memref_slice %arg9[%dma_wait3A_48, %dma_wait3A_49] : memref<10000x128xf32, #tpu.memory_space<vmem_shared>> -> memref<80x128xf32, #tpu.memory_space<vmem_shared>>
      tpu.wait_dma2 semaphore(%arg13 : memref<!tpu.dma_semaphore, #tpu.memory_space<semaphore_mem>>) src(%arg8 : memref<80x128xf32, #tpu.memory_space<vmem>>) dst(%dma_wait3A_50 : memref<80x128xf32, #tpu.memory_space<vmem_shared>>)
    } else {
    }
    %barrier3A_7 = arith.constant 0 : index
    tpu.barrier barrier_id(%barrier3A_7)
    %eq3A_8 = arith.constant 0 : i32
    %eq3A_9 = arith.cmpi eq, %arg0, %eq3A_8 : i32
    %convert_element_type3A_10 = arith.extui %eq3A_9 : i1 to i32
    %cond3A_11 = arith.constant 0 : i32
    %cond3A_12 = arith.cmpi ne, %convert_element_type3A_10, %cond3A_11 : i32
    scf.if %cond3A_12 {
      %mul3A = arith.constant 624 : i32
      %mul3A_13 = arith.muli %arg1, %mul3A : i32
      %mul3A_14 = arith.constant 624 : i32
      %mul3A_15 = arith.muli %arg1, %mul3A_14 : i32
      "tpu.region"() ({
        %run_scoped3A = tpu.sem_alloc : memref<!tpu.dma_semaphore, #tpu.memory_space<semaphore_mem>>
        %dma_start3A = arith.constant 0 : i32
        %dma_start3A_21 = tpu.memref_slice %arg5[%mul3A_15, %dma_start3A] : memref<10000x128xf32, #tpu.memory_space<hbm>> -> memref<624x128xf32, #tpu.memory_space<hbm>>
        %dma_start3A_22 = arith.constant 0 : i32
        %dma_start3A_23 = tpu.memref_slice %arg9[%mul3A_13, %dma_start3A_22] : memref<10000x128xf32, #tpu.memory_space<vmem_shared>> -> memref<624x128xf32, #tpu.memory_space<vmem_shared>>
        tpu.enqueue_dma source(%dma_start3A_23 : memref<624x128xf32, #tpu.memory_space<vmem_shared>>) target(%dma_start3A_21 : memref<624x128xf32, #tpu.memory_space<hbm>>) target_semaphore(%run_scoped3A : memref<!tpu.dma_semaphore, #tpu.memory_space<semaphore_mem>>)
        %dma_wait3A = arith.constant 0 : i32
        %dma_wait3A_24 = tpu.memref_slice %arg5[%mul3A_15, %dma_wait3A] : memref<10000x128xf32, #tpu.memory_space<hbm>> -> memref<624x128xf32, #tpu.memory_space<hbm>>
        %dma_wait3A_25 = arith.constant 0 : i32
        %dma_wait3A_26 = tpu.memref_slice %arg9[%mul3A_13, %dma_wait3A_25] : memref<10000x128xf32, #tpu.memory_space<vmem_shared>> -> memref<624x128xf32, #tpu.memory_space<vmem_shared>>
        tpu.wait_dma2 semaphore(%run_scoped3A : memref<!tpu.dma_semaphore, #tpu.memory_space<semaphore_mem>>) src(%dma_wait3A_26 : memref<624x128xf32, #tpu.memory_space<vmem_shared>>) dst(%dma_wait3A_24 : memref<624x128xf32, #tpu.memory_space<hbm>>)
        tpu.yield
      }) : () -> ()
      %eq3A_16 = arith.constant 15 : i32
      %eq3A_17 = arith.cmpi eq, %arg1, %eq3A_16 : i32
      %convert_element_type3A_18 = arith.extui %eq3A_17 : i1 to i32
      %cond3A_19 = arith.constant 0 : i32
      %cond3A_20 = arith.cmpi ne, %convert_element_type3A_18, %cond3A_19 : i32
      scf.if %cond3A_20 {
        "tpu.region"() ({
          %run_scoped3A = tpu.sem_alloc : memref<!tpu.dma_semaphore, #tpu.memory_space<semaphore_mem>>
          %dma_start3A = arith.constant 9984 : i32
          %dma_start3A_21 = arith.constant 0 : i32
          %dma_start3A_22 = tpu.memref_slice %arg5[%dma_start3A, %dma_start3A_21] : memref<10000x128xf32, #tpu.memory_space<hbm>> -> memref<16x128xf32, #tpu.memory_space<hbm>>
          %dma_start3A_23 = arith.constant 9984 : i32
          %dma_start3A_24 = arith.constant 0 : i32
          %dma_start3A_25 = tpu.memref_slice %arg9[%dma_start3A_23, %dma_start3A_24] : memref<10000x128xf32, #tpu.memory_space<vmem_shared>> -> memref<16x128xf32, #tpu.memory_space<vmem_shared>>
          tpu.enqueue_dma source(%dma_start3A_25 : memref<16x128xf32, #tpu.memory_space<vmem_shared>>) target(%dma_start3A_22 : memref<16x128xf32, #tpu.memory_space<hbm>>) target_semaphore(%run_scoped3A : memref<!tpu.dma_semaphore, #tpu.memory_space<semaphore_mem>>)
          %dma_wait3A = arith.constant 9984 : i32
          %dma_wait3A_26 = arith.constant 0 : i32
          %dma_wait3A_27 = tpu.memref_slice %arg5[%dma_wait3A, %dma_wait3A_26] : memref<10000x128xf32, #tpu.memory_space<hbm>> -> memref<16x128xf32, #tpu.memory_space<hbm>>
          %dma_wait3A_28 = arith.constant 9984 : i32
          %dma_wait3A_29 = arith.constant 0 : i32
          %dma_wait3A_30 = tpu.memref_slice %arg9[%dma_wait3A_28, %dma_wait3A_29] : memref<10000x128xf32, #tpu.memory_space<vmem_shared>> -> memref<16x128xf32, #tpu.memory_space<vmem_shared>>
          tpu.wait_dma2 semaphore(%run_scoped3A : memref<!tpu.dma_semaphore, #tpu.memory_space<semaphore_mem>>) src(%dma_wait3A_30 : memref<16x128xf32, #tpu.memory_space<vmem_shared>>) dst(%dma_wait3A_27 : memref<16x128xf32, #tpu.memory_space<hbm>>)
          tpu.yield
        }) : () -> ()
      } else {
      }
    } else {
    }
    return
  }
}

#map = affine_map<(d0, d1) -> (0, 0)>
#map1 = affine_map<(d0, d1) -> (0, 0, 0)>
module attributes {stable_mosaic.version = 14 : i64} {
  func.func @gather(%arg0: i32, %arg1: i32, %arg2: memref<10000x128xf32, #tpu.memory_space<hbm>>, %arg3: memref<32x150x40xi32, #tpu.memory_space<hbm>>, %arg4: memref<32x150x40xi32, #tpu.memory_space<hbm>>, %arg5: memref<192000x128xf32, #tpu.memory_space<hbm>>, %arg6: memref<192000x128xf32, #tpu.memory_space<hbm>>, %arg7: memref<150x40xi32, #tpu.memory_space<vmem>>, %arg8: memref<200x128xf32, #tpu.memory_space<vmem>>, %arg9: memref<200x128xf32, #tpu.memory_space<vmem>>, %arg10: memref<!tpu.dma_semaphore, #tpu.memory_space<semaphore_mem>>, %arg11: memref<!tpu.dma_semaphore, #tpu.memory_space<semaphore_mem>>, %arg12: memref<!tpu.dma_semaphore, #tpu.memory_space<semaphore_mem>>, %arg13: memref<!tpu.dma_semaphore, #tpu.memory_space<semaphore_mem>>) attributes {dimension_semantics = [#tpu.dimension_semantics<core_parallel>, #tpu.dimension_semantics<subcore_parallel>], iteration_bounds = array<i64: 2, 16>, scalar_prefetch = 0 : i64, scratch_operands = 7 : i64, tpu.core_type = #tpu.core_type<sc_vector_subcore>, window_params = [{transform_indices = #map}, {transform_indices = #map1}, {transform_indices = #map1}, {transform_indices = #map}, {transform_indices = #map}]} {
    %mul3A = arith.constant 2 : i32
    %mul3A_0 = arith.muli %arg1, %mul3A : i32
    %add3A = arith.addi %mul3A_0, %arg0 : i32
    %mul3A_1 = arith.constant 6000 : i32
    %mul3A_2 = arith.muli %add3A, %mul3A_1 : i32
    "tpu.region"() ({
      %run_scoped3A = tpu.sem_alloc : memref<!tpu.dma_semaphore, #tpu.memory_space<semaphore_mem>>
      %dma_start3A_118 = arith.constant 0 : i32
      %dma_start3A_119 = arith.constant 0 : i32
      %dma_start3A_120 = tpu.memref_slice %arg3[%add3A, %dma_start3A_118, %dma_start3A_119] : memref<32x150x40xi32, #tpu.memory_space<hbm>> -> memref<1x150x40xi32, #tpu.memory_space<hbm>>
      %dma_start3A_121 = tpu.memref_squeeze %dma_start3A_120 : memref<1x150x40xi32, #tpu.memory_space<hbm>> -> memref<150x40xi32, #tpu.memory_space<hbm>>
      %dma_start3A_122 = arith.constant 0 : i32
      %dma_start3A_123 = arith.constant 0 : i32
      %dma_start3A_124 = tpu.memref_slice %arg3[%add3A, %dma_start3A_122, %dma_start3A_123] : memref<32x150x40xi32, #tpu.memory_space<hbm>> -> memref<1x150x40xi32, #tpu.memory_space<hbm>>
      %dma_start3A_125 = tpu.memref_squeeze %dma_start3A_124 : memref<1x150x40xi32, #tpu.memory_space<hbm>> -> memref<150x40xi32, #tpu.memory_space<hbm>>
      tpu.enqueue_dma source(%dma_start3A_125 : memref<150x40xi32, #tpu.memory_space<hbm>>) target(%arg7 : memref<150x40xi32, #tpu.memory_space<vmem>>) target_semaphore(%run_scoped3A : memref<!tpu.dma_semaphore, #tpu.memory_space<semaphore_mem>>)
      %dma_wait3A_126 = arith.constant 0 : i32
      %dma_wait3A_127 = arith.constant 0 : i32
      %dma_wait3A_128 = tpu.memref_slice %arg3[%add3A, %dma_wait3A_126, %dma_wait3A_127] : memref<32x150x40xi32, #tpu.memory_space<hbm>> -> memref<1x150x40xi32, #tpu.memory_space<hbm>>
      %dma_wait3A_129 = tpu.memref_squeeze %dma_wait3A_128 : memref<1x150x40xi32, #tpu.memory_space<hbm>> -> memref<150x40xi32, #tpu.memory_space<hbm>>
      %dma_wait3A_130 = arith.constant 0 : i32
      %dma_wait3A_131 = arith.constant 0 : i32
      %dma_wait3A_132 = tpu.memref_slice %arg3[%add3A, %dma_wait3A_130, %dma_wait3A_131] : memref<32x150x40xi32, #tpu.memory_space<hbm>> -> memref<1x150x40xi32, #tpu.memory_space<hbm>>
      %dma_wait3A_133 = tpu.memref_squeeze %dma_wait3A_132 : memref<1x150x40xi32, #tpu.memory_space<hbm>> -> memref<150x40xi32, #tpu.memory_space<hbm>>
      tpu.wait_dma2 semaphore(%run_scoped3A : memref<!tpu.dma_semaphore, #tpu.memory_space<semaphore_mem>>) src(%dma_wait3A_133 : memref<150x40xi32, #tpu.memory_space<hbm>>) dst(%arg7 : memref<150x40xi32, #tpu.memory_space<vmem>>)
      tpu.yield
    }) : () -> ()
    %dma_start3A = arith.constant 0 : i32
    %dma_start3A_3 = arith.constant 0 : i32
    %dma_start3A_4 = arith.constant 0 : i32
    %dma_start3A_5 = tpu.memref_slice %arg8[%dma_start3A_3, %dma_start3A_4] : memref<200x128xf32, #tpu.memory_space<vmem>> -> memref<40x128xf32, #tpu.memory_space<vmem>>
    %dma_start3A_6 = arith.constant 0 : i32
    %dma_start3A_7 = tpu.memref_slice %arg7[%dma_start3A, %dma_start3A_6] : memref<150x40xi32, #tpu.memory_space<vmem>> -> memref<1x40xi32, #tpu.memory_space<vmem>>
    %dma_start3A_8 = tpu.memref_squeeze %dma_start3A_7 : memref<1x40xi32, #tpu.memory_space<vmem>> -> memref<40xi32, #tpu.memory_space<vmem>>
    %dma_start3A_9 = arith.constant 0 : i32
    %dma_start3A_10 = arith.constant 0 : i32
    %dma_start3A_11 = tpu.memref_slice %arg2[%dma_start3A_9, %dma_start3A_10] : memref<10000x128xf32, #tpu.memory_space<hbm>> -> memref<10000x128xf32, #tpu.memory_space<hbm>>
    tpu.enqueue_indirect_dma source(%dma_start3A_11 : memref<10000x128xf32, #tpu.memory_space<hbm>>) target(%dma_start3A_5 : memref<40x128xf32, #tpu.memory_space<vmem>>) offsets(%dma_start3A_8 : memref<40xi32, #tpu.memory_space<vmem>>) semaphore(%arg10 : memref<!tpu.dma_semaphore, #tpu.memory_space<semaphore_mem>>)
    %dma_start3A_12 = arith.constant 1 : i32
    %dma_start3A_13 = arith.constant 40 : i32
    %dma_start3A_14 = arith.constant 0 : i32
    %dma_start3A_15 = tpu.memref_slice %arg8[%dma_start3A_13, %dma_start3A_14] : memref<200x128xf32, #tpu.memory_space<vmem>> -> memref<40x128xf32, #tpu.memory_space<vmem>>
    %dma_start3A_16 = arith.constant 0 : i32
    %dma_start3A_17 = tpu.memref_slice %arg7[%dma_start3A_12, %dma_start3A_16] : memref<150x40xi32, #tpu.memory_space<vmem>> -> memref<1x40xi32, #tpu.memory_space<vmem>>
    %dma_start3A_18 = tpu.memref_squeeze %dma_start3A_17 : memref<1x40xi32, #tpu.memory_space<vmem>> -> memref<40xi32, #tpu.memory_space<vmem>>
    %dma_start3A_19 = arith.constant 0 : i32
    %dma_start3A_20 = arith.constant 0 : i32
    %dma_start3A_21 = tpu.memref_slice %arg2[%dma_start3A_19, %dma_start3A_20] : memref<10000x128xf32, #tpu.memory_space<hbm>> -> memref<10000x128xf32, #tpu.memory_space<hbm>>
    tpu.enqueue_indirect_dma source(%dma_start3A_21 : memref<10000x128xf32, #tpu.memory_space<hbm>>) target(%dma_start3A_15 : memref<40x128xf32, #tpu.memory_space<vmem>>) offsets(%dma_start3A_18 : memref<40xi32, #tpu.memory_space<vmem>>) semaphore(%arg10 : memref<!tpu.dma_semaphore, #tpu.memory_space<semaphore_mem>>)
    %dma_start3A_22 = arith.constant 2 : i32
    %dma_start3A_23 = arith.constant 80 : i32
    %dma_start3A_24 = arith.constant 0 : i32
    %dma_start3A_25 = tpu.memref_slice %arg8[%dma_start3A_23, %dma_start3A_24] : memref<200x128xf32, #tpu.memory_space<vmem>> -> memref<40x128xf32, #tpu.memory_space<vmem>>
    %dma_start3A_26 = arith.constant 0 : i32
    %dma_start3A_27 = tpu.memref_slice %arg7[%dma_start3A_22, %dma_start3A_26] : memref<150x40xi32, #tpu.memory_space<vmem>> -> memref<1x40xi32, #tpu.memory_space<vmem>>
    %dma_start3A_28 = tpu.memref_squeeze %dma_start3A_27 : memref<1x40xi32, #tpu.memory_space<vmem>> -> memref<40xi32, #tpu.memory_space<vmem>>
    %dma_start3A_29 = arith.constant 0 : i32
    %dma_start3A_30 = arith.constant 0 : i32
    %dma_start3A_31 = tpu.memref_slice %arg2[%dma_start3A_29, %dma_start3A_30] : memref<10000x128xf32, #tpu.memory_space<hbm>> -> memref<10000x128xf32, #tpu.memory_space<hbm>>
    tpu.enqueue_indirect_dma source(%dma_start3A_31 : memref<10000x128xf32, #tpu.memory_space<hbm>>) target(%dma_start3A_25 : memref<40x128xf32, #tpu.memory_space<vmem>>) offsets(%dma_start3A_28 : memref<40xi32, #tpu.memory_space<vmem>>) semaphore(%arg10 : memref<!tpu.dma_semaphore, #tpu.memory_space<semaphore_mem>>)
    %dma_start3A_32 = arith.constant 3 : i32
    %dma_start3A_33 = arith.constant 120 : i32
    %dma_start3A_34 = arith.constant 0 : i32
    %dma_start3A_35 = tpu.memref_slice %arg8[%dma_start3A_33, %dma_start3A_34] : memref<200x128xf32, #tpu.memory_space<vmem>> -> memref<40x128xf32, #tpu.memory_space<vmem>>
    %dma_start3A_36 = arith.constant 0 : i32
    %dma_start3A_37 = tpu.memref_slice %arg7[%dma_start3A_32, %dma_start3A_36] : memref<150x40xi32, #tpu.memory_space<vmem>> -> memref<1x40xi32, #tpu.memory_space<vmem>>
    %dma_start3A_38 = tpu.memref_squeeze %dma_start3A_37 : memref<1x40xi32, #tpu.memory_space<vmem>> -> memref<40xi32, #tpu.memory_space<vmem>>
    %dma_start3A_39 = arith.constant 0 : i32
    %dma_start3A_40 = arith.constant 0 : i32
    %dma_start3A_41 = tpu.memref_slice %arg2[%dma_start3A_39, %dma_start3A_40] : memref<10000x128xf32, #tpu.memory_space<hbm>> -> memref<10000x128xf32, #tpu.memory_space<hbm>>
    tpu.enqueue_indirect_dma source(%dma_start3A_41 : memref<10000x128xf32, #tpu.memory_space<hbm>>) target(%dma_start3A_35 : memref<40x128xf32, #tpu.memory_space<vmem>>) offsets(%dma_start3A_38 : memref<40xi32, #tpu.memory_space<vmem>>) semaphore(%arg10 : memref<!tpu.dma_semaphore, #tpu.memory_space<semaphore_mem>>)
    %dma_start3A_42 = arith.constant 4 : i32
    %dma_start3A_43 = arith.constant 160 : i32
    %dma_start3A_44 = arith.constant 0 : i32
    %dma_start3A_45 = tpu.memref_slice %arg8[%dma_start3A_43, %dma_start3A_44] : memref<200x128xf32, #tpu.memory_space<vmem>> -> memref<40x128xf32, #tpu.memory_space<vmem>>
    %dma_start3A_46 = arith.constant 0 : i32
    %dma_start3A_47 = tpu.memref_slice %arg7[%dma_start3A_42, %dma_start3A_46] : memref<150x40xi32, #tpu.memory_space<vmem>> -> memref<1x40xi32, #tpu.memory_space<vmem>>
    %dma_start3A_48 = tpu.memref_squeeze %dma_start3A_47 : memref<1x40xi32, #tpu.memory_space<vmem>> -> memref<40xi32, #tpu.memory_space<vmem>>
    %dma_start3A_49 = arith.constant 0 : i32
    %dma_start3A_50 = arith.constant 0 : i32
    %dma_start3A_51 = tpu.memref_slice %arg2[%dma_start3A_49, %dma_start3A_50] : memref<10000x128xf32, #tpu.memory_space<hbm>> -> memref<10000x128xf32, #tpu.memory_space<hbm>>
    tpu.enqueue_indirect_dma source(%dma_start3A_51 : memref<10000x128xf32, #tpu.memory_space<hbm>>) target(%dma_start3A_45 : memref<40x128xf32, #tpu.memory_space<vmem>>) offsets(%dma_start3A_48 : memref<40xi32, #tpu.memory_space<vmem>>) semaphore(%arg10 : memref<!tpu.dma_semaphore, #tpu.memory_space<semaphore_mem>>)
    %scan3A = arith.constant 0 : i32
    %scan3A_52 = arith.constant 15 : i32
    %scan3A_53 = arith.addi %scan3A, %scan3A_52 : i32
    %scan3A_54 = arith.constant 1 : i32
    scf.for %scan3A_118 = %scan3A to %scan3A_53 step %scan3A_54  : i32 {
      %mul3A_119 = arith.constant 2 : i32
      %mul3A_120 = arith.muli %scan3A_118, %mul3A_119 : i32
      %add3A_121 = arith.constant 0 : i32
      %add3A_122 = arith.addi %add3A_121, %mul3A_120 : i32
      %ge3A = arith.constant 1 : i32
      %ge3A_123 = arith.cmpi sge, %add3A_122, %ge3A : i32
      %convert_element_type3A = arith.extui %ge3A_123 : i1 to i32
      %cond3A = arith.constant 0 : i32
      %cond3A_124 = arith.cmpi ne, %convert_element_type3A, %cond3A : i32
      scf.if %cond3A_124 {
        %dma_wait3A_339 = arith.constant 0 : i32
        %dma_wait3A_340 = tpu.memref_slice %arg5[%mul3A_2, %dma_wait3A_339] : memref<192000x128xf32, #tpu.memory_space<hbm>> -> memref<200x128xf32, #tpu.memory_space<hbm>>
        %dma_wait3A_341 = arith.constant 0 : i32
        %dma_wait3A_342 = tpu.memref_slice %arg5[%mul3A_2, %dma_wait3A_341] : memref<192000x128xf32, #tpu.memory_space<hbm>> -> memref<200x128xf32, #tpu.memory_space<hbm>>
        tpu.wait_dma2 semaphore(%arg13 : memref<!tpu.dma_semaphore, #tpu.memory_space<semaphore_mem>>) src(%arg9 : memref<200x128xf32, #tpu.memory_space<vmem>>) dst(%dma_wait3A_342 : memref<200x128xf32, #tpu.memory_space<hbm>>)
      } else {
      }
      %add3A_125 = arith.constant 1 : i32
      %add3A_126 = arith.addi %add3A_122, %add3A_125 : i32
      %mul3A_127 = arith.constant 5 : i32
      %mul3A_128 = arith.muli %add3A_126, %mul3A_127 : i32
      %add3A_129 = arith.constant 0 : i32
      %add3A_130 = arith.addi %mul3A_128, %add3A_129 : i32
      %dma_start3A_131 = arith.constant 0 : i32
      %dma_start3A_132 = arith.constant 0 : i32
      %dma_start3A_133 = tpu.memref_slice %arg9[%dma_start3A_131, %dma_start3A_132] : memref<200x128xf32, #tpu.memory_space<vmem>> -> memref<40x128xf32, #tpu.memory_space<vmem>>
      %dma_start3A_134 = arith.constant 0 : i32
      %dma_start3A_135 = tpu.memref_slice %arg7[%add3A_130, %dma_start3A_134] : memref<150x40xi32, #tpu.memory_space<vmem>> -> memref<1x40xi32, #tpu.memory_space<vmem>>
      %dma_start3A_136 = tpu.memref_squeeze %dma_start3A_135 : memref<1x40xi32, #tpu.memory_space<vmem>> -> memref<40xi32, #tpu.memory_space<vmem>>
      %dma_start3A_137 = arith.constant 0 : i32
      %dma_start3A_138 = arith.constant 0 : i32
      %dma_start3A_139 = tpu.memref_slice %arg2[%dma_start3A_137, %dma_start3A_138] : memref<10000x128xf32, #tpu.memory_space<hbm>> -> memref<10000x128xf32, #tpu.memory_space<hbm>>
      tpu.enqueue_indirect_dma source(%dma_start3A_139 : memref<10000x128xf32, #tpu.memory_space<hbm>>) target(%dma_start3A_133 : memref<40x128xf32, #tpu.memory_space<vmem>>) offsets(%dma_start3A_136 : memref<40xi32, #tpu.memory_space<vmem>>) semaphore(%arg11 : memref<!tpu.dma_semaphore, #tpu.memory_space<semaphore_mem>>)
      %mul3A_140 = arith.constant 5 : i32
      %mul3A_141 = arith.muli %add3A_126, %mul3A_140 : i32
      %add3A_142 = arith.constant 1 : i32
      %add3A_143 = arith.addi %mul3A_141, %add3A_142 : i32
      %dma_start3A_144 = arith.constant 40 : i32
      %dma_start3A_145 = arith.constant 0 : i32
      %dma_start3A_146 = tpu.memref_slice %arg9[%dma_start3A_144, %dma_start3A_145] : memref<200x128xf32, #tpu.memory_space<vmem>> -> memref<40x128xf32, #tpu.memory_space<vmem>>
      %dma_start3A_147 = arith.constant 0 : i32
      %dma_start3A_148 = tpu.memref_slice %arg7[%add3A_143, %dma_start3A_147] : memref<150x40xi32, #tpu.memory_space<vmem>> -> memref<1x40xi32, #tpu.memory_space<vmem>>
      %dma_start3A_149 = tpu.memref_squeeze %dma_start3A_148 : memref<1x40xi32, #tpu.memory_space<vmem>> -> memref<40xi32, #tpu.memory_space<vmem>>
      %dma_start3A_150 = arith.constant 0 : i32
      %dma_start3A_151 = arith.constant 0 : i32
      %dma_start3A_152 = tpu.memref_slice %arg2[%dma_start3A_150, %dma_start3A_151] : memref<10000x128xf32, #tpu.memory_space<hbm>> -> memref<10000x128xf32, #tpu.memory_space<hbm>>
      tpu.enqueue_indirect_dma source(%dma_start3A_152 : memref<10000x128xf32, #tpu.memory_space<hbm>>) target(%dma_start3A_146 : memref<40x128xf32, #tpu.memory_space<vmem>>) offsets(%dma_start3A_149 : memref<40xi32, #tpu.memory_space<vmem>>) semaphore(%arg11 : memref<!tpu.dma_semaphore, #tpu.memory_space<semaphore_mem>>)
      %mul3A_153 = arith.constant 5 : i32
      %mul3A_154 = arith.muli %add3A_126, %mul3A_153 : i32
      %add3A_155 = arith.constant 2 : i32
      %add3A_156 = arith.addi %mul3A_154, %add3A_155 : i32
      %dma_start3A_157 = arith.constant 80 : i32
      %dma_start3A_158 = arith.constant 0 : i32
      %dma_start3A_159 = tpu.memref_slice %arg9[%dma_start3A_157, %dma_start3A_158] : memref<200x128xf32, #tpu.memory_space<vmem>> -> memref<40x128xf32, #tpu.memory_space<vmem>>
      %dma_start3A_160 = arith.constant 0 : i32
      %dma_start3A_161 = tpu.memref_slice %arg7[%add3A_156, %dma_start3A_160] : memref<150x40xi32, #tpu.memory_space<vmem>> -> memref<1x40xi32, #tpu.memory_space<vmem>>
      %dma_start3A_162 = tpu.memref_squeeze %dma_start3A_161 : memref<1x40xi32, #tpu.memory_space<vmem>> -> memref<40xi32, #tpu.memory_space<vmem>>
      %dma_start3A_163 = arith.constant 0 : i32
      %dma_start3A_164 = arith.constant 0 : i32
      %dma_start3A_165 = tpu.memref_slice %arg2[%dma_start3A_163, %dma_start3A_164] : memref<10000x128xf32, #tpu.memory_space<hbm>> -> memref<10000x128xf32, #tpu.memory_space<hbm>>
      tpu.enqueue_indirect_dma source(%dma_start3A_165 : memref<10000x128xf32, #tpu.memory_space<hbm>>) target(%dma_start3A_159 : memref<40x128xf32, #tpu.memory_space<vmem>>) offsets(%dma_start3A_162 : memref<40xi32, #tpu.memory_space<vmem>>) semaphore(%arg11 : memref<!tpu.dma_semaphore, #tpu.memory_space<semaphore_mem>>)
      %mul3A_166 = arith.constant 5 : i32
      %mul3A_167 = arith.muli %add3A_126, %mul3A_166 : i32
      %add3A_168 = arith.constant 3 : i32
      %add3A_169 = arith.addi %mul3A_167, %add3A_168 : i32
      %dma_start3A_170 = arith.constant 120 : i32
      %dma_start3A_171 = arith.constant 0 : i32
      %dma_start3A_172 = tpu.memref_slice %arg9[%dma_start3A_170, %dma_start3A_171] : memref<200x128xf32, #tpu.memory_space<vmem>> -> memref<40x128xf32, #tpu.memory_space<vmem>>
      %dma_start3A_173 = arith.constant 0 : i32
      %dma_start3A_174 = tpu.memref_slice %arg7[%add3A_169, %dma_start3A_173] : memref<150x40xi32, #tpu.memory_space<vmem>> -> memref<1x40xi32, #tpu.memory_space<vmem>>
      %dma_start3A_175 = tpu.memref_squeeze %dma_start3A_174 : memref<1x40xi32, #tpu.memory_space<vmem>> -> memref<40xi32, #tpu.memory_space<vmem>>
      %dma_start3A_176 = arith.constant 0 : i32
      %dma_start3A_177 = arith.constant 0 : i32
      %dma_start3A_178 = tpu.memref_slice %arg2[%dma_start3A_176, %dma_start3A_177] : memref<10000x128xf32, #tpu.memory_space<hbm>> -> memref<10000x128xf32, #tpu.memory_space<hbm>>
      tpu.enqueue_indirect_dma source(%dma_start3A_178 : memref<10000x128xf32, #tpu.memory_space<hbm>>) target(%dma_start3A_172 : memref<40x128xf32, #tpu.memory_space<vmem>>) offsets(%dma_start3A_175 : memref<40xi32, #tpu.memory_space<vmem>>) semaphore(%arg11 : memref<!tpu.dma_semaphore, #tpu.memory_space<semaphore_mem>>)
      %mul3A_179 = arith.constant 5 : i32
      %mul3A_180 = arith.muli %add3A_126, %mul3A_179 : i32
      %add3A_181 = arith.constant 4 : i32
      %add3A_182 = arith.addi %mul3A_180, %add3A_181 : i32
      %dma_start3A_183 = arith.constant 160 : i32
      %dma_start3A_184 = arith.constant 0 : i32
      %dma_start3A_185 = tpu.memref_slice %arg9[%dma_start3A_183, %dma_start3A_184] : memref<200x128xf32, #tpu.memory_space<vmem>> -> memref<40x128xf32, #tpu.memory_space<vmem>>
      %dma_start3A_186 = arith.constant 0 : i32
      %dma_start3A_187 = tpu.memref_slice %arg7[%add3A_182, %dma_start3A_186] : memref<150x40xi32, #tpu.memory_space<vmem>> -> memref<1x40xi32, #tpu.memory_space<vmem>>
      %dma_start3A_188 = tpu.memref_squeeze %dma_start3A_187 : memref<1x40xi32, #tpu.memory_space<vmem>> -> memref<40xi32, #tpu.memory_space<vmem>>
      %dma_start3A_189 = arith.constant 0 : i32
      %dma_start3A_190 = arith.constant 0 : i32
      %dma_start3A_191 = tpu.memref_slice %arg2[%dma_start3A_189, %dma_start3A_190] : memref<10000x128xf32, #tpu.memory_space<hbm>> -> memref<10000x128xf32, #tpu.memory_space<hbm>>
      tpu.enqueue_indirect_dma source(%dma_start3A_191 : memref<10000x128xf32, #tpu.memory_space<hbm>>) target(%dma_start3A_185 : memref<40x128xf32, #tpu.memory_space<vmem>>) offsets(%dma_start3A_188 : memref<40xi32, #tpu.memory_space<vmem>>) semaphore(%arg11 : memref<!tpu.dma_semaphore, #tpu.memory_space<semaphore_mem>>)
      %dma_wait3A_192 = arith.constant 0 : i32
      %dma_wait3A_193 = arith.constant 0 : i32
      %dma_wait3A_194 = tpu.memref_slice %arg8[%dma_wait3A_192, %dma_wait3A_193] : memref<200x128xf32, #tpu.memory_space<vmem>> -> memref<40x128xf32, #tpu.memory_space<vmem>>
      %dma_wait3A_195 = arith.constant 0 : i32
      %dma_wait3A_196 = arith.constant 0 : i32
      %dma_wait3A_197 = tpu.memref_slice %arg2[%dma_wait3A_195, %dma_wait3A_196] : memref<10000x128xf32, #tpu.memory_space<hbm>> -> memref<40x128xf32, #tpu.memory_space<hbm>>
      %dma_wait3A_198 = arith.constant 0 : i32
      %dma_wait3A_199 = arith.constant 0 : i32
      %dma_wait3A_200 = tpu.memref_slice %arg8[%dma_wait3A_198, %dma_wait3A_199] : memref<200x128xf32, #tpu.memory_space<vmem>> -> memref<40x128xf32, #tpu.memory_space<vmem>>
      %dma_wait3A_201 = arith.constant 0 : i32
      %dma_wait3A_202 = arith.constant 0 : i32
      %dma_wait3A_203 = tpu.memref_slice %arg2[%dma_wait3A_201, %dma_wait3A_202] : memref<10000x128xf32, #tpu.memory_space<hbm>> -> memref<40x128xf32, #tpu.memory_space<hbm>>
      tpu.wait_dma2 semaphore(%arg10 : memref<!tpu.dma_semaphore, #tpu.memory_space<semaphore_mem>>) src(%dma_wait3A_203 : memref<40x128xf32, #tpu.memory_space<hbm>>) dst(%dma_wait3A_200 : memref<40x128xf32, #tpu.memory_space<vmem>>)
      %dma_wait3A_204 = arith.constant 40 : i32
      %dma_wait3A_205 = arith.constant 0 : i32
      %dma_wait3A_206 = tpu.memref_slice %arg8[%dma_wait3A_204, %dma_wait3A_205] : memref<200x128xf32, #tpu.memory_space<vmem>> -> memref<40x128xf32, #tpu.memory_space<vmem>>
      %dma_wait3A_207 = arith.constant 0 : i32
      %dma_wait3A_208 = arith.constant 0 : i32
      %dma_wait3A_209 = tpu.memref_slice %arg2[%dma_wait3A_207, %dma_wait3A_208] : memref<10000x128xf32, #tpu.memory_space<hbm>> -> memref<40x128xf32, #tpu.memory_space<hbm>>
      %dma_wait3A_210 = arith.constant 40 : i32
      %dma_wait3A_211 = arith.constant 0 : i32
      %dma_wait3A_212 = tpu.memref_slice %arg8[%dma_wait3A_210, %dma_wait3A_211] : memref<200x128xf32, #tpu.memory_space<vmem>> -> memref<40x128xf32, #tpu.memory_space<vmem>>
      %dma_wait3A_213 = arith.constant 0 : i32
      %dma_wait3A_214 = arith.constant 0 : i32
      %dma_wait3A_215 = tpu.memref_slice %arg2[%dma_wait3A_213, %dma_wait3A_214] : memref<10000x128xf32, #tpu.memory_space<hbm>> -> memref<40x128xf32, #tpu.memory_space<hbm>>
      tpu.wait_dma2 semaphore(%arg10 : memref<!tpu.dma_semaphore, #tpu.memory_space<semaphore_mem>>) src(%dma_wait3A_215 : memref<40x128xf32, #tpu.memory_space<hbm>>) dst(%dma_wait3A_212 : memref<40x128xf32, #tpu.memory_space<vmem>>)
      %dma_wait3A_216 = arith.constant 80 : i32
      %dma_wait3A_217 = arith.constant 0 : i32
      %dma_wait3A_218 = tpu.memref_slice %arg8[%dma_wait3A_216, %dma_wait3A_217] : memref<200x128xf32, #tpu.memory_space<vmem>> -> memref<40x128xf32, #tpu.memory_space<vmem>>
      %dma_wait3A_219 = arith.constant 0 : i32
      %dma_wait3A_220 = arith.constant 0 : i32
      %dma_wait3A_221 = tpu.memref_slice %arg2[%dma_wait3A_219, %dma_wait3A_220] : memref<10000x128xf32, #tpu.memory_space<hbm>> -> memref<40x128xf32, #tpu.memory_space<hbm>>
      %dma_wait3A_222 = arith.constant 80 : i32
      %dma_wait3A_223 = arith.constant 0 : i32
      %dma_wait3A_224 = tpu.memref_slice %arg8[%dma_wait3A_222, %dma_wait3A_223] : memref<200x128xf32, #tpu.memory_space<vmem>> -> memref<40x128xf32, #tpu.memory_space<vmem>>
      %dma_wait3A_225 = arith.constant 0 : i32
      %dma_wait3A_226 = arith.constant 0 : i32
      %dma_wait3A_227 = tpu.memref_slice %arg2[%dma_wait3A_225, %dma_wait3A_226] : memref<10000x128xf32, #tpu.memory_space<hbm>> -> memref<40x128xf32, #tpu.memory_space<hbm>>
      tpu.wait_dma2 semaphore(%arg10 : memref<!tpu.dma_semaphore, #tpu.memory_space<semaphore_mem>>) src(%dma_wait3A_227 : memref<40x128xf32, #tpu.memory_space<hbm>>) dst(%dma_wait3A_224 : memref<40x128xf32, #tpu.memory_space<vmem>>)
      %dma_wait3A_228 = arith.constant 120 : i32
      %dma_wait3A_229 = arith.constant 0 : i32
      %dma_wait3A_230 = tpu.memref_slice %arg8[%dma_wait3A_228, %dma_wait3A_229] : memref<200x128xf32, #tpu.memory_space<vmem>> -> memref<40x128xf32, #tpu.memory_space<vmem>>
      %dma_wait3A_231 = arith.constant 0 : i32
      %dma_wait3A_232 = arith.constant 0 : i32
      %dma_wait3A_233 = tpu.memref_slice %arg2[%dma_wait3A_231, %dma_wait3A_232] : memref<10000x128xf32, #tpu.memory_space<hbm>> -> memref<40x128xf32, #tpu.memory_space<hbm>>
      %dma_wait3A_234 = arith.constant 120 : i32
      %dma_wait3A_235 = arith.constant 0 : i32
      %dma_wait3A_236 = tpu.memref_slice %arg8[%dma_wait3A_234, %dma_wait3A_235] : memref<200x128xf32, #tpu.memory_space<vmem>> -> memref<40x128xf32, #tpu.memory_space<vmem>>
      %dma_wait3A_237 = arith.constant 0 : i32
      %dma_wait3A_238 = arith.constant 0 : i32
      %dma_wait3A_239 = tpu.memref_slice %arg2[%dma_wait3A_237, %dma_wait3A_238] : memref<10000x128xf32, #tpu.memory_space<hbm>> -> memref<40x128xf32, #tpu.memory_space<hbm>>
      tpu.wait_dma2 semaphore(%arg10 : memref<!tpu.dma_semaphore, #tpu.memory_space<semaphore_mem>>) src(%dma_wait3A_239 : memref<40x128xf32, #tpu.memory_space<hbm>>) dst(%dma_wait3A_236 : memref<40x128xf32, #tpu.memory_space<vmem>>)
      %dma_wait3A_240 = arith.constant 160 : i32
      %dma_wait3A_241 = arith.constant 0 : i32
      %dma_wait3A_242 = tpu.memref_slice %arg8[%dma_wait3A_240, %dma_wait3A_241] : memref<200x128xf32, #tpu.memory_space<vmem>> -> memref<40x128xf32, #tpu.memory_space<vmem>>
      %dma_wait3A_243 = arith.constant 0 : i32
      %dma_wait3A_244 = arith.constant 0 : i32
      %dma_wait3A_245 = tpu.memref_slice %arg2[%dma_wait3A_243, %dma_wait3A_244] : memref<10000x128xf32, #tpu.memory_space<hbm>> -> memref<40x128xf32, #tpu.memory_space<hbm>>
      %dma_wait3A_246 = arith.constant 160 : i32
      %dma_wait3A_247 = arith.constant 0 : i32
      %dma_wait3A_248 = tpu.memref_slice %arg8[%dma_wait3A_246, %dma_wait3A_247] : memref<200x128xf32, #tpu.memory_space<vmem>> -> memref<40x128xf32, #tpu.memory_space<vmem>>
      %dma_wait3A_249 = arith.constant 0 : i32
      %dma_wait3A_250 = arith.constant 0 : i32
      %dma_wait3A_251 = tpu.memref_slice %arg2[%dma_wait3A_249, %dma_wait3A_250] : memref<10000x128xf32, #tpu.memory_space<hbm>> -> memref<40x128xf32, #tpu.memory_space<hbm>>
      tpu.wait_dma2 semaphore(%arg10 : memref<!tpu.dma_semaphore, #tpu.memory_space<semaphore_mem>>) src(%dma_wait3A_251 : memref<40x128xf32, #tpu.memory_space<hbm>>) dst(%dma_wait3A_248 : memref<40x128xf32, #tpu.memory_space<vmem>>)
      %mul3A_252 = arith.constant 200 : i32
      %mul3A_253 = arith.muli %add3A_122, %mul3A_252 : i32
      %add3A_254 = arith.addi %mul3A_2, %mul3A_253 : i32
      %dma_start3A_255 = arith.constant 0 : i32
      %dma_start3A_256 = tpu.memref_slice %arg5[%add3A_254, %dma_start3A_255] : memref<192000x128xf32, #tpu.memory_space<hbm>> -> memref<200x128xf32, #tpu.memory_space<hbm>>
      %dma_start3A_257 = arith.constant 0 : i32
      %dma_start3A_258 = tpu.memref_slice %arg5[%add3A_254, %dma_start3A_257] : memref<192000x128xf32, #tpu.memory_space<hbm>> -> memref<200x128xf32, #tpu.memory_space<hbm>>
      tpu.enqueue_dma source(%arg8 : memref<200x128xf32, #tpu.memory_space<vmem>>) target(%dma_start3A_258 : memref<200x128xf32, #tpu.memory_space<hbm>>) target_semaphore(%arg12 : memref<!tpu.dma_semaphore, #tpu.memory_space<semaphore_mem>>)
      %add3A_259 = arith.constant 1 : i32
      %add3A_260 = arith.addi %add3A_122, %add3A_259 : i32
      %add3A_261 = arith.constant 2 : i32
      %add3A_262 = arith.addi %add3A_122, %add3A_261 : i32
      %lt3A = arith.constant 30 : i32
      %lt3A_263 = arith.cmpi slt, %add3A_262, %lt3A : i32
      %ge3A_264 = arith.constant 1 : i32
      %ge3A_265 = arith.cmpi sge, %add3A_260, %ge3A_264 : i32
      %convert_element_type3A_266 = arith.extui %ge3A_265 : i1 to i32
      %cond3A_267 = arith.constant 0 : i32
      %cond3A_268 = arith.cmpi ne, %convert_element_type3A_266, %cond3A_267 : i32
      scf.if %cond3A_268 {
        %dma_wait3A_339 = arith.constant 0 : i32
        %dma_wait3A_340 = tpu.memref_slice %arg5[%mul3A_2, %dma_wait3A_339] : memref<192000x128xf32, #tpu.memory_space<hbm>> -> memref<200x128xf32, #tpu.memory_space<hbm>>
        %dma_wait3A_341 = arith.constant 0 : i32
        %dma_wait3A_342 = tpu.memref_slice %arg5[%mul3A_2, %dma_wait3A_341] : memref<192000x128xf32, #tpu.memory_space<hbm>> -> memref<200x128xf32, #tpu.memory_space<hbm>>
        tpu.wait_dma2 semaphore(%arg12 : memref<!tpu.dma_semaphore, #tpu.memory_space<semaphore_mem>>) src(%arg8 : memref<200x128xf32, #tpu.memory_space<vmem>>) dst(%dma_wait3A_342 : memref<200x128xf32, #tpu.memory_space<hbm>>)
      } else {
      }
      %convert_element_type3A_269 = arith.extui %lt3A_263 : i1 to i32
      %cond3A_270 = arith.constant 0 : i32
      %cond3A_271 = arith.cmpi ne, %convert_element_type3A_269, %cond3A_270 : i32
      scf.if %cond3A_271 {
        %add3A_339 = arith.constant 1 : i32
        %add3A_340 = arith.addi %add3A_260, %add3A_339 : i32
        %mul3A_341 = arith.constant 5 : i32
        %mul3A_342 = arith.muli %add3A_340, %mul3A_341 : i32
        %add3A_343 = arith.constant 0 : i32
        %add3A_344 = arith.addi %mul3A_342, %add3A_343 : i32
        %dma_start3A_345 = arith.constant 0 : i32
        %dma_start3A_346 = arith.constant 0 : i32
        %dma_start3A_347 = tpu.memref_slice %arg8[%dma_start3A_345, %dma_start3A_346] : memref<200x128xf32, #tpu.memory_space<vmem>> -> memref<40x128xf32, #tpu.memory_space<vmem>>
        %dma_start3A_348 = arith.constant 0 : i32
        %dma_start3A_349 = tpu.memref_slice %arg7[%add3A_344, %dma_start3A_348] : memref<150x40xi32, #tpu.memory_space<vmem>> -> memref<1x40xi32, #tpu.memory_space<vmem>>
        %dma_start3A_350 = tpu.memref_squeeze %dma_start3A_349 : memref<1x40xi32, #tpu.memory_space<vmem>> -> memref<40xi32, #tpu.memory_space<vmem>>
        %dma_start3A_351 = arith.constant 0 : i32
        %dma_start3A_352 = arith.constant 0 : i32
        %dma_start3A_353 = tpu.memref_slice %arg2[%dma_start3A_351, %dma_start3A_352] : memref<10000x128xf32, #tpu.memory_space<hbm>> -> memref<10000x128xf32, #tpu.memory_space<hbm>>
        tpu.enqueue_indirect_dma source(%dma_start3A_353 : memref<10000x128xf32, #tpu.memory_space<hbm>>) target(%dma_start3A_347 : memref<40x128xf32, #tpu.memory_space<vmem>>) offsets(%dma_start3A_350 : memref<40xi32, #tpu.memory_space<vmem>>) semaphore(%arg10 : memref<!tpu.dma_semaphore, #tpu.memory_space<semaphore_mem>>)
        %mul3A_354 = arith.constant 5 : i32
        %mul3A_355 = arith.muli %add3A_340, %mul3A_354 : i32
        %add3A_356 = arith.constant 1 : i32
        %add3A_357 = arith.addi %mul3A_355, %add3A_356 : i32
        %dma_start3A_358 = arith.constant 40 : i32
        %dma_start3A_359 = arith.constant 0 : i32
        %dma_start3A_360 = tpu.memref_slice %arg8[%dma_start3A_358, %dma_start3A_359] : memref<200x128xf32, #tpu.memory_space<vmem>> -> memref<40x128xf32, #tpu.memory_space<vmem>>
        %dma_start3A_361 = arith.constant 0 : i32
        %dma_start3A_362 = tpu.memref_slice %arg7[%add3A_357, %dma_start3A_361] : memref<150x40xi32, #tpu.memory_space<vmem>> -> memref<1x40xi32, #tpu.memory_space<vmem>>
        %dma_start3A_363 = tpu.memref_squeeze %dma_start3A_362 : memref<1x40xi32, #tpu.memory_space<vmem>> -> memref<40xi32, #tpu.memory_space<vmem>>
        %dma_start3A_364 = arith.constant 0 : i32
        %dma_start3A_365 = arith.constant 0 : i32
        %dma_start3A_366 = tpu.memref_slice %arg2[%dma_start3A_364, %dma_start3A_365] : memref<10000x128xf32, #tpu.memory_space<hbm>> -> memref<10000x128xf32, #tpu.memory_space<hbm>>
        tpu.enqueue_indirect_dma source(%dma_start3A_366 : memref<10000x128xf32, #tpu.memory_space<hbm>>) target(%dma_start3A_360 : memref<40x128xf32, #tpu.memory_space<vmem>>) offsets(%dma_start3A_363 : memref<40xi32, #tpu.memory_space<vmem>>) semaphore(%arg10 : memref<!tpu.dma_semaphore, #tpu.memory_space<semaphore_mem>>)
        %mul3A_367 = arith.constant 5 : i32
        %mul3A_368 = arith.muli %add3A_340, %mul3A_367 : i32
        %add3A_369 = arith.constant 2 : i32
        %add3A_370 = arith.addi %mul3A_368, %add3A_369 : i32
        %dma_start3A_371 = arith.constant 80 : i32
        %dma_start3A_372 = arith.constant 0 : i32
        %dma_start3A_373 = tpu.memref_slice %arg8[%dma_start3A_371, %dma_start3A_372] : memref<200x128xf32, #tpu.memory_space<vmem>> -> memref<40x128xf32, #tpu.memory_space<vmem>>
        %dma_start3A_374 = arith.constant 0 : i32
        %dma_start3A_375 = tpu.memref_slice %arg7[%add3A_370, %dma_start3A_374] : memref<150x40xi32, #tpu.memory_space<vmem>> -> memref<1x40xi32, #tpu.memory_space<vmem>>
        %dma_start3A_376 = tpu.memref_squeeze %dma_start3A_375 : memref<1x40xi32, #tpu.memory_space<vmem>> -> memref<40xi32, #tpu.memory_space<vmem>>
        %dma_start3A_377 = arith.constant 0 : i32
        %dma_start3A_378 = arith.constant 0 : i32
        %dma_start3A_379 = tpu.memref_slice %arg2[%dma_start3A_377, %dma_start3A_378] : memref<10000x128xf32, #tpu.memory_space<hbm>> -> memref<10000x128xf32, #tpu.memory_space<hbm>>
        tpu.enqueue_indirect_dma source(%dma_start3A_379 : memref<10000x128xf32, #tpu.memory_space<hbm>>) target(%dma_start3A_373 : memref<40x128xf32, #tpu.memory_space<vmem>>) offsets(%dma_start3A_376 : memref<40xi32, #tpu.memory_space<vmem>>) semaphore(%arg10 : memref<!tpu.dma_semaphore, #tpu.memory_space<semaphore_mem>>)
        %mul3A_380 = arith.constant 5 : i32
        %mul3A_381 = arith.muli %add3A_340, %mul3A_380 : i32
        %add3A_382 = arith.constant 3 : i32
        %add3A_383 = arith.addi %mul3A_381, %add3A_382 : i32
        %dma_start3A_384 = arith.constant 120 : i32
        %dma_start3A_385 = arith.constant 0 : i32
        %dma_start3A_386 = tpu.memref_slice %arg8[%dma_start3A_384, %dma_start3A_385] : memref<200x128xf32, #tpu.memory_space<vmem>> -> memref<40x128xf32, #tpu.memory_space<vmem>>
        %dma_start3A_387 = arith.constant 0 : i32
        %dma_start3A_388 = tpu.memref_slice %arg7[%add3A_383, %dma_start3A_387] : memref<150x40xi32, #tpu.memory_space<vmem>> -> memref<1x40xi32, #tpu.memory_space<vmem>>
        %dma_start3A_389 = tpu.memref_squeeze %dma_start3A_388 : memref<1x40xi32, #tpu.memory_space<vmem>> -> memref<40xi32, #tpu.memory_space<vmem>>
        %dma_start3A_390 = arith.constant 0 : i32
        %dma_start3A_391 = arith.constant 0 : i32
        %dma_start3A_392 = tpu.memref_slice %arg2[%dma_start3A_390, %dma_start3A_391] : memref<10000x128xf32, #tpu.memory_space<hbm>> -> memref<10000x128xf32, #tpu.memory_space<hbm>>
        tpu.enqueue_indirect_dma source(%dma_start3A_392 : memref<10000x128xf32, #tpu.memory_space<hbm>>) target(%dma_start3A_386 : memref<40x128xf32, #tpu.memory_space<vmem>>) offsets(%dma_start3A_389 : memref<40xi32, #tpu.memory_space<vmem>>) semaphore(%arg10 : memref<!tpu.dma_semaphore, #tpu.memory_space<semaphore_mem>>)
        %mul3A_393 = arith.constant 5 : i32
        %mul3A_394 = arith.muli %add3A_340, %mul3A_393 : i32
        %add3A_395 = arith.constant 4 : i32
        %add3A_396 = arith.addi %mul3A_394, %add3A_395 : i32
        %dma_start3A_397 = arith.constant 160 : i32
        %dma_start3A_398 = arith.constant 0 : i32
        %dma_start3A_399 = tpu.memref_slice %arg8[%dma_start3A_397, %dma_start3A_398] : memref<200x128xf32, #tpu.memory_space<vmem>> -> memref<40x128xf32, #tpu.memory_space<vmem>>
        %dma_start3A_400 = arith.constant 0 : i32
        %dma_start3A_401 = tpu.memref_slice %arg7[%add3A_396, %dma_start3A_400] : memref<150x40xi32, #tpu.memory_space<vmem>> -> memref<1x40xi32, #tpu.memory_space<vmem>>
        %dma_start3A_402 = tpu.memref_squeeze %dma_start3A_401 : memref<1x40xi32, #tpu.memory_space<vmem>> -> memref<40xi32, #tpu.memory_space<vmem>>
        %dma_start3A_403 = arith.constant 0 : i32
        %dma_start3A_404 = arith.constant 0 : i32
        %dma_start3A_405 = tpu.memref_slice %arg2[%dma_start3A_403, %dma_start3A_404] : memref<10000x128xf32, #tpu.memory_space<hbm>> -> memref<10000x128xf32, #tpu.memory_space<hbm>>
        tpu.enqueue_indirect_dma source(%dma_start3A_405 : memref<10000x128xf32, #tpu.memory_space<hbm>>) target(%dma_start3A_399 : memref<40x128xf32, #tpu.memory_space<vmem>>) offsets(%dma_start3A_402 : memref<40xi32, #tpu.memory_space<vmem>>) semaphore(%arg10 : memref<!tpu.dma_semaphore, #tpu.memory_space<semaphore_mem>>)
      } else {
      }
      %dma_wait3A_272 = arith.constant 0 : i32
      %dma_wait3A_273 = arith.constant 0 : i32
      %dma_wait3A_274 = tpu.memref_slice %arg9[%dma_wait3A_272, %dma_wait3A_273] : memref<200x128xf32, #tpu.memory_space<vmem>> -> memref<40x128xf32, #tpu.memory_space<vmem>>
      %dma_wait3A_275 = arith.constant 0 : i32
      %dma_wait3A_276 = arith.constant 0 : i32
      %dma_wait3A_277 = tpu.memref_slice %arg2[%dma_wait3A_275, %dma_wait3A_276] : memref<10000x128xf32, #tpu.memory_space<hbm>> -> memref<40x128xf32, #tpu.memory_space<hbm>>
      %dma_wait3A_278 = arith.constant 0 : i32
      %dma_wait3A_279 = arith.constant 0 : i32
      %dma_wait3A_280 = tpu.memref_slice %arg9[%dma_wait3A_278, %dma_wait3A_279] : memref<200x128xf32, #tpu.memory_space<vmem>> -> memref<40x128xf32, #tpu.memory_space<vmem>>
      %dma_wait3A_281 = arith.constant 0 : i32
      %dma_wait3A_282 = arith.constant 0 : i32
      %dma_wait3A_283 = tpu.memref_slice %arg2[%dma_wait3A_281, %dma_wait3A_282] : memref<10000x128xf32, #tpu.memory_space<hbm>> -> memref<40x128xf32, #tpu.memory_space<hbm>>
      tpu.wait_dma2 semaphore(%arg11 : memref<!tpu.dma_semaphore, #tpu.memory_space<semaphore_mem>>) src(%dma_wait3A_283 : memref<40x128xf32, #tpu.memory_space<hbm>>) dst(%dma_wait3A_280 : memref<40x128xf32, #tpu.memory_space<vmem>>)
      %dma_wait3A_284 = arith.constant 40 : i32
      %dma_wait3A_285 = arith.constant 0 : i32
      %dma_wait3A_286 = tpu.memref_slice %arg9[%dma_wait3A_284, %dma_wait3A_285] : memref<200x128xf32, #tpu.memory_space<vmem>> -> memref<40x128xf32, #tpu.memory_space<vmem>>
      %dma_wait3A_287 = arith.constant 0 : i32
      %dma_wait3A_288 = arith.constant 0 : i32
      %dma_wait3A_289 = tpu.memref_slice %arg2[%dma_wait3A_287, %dma_wait3A_288] : memref<10000x128xf32, #tpu.memory_space<hbm>> -> memref<40x128xf32, #tpu.memory_space<hbm>>
      %dma_wait3A_290 = arith.constant 40 : i32
      %dma_wait3A_291 = arith.constant 0 : i32
      %dma_wait3A_292 = tpu.memref_slice %arg9[%dma_wait3A_290, %dma_wait3A_291] : memref<200x128xf32, #tpu.memory_space<vmem>> -> memref<40x128xf32, #tpu.memory_space<vmem>>
      %dma_wait3A_293 = arith.constant 0 : i32
      %dma_wait3A_294 = arith.constant 0 : i32
      %dma_wait3A_295 = tpu.memref_slice %arg2[%dma_wait3A_293, %dma_wait3A_294] : memref<10000x128xf32, #tpu.memory_space<hbm>> -> memref<40x128xf32, #tpu.memory_space<hbm>>
      tpu.wait_dma2 semaphore(%arg11 : memref<!tpu.dma_semaphore, #tpu.memory_space<semaphore_mem>>) src(%dma_wait3A_295 : memref<40x128xf32, #tpu.memory_space<hbm>>) dst(%dma_wait3A_292 : memref<40x128xf32, #tpu.memory_space<vmem>>)
      %dma_wait3A_296 = arith.constant 80 : i32
      %dma_wait3A_297 = arith.constant 0 : i32
      %dma_wait3A_298 = tpu.memref_slice %arg9[%dma_wait3A_296, %dma_wait3A_297] : memref<200x128xf32, #tpu.memory_space<vmem>> -> memref<40x128xf32, #tpu.memory_space<vmem>>
      %dma_wait3A_299 = arith.constant 0 : i32
      %dma_wait3A_300 = arith.constant 0 : i32
      %dma_wait3A_301 = tpu.memref_slice %arg2[%dma_wait3A_299, %dma_wait3A_300] : memref<10000x128xf32, #tpu.memory_space<hbm>> -> memref<40x128xf32, #tpu.memory_space<hbm>>
      %dma_wait3A_302 = arith.constant 80 : i32
      %dma_wait3A_303 = arith.constant 0 : i32
      %dma_wait3A_304 = tpu.memref_slice %arg9[%dma_wait3A_302, %dma_wait3A_303] : memref<200x128xf32, #tpu.memory_space<vmem>> -> memref<40x128xf32, #tpu.memory_space<vmem>>
      %dma_wait3A_305 = arith.constant 0 : i32
      %dma_wait3A_306 = arith.constant 0 : i32
      %dma_wait3A_307 = tpu.memref_slice %arg2[%dma_wait3A_305, %dma_wait3A_306] : memref<10000x128xf32, #tpu.memory_space<hbm>> -> memref<40x128xf32, #tpu.memory_space<hbm>>
      tpu.wait_dma2 semaphore(%arg11 : memref<!tpu.dma_semaphore, #tpu.memory_space<semaphore_mem>>) src(%dma_wait3A_307 : memref<40x128xf32, #tpu.memory_space<hbm>>) dst(%dma_wait3A_304 : memref<40x128xf32, #tpu.memory_space<vmem>>)
      %dma_wait3A_308 = arith.constant 120 : i32
      %dma_wait3A_309 = arith.constant 0 : i32
      %dma_wait3A_310 = tpu.memref_slice %arg9[%dma_wait3A_308, %dma_wait3A_309] : memref<200x128xf32, #tpu.memory_space<vmem>> -> memref<40x128xf32, #tpu.memory_space<vmem>>
      %dma_wait3A_311 = arith.constant 0 : i32
      %dma_wait3A_312 = arith.constant 0 : i32
      %dma_wait3A_313 = tpu.memref_slice %arg2[%dma_wait3A_311, %dma_wait3A_312] : memref<10000x128xf32, #tpu.memory_space<hbm>> -> memref<40x128xf32, #tpu.memory_space<hbm>>
      %dma_wait3A_314 = arith.constant 120 : i32
      %dma_wait3A_315 = arith.constant 0 : i32
      %dma_wait3A_316 = tpu.memref_slice %arg9[%dma_wait3A_314, %dma_wait3A_315] : memref<200x128xf32, #tpu.memory_space<vmem>> -> memref<40x128xf32, #tpu.memory_space<vmem>>
      %dma_wait3A_317 = arith.constant 0 : i32
      %dma_wait3A_318 = arith.constant 0 : i32
      %dma_wait3A_319 = tpu.memref_slice %arg2[%dma_wait3A_317, %dma_wait3A_318] : memref<10000x128xf32, #tpu.memory_space<hbm>> -> memref<40x128xf32, #tpu.memory_space<hbm>>
      tpu.wait_dma2 semaphore(%arg11 : memref<!tpu.dma_semaphore, #tpu.memory_space<semaphore_mem>>) src(%dma_wait3A_319 : memref<40x128xf32, #tpu.memory_space<hbm>>) dst(%dma_wait3A_316 : memref<40x128xf32, #tpu.memory_space<vmem>>)
      %dma_wait3A_320 = arith.constant 160 : i32
      %dma_wait3A_321 = arith.constant 0 : i32
      %dma_wait3A_322 = tpu.memref_slice %arg9[%dma_wait3A_320, %dma_wait3A_321] : memref<200x128xf32, #tpu.memory_space<vmem>> -> memref<40x128xf32, #tpu.memory_space<vmem>>
      %dma_wait3A_323 = arith.constant 0 : i32
      %dma_wait3A_324 = arith.constant 0 : i32
      %dma_wait3A_325 = tpu.memref_slice %arg2[%dma_wait3A_323, %dma_wait3A_324] : memref<10000x128xf32, #tpu.memory_space<hbm>> -> memref<40x128xf32, #tpu.memory_space<hbm>>
      %dma_wait3A_326 = arith.constant 160 : i32
      %dma_wait3A_327 = arith.constant 0 : i32
      %dma_wait3A_328 = tpu.memref_slice %arg9[%dma_wait3A_326, %dma_wait3A_327] : memref<200x128xf32, #tpu.memory_space<vmem>> -> memref<40x128xf32, #tpu.memory_space<vmem>>
      %dma_wait3A_329 = arith.constant 0 : i32
      %dma_wait3A_330 = arith.constant 0 : i32
      %dma_wait3A_331 = tpu.memref_slice %arg2[%dma_wait3A_329, %dma_wait3A_330] : memref<10000x128xf32, #tpu.memory_space<hbm>> -> memref<40x128xf32, #tpu.memory_space<hbm>>
      tpu.wait_dma2 semaphore(%arg11 : memref<!tpu.dma_semaphore, #tpu.memory_space<semaphore_mem>>) src(%dma_wait3A_331 : memref<40x128xf32, #tpu.memory_space<hbm>>) dst(%dma_wait3A_328 : memref<40x128xf32, #tpu.memory_space<vmem>>)
      %mul3A_332 = arith.constant 200 : i32
      %mul3A_333 = arith.muli %add3A_260, %mul3A_332 : i32
      %add3A_334 = arith.addi %mul3A_2, %mul3A_333 : i32
      %dma_start3A_335 = arith.constant 0 : i32
      %dma_start3A_336 = tpu.memref_slice %arg5[%add3A_334, %dma_start3A_335] : memref<192000x128xf32, #tpu.memory_space<hbm>> -> memref<200x128xf32, #tpu.memory_space<hbm>>
      %dma_start3A_337 = arith.constant 0 : i32
      %dma_start3A_338 = tpu.memref_slice %arg5[%add3A_334, %dma_start3A_337] : memref<192000x128xf32, #tpu.memory_space<hbm>> -> memref<200x128xf32, #tpu.memory_space<hbm>>
      tpu.enqueue_dma source(%arg9 : memref<200x128xf32, #tpu.memory_space<vmem>>) target(%dma_start3A_338 : memref<200x128xf32, #tpu.memory_space<hbm>>) target_semaphore(%arg13 : memref<!tpu.dma_semaphore, #tpu.memory_space<semaphore_mem>>)
    }
    %scan3A_55 = arith.constant 15 : i32
    %dma_wait3A = arith.constant 0 : i32
    %dma_wait3A_56 = tpu.memref_slice %arg5[%mul3A_2, %dma_wait3A] : memref<192000x128xf32, #tpu.memory_space<hbm>> -> memref<200x128xf32, #tpu.memory_space<hbm>>
    %dma_wait3A_57 = arith.constant 0 : i32
    %dma_wait3A_58 = tpu.memref_slice %arg5[%mul3A_2, %dma_wait3A_57] : memref<192000x128xf32, #tpu.memory_space<hbm>> -> memref<200x128xf32, #tpu.memory_space<hbm>>
    tpu.wait_dma2 semaphore(%arg13 : memref<!tpu.dma_semaphore, #tpu.memory_space<semaphore_mem>>) src(%arg9 : memref<200x128xf32, #tpu.memory_space<vmem>>) dst(%dma_wait3A_58 : memref<200x128xf32, #tpu.memory_space<hbm>>)
    "tpu.region"() ({
      %run_scoped3A = tpu.sem_alloc : memref<!tpu.dma_semaphore, #tpu.memory_space<semaphore_mem>>
      %dma_start3A_118 = arith.constant 0 : i32
      %dma_start3A_119 = arith.constant 0 : i32
      %dma_start3A_120 = tpu.memref_slice %arg4[%add3A, %dma_start3A_118, %dma_start3A_119] : memref<32x150x40xi32, #tpu.memory_space<hbm>> -> memref<1x150x40xi32, #tpu.memory_space<hbm>>
      %dma_start3A_121 = tpu.memref_squeeze %dma_start3A_120 : memref<1x150x40xi32, #tpu.memory_space<hbm>> -> memref<150x40xi32, #tpu.memory_space<hbm>>
      %dma_start3A_122 = arith.constant 0 : i32
      %dma_start3A_123 = arith.constant 0 : i32
      %dma_start3A_124 = tpu.memref_slice %arg4[%add3A, %dma_start3A_122, %dma_start3A_123] : memref<32x150x40xi32, #tpu.memory_space<hbm>> -> memref<1x150x40xi32, #tpu.memory_space<hbm>>
      %dma_start3A_125 = tpu.memref_squeeze %dma_start3A_124 : memref<1x150x40xi32, #tpu.memory_space<hbm>> -> memref<150x40xi32, #tpu.memory_space<hbm>>
      tpu.enqueue_dma source(%dma_start3A_125 : memref<150x40xi32, #tpu.memory_space<hbm>>) target(%arg7 : memref<150x40xi32, #tpu.memory_space<vmem>>) target_semaphore(%run_scoped3A : memref<!tpu.dma_semaphore, #tpu.memory_space<semaphore_mem>>)
      %dma_wait3A_126 = arith.constant 0 : i32
      %dma_wait3A_127 = arith.constant 0 : i32
      %dma_wait3A_128 = tpu.memref_slice %arg4[%add3A, %dma_wait3A_126, %dma_wait3A_127] : memref<32x150x40xi32, #tpu.memory_space<hbm>> -> memref<1x150x40xi32, #tpu.memory_space<hbm>>
      %dma_wait3A_129 = tpu.memref_squeeze %dma_wait3A_128 : memref<1x150x40xi32, #tpu.memory_space<hbm>> -> memref<150x40xi32, #tpu.memory_space<hbm>>
      %dma_wait3A_130 = arith.constant 0 : i32
      %dma_wait3A_131 = arith.constant 0 : i32
      %dma_wait3A_132 = tpu.memref_slice %arg4[%add3A, %dma_wait3A_130, %dma_wait3A_131] : memref<32x150x40xi32, #tpu.memory_space<hbm>> -> memref<1x150x40xi32, #tpu.memory_space<hbm>>
      %dma_wait3A_133 = tpu.memref_squeeze %dma_wait3A_132 : memref<1x150x40xi32, #tpu.memory_space<hbm>> -> memref<150x40xi32, #tpu.memory_space<hbm>>
      tpu.wait_dma2 semaphore(%run_scoped3A : memref<!tpu.dma_semaphore, #tpu.memory_space<semaphore_mem>>) src(%dma_wait3A_133 : memref<150x40xi32, #tpu.memory_space<hbm>>) dst(%arg7 : memref<150x40xi32, #tpu.memory_space<vmem>>)
      tpu.yield
    }) : () -> ()
    %dma_start3A_59 = arith.constant 0 : i32
    %dma_start3A_60 = arith.constant 0 : i32
    %dma_start3A_61 = arith.constant 0 : i32
    %dma_start3A_62 = tpu.memref_slice %arg8[%dma_start3A_60, %dma_start3A_61] : memref<200x128xf32, #tpu.memory_space<vmem>> -> memref<40x128xf32, #tpu.memory_space<vmem>>
    %dma_start3A_63 = arith.constant 0 : i32
    %dma_start3A_64 = tpu.memref_slice %arg7[%dma_start3A_59, %dma_start3A_63] : memref<150x40xi32, #tpu.memory_space<vmem>> -> memref<1x40xi32, #tpu.memory_space<vmem>>
    %dma_start3A_65 = tpu.memref_squeeze %dma_start3A_64 : memref<1x40xi32, #tpu.memory_space<vmem>> -> memref<40xi32, #tpu.memory_space<vmem>>
    %dma_start3A_66 = arith.constant 0 : i32
    %dma_start3A_67 = arith.constant 0 : i32
    %dma_start3A_68 = tpu.memref_slice %arg2[%dma_start3A_66, %dma_start3A_67] : memref<10000x128xf32, #tpu.memory_space<hbm>> -> memref<10000x128xf32, #tpu.memory_space<hbm>>
    tpu.enqueue_indirect_dma source(%dma_start3A_68 : memref<10000x128xf32, #tpu.memory_space<hbm>>) target(%dma_start3A_62 : memref<40x128xf32, #tpu.memory_space<vmem>>) offsets(%dma_start3A_65 : memref<40xi32, #tpu.memory_space<vmem>>) semaphore(%arg10 : memref<!tpu.dma_semaphore, #tpu.memory_space<semaphore_mem>>)
    %dma_start3A_69 = arith.constant 1 : i32
    %dma_start3A_70 = arith.constant 40 : i32
    %dma_start3A_71 = arith.constant 0 : i32
    %dma_start3A_72 = tpu.memref_slice %arg8[%dma_start3A_70, %dma_start3A_71] : memref<200x128xf32, #tpu.memory_space<vmem>> -> memref<40x128xf32, #tpu.memory_space<vmem>>
    %dma_start3A_73 = arith.constant 0 : i32
    %dma_start3A_74 = tpu.memref_slice %arg7[%dma_start3A_69, %dma_start3A_73] : memref<150x40xi32, #tpu.memory_space<vmem>> -> memref<1x40xi32, #tpu.memory_space<vmem>>
    %dma_start3A_75 = tpu.memref_squeeze %dma_start3A_74 : memref<1x40xi32, #tpu.memory_space<vmem>> -> memref<40xi32, #tpu.memory_space<vmem>>
    %dma_start3A_76 = arith.constant 0 : i32
    %dma_start3A_77 = arith.constant 0 : i32
    %dma_start3A_78 = tpu.memref_slice %arg2[%dma_start3A_76, %dma_start3A_77] : memref<10000x128xf32, #tpu.memory_space<hbm>> -> memref<10000x128xf32, #tpu.memory_space<hbm>>
    tpu.enqueue_indirect_dma source(%dma_start3A_78 : memref<10000x128xf32, #tpu.memory_space<hbm>>) target(%dma_start3A_72 : memref<40x128xf32, #tpu.memory_space<vmem>>) offsets(%dma_start3A_75 : memref<40xi32, #tpu.memory_space<vmem>>) semaphore(%arg10 : memref<!tpu.dma_semaphore, #tpu.memory_space<semaphore_mem>>)
    %dma_start3A_79 = arith.constant 2 : i32
    %dma_start3A_80 = arith.constant 80 : i32
    %dma_start3A_81 = arith.constant 0 : i32
    %dma_start3A_82 = tpu.memref_slice %arg8[%dma_start3A_80, %dma_start3A_81] : memref<200x128xf32, #tpu.memory_space<vmem>> -> memref<40x128xf32, #tpu.memory_space<vmem>>
    %dma_start3A_83 = arith.constant 0 : i32
    %dma_start3A_84 = tpu.memref_slice %arg7[%dma_start3A_79, %dma_start3A_83] : memref<150x40xi32, #tpu.memory_space<vmem>> -> memref<1x40xi32, #tpu.memory_space<vmem>>
    %dma_start3A_85 = tpu.memref_squeeze %dma_start3A_84 : memref<1x40xi32, #tpu.memory_space<vmem>> -> memref<40xi32, #tpu.memory_space<vmem>>
    %dma_start3A_86 = arith.constant 0 : i32
    %dma_start3A_87 = arith.constant 0 : i32
    %dma_start3A_88 = tpu.memref_slice %arg2[%dma_start3A_86, %dma_start3A_87] : memref<10000x128xf32, #tpu.memory_space<hbm>> -> memref<10000x128xf32, #tpu.memory_space<hbm>>
    tpu.enqueue_indirect_dma source(%dma_start3A_88 : memref<10000x128xf32, #tpu.memory_space<hbm>>) target(%dma_start3A_82 : memref<40x128xf32, #tpu.memory_space<vmem>>) offsets(%dma_start3A_85 : memref<40xi32, #tpu.memory_space<vmem>>) semaphore(%arg10 : memref<!tpu.dma_semaphore, #tpu.memory_space<semaphore_mem>>)
    %dma_start3A_89 = arith.constant 3 : i32
    %dma_start3A_90 = arith.constant 120 : i32
    %dma_start3A_91 = arith.constant 0 : i32
    %dma_start3A_92 = tpu.memref_slice %arg8[%dma_start3A_90, %dma_start3A_91] : memref<200x128xf32, #tpu.memory_space<vmem>> -> memref<40x128xf32, #tpu.memory_space<vmem>>
    %dma_start3A_93 = arith.constant 0 : i32
    %dma_start3A_94 = tpu.memref_slice %arg7[%dma_start3A_89, %dma_start3A_93] : memref<150x40xi32, #tpu.memory_space<vmem>> -> memref<1x40xi32, #tpu.memory_space<vmem>>
    %dma_start3A_95 = tpu.memref_squeeze %dma_start3A_94 : memref<1x40xi32, #tpu.memory_space<vmem>> -> memref<40xi32, #tpu.memory_space<vmem>>
    %dma_start3A_96 = arith.constant 0 : i32
    %dma_start3A_97 = arith.constant 0 : i32
    %dma_start3A_98 = tpu.memref_slice %arg2[%dma_start3A_96, %dma_start3A_97] : memref<10000x128xf32, #tpu.memory_space<hbm>> -> memref<10000x128xf32, #tpu.memory_space<hbm>>
    tpu.enqueue_indirect_dma source(%dma_start3A_98 : memref<10000x128xf32, #tpu.memory_space<hbm>>) target(%dma_start3A_92 : memref<40x128xf32, #tpu.memory_space<vmem>>) offsets(%dma_start3A_95 : memref<40xi32, #tpu.memory_space<vmem>>) semaphore(%arg10 : memref<!tpu.dma_semaphore, #tpu.memory_space<semaphore_mem>>)
    %dma_start3A_99 = arith.constant 4 : i32
    %dma_start3A_100 = arith.constant 160 : i32
    %dma_start3A_101 = arith.constant 0 : i32
    %dma_start3A_102 = tpu.memref_slice %arg8[%dma_start3A_100, %dma_start3A_101] : memref<200x128xf32, #tpu.memory_space<vmem>> -> memref<40x128xf32, #tpu.memory_space<vmem>>
    %dma_start3A_103 = arith.constant 0 : i32
    %dma_start3A_104 = tpu.memref_slice %arg7[%dma_start3A_99, %dma_start3A_103] : memref<150x40xi32, #tpu.memory_space<vmem>> -> memref<1x40xi32, #tpu.memory_space<vmem>>
    %dma_start3A_105 = tpu.memref_squeeze %dma_start3A_104 : memref<1x40xi32, #tpu.memory_space<vmem>> -> memref<40xi32, #tpu.memory_space<vmem>>
    %dma_start3A_106 = arith.constant 0 : i32
    %dma_start3A_107 = arith.constant 0 : i32
    %dma_start3A_108 = tpu.memref_slice %arg2[%dma_start3A_106, %dma_start3A_107] : memref<10000x128xf32, #tpu.memory_space<hbm>> -> memref<10000x128xf32, #tpu.memory_space<hbm>>
    tpu.enqueue_indirect_dma source(%dma_start3A_108 : memref<10000x128xf32, #tpu.memory_space<hbm>>) target(%dma_start3A_102 : memref<40x128xf32, #tpu.memory_space<vmem>>) offsets(%dma_start3A_105 : memref<40xi32, #tpu.memory_space<vmem>>) semaphore(%arg10 : memref<!tpu.dma_semaphore, #tpu.memory_space<semaphore_mem>>)
    %scan3A_109 = arith.constant 0 : i32
    %scan3A_110 = arith.constant 15 : i32
    %scan3A_111 = arith.addi %scan3A_109, %scan3A_110 : i32
    %scan3A_112 = arith.constant 1 : i32
    scf.for %scan3A_118 = %scan3A_109 to %scan3A_111 step %scan3A_112  : i32 {
      %mul3A_119 = arith.constant 2 : i32
      %mul3A_120 = arith.muli %scan3A_118, %mul3A_119 : i32
      %add3A_121 = arith.constant 0 : i32
      %add3A_122 = arith.addi %add3A_121, %mul3A_120 : i32
      %ge3A = arith.constant 1 : i32
      %ge3A_123 = arith.cmpi sge, %add3A_122, %ge3A : i32
      %convert_element_type3A = arith.extui %ge3A_123 : i1 to i32
      %cond3A = arith.constant 0 : i32
      %cond3A_124 = arith.cmpi ne, %convert_element_type3A, %cond3A : i32
      scf.if %cond3A_124 {
        %dma_wait3A_339 = arith.constant 0 : i32
        %dma_wait3A_340 = tpu.memref_slice %arg6[%mul3A_2, %dma_wait3A_339] : memref<192000x128xf32, #tpu.memory_space<hbm>> -> memref<200x128xf32, #tpu.memory_space<hbm>>
        %dma_wait3A_341 = arith.constant 0 : i32
        %dma_wait3A_342 = tpu.memref_slice %arg6[%mul3A_2, %dma_wait3A_341] : memref<192000x128xf32, #tpu.memory_space<hbm>> -> memref<200x128xf32, #tpu.memory_space<hbm>>
        tpu.wait_dma2 semaphore(%arg13 : memref<!tpu.dma_semaphore, #tpu.memory_space<semaphore_mem>>) src(%arg9 : memref<200x128xf32, #tpu.memory_space<vmem>>) dst(%dma_wait3A_342 : memref<200x128xf32, #tpu.memory_space<hbm>>)
      } else {
      }
      %add3A_125 = arith.constant 1 : i32
      %add3A_126 = arith.addi %add3A_122, %add3A_125 : i32
      %mul3A_127 = arith.constant 5 : i32
      %mul3A_128 = arith.muli %add3A_126, %mul3A_127 : i32
      %add3A_129 = arith.constant 0 : i32
      %add3A_130 = arith.addi %mul3A_128, %add3A_129 : i32
      %dma_start3A_131 = arith.constant 0 : i32
      %dma_start3A_132 = arith.constant 0 : i32
      %dma_start3A_133 = tpu.memref_slice %arg9[%dma_start3A_131, %dma_start3A_132] : memref<200x128xf32, #tpu.memory_space<vmem>> -> memref<40x128xf32, #tpu.memory_space<vmem>>
      %dma_start3A_134 = arith.constant 0 : i32
      %dma_start3A_135 = tpu.memref_slice %arg7[%add3A_130, %dma_start3A_134] : memref<150x40xi32, #tpu.memory_space<vmem>> -> memref<1x40xi32, #tpu.memory_space<vmem>>
      %dma_start3A_136 = tpu.memref_squeeze %dma_start3A_135 : memref<1x40xi32, #tpu.memory_space<vmem>> -> memref<40xi32, #tpu.memory_space<vmem>>
      %dma_start3A_137 = arith.constant 0 : i32
      %dma_start3A_138 = arith.constant 0 : i32
      %dma_start3A_139 = tpu.memref_slice %arg2[%dma_start3A_137, %dma_start3A_138] : memref<10000x128xf32, #tpu.memory_space<hbm>> -> memref<10000x128xf32, #tpu.memory_space<hbm>>
      tpu.enqueue_indirect_dma source(%dma_start3A_139 : memref<10000x128xf32, #tpu.memory_space<hbm>>) target(%dma_start3A_133 : memref<40x128xf32, #tpu.memory_space<vmem>>) offsets(%dma_start3A_136 : memref<40xi32, #tpu.memory_space<vmem>>) semaphore(%arg11 : memref<!tpu.dma_semaphore, #tpu.memory_space<semaphore_mem>>)
      %mul3A_140 = arith.constant 5 : i32
      %mul3A_141 = arith.muli %add3A_126, %mul3A_140 : i32
      %add3A_142 = arith.constant 1 : i32
      %add3A_143 = arith.addi %mul3A_141, %add3A_142 : i32
      %dma_start3A_144 = arith.constant 40 : i32
      %dma_start3A_145 = arith.constant 0 : i32
      %dma_start3A_146 = tpu.memref_slice %arg9[%dma_start3A_144, %dma_start3A_145] : memref<200x128xf32, #tpu.memory_space<vmem>> -> memref<40x128xf32, #tpu.memory_space<vmem>>
      %dma_start3A_147 = arith.constant 0 : i32
      %dma_start3A_148 = tpu.memref_slice %arg7[%add3A_143, %dma_start3A_147] : memref<150x40xi32, #tpu.memory_space<vmem>> -> memref<1x40xi32, #tpu.memory_space<vmem>>
      %dma_start3A_149 = tpu.memref_squeeze %dma_start3A_148 : memref<1x40xi32, #tpu.memory_space<vmem>> -> memref<40xi32, #tpu.memory_space<vmem>>
      %dma_start3A_150 = arith.constant 0 : i32
      %dma_start3A_151 = arith.constant 0 : i32
      %dma_start3A_152 = tpu.memref_slice %arg2[%dma_start3A_150, %dma_start3A_151] : memref<10000x128xf32, #tpu.memory_space<hbm>> -> memref<10000x128xf32, #tpu.memory_space<hbm>>
      tpu.enqueue_indirect_dma source(%dma_start3A_152 : memref<10000x128xf32, #tpu.memory_space<hbm>>) target(%dma_start3A_146 : memref<40x128xf32, #tpu.memory_space<vmem>>) offsets(%dma_start3A_149 : memref<40xi32, #tpu.memory_space<vmem>>) semaphore(%arg11 : memref<!tpu.dma_semaphore, #tpu.memory_space<semaphore_mem>>)
      %mul3A_153 = arith.constant 5 : i32
      %mul3A_154 = arith.muli %add3A_126, %mul3A_153 : i32
      %add3A_155 = arith.constant 2 : i32
      %add3A_156 = arith.addi %mul3A_154, %add3A_155 : i32
      %dma_start3A_157 = arith.constant 80 : i32
      %dma_start3A_158 = arith.constant 0 : i32
      %dma_start3A_159 = tpu.memref_slice %arg9[%dma_start3A_157, %dma_start3A_158] : memref<200x128xf32, #tpu.memory_space<vmem>> -> memref<40x128xf32, #tpu.memory_space<vmem>>
      %dma_start3A_160 = arith.constant 0 : i32
      %dma_start3A_161 = tpu.memref_slice %arg7[%add3A_156, %dma_start3A_160] : memref<150x40xi32, #tpu.memory_space<vmem>> -> memref<1x40xi32, #tpu.memory_space<vmem>>
      %dma_start3A_162 = tpu.memref_squeeze %dma_start3A_161 : memref<1x40xi32, #tpu.memory_space<vmem>> -> memref<40xi32, #tpu.memory_space<vmem>>
      %dma_start3A_163 = arith.constant 0 : i32
      %dma_start3A_164 = arith.constant 0 : i32
      %dma_start3A_165 = tpu.memref_slice %arg2[%dma_start3A_163, %dma_start3A_164] : memref<10000x128xf32, #tpu.memory_space<hbm>> -> memref<10000x128xf32, #tpu.memory_space<hbm>>
      tpu.enqueue_indirect_dma source(%dma_start3A_165 : memref<10000x128xf32, #tpu.memory_space<hbm>>) target(%dma_start3A_159 : memref<40x128xf32, #tpu.memory_space<vmem>>) offsets(%dma_start3A_162 : memref<40xi32, #tpu.memory_space<vmem>>) semaphore(%arg11 : memref<!tpu.dma_semaphore, #tpu.memory_space<semaphore_mem>>)
      %mul3A_166 = arith.constant 5 : i32
      %mul3A_167 = arith.muli %add3A_126, %mul3A_166 : i32
      %add3A_168 = arith.constant 3 : i32
      %add3A_169 = arith.addi %mul3A_167, %add3A_168 : i32
      %dma_start3A_170 = arith.constant 120 : i32
      %dma_start3A_171 = arith.constant 0 : i32
      %dma_start3A_172 = tpu.memref_slice %arg9[%dma_start3A_170, %dma_start3A_171] : memref<200x128xf32, #tpu.memory_space<vmem>> -> memref<40x128xf32, #tpu.memory_space<vmem>>
      %dma_start3A_173 = arith.constant 0 : i32
      %dma_start3A_174 = tpu.memref_slice %arg7[%add3A_169, %dma_start3A_173] : memref<150x40xi32, #tpu.memory_space<vmem>> -> memref<1x40xi32, #tpu.memory_space<vmem>>
      %dma_start3A_175 = tpu.memref_squeeze %dma_start3A_174 : memref<1x40xi32, #tpu.memory_space<vmem>> -> memref<40xi32, #tpu.memory_space<vmem>>
      %dma_start3A_176 = arith.constant 0 : i32
      %dma_start3A_177 = arith.constant 0 : i32
      %dma_start3A_178 = tpu.memref_slice %arg2[%dma_start3A_176, %dma_start3A_177] : memref<10000x128xf32, #tpu.memory_space<hbm>> -> memref<10000x128xf32, #tpu.memory_space<hbm>>
      tpu.enqueue_indirect_dma source(%dma_start3A_178 : memref<10000x128xf32, #tpu.memory_space<hbm>>) target(%dma_start3A_172 : memref<40x128xf32, #tpu.memory_space<vmem>>) offsets(%dma_start3A_175 : memref<40xi32, #tpu.memory_space<vmem>>) semaphore(%arg11 : memref<!tpu.dma_semaphore, #tpu.memory_space<semaphore_mem>>)
      %mul3A_179 = arith.constant 5 : i32
      %mul3A_180 = arith.muli %add3A_126, %mul3A_179 : i32
      %add3A_181 = arith.constant 4 : i32
      %add3A_182 = arith.addi %mul3A_180, %add3A_181 : i32
      %dma_start3A_183 = arith.constant 160 : i32
      %dma_start3A_184 = arith.constant 0 : i32
      %dma_start3A_185 = tpu.memref_slice %arg9[%dma_start3A_183, %dma_start3A_184] : memref<200x128xf32, #tpu.memory_space<vmem>> -> memref<40x128xf32, #tpu.memory_space<vmem>>
      %dma_start3A_186 = arith.constant 0 : i32
      %dma_start3A_187 = tpu.memref_slice %arg7[%add3A_182, %dma_start3A_186] : memref<150x40xi32, #tpu.memory_space<vmem>> -> memref<1x40xi32, #tpu.memory_space<vmem>>
      %dma_start3A_188 = tpu.memref_squeeze %dma_start3A_187 : memref<1x40xi32, #tpu.memory_space<vmem>> -> memref<40xi32, #tpu.memory_space<vmem>>
      %dma_start3A_189 = arith.constant 0 : i32
      %dma_start3A_190 = arith.constant 0 : i32
      %dma_start3A_191 = tpu.memref_slice %arg2[%dma_start3A_189, %dma_start3A_190] : memref<10000x128xf32, #tpu.memory_space<hbm>> -> memref<10000x128xf32, #tpu.memory_space<hbm>>
      tpu.enqueue_indirect_dma source(%dma_start3A_191 : memref<10000x128xf32, #tpu.memory_space<hbm>>) target(%dma_start3A_185 : memref<40x128xf32, #tpu.memory_space<vmem>>) offsets(%dma_start3A_188 : memref<40xi32, #tpu.memory_space<vmem>>) semaphore(%arg11 : memref<!tpu.dma_semaphore, #tpu.memory_space<semaphore_mem>>)
      %dma_wait3A_192 = arith.constant 0 : i32
      %dma_wait3A_193 = arith.constant 0 : i32
      %dma_wait3A_194 = tpu.memref_slice %arg8[%dma_wait3A_192, %dma_wait3A_193] : memref<200x128xf32, #tpu.memory_space<vmem>> -> memref<40x128xf32, #tpu.memory_space<vmem>>
      %dma_wait3A_195 = arith.constant 0 : i32
      %dma_wait3A_196 = arith.constant 0 : i32
      %dma_wait3A_197 = tpu.memref_slice %arg2[%dma_wait3A_195, %dma_wait3A_196] : memref<10000x128xf32, #tpu.memory_space<hbm>> -> memref<40x128xf32, #tpu.memory_space<hbm>>
      %dma_wait3A_198 = arith.constant 0 : i32
      %dma_wait3A_199 = arith.constant 0 : i32
      %dma_wait3A_200 = tpu.memref_slice %arg8[%dma_wait3A_198, %dma_wait3A_199] : memref<200x128xf32, #tpu.memory_space<vmem>> -> memref<40x128xf32, #tpu.memory_space<vmem>>
      %dma_wait3A_201 = arith.constant 0 : i32
      %dma_wait3A_202 = arith.constant 0 : i32
      %dma_wait3A_203 = tpu.memref_slice %arg2[%dma_wait3A_201, %dma_wait3A_202] : memref<10000x128xf32, #tpu.memory_space<hbm>> -> memref<40x128xf32, #tpu.memory_space<hbm>>
      tpu.wait_dma2 semaphore(%arg10 : memref<!tpu.dma_semaphore, #tpu.memory_space<semaphore_mem>>) src(%dma_wait3A_203 : memref<40x128xf32, #tpu.memory_space<hbm>>) dst(%dma_wait3A_200 : memref<40x128xf32, #tpu.memory_space<vmem>>)
      %dma_wait3A_204 = arith.constant 40 : i32
      %dma_wait3A_205 = arith.constant 0 : i32
      %dma_wait3A_206 = tpu.memref_slice %arg8[%dma_wait3A_204, %dma_wait3A_205] : memref<200x128xf32, #tpu.memory_space<vmem>> -> memref<40x128xf32, #tpu.memory_space<vmem>>
      %dma_wait3A_207 = arith.constant 0 : i32
      %dma_wait3A_208 = arith.constant 0 : i32
      %dma_wait3A_209 = tpu.memref_slice %arg2[%dma_wait3A_207, %dma_wait3A_208] : memref<10000x128xf32, #tpu.memory_space<hbm>> -> memref<40x128xf32, #tpu.memory_space<hbm>>
      %dma_wait3A_210 = arith.constant 40 : i32
      %dma_wait3A_211 = arith.constant 0 : i32
      %dma_wait3A_212 = tpu.memref_slice %arg8[%dma_wait3A_210, %dma_wait3A_211] : memref<200x128xf32, #tpu.memory_space<vmem>> -> memref<40x128xf32, #tpu.memory_space<vmem>>
      %dma_wait3A_213 = arith.constant 0 : i32
      %dma_wait3A_214 = arith.constant 0 : i32
      %dma_wait3A_215 = tpu.memref_slice %arg2[%dma_wait3A_213, %dma_wait3A_214] : memref<10000x128xf32, #tpu.memory_space<hbm>> -> memref<40x128xf32, #tpu.memory_space<hbm>>
      tpu.wait_dma2 semaphore(%arg10 : memref<!tpu.dma_semaphore, #tpu.memory_space<semaphore_mem>>) src(%dma_wait3A_215 : memref<40x128xf32, #tpu.memory_space<hbm>>) dst(%dma_wait3A_212 : memref<40x128xf32, #tpu.memory_space<vmem>>)
      %dma_wait3A_216 = arith.constant 80 : i32
      %dma_wait3A_217 = arith.constant 0 : i32
      %dma_wait3A_218 = tpu.memref_slice %arg8[%dma_wait3A_216, %dma_wait3A_217] : memref<200x128xf32, #tpu.memory_space<vmem>> -> memref<40x128xf32, #tpu.memory_space<vmem>>
      %dma_wait3A_219 = arith.constant 0 : i32
      %dma_wait3A_220 = arith.constant 0 : i32
      %dma_wait3A_221 = tpu.memref_slice %arg2[%dma_wait3A_219, %dma_wait3A_220] : memref<10000x128xf32, #tpu.memory_space<hbm>> -> memref<40x128xf32, #tpu.memory_space<hbm>>
      %dma_wait3A_222 = arith.constant 80 : i32
      %dma_wait3A_223 = arith.constant 0 : i32
      %dma_wait3A_224 = tpu.memref_slice %arg8[%dma_wait3A_222, %dma_wait3A_223] : memref<200x128xf32, #tpu.memory_space<vmem>> -> memref<40x128xf32, #tpu.memory_space<vmem>>
      %dma_wait3A_225 = arith.constant 0 : i32
      %dma_wait3A_226 = arith.constant 0 : i32
      %dma_wait3A_227 = tpu.memref_slice %arg2[%dma_wait3A_225, %dma_wait3A_226] : memref<10000x128xf32, #tpu.memory_space<hbm>> -> memref<40x128xf32, #tpu.memory_space<hbm>>
      tpu.wait_dma2 semaphore(%arg10 : memref<!tpu.dma_semaphore, #tpu.memory_space<semaphore_mem>>) src(%dma_wait3A_227 : memref<40x128xf32, #tpu.memory_space<hbm>>) dst(%dma_wait3A_224 : memref<40x128xf32, #tpu.memory_space<vmem>>)
      %dma_wait3A_228 = arith.constant 120 : i32
      %dma_wait3A_229 = arith.constant 0 : i32
      %dma_wait3A_230 = tpu.memref_slice %arg8[%dma_wait3A_228, %dma_wait3A_229] : memref<200x128xf32, #tpu.memory_space<vmem>> -> memref<40x128xf32, #tpu.memory_space<vmem>>
      %dma_wait3A_231 = arith.constant 0 : i32
      %dma_wait3A_232 = arith.constant 0 : i32
      %dma_wait3A_233 = tpu.memref_slice %arg2[%dma_wait3A_231, %dma_wait3A_232] : memref<10000x128xf32, #tpu.memory_space<hbm>> -> memref<40x128xf32, #tpu.memory_space<hbm>>
      %dma_wait3A_234 = arith.constant 120 : i32
      %dma_wait3A_235 = arith.constant 0 : i32
      %dma_wait3A_236 = tpu.memref_slice %arg8[%dma_wait3A_234, %dma_wait3A_235] : memref<200x128xf32, #tpu.memory_space<vmem>> -> memref<40x128xf32, #tpu.memory_space<vmem>>
      %dma_wait3A_237 = arith.constant 0 : i32
      %dma_wait3A_238 = arith.constant 0 : i32
      %dma_wait3A_239 = tpu.memref_slice %arg2[%dma_wait3A_237, %dma_wait3A_238] : memref<10000x128xf32, #tpu.memory_space<hbm>> -> memref<40x128xf32, #tpu.memory_space<hbm>>
      tpu.wait_dma2 semaphore(%arg10 : memref<!tpu.dma_semaphore, #tpu.memory_space<semaphore_mem>>) src(%dma_wait3A_239 : memref<40x128xf32, #tpu.memory_space<hbm>>) dst(%dma_wait3A_236 : memref<40x128xf32, #tpu.memory_space<vmem>>)
      %dma_wait3A_240 = arith.constant 160 : i32
      %dma_wait3A_241 = arith.constant 0 : i32
      %dma_wait3A_242 = tpu.memref_slice %arg8[%dma_wait3A_240, %dma_wait3A_241] : memref<200x128xf32, #tpu.memory_space<vmem>> -> memref<40x128xf32, #tpu.memory_space<vmem>>
      %dma_wait3A_243 = arith.constant 0 : i32
      %dma_wait3A_244 = arith.constant 0 : i32
      %dma_wait3A_245 = tpu.memref_slice %arg2[%dma_wait3A_243, %dma_wait3A_244] : memref<10000x128xf32, #tpu.memory_space<hbm>> -> memref<40x128xf32, #tpu.memory_space<hbm>>
      %dma_wait3A_246 = arith.constant 160 : i32
      %dma_wait3A_247 = arith.constant 0 : i32
      %dma_wait3A_248 = tpu.memref_slice %arg8[%dma_wait3A_246, %dma_wait3A_247] : memref<200x128xf32, #tpu.memory_space<vmem>> -> memref<40x128xf32, #tpu.memory_space<vmem>>
      %dma_wait3A_249 = arith.constant 0 : i32
      %dma_wait3A_250 = arith.constant 0 : i32
      %dma_wait3A_251 = tpu.memref_slice %arg2[%dma_wait3A_249, %dma_wait3A_250] : memref<10000x128xf32, #tpu.memory_space<hbm>> -> memref<40x128xf32, #tpu.memory_space<hbm>>
      tpu.wait_dma2 semaphore(%arg10 : memref<!tpu.dma_semaphore, #tpu.memory_space<semaphore_mem>>) src(%dma_wait3A_251 : memref<40x128xf32, #tpu.memory_space<hbm>>) dst(%dma_wait3A_248 : memref<40x128xf32, #tpu.memory_space<vmem>>)
      %mul3A_252 = arith.constant 200 : i32
      %mul3A_253 = arith.muli %add3A_122, %mul3A_252 : i32
      %add3A_254 = arith.addi %mul3A_2, %mul3A_253 : i32
      %dma_start3A_255 = arith.constant 0 : i32
      %dma_start3A_256 = tpu.memref_slice %arg6[%add3A_254, %dma_start3A_255] : memref<192000x128xf32, #tpu.memory_space<hbm>> -> memref<200x128xf32, #tpu.memory_space<hbm>>
      %dma_start3A_257 = arith.constant 0 : i32
      %dma_start3A_258 = tpu.memref_slice %arg6[%add3A_254, %dma_start3A_257] : memref<192000x128xf32, #tpu.memory_space<hbm>> -> memref<200x128xf32, #tpu.memory_space<hbm>>
      tpu.enqueue_dma source(%arg8 : memref<200x128xf32, #tpu.memory_space<vmem>>) target(%dma_start3A_258 : memref<200x128xf32, #tpu.memory_space<hbm>>) target_semaphore(%arg12 : memref<!tpu.dma_semaphore, #tpu.memory_space<semaphore_mem>>)
      %add3A_259 = arith.constant 1 : i32
      %add3A_260 = arith.addi %add3A_122, %add3A_259 : i32
      %add3A_261 = arith.constant 2 : i32
      %add3A_262 = arith.addi %add3A_122, %add3A_261 : i32
      %lt3A = arith.constant 30 : i32
      %lt3A_263 = arith.cmpi slt, %add3A_262, %lt3A : i32
      %ge3A_264 = arith.constant 1 : i32
      %ge3A_265 = arith.cmpi sge, %add3A_260, %ge3A_264 : i32
      %convert_element_type3A_266 = arith.extui %ge3A_265 : i1 to i32
      %cond3A_267 = arith.constant 0 : i32
      %cond3A_268 = arith.cmpi ne, %convert_element_type3A_266, %cond3A_267 : i32
      scf.if %cond3A_268 {
        %dma_wait3A_339 = arith.constant 0 : i32
        %dma_wait3A_340 = tpu.memref_slice %arg6[%mul3A_2, %dma_wait3A_339] : memref<192000x128xf32, #tpu.memory_space<hbm>> -> memref<200x128xf32, #tpu.memory_space<hbm>>
        %dma_wait3A_341 = arith.constant 0 : i32
        %dma_wait3A_342 = tpu.memref_slice %arg6[%mul3A_2, %dma_wait3A_341] : memref<192000x128xf32, #tpu.memory_space<hbm>> -> memref<200x128xf32, #tpu.memory_space<hbm>>
        tpu.wait_dma2 semaphore(%arg12 : memref<!tpu.dma_semaphore, #tpu.memory_space<semaphore_mem>>) src(%arg8 : memref<200x128xf32, #tpu.memory_space<vmem>>) dst(%dma_wait3A_342 : memref<200x128xf32, #tpu.memory_space<hbm>>)
      } else {
      }
      %convert_element_type3A_269 = arith.extui %lt3A_263 : i1 to i32
      %cond3A_270 = arith.constant 0 : i32
      %cond3A_271 = arith.cmpi ne, %convert_element_type3A_269, %cond3A_270 : i32
      scf.if %cond3A_271 {
        %add3A_339 = arith.constant 1 : i32
        %add3A_340 = arith.addi %add3A_260, %add3A_339 : i32
        %mul3A_341 = arith.constant 5 : i32
        %mul3A_342 = arith.muli %add3A_340, %mul3A_341 : i32
        %add3A_343 = arith.constant 0 : i32
        %add3A_344 = arith.addi %mul3A_342, %add3A_343 : i32
        %dma_start3A_345 = arith.constant 0 : i32
        %dma_start3A_346 = arith.constant 0 : i32
        %dma_start3A_347 = tpu.memref_slice %arg8[%dma_start3A_345, %dma_start3A_346] : memref<200x128xf32, #tpu.memory_space<vmem>> -> memref<40x128xf32, #tpu.memory_space<vmem>>
        %dma_start3A_348 = arith.constant 0 : i32
        %dma_start3A_349 = tpu.memref_slice %arg7[%add3A_344, %dma_start3A_348] : memref<150x40xi32, #tpu.memory_space<vmem>> -> memref<1x40xi32, #tpu.memory_space<vmem>>
        %dma_start3A_350 = tpu.memref_squeeze %dma_start3A_349 : memref<1x40xi32, #tpu.memory_space<vmem>> -> memref<40xi32, #tpu.memory_space<vmem>>
        %dma_start3A_351 = arith.constant 0 : i32
        %dma_start3A_352 = arith.constant 0 : i32
        %dma_start3A_353 = tpu.memref_slice %arg2[%dma_start3A_351, %dma_start3A_352] : memref<10000x128xf32, #tpu.memory_space<hbm>> -> memref<10000x128xf32, #tpu.memory_space<hbm>>
        tpu.enqueue_indirect_dma source(%dma_start3A_353 : memref<10000x128xf32, #tpu.memory_space<hbm>>) target(%dma_start3A_347 : memref<40x128xf32, #tpu.memory_space<vmem>>) offsets(%dma_start3A_350 : memref<40xi32, #tpu.memory_space<vmem>>) semaphore(%arg10 : memref<!tpu.dma_semaphore, #tpu.memory_space<semaphore_mem>>)
        %mul3A_354 = arith.constant 5 : i32
        %mul3A_355 = arith.muli %add3A_340, %mul3A_354 : i32
        %add3A_356 = arith.constant 1 : i32
        %add3A_357 = arith.addi %mul3A_355, %add3A_356 : i32
        %dma_start3A_358 = arith.constant 40 : i32
        %dma_start3A_359 = arith.constant 0 : i32
        %dma_start3A_360 = tpu.memref_slice %arg8[%dma_start3A_358, %dma_start3A_359] : memref<200x128xf32, #tpu.memory_space<vmem>> -> memref<40x128xf32, #tpu.memory_space<vmem>>
        %dma_start3A_361 = arith.constant 0 : i32
        %dma_start3A_362 = tpu.memref_slice %arg7[%add3A_357, %dma_start3A_361] : memref<150x40xi32, #tpu.memory_space<vmem>> -> memref<1x40xi32, #tpu.memory_space<vmem>>
        %dma_start3A_363 = tpu.memref_squeeze %dma_start3A_362 : memref<1x40xi32, #tpu.memory_space<vmem>> -> memref<40xi32, #tpu.memory_space<vmem>>
        %dma_start3A_364 = arith.constant 0 : i32
        %dma_start3A_365 = arith.constant 0 : i32
        %dma_start3A_366 = tpu.memref_slice %arg2[%dma_start3A_364, %dma_start3A_365] : memref<10000x128xf32, #tpu.memory_space<hbm>> -> memref<10000x128xf32, #tpu.memory_space<hbm>>
        tpu.enqueue_indirect_dma source(%dma_start3A_366 : memref<10000x128xf32, #tpu.memory_space<hbm>>) target(%dma_start3A_360 : memref<40x128xf32, #tpu.memory_space<vmem>>) offsets(%dma_start3A_363 : memref<40xi32, #tpu.memory_space<vmem>>) semaphore(%arg10 : memref<!tpu.dma_semaphore, #tpu.memory_space<semaphore_mem>>)
        %mul3A_367 = arith.constant 5 : i32
        %mul3A_368 = arith.muli %add3A_340, %mul3A_367 : i32
        %add3A_369 = arith.constant 2 : i32
        %add3A_370 = arith.addi %mul3A_368, %add3A_369 : i32
        %dma_start3A_371 = arith.constant 80 : i32
        %dma_start3A_372 = arith.constant 0 : i32
        %dma_start3A_373 = tpu.memref_slice %arg8[%dma_start3A_371, %dma_start3A_372] : memref<200x128xf32, #tpu.memory_space<vmem>> -> memref<40x128xf32, #tpu.memory_space<vmem>>
        %dma_start3A_374 = arith.constant 0 : i32
        %dma_start3A_375 = tpu.memref_slice %arg7[%add3A_370, %dma_start3A_374] : memref<150x40xi32, #tpu.memory_space<vmem>> -> memref<1x40xi32, #tpu.memory_space<vmem>>
        %dma_start3A_376 = tpu.memref_squeeze %dma_start3A_375 : memref<1x40xi32, #tpu.memory_space<vmem>> -> memref<40xi32, #tpu.memory_space<vmem>>
        %dma_start3A_377 = arith.constant 0 : i32
        %dma_start3A_378 = arith.constant 0 : i32
        %dma_start3A_379 = tpu.memref_slice %arg2[%dma_start3A_377, %dma_start3A_378] : memref<10000x128xf32, #tpu.memory_space<hbm>> -> memref<10000x128xf32, #tpu.memory_space<hbm>>
        tpu.enqueue_indirect_dma source(%dma_start3A_379 : memref<10000x128xf32, #tpu.memory_space<hbm>>) target(%dma_start3A_373 : memref<40x128xf32, #tpu.memory_space<vmem>>) offsets(%dma_start3A_376 : memref<40xi32, #tpu.memory_space<vmem>>) semaphore(%arg10 : memref<!tpu.dma_semaphore, #tpu.memory_space<semaphore_mem>>)
        %mul3A_380 = arith.constant 5 : i32
        %mul3A_381 = arith.muli %add3A_340, %mul3A_380 : i32
        %add3A_382 = arith.constant 3 : i32
        %add3A_383 = arith.addi %mul3A_381, %add3A_382 : i32
        %dma_start3A_384 = arith.constant 120 : i32
        %dma_start3A_385 = arith.constant 0 : i32
        %dma_start3A_386 = tpu.memref_slice %arg8[%dma_start3A_384, %dma_start3A_385] : memref<200x128xf32, #tpu.memory_space<vmem>> -> memref<40x128xf32, #tpu.memory_space<vmem>>
        %dma_start3A_387 = arith.constant 0 : i32
        %dma_start3A_388 = tpu.memref_slice %arg7[%add3A_383, %dma_start3A_387] : memref<150x40xi32, #tpu.memory_space<vmem>> -> memref<1x40xi32, #tpu.memory_space<vmem>>
        %dma_start3A_389 = tpu.memref_squeeze %dma_start3A_388 : memref<1x40xi32, #tpu.memory_space<vmem>> -> memref<40xi32, #tpu.memory_space<vmem>>
        %dma_start3A_390 = arith.constant 0 : i32
        %dma_start3A_391 = arith.constant 0 : i32
        %dma_start3A_392 = tpu.memref_slice %arg2[%dma_start3A_390, %dma_start3A_391] : memref<10000x128xf32, #tpu.memory_space<hbm>> -> memref<10000x128xf32, #tpu.memory_space<hbm>>
        tpu.enqueue_indirect_dma source(%dma_start3A_392 : memref<10000x128xf32, #tpu.memory_space<hbm>>) target(%dma_start3A_386 : memref<40x128xf32, #tpu.memory_space<vmem>>) offsets(%dma_start3A_389 : memref<40xi32, #tpu.memory_space<vmem>>) semaphore(%arg10 : memref<!tpu.dma_semaphore, #tpu.memory_space<semaphore_mem>>)
        %mul3A_393 = arith.constant 5 : i32
        %mul3A_394 = arith.muli %add3A_340, %mul3A_393 : i32
        %add3A_395 = arith.constant 4 : i32
        %add3A_396 = arith.addi %mul3A_394, %add3A_395 : i32
        %dma_start3A_397 = arith.constant 160 : i32
        %dma_start3A_398 = arith.constant 0 : i32
        %dma_start3A_399 = tpu.memref_slice %arg8[%dma_start3A_397, %dma_start3A_398] : memref<200x128xf32, #tpu.memory_space<vmem>> -> memref<40x128xf32, #tpu.memory_space<vmem>>
        %dma_start3A_400 = arith.constant 0 : i32
        %dma_start3A_401 = tpu.memref_slice %arg7[%add3A_396, %dma_start3A_400] : memref<150x40xi32, #tpu.memory_space<vmem>> -> memref<1x40xi32, #tpu.memory_space<vmem>>
        %dma_start3A_402 = tpu.memref_squeeze %dma_start3A_401 : memref<1x40xi32, #tpu.memory_space<vmem>> -> memref<40xi32, #tpu.memory_space<vmem>>
        %dma_start3A_403 = arith.constant 0 : i32
        %dma_start3A_404 = arith.constant 0 : i32
        %dma_start3A_405 = tpu.memref_slice %arg2[%dma_start3A_403, %dma_start3A_404] : memref<10000x128xf32, #tpu.memory_space<hbm>> -> memref<10000x128xf32, #tpu.memory_space<hbm>>
        tpu.enqueue_indirect_dma source(%dma_start3A_405 : memref<10000x128xf32, #tpu.memory_space<hbm>>) target(%dma_start3A_399 : memref<40x128xf32, #tpu.memory_space<vmem>>) offsets(%dma_start3A_402 : memref<40xi32, #tpu.memory_space<vmem>>) semaphore(%arg10 : memref<!tpu.dma_semaphore, #tpu.memory_space<semaphore_mem>>)
      } else {
      }
      %dma_wait3A_272 = arith.constant 0 : i32
      %dma_wait3A_273 = arith.constant 0 : i32
      %dma_wait3A_274 = tpu.memref_slice %arg9[%dma_wait3A_272, %dma_wait3A_273] : memref<200x128xf32, #tpu.memory_space<vmem>> -> memref<40x128xf32, #tpu.memory_space<vmem>>
      %dma_wait3A_275 = arith.constant 0 : i32
      %dma_wait3A_276 = arith.constant 0 : i32
      %dma_wait3A_277 = tpu.memref_slice %arg2[%dma_wait3A_275, %dma_wait3A_276] : memref<10000x128xf32, #tpu.memory_space<hbm>> -> memref<40x128xf32, #tpu.memory_space<hbm>>
      %dma_wait3A_278 = arith.constant 0 : i32
      %dma_wait3A_279 = arith.constant 0 : i32
      %dma_wait3A_280 = tpu.memref_slice %arg9[%dma_wait3A_278, %dma_wait3A_279] : memref<200x128xf32, #tpu.memory_space<vmem>> -> memref<40x128xf32, #tpu.memory_space<vmem>>
      %dma_wait3A_281 = arith.constant 0 : i32
      %dma_wait3A_282 = arith.constant 0 : i32
      %dma_wait3A_283 = tpu.memref_slice %arg2[%dma_wait3A_281, %dma_wait3A_282] : memref<10000x128xf32, #tpu.memory_space<hbm>> -> memref<40x128xf32, #tpu.memory_space<hbm>>
      tpu.wait_dma2 semaphore(%arg11 : memref<!tpu.dma_semaphore, #tpu.memory_space<semaphore_mem>>) src(%dma_wait3A_283 : memref<40x128xf32, #tpu.memory_space<hbm>>) dst(%dma_wait3A_280 : memref<40x128xf32, #tpu.memory_space<vmem>>)
      %dma_wait3A_284 = arith.constant 40 : i32
      %dma_wait3A_285 = arith.constant 0 : i32
      %dma_wait3A_286 = tpu.memref_slice %arg9[%dma_wait3A_284, %dma_wait3A_285] : memref<200x128xf32, #tpu.memory_space<vmem>> -> memref<40x128xf32, #tpu.memory_space<vmem>>
      %dma_wait3A_287 = arith.constant 0 : i32
      %dma_wait3A_288 = arith.constant 0 : i32
      %dma_wait3A_289 = tpu.memref_slice %arg2[%dma_wait3A_287, %dma_wait3A_288] : memref<10000x128xf32, #tpu.memory_space<hbm>> -> memref<40x128xf32, #tpu.memory_space<hbm>>
      %dma_wait3A_290 = arith.constant 40 : i32
      %dma_wait3A_291 = arith.constant 0 : i32
      %dma_wait3A_292 = tpu.memref_slice %arg9[%dma_wait3A_290, %dma_wait3A_291] : memref<200x128xf32, #tpu.memory_space<vmem>> -> memref<40x128xf32, #tpu.memory_space<vmem>>
      %dma_wait3A_293 = arith.constant 0 : i32
      %dma_wait3A_294 = arith.constant 0 : i32
      %dma_wait3A_295 = tpu.memref_slice %arg2[%dma_wait3A_293, %dma_wait3A_294] : memref<10000x128xf32, #tpu.memory_space<hbm>> -> memref<40x128xf32, #tpu.memory_space<hbm>>
      tpu.wait_dma2 semaphore(%arg11 : memref<!tpu.dma_semaphore, #tpu.memory_space<semaphore_mem>>) src(%dma_wait3A_295 : memref<40x128xf32, #tpu.memory_space<hbm>>) dst(%dma_wait3A_292 : memref<40x128xf32, #tpu.memory_space<vmem>>)
      %dma_wait3A_296 = arith.constant 80 : i32
      %dma_wait3A_297 = arith.constant 0 : i32
      %dma_wait3A_298 = tpu.memref_slice %arg9[%dma_wait3A_296, %dma_wait3A_297] : memref<200x128xf32, #tpu.memory_space<vmem>> -> memref<40x128xf32, #tpu.memory_space<vmem>>
      %dma_wait3A_299 = arith.constant 0 : i32
      %dma_wait3A_300 = arith.constant 0 : i32
      %dma_wait3A_301 = tpu.memref_slice %arg2[%dma_wait3A_299, %dma_wait3A_300] : memref<10000x128xf32, #tpu.memory_space<hbm>> -> memref<40x128xf32, #tpu.memory_space<hbm>>
      %dma_wait3A_302 = arith.constant 80 : i32
      %dma_wait3A_303 = arith.constant 0 : i32
      %dma_wait3A_304 = tpu.memref_slice %arg9[%dma_wait3A_302, %dma_wait3A_303] : memref<200x128xf32, #tpu.memory_space<vmem>> -> memref<40x128xf32, #tpu.memory_space<vmem>>
      %dma_wait3A_305 = arith.constant 0 : i32
      %dma_wait3A_306 = arith.constant 0 : i32
      %dma_wait3A_307 = tpu.memref_slice %arg2[%dma_wait3A_305, %dma_wait3A_306] : memref<10000x128xf32, #tpu.memory_space<hbm>> -> memref<40x128xf32, #tpu.memory_space<hbm>>
      tpu.wait_dma2 semaphore(%arg11 : memref<!tpu.dma_semaphore, #tpu.memory_space<semaphore_mem>>) src(%dma_wait3A_307 : memref<40x128xf32, #tpu.memory_space<hbm>>) dst(%dma_wait3A_304 : memref<40x128xf32, #tpu.memory_space<vmem>>)
      %dma_wait3A_308 = arith.constant 120 : i32
      %dma_wait3A_309 = arith.constant 0 : i32
      %dma_wait3A_310 = tpu.memref_slice %arg9[%dma_wait3A_308, %dma_wait3A_309] : memref<200x128xf32, #tpu.memory_space<vmem>> -> memref<40x128xf32, #tpu.memory_space<vmem>>
      %dma_wait3A_311 = arith.constant 0 : i32
      %dma_wait3A_312 = arith.constant 0 : i32
      %dma_wait3A_313 = tpu.memref_slice %arg2[%dma_wait3A_311, %dma_wait3A_312] : memref<10000x128xf32, #tpu.memory_space<hbm>> -> memref<40x128xf32, #tpu.memory_space<hbm>>
      %dma_wait3A_314 = arith.constant 120 : i32
      %dma_wait3A_315 = arith.constant 0 : i32
      %dma_wait3A_316 = tpu.memref_slice %arg9[%dma_wait3A_314, %dma_wait3A_315] : memref<200x128xf32, #tpu.memory_space<vmem>> -> memref<40x128xf32, #tpu.memory_space<vmem>>
      %dma_wait3A_317 = arith.constant 0 : i32
      %dma_wait3A_318 = arith.constant 0 : i32
      %dma_wait3A_319 = tpu.memref_slice %arg2[%dma_wait3A_317, %dma_wait3A_318] : memref<10000x128xf32, #tpu.memory_space<hbm>> -> memref<40x128xf32, #tpu.memory_space<hbm>>
      tpu.wait_dma2 semaphore(%arg11 : memref<!tpu.dma_semaphore, #tpu.memory_space<semaphore_mem>>) src(%dma_wait3A_319 : memref<40x128xf32, #tpu.memory_space<hbm>>) dst(%dma_wait3A_316 : memref<40x128xf32, #tpu.memory_space<vmem>>)
      %dma_wait3A_320 = arith.constant 160 : i32
      %dma_wait3A_321 = arith.constant 0 : i32
      %dma_wait3A_322 = tpu.memref_slice %arg9[%dma_wait3A_320, %dma_wait3A_321] : memref<200x128xf32, #tpu.memory_space<vmem>> -> memref<40x128xf32, #tpu.memory_space<vmem>>
      %dma_wait3A_323 = arith.constant 0 : i32
      %dma_wait3A_324 = arith.constant 0 : i32
      %dma_wait3A_325 = tpu.memref_slice %arg2[%dma_wait3A_323, %dma_wait3A_324] : memref<10000x128xf32, #tpu.memory_space<hbm>> -> memref<40x128xf32, #tpu.memory_space<hbm>>
      %dma_wait3A_326 = arith.constant 160 : i32
      %dma_wait3A_327 = arith.constant 0 : i32
      %dma_wait3A_328 = tpu.memref_slice %arg9[%dma_wait3A_326, %dma_wait3A_327] : memref<200x128xf32, #tpu.memory_space<vmem>> -> memref<40x128xf32, #tpu.memory_space<vmem>>
      %dma_wait3A_329 = arith.constant 0 : i32
      %dma_wait3A_330 = arith.constant 0 : i32
      %dma_wait3A_331 = tpu.memref_slice %arg2[%dma_wait3A_329, %dma_wait3A_330] : memref<10000x128xf32, #tpu.memory_space<hbm>> -> memref<40x128xf32, #tpu.memory_space<hbm>>
      tpu.wait_dma2 semaphore(%arg11 : memref<!tpu.dma_semaphore, #tpu.memory_space<semaphore_mem>>) src(%dma_wait3A_331 : memref<40x128xf32, #tpu.memory_space<hbm>>) dst(%dma_wait3A_328 : memref<40x128xf32, #tpu.memory_space<vmem>>)
      %mul3A_332 = arith.constant 200 : i32
      %mul3A_333 = arith.muli %add3A_260, %mul3A_332 : i32
      %add3A_334 = arith.addi %mul3A_2, %mul3A_333 : i32
      %dma_start3A_335 = arith.constant 0 : i32
      %dma_start3A_336 = tpu.memref_slice %arg6[%add3A_334, %dma_start3A_335] : memref<192000x128xf32, #tpu.memory_space<hbm>> -> memref<200x128xf32, #tpu.memory_space<hbm>>
      %dma_start3A_337 = arith.constant 0 : i32
      %dma_start3A_338 = tpu.memref_slice %arg6[%add3A_334, %dma_start3A_337] : memref<192000x128xf32, #tpu.memory_space<hbm>> -> memref<200x128xf32, #tpu.memory_space<hbm>>
      tpu.enqueue_dma source(%arg9 : memref<200x128xf32, #tpu.memory_space<vmem>>) target(%dma_start3A_338 : memref<200x128xf32, #tpu.memory_space<hbm>>) target_semaphore(%arg13 : memref<!tpu.dma_semaphore, #tpu.memory_space<semaphore_mem>>)
    }
    %scan3A_113 = arith.constant 15 : i32
    %dma_wait3A_114 = arith.constant 0 : i32
    %dma_wait3A_115 = tpu.memref_slice %arg6[%mul3A_2, %dma_wait3A_114] : memref<192000x128xf32, #tpu.memory_space<hbm>> -> memref<200x128xf32, #tpu.memory_space<hbm>>
    %dma_wait3A_116 = arith.constant 0 : i32
    %dma_wait3A_117 = tpu.memref_slice %arg6[%mul3A_2, %dma_wait3A_116] : memref<192000x128xf32, #tpu.memory_space<hbm>> -> memref<200x128xf32, #tpu.memory_space<hbm>>
    tpu.wait_dma2 semaphore(%arg13 : memref<!tpu.dma_semaphore, #tpu.memory_space<semaphore_mem>>) src(%arg9 : memref<200x128xf32, #tpu.memory_space<vmem>>) dst(%dma_wait3A_117 : memref<200x128xf32, #tpu.memory_space<hbm>>)
    return
  }
}

#map = affine_map<(d0, d1) -> (0, 0)>
#map1 = affine_map<(d0, d1) -> (0, 0, 0)>
module attributes {stable_mosaic.version = 14 : i64} {
  func.func @gather(%arg0: i32, %arg1: i32, %arg2: memref<10000x128xf32, #tpu.memory_space<hbm>>, %arg3: memref<32x100x40xi32, #tpu.memory_space<hbm>>, %arg4: memref<32x100x40xi32, #tpu.memory_space<hbm>>, %arg5: memref<128000x128xf32, #tpu.memory_space<hbm>>, %arg6: memref<128000x128xf32, #tpu.memory_space<hbm>>, %arg7: memref<100x40xi32, #tpu.memory_space<vmem>>, %arg8: memref<200x128xf32, #tpu.memory_space<vmem>>, %arg9: memref<200x128xf32, #tpu.memory_space<vmem>>, %arg10: memref<!tpu.dma_semaphore, #tpu.memory_space<semaphore_mem>>, %arg11: memref<!tpu.dma_semaphore, #tpu.memory_space<semaphore_mem>>, %arg12: memref<!tpu.dma_semaphore, #tpu.memory_space<semaphore_mem>>, %arg13: memref<!tpu.dma_semaphore, #tpu.memory_space<semaphore_mem>>) attributes {dimension_semantics = [#tpu.dimension_semantics<core_parallel>, #tpu.dimension_semantics<subcore_parallel>], iteration_bounds = array<i64: 2, 16>, scalar_prefetch = 0 : i64, scratch_operands = 7 : i64, tpu.core_type = #tpu.core_type<sc_vector_subcore>, window_params = [{transform_indices = #map}, {transform_indices = #map1}, {transform_indices = #map1}, {transform_indices = #map}, {transform_indices = #map}]} {
    %mul3A = arith.constant 2 : i32
    %mul3A_0 = arith.muli %arg1, %mul3A : i32
    %add3A = arith.addi %mul3A_0, %arg0 : i32
    %mul3A_1 = arith.constant 4000 : i32
    %mul3A_2 = arith.muli %add3A, %mul3A_1 : i32
    "tpu.region"() ({
      %run_scoped3A = tpu.sem_alloc : memref<!tpu.dma_semaphore, #tpu.memory_space<semaphore_mem>>
      %dma_start3A_118 = arith.constant 0 : i32
      %dma_start3A_119 = arith.constant 0 : i32
      %dma_start3A_120 = tpu.memref_slice %arg3[%add3A, %dma_start3A_118, %dma_start3A_119] : memref<32x100x40xi32, #tpu.memory_space<hbm>> -> memref<1x100x40xi32, #tpu.memory_space<hbm>>
      %dma_start3A_121 = tpu.memref_squeeze %dma_start3A_120 : memref<1x100x40xi32, #tpu.memory_space<hbm>> -> memref<100x40xi32, #tpu.memory_space<hbm>>
      %dma_start3A_122 = arith.constant 0 : i32
      %dma_start3A_123 = arith.constant 0 : i32
      %dma_start3A_124 = tpu.memref_slice %arg3[%add3A, %dma_start3A_122, %dma_start3A_123] : memref<32x100x40xi32, #tpu.memory_space<hbm>> -> memref<1x100x40xi32, #tpu.memory_space<hbm>>
      %dma_start3A_125 = tpu.memref_squeeze %dma_start3A_124 : memref<1x100x40xi32, #tpu.memory_space<hbm>> -> memref<100x40xi32, #tpu.memory_space<hbm>>
      tpu.enqueue_dma source(%dma_start3A_125 : memref<100x40xi32, #tpu.memory_space<hbm>>) target(%arg7 : memref<100x40xi32, #tpu.memory_space<vmem>>) target_semaphore(%run_scoped3A : memref<!tpu.dma_semaphore, #tpu.memory_space<semaphore_mem>>)
      %dma_wait3A_126 = arith.constant 0 : i32
      %dma_wait3A_127 = arith.constant 0 : i32
      %dma_wait3A_128 = tpu.memref_slice %arg3[%add3A, %dma_wait3A_126, %dma_wait3A_127] : memref<32x100x40xi32, #tpu.memory_space<hbm>> -> memref<1x100x40xi32, #tpu.memory_space<hbm>>
      %dma_wait3A_129 = tpu.memref_squeeze %dma_wait3A_128 : memref<1x100x40xi32, #tpu.memory_space<hbm>> -> memref<100x40xi32, #tpu.memory_space<hbm>>
      %dma_wait3A_130 = arith.constant 0 : i32
      %dma_wait3A_131 = arith.constant 0 : i32
      %dma_wait3A_132 = tpu.memref_slice %arg3[%add3A, %dma_wait3A_130, %dma_wait3A_131] : memref<32x100x40xi32, #tpu.memory_space<hbm>> -> memref<1x100x40xi32, #tpu.memory_space<hbm>>
      %dma_wait3A_133 = tpu.memref_squeeze %dma_wait3A_132 : memref<1x100x40xi32, #tpu.memory_space<hbm>> -> memref<100x40xi32, #tpu.memory_space<hbm>>
      tpu.wait_dma2 semaphore(%run_scoped3A : memref<!tpu.dma_semaphore, #tpu.memory_space<semaphore_mem>>) src(%dma_wait3A_133 : memref<100x40xi32, #tpu.memory_space<hbm>>) dst(%arg7 : memref<100x40xi32, #tpu.memory_space<vmem>>)
      tpu.yield
    }) : () -> ()
    %dma_start3A = arith.constant 0 : i32
    %dma_start3A_3 = arith.constant 0 : i32
    %dma_start3A_4 = arith.constant 0 : i32
    %dma_start3A_5 = tpu.memref_slice %arg8[%dma_start3A_3, %dma_start3A_4] : memref<200x128xf32, #tpu.memory_space<vmem>> -> memref<40x128xf32, #tpu.memory_space<vmem>>
    %dma_start3A_6 = arith.constant 0 : i32
    %dma_start3A_7 = tpu.memref_slice %arg7[%dma_start3A, %dma_start3A_6] : memref<100x40xi32, #tpu.memory_space<vmem>> -> memref<1x40xi32, #tpu.memory_space<vmem>>
    %dma_start3A_8 = tpu.memref_squeeze %dma_start3A_7 : memref<1x40xi32, #tpu.memory_space<vmem>> -> memref<40xi32, #tpu.memory_space<vmem>>
    %dma_start3A_9 = arith.constant 0 : i32
    %dma_start3A_10 = arith.constant 0 : i32
    %dma_start3A_11 = tpu.memref_slice %arg2[%dma_start3A_9, %dma_start3A_10] : memref<10000x128xf32, #tpu.memory_space<hbm>> -> memref<10000x128xf32, #tpu.memory_space<hbm>>
    tpu.enqueue_indirect_dma source(%dma_start3A_11 : memref<10000x128xf32, #tpu.memory_space<hbm>>) target(%dma_start3A_5 : memref<40x128xf32, #tpu.memory_space<vmem>>) offsets(%dma_start3A_8 : memref<40xi32, #tpu.memory_space<vmem>>) semaphore(%arg10 : memref<!tpu.dma_semaphore, #tpu.memory_space<semaphore_mem>>)
    %dma_start3A_12 = arith.constant 1 : i32
    %dma_start3A_13 = arith.constant 40 : i32
    %dma_start3A_14 = arith.constant 0 : i32
    %dma_start3A_15 = tpu.memref_slice %arg8[%dma_start3A_13, %dma_start3A_14] : memref<200x128xf32, #tpu.memory_space<vmem>> -> memref<40x128xf32, #tpu.memory_space<vmem>>
    %dma_start3A_16 = arith.constant 0 : i32
    %dma_start3A_17 = tpu.memref_slice %arg7[%dma_start3A_12, %dma_start3A_16] : memref<100x40xi32, #tpu.memory_space<vmem>> -> memref<1x40xi32, #tpu.memory_space<vmem>>
    %dma_start3A_18 = tpu.memref_squeeze %dma_start3A_17 : memref<1x40xi32, #tpu.memory_space<vmem>> -> memref<40xi32, #tpu.memory_space<vmem>>
    %dma_start3A_19 = arith.constant 0 : i32
    %dma_start3A_20 = arith.constant 0 : i32
    %dma_start3A_21 = tpu.memref_slice %arg2[%dma_start3A_19, %dma_start3A_20] : memref<10000x128xf32, #tpu.memory_space<hbm>> -> memref<10000x128xf32, #tpu.memory_space<hbm>>
    tpu.enqueue_indirect_dma source(%dma_start3A_21 : memref<10000x128xf32, #tpu.memory_space<hbm>>) target(%dma_start3A_15 : memref<40x128xf32, #tpu.memory_space<vmem>>) offsets(%dma_start3A_18 : memref<40xi32, #tpu.memory_space<vmem>>) semaphore(%arg10 : memref<!tpu.dma_semaphore, #tpu.memory_space<semaphore_mem>>)
    %dma_start3A_22 = arith.constant 2 : i32
    %dma_start3A_23 = arith.constant 80 : i32
    %dma_start3A_24 = arith.constant 0 : i32
    %dma_start3A_25 = tpu.memref_slice %arg8[%dma_start3A_23, %dma_start3A_24] : memref<200x128xf32, #tpu.memory_space<vmem>> -> memref<40x128xf32, #tpu.memory_space<vmem>>
    %dma_start3A_26 = arith.constant 0 : i32
    %dma_start3A_27 = tpu.memref_slice %arg7[%dma_start3A_22, %dma_start3A_26] : memref<100x40xi32, #tpu.memory_space<vmem>> -> memref<1x40xi32, #tpu.memory_space<vmem>>
    %dma_start3A_28 = tpu.memref_squeeze %dma_start3A_27 : memref<1x40xi32, #tpu.memory_space<vmem>> -> memref<40xi32, #tpu.memory_space<vmem>>
    %dma_start3A_29 = arith.constant 0 : i32
    %dma_start3A_30 = arith.constant 0 : i32
    %dma_start3A_31 = tpu.memref_slice %arg2[%dma_start3A_29, %dma_start3A_30] : memref<10000x128xf32, #tpu.memory_space<hbm>> -> memref<10000x128xf32, #tpu.memory_space<hbm>>
    tpu.enqueue_indirect_dma source(%dma_start3A_31 : memref<10000x128xf32, #tpu.memory_space<hbm>>) target(%dma_start3A_25 : memref<40x128xf32, #tpu.memory_space<vmem>>) offsets(%dma_start3A_28 : memref<40xi32, #tpu.memory_space<vmem>>) semaphore(%arg10 : memref<!tpu.dma_semaphore, #tpu.memory_space<semaphore_mem>>)
    %dma_start3A_32 = arith.constant 3 : i32
    %dma_start3A_33 = arith.constant 120 : i32
    %dma_start3A_34 = arith.constant 0 : i32
    %dma_start3A_35 = tpu.memref_slice %arg8[%dma_start3A_33, %dma_start3A_34] : memref<200x128xf32, #tpu.memory_space<vmem>> -> memref<40x128xf32, #tpu.memory_space<vmem>>
    %dma_start3A_36 = arith.constant 0 : i32
    %dma_start3A_37 = tpu.memref_slice %arg7[%dma_start3A_32, %dma_start3A_36] : memref<100x40xi32, #tpu.memory_space<vmem>> -> memref<1x40xi32, #tpu.memory_space<vmem>>
    %dma_start3A_38 = tpu.memref_squeeze %dma_start3A_37 : memref<1x40xi32, #tpu.memory_space<vmem>> -> memref<40xi32, #tpu.memory_space<vmem>>
    %dma_start3A_39 = arith.constant 0 : i32
    %dma_start3A_40 = arith.constant 0 : i32
    %dma_start3A_41 = tpu.memref_slice %arg2[%dma_start3A_39, %dma_start3A_40] : memref<10000x128xf32, #tpu.memory_space<hbm>> -> memref<10000x128xf32, #tpu.memory_space<hbm>>
    tpu.enqueue_indirect_dma source(%dma_start3A_41 : memref<10000x128xf32, #tpu.memory_space<hbm>>) target(%dma_start3A_35 : memref<40x128xf32, #tpu.memory_space<vmem>>) offsets(%dma_start3A_38 : memref<40xi32, #tpu.memory_space<vmem>>) semaphore(%arg10 : memref<!tpu.dma_semaphore, #tpu.memory_space<semaphore_mem>>)
    %dma_start3A_42 = arith.constant 4 : i32
    %dma_start3A_43 = arith.constant 160 : i32
    %dma_start3A_44 = arith.constant 0 : i32
    %dma_start3A_45 = tpu.memref_slice %arg8[%dma_start3A_43, %dma_start3A_44] : memref<200x128xf32, #tpu.memory_space<vmem>> -> memref<40x128xf32, #tpu.memory_space<vmem>>
    %dma_start3A_46 = arith.constant 0 : i32
    %dma_start3A_47 = tpu.memref_slice %arg7[%dma_start3A_42, %dma_start3A_46] : memref<100x40xi32, #tpu.memory_space<vmem>> -> memref<1x40xi32, #tpu.memory_space<vmem>>
    %dma_start3A_48 = tpu.memref_squeeze %dma_start3A_47 : memref<1x40xi32, #tpu.memory_space<vmem>> -> memref<40xi32, #tpu.memory_space<vmem>>
    %dma_start3A_49 = arith.constant 0 : i32
    %dma_start3A_50 = arith.constant 0 : i32
    %dma_start3A_51 = tpu.memref_slice %arg2[%dma_start3A_49, %dma_start3A_50] : memref<10000x128xf32, #tpu.memory_space<hbm>> -> memref<10000x128xf32, #tpu.memory_space<hbm>>
    tpu.enqueue_indirect_dma source(%dma_start3A_51 : memref<10000x128xf32, #tpu.memory_space<hbm>>) target(%dma_start3A_45 : memref<40x128xf32, #tpu.memory_space<vmem>>) offsets(%dma_start3A_48 : memref<40xi32, #tpu.memory_space<vmem>>) semaphore(%arg10 : memref<!tpu.dma_semaphore, #tpu.memory_space<semaphore_mem>>)
    %scan3A = arith.constant 0 : i32
    %scan3A_52 = arith.constant 10 : i32
    %scan3A_53 = arith.addi %scan3A, %scan3A_52 : i32
    %scan3A_54 = arith.constant 1 : i32
    scf.for %scan3A_118 = %scan3A to %scan3A_53 step %scan3A_54  : i32 {
      %mul3A_119 = arith.constant 2 : i32
      %mul3A_120 = arith.muli %scan3A_118, %mul3A_119 : i32
      %add3A_121 = arith.constant 0 : i32
      %add3A_122 = arith.addi %add3A_121, %mul3A_120 : i32
      %ge3A = arith.constant 1 : i32
      %ge3A_123 = arith.cmpi sge, %add3A_122, %ge3A : i32
      %convert_element_type3A = arith.extui %ge3A_123 : i1 to i32
      %cond3A = arith.constant 0 : i32
      %cond3A_124 = arith.cmpi ne, %convert_element_type3A, %cond3A : i32
      scf.if %cond3A_124 {
        %dma_wait3A_339 = arith.constant 0 : i32
        %dma_wait3A_340 = tpu.memref_slice %arg5[%mul3A_2, %dma_wait3A_339] : memref<128000x128xf32, #tpu.memory_space<hbm>> -> memref<200x128xf32, #tpu.memory_space<hbm>>
        %dma_wait3A_341 = arith.constant 0 : i32
        %dma_wait3A_342 = tpu.memref_slice %arg5[%mul3A_2, %dma_wait3A_341] : memref<128000x128xf32, #tpu.memory_space<hbm>> -> memref<200x128xf32, #tpu.memory_space<hbm>>
        tpu.wait_dma2 semaphore(%arg13 : memref<!tpu.dma_semaphore, #tpu.memory_space<semaphore_mem>>) src(%arg9 : memref<200x128xf32, #tpu.memory_space<vmem>>) dst(%dma_wait3A_342 : memref<200x128xf32, #tpu.memory_space<hbm>>)
      } else {
      }
      %add3A_125 = arith.constant 1 : i32
      %add3A_126 = arith.addi %add3A_122, %add3A_125 : i32
      %mul3A_127 = arith.constant 5 : i32
      %mul3A_128 = arith.muli %add3A_126, %mul3A_127 : i32
      %add3A_129 = arith.constant 0 : i32
      %add3A_130 = arith.addi %mul3A_128, %add3A_129 : i32
      %dma_start3A_131 = arith.constant 0 : i32
      %dma_start3A_132 = arith.constant 0 : i32
      %dma_start3A_133 = tpu.memref_slice %arg9[%dma_start3A_131, %dma_start3A_132] : memref<200x128xf32, #tpu.memory_space<vmem>> -> memref<40x128xf32, #tpu.memory_space<vmem>>
      %dma_start3A_134 = arith.constant 0 : i32
      %dma_start3A_135 = tpu.memref_slice %arg7[%add3A_130, %dma_start3A_134] : memref<100x40xi32, #tpu.memory_space<vmem>> -> memref<1x40xi32, #tpu.memory_space<vmem>>
      %dma_start3A_136 = tpu.memref_squeeze %dma_start3A_135 : memref<1x40xi32, #tpu.memory_space<vmem>> -> memref<40xi32, #tpu.memory_space<vmem>>
      %dma_start3A_137 = arith.constant 0 : i32
      %dma_start3A_138 = arith.constant 0 : i32
      %dma_start3A_139 = tpu.memref_slice %arg2[%dma_start3A_137, %dma_start3A_138] : memref<10000x128xf32, #tpu.memory_space<hbm>> -> memref<10000x128xf32, #tpu.memory_space<hbm>>
      tpu.enqueue_indirect_dma source(%dma_start3A_139 : memref<10000x128xf32, #tpu.memory_space<hbm>>) target(%dma_start3A_133 : memref<40x128xf32, #tpu.memory_space<vmem>>) offsets(%dma_start3A_136 : memref<40xi32, #tpu.memory_space<vmem>>) semaphore(%arg11 : memref<!tpu.dma_semaphore, #tpu.memory_space<semaphore_mem>>)
      %mul3A_140 = arith.constant 5 : i32
      %mul3A_141 = arith.muli %add3A_126, %mul3A_140 : i32
      %add3A_142 = arith.constant 1 : i32
      %add3A_143 = arith.addi %mul3A_141, %add3A_142 : i32
      %dma_start3A_144 = arith.constant 40 : i32
      %dma_start3A_145 = arith.constant 0 : i32
      %dma_start3A_146 = tpu.memref_slice %arg9[%dma_start3A_144, %dma_start3A_145] : memref<200x128xf32, #tpu.memory_space<vmem>> -> memref<40x128xf32, #tpu.memory_space<vmem>>
      %dma_start3A_147 = arith.constant 0 : i32
      %dma_start3A_148 = tpu.memref_slice %arg7[%add3A_143, %dma_start3A_147] : memref<100x40xi32, #tpu.memory_space<vmem>> -> memref<1x40xi32, #tpu.memory_space<vmem>>
      %dma_start3A_149 = tpu.memref_squeeze %dma_start3A_148 : memref<1x40xi32, #tpu.memory_space<vmem>> -> memref<40xi32, #tpu.memory_space<vmem>>
      %dma_start3A_150 = arith.constant 0 : i32
      %dma_start3A_151 = arith.constant 0 : i32
      %dma_start3A_152 = tpu.memref_slice %arg2[%dma_start3A_150, %dma_start3A_151] : memref<10000x128xf32, #tpu.memory_space<hbm>> -> memref<10000x128xf32, #tpu.memory_space<hbm>>
      tpu.enqueue_indirect_dma source(%dma_start3A_152 : memref<10000x128xf32, #tpu.memory_space<hbm>>) target(%dma_start3A_146 : memref<40x128xf32, #tpu.memory_space<vmem>>) offsets(%dma_start3A_149 : memref<40xi32, #tpu.memory_space<vmem>>) semaphore(%arg11 : memref<!tpu.dma_semaphore, #tpu.memory_space<semaphore_mem>>)
      %mul3A_153 = arith.constant 5 : i32
      %mul3A_154 = arith.muli %add3A_126, %mul3A_153 : i32
      %add3A_155 = arith.constant 2 : i32
      %add3A_156 = arith.addi %mul3A_154, %add3A_155 : i32
      %dma_start3A_157 = arith.constant 80 : i32
      %dma_start3A_158 = arith.constant 0 : i32
      %dma_start3A_159 = tpu.memref_slice %arg9[%dma_start3A_157, %dma_start3A_158] : memref<200x128xf32, #tpu.memory_space<vmem>> -> memref<40x128xf32, #tpu.memory_space<vmem>>
      %dma_start3A_160 = arith.constant 0 : i32
      %dma_start3A_161 = tpu.memref_slice %arg7[%add3A_156, %dma_start3A_160] : memref<100x40xi32, #tpu.memory_space<vmem>> -> memref<1x40xi32, #tpu.memory_space<vmem>>
      %dma_start3A_162 = tpu.memref_squeeze %dma_start3A_161 : memref<1x40xi32, #tpu.memory_space<vmem>> -> memref<40xi32, #tpu.memory_space<vmem>>
      %dma_start3A_163 = arith.constant 0 : i32
      %dma_start3A_164 = arith.constant 0 : i32
      %dma_start3A_165 = tpu.memref_slice %arg2[%dma_start3A_163, %dma_start3A_164] : memref<10000x128xf32, #tpu.memory_space<hbm>> -> memref<10000x128xf32, #tpu.memory_space<hbm>>
      tpu.enqueue_indirect_dma source(%dma_start3A_165 : memref<10000x128xf32, #tpu.memory_space<hbm>>) target(%dma_start3A_159 : memref<40x128xf32, #tpu.memory_space<vmem>>) offsets(%dma_start3A_162 : memref<40xi32, #tpu.memory_space<vmem>>) semaphore(%arg11 : memref<!tpu.dma_semaphore, #tpu.memory_space<semaphore_mem>>)
      %mul3A_166 = arith.constant 5 : i32
      %mul3A_167 = arith.muli %add3A_126, %mul3A_166 : i32
      %add3A_168 = arith.constant 3 : i32
      %add3A_169 = arith.addi %mul3A_167, %add3A_168 : i32
      %dma_start3A_170 = arith.constant 120 : i32
      %dma_start3A_171 = arith.constant 0 : i32
      %dma_start3A_172 = tpu.memref_slice %arg9[%dma_start3A_170, %dma_start3A_171] : memref<200x128xf32, #tpu.memory_space<vmem>> -> memref<40x128xf32, #tpu.memory_space<vmem>>
      %dma_start3A_173 = arith.constant 0 : i32
      %dma_start3A_174 = tpu.memref_slice %arg7[%add3A_169, %dma_start3A_173] : memref<100x40xi32, #tpu.memory_space<vmem>> -> memref<1x40xi32, #tpu.memory_space<vmem>>
      %dma_start3A_175 = tpu.memref_squeeze %dma_start3A_174 : memref<1x40xi32, #tpu.memory_space<vmem>> -> memref<40xi32, #tpu.memory_space<vmem>>
      %dma_start3A_176 = arith.constant 0 : i32
      %dma_start3A_177 = arith.constant 0 : i32
      %dma_start3A_178 = tpu.memref_slice %arg2[%dma_start3A_176, %dma_start3A_177] : memref<10000x128xf32, #tpu.memory_space<hbm>> -> memref<10000x128xf32, #tpu.memory_space<hbm>>
      tpu.enqueue_indirect_dma source(%dma_start3A_178 : memref<10000x128xf32, #tpu.memory_space<hbm>>) target(%dma_start3A_172 : memref<40x128xf32, #tpu.memory_space<vmem>>) offsets(%dma_start3A_175 : memref<40xi32, #tpu.memory_space<vmem>>) semaphore(%arg11 : memref<!tpu.dma_semaphore, #tpu.memory_space<semaphore_mem>>)
      %mul3A_179 = arith.constant 5 : i32
      %mul3A_180 = arith.muli %add3A_126, %mul3A_179 : i32
      %add3A_181 = arith.constant 4 : i32
      %add3A_182 = arith.addi %mul3A_180, %add3A_181 : i32
      %dma_start3A_183 = arith.constant 160 : i32
      %dma_start3A_184 = arith.constant 0 : i32
      %dma_start3A_185 = tpu.memref_slice %arg9[%dma_start3A_183, %dma_start3A_184] : memref<200x128xf32, #tpu.memory_space<vmem>> -> memref<40x128xf32, #tpu.memory_space<vmem>>
      %dma_start3A_186 = arith.constant 0 : i32
      %dma_start3A_187 = tpu.memref_slice %arg7[%add3A_182, %dma_start3A_186] : memref<100x40xi32, #tpu.memory_space<vmem>> -> memref<1x40xi32, #tpu.memory_space<vmem>>
      %dma_start3A_188 = tpu.memref_squeeze %dma_start3A_187 : memref<1x40xi32, #tpu.memory_space<vmem>> -> memref<40xi32, #tpu.memory_space<vmem>>
      %dma_start3A_189 = arith.constant 0 : i32
      %dma_start3A_190 = arith.constant 0 : i32
      %dma_start3A_191 = tpu.memref_slice %arg2[%dma_start3A_189, %dma_start3A_190] : memref<10000x128xf32, #tpu.memory_space<hbm>> -> memref<10000x128xf32, #tpu.memory_space<hbm>>
      tpu.enqueue_indirect_dma source(%dma_start3A_191 : memref<10000x128xf32, #tpu.memory_space<hbm>>) target(%dma_start3A_185 : memref<40x128xf32, #tpu.memory_space<vmem>>) offsets(%dma_start3A_188 : memref<40xi32, #tpu.memory_space<vmem>>) semaphore(%arg11 : memref<!tpu.dma_semaphore, #tpu.memory_space<semaphore_mem>>)
      %dma_wait3A_192 = arith.constant 0 : i32
      %dma_wait3A_193 = arith.constant 0 : i32
      %dma_wait3A_194 = tpu.memref_slice %arg8[%dma_wait3A_192, %dma_wait3A_193] : memref<200x128xf32, #tpu.memory_space<vmem>> -> memref<40x128xf32, #tpu.memory_space<vmem>>
      %dma_wait3A_195 = arith.constant 0 : i32
      %dma_wait3A_196 = arith.constant 0 : i32
      %dma_wait3A_197 = tpu.memref_slice %arg2[%dma_wait3A_195, %dma_wait3A_196] : memref<10000x128xf32, #tpu.memory_space<hbm>> -> memref<40x128xf32, #tpu.memory_space<hbm>>
      %dma_wait3A_198 = arith.constant 0 : i32
      %dma_wait3A_199 = arith.constant 0 : i32
      %dma_wait3A_200 = tpu.memref_slice %arg8[%dma_wait3A_198, %dma_wait3A_199] : memref<200x128xf32, #tpu.memory_space<vmem>> -> memref<40x128xf32, #tpu.memory_space<vmem>>
      %dma_wait3A_201 = arith.constant 0 : i32
      %dma_wait3A_202 = arith.constant 0 : i32
      %dma_wait3A_203 = tpu.memref_slice %arg2[%dma_wait3A_201, %dma_wait3A_202] : memref<10000x128xf32, #tpu.memory_space<hbm>> -> memref<40x128xf32, #tpu.memory_space<hbm>>
      tpu.wait_dma2 semaphore(%arg10 : memref<!tpu.dma_semaphore, #tpu.memory_space<semaphore_mem>>) src(%dma_wait3A_203 : memref<40x128xf32, #tpu.memory_space<hbm>>) dst(%dma_wait3A_200 : memref<40x128xf32, #tpu.memory_space<vmem>>)
      %dma_wait3A_204 = arith.constant 40 : i32
      %dma_wait3A_205 = arith.constant 0 : i32
      %dma_wait3A_206 = tpu.memref_slice %arg8[%dma_wait3A_204, %dma_wait3A_205] : memref<200x128xf32, #tpu.memory_space<vmem>> -> memref<40x128xf32, #tpu.memory_space<vmem>>
      %dma_wait3A_207 = arith.constant 0 : i32
      %dma_wait3A_208 = arith.constant 0 : i32
      %dma_wait3A_209 = tpu.memref_slice %arg2[%dma_wait3A_207, %dma_wait3A_208] : memref<10000x128xf32, #tpu.memory_space<hbm>> -> memref<40x128xf32, #tpu.memory_space<hbm>>
      %dma_wait3A_210 = arith.constant 40 : i32
      %dma_wait3A_211 = arith.constant 0 : i32
      %dma_wait3A_212 = tpu.memref_slice %arg8[%dma_wait3A_210, %dma_wait3A_211] : memref<200x128xf32, #tpu.memory_space<vmem>> -> memref<40x128xf32, #tpu.memory_space<vmem>>
      %dma_wait3A_213 = arith.constant 0 : i32
      %dma_wait3A_214 = arith.constant 0 : i32
      %dma_wait3A_215 = tpu.memref_slice %arg2[%dma_wait3A_213, %dma_wait3A_214] : memref<10000x128xf32, #tpu.memory_space<hbm>> -> memref<40x128xf32, #tpu.memory_space<hbm>>
      tpu.wait_dma2 semaphore(%arg10 : memref<!tpu.dma_semaphore, #tpu.memory_space<semaphore_mem>>) src(%dma_wait3A_215 : memref<40x128xf32, #tpu.memory_space<hbm>>) dst(%dma_wait3A_212 : memref<40x128xf32, #tpu.memory_space<vmem>>)
      %dma_wait3A_216 = arith.constant 80 : i32
      %dma_wait3A_217 = arith.constant 0 : i32
      %dma_wait3A_218 = tpu.memref_slice %arg8[%dma_wait3A_216, %dma_wait3A_217] : memref<200x128xf32, #tpu.memory_space<vmem>> -> memref<40x128xf32, #tpu.memory_space<vmem>>
      %dma_wait3A_219 = arith.constant 0 : i32
      %dma_wait3A_220 = arith.constant 0 : i32
      %dma_wait3A_221 = tpu.memref_slice %arg2[%dma_wait3A_219, %dma_wait3A_220] : memref<10000x128xf32, #tpu.memory_space<hbm>> -> memref<40x128xf32, #tpu.memory_space<hbm>>
      %dma_wait3A_222 = arith.constant 80 : i32
      %dma_wait3A_223 = arith.constant 0 : i32
      %dma_wait3A_224 = tpu.memref_slice %arg8[%dma_wait3A_222, %dma_wait3A_223] : memref<200x128xf32, #tpu.memory_space<vmem>> -> memref<40x128xf32, #tpu.memory_space<vmem>>
      %dma_wait3A_225 = arith.constant 0 : i32
      %dma_wait3A_226 = arith.constant 0 : i32
      %dma_wait3A_227 = tpu.memref_slice %arg2[%dma_wait3A_225, %dma_wait3A_226] : memref<10000x128xf32, #tpu.memory_space<hbm>> -> memref<40x128xf32, #tpu.memory_space<hbm>>
      tpu.wait_dma2 semaphore(%arg10 : memref<!tpu.dma_semaphore, #tpu.memory_space<semaphore_mem>>) src(%dma_wait3A_227 : memref<40x128xf32, #tpu.memory_space<hbm>>) dst(%dma_wait3A_224 : memref<40x128xf32, #tpu.memory_space<vmem>>)
      %dma_wait3A_228 = arith.constant 120 : i32
      %dma_wait3A_229 = arith.constant 0 : i32
      %dma_wait3A_230 = tpu.memref_slice %arg8[%dma_wait3A_228, %dma_wait3A_229] : memref<200x128xf32, #tpu.memory_space<vmem>> -> memref<40x128xf32, #tpu.memory_space<vmem>>
      %dma_wait3A_231 = arith.constant 0 : i32
      %dma_wait3A_232 = arith.constant 0 : i32
      %dma_wait3A_233 = tpu.memref_slice %arg2[%dma_wait3A_231, %dma_wait3A_232] : memref<10000x128xf32, #tpu.memory_space<hbm>> -> memref<40x128xf32, #tpu.memory_space<hbm>>
      %dma_wait3A_234 = arith.constant 120 : i32
      %dma_wait3A_235 = arith.constant 0 : i32
      %dma_wait3A_236 = tpu.memref_slice %arg8[%dma_wait3A_234, %dma_wait3A_235] : memref<200x128xf32, #tpu.memory_space<vmem>> -> memref<40x128xf32, #tpu.memory_space<vmem>>
      %dma_wait3A_237 = arith.constant 0 : i32
      %dma_wait3A_238 = arith.constant 0 : i32
      %dma_wait3A_239 = tpu.memref_slice %arg2[%dma_wait3A_237, %dma_wait3A_238] : memref<10000x128xf32, #tpu.memory_space<hbm>> -> memref<40x128xf32, #tpu.memory_space<hbm>>
      tpu.wait_dma2 semaphore(%arg10 : memref<!tpu.dma_semaphore, #tpu.memory_space<semaphore_mem>>) src(%dma_wait3A_239 : memref<40x128xf32, #tpu.memory_space<hbm>>) dst(%dma_wait3A_236 : memref<40x128xf32, #tpu.memory_space<vmem>>)
      %dma_wait3A_240 = arith.constant 160 : i32
      %dma_wait3A_241 = arith.constant 0 : i32
      %dma_wait3A_242 = tpu.memref_slice %arg8[%dma_wait3A_240, %dma_wait3A_241] : memref<200x128xf32, #tpu.memory_space<vmem>> -> memref<40x128xf32, #tpu.memory_space<vmem>>
      %dma_wait3A_243 = arith.constant 0 : i32
      %dma_wait3A_244 = arith.constant 0 : i32
      %dma_wait3A_245 = tpu.memref_slice %arg2[%dma_wait3A_243, %dma_wait3A_244] : memref<10000x128xf32, #tpu.memory_space<hbm>> -> memref<40x128xf32, #tpu.memory_space<hbm>>
      %dma_wait3A_246 = arith.constant 160 : i32
      %dma_wait3A_247 = arith.constant 0 : i32
      %dma_wait3A_248 = tpu.memref_slice %arg8[%dma_wait3A_246, %dma_wait3A_247] : memref<200x128xf32, #tpu.memory_space<vmem>> -> memref<40x128xf32, #tpu.memory_space<vmem>>
      %dma_wait3A_249 = arith.constant 0 : i32
      %dma_wait3A_250 = arith.constant 0 : i32
      %dma_wait3A_251 = tpu.memref_slice %arg2[%dma_wait3A_249, %dma_wait3A_250] : memref<10000x128xf32, #tpu.memory_space<hbm>> -> memref<40x128xf32, #tpu.memory_space<hbm>>
      tpu.wait_dma2 semaphore(%arg10 : memref<!tpu.dma_semaphore, #tpu.memory_space<semaphore_mem>>) src(%dma_wait3A_251 : memref<40x128xf32, #tpu.memory_space<hbm>>) dst(%dma_wait3A_248 : memref<40x128xf32, #tpu.memory_space<vmem>>)
      %mul3A_252 = arith.constant 200 : i32
      %mul3A_253 = arith.muli %add3A_122, %mul3A_252 : i32
      %add3A_254 = arith.addi %mul3A_2, %mul3A_253 : i32
      %dma_start3A_255 = arith.constant 0 : i32
      %dma_start3A_256 = tpu.memref_slice %arg5[%add3A_254, %dma_start3A_255] : memref<128000x128xf32, #tpu.memory_space<hbm>> -> memref<200x128xf32, #tpu.memory_space<hbm>>
      %dma_start3A_257 = arith.constant 0 : i32
      %dma_start3A_258 = tpu.memref_slice %arg5[%add3A_254, %dma_start3A_257] : memref<128000x128xf32, #tpu.memory_space<hbm>> -> memref<200x128xf32, #tpu.memory_space<hbm>>
      tpu.enqueue_dma source(%arg8 : memref<200x128xf32, #tpu.memory_space<vmem>>) target(%dma_start3A_258 : memref<200x128xf32, #tpu.memory_space<hbm>>) target_semaphore(%arg12 : memref<!tpu.dma_semaphore, #tpu.memory_space<semaphore_mem>>)
      %add3A_259 = arith.constant 1 : i32
      %add3A_260 = arith.addi %add3A_122, %add3A_259 : i32
      %add3A_261 = arith.constant 2 : i32
      %add3A_262 = arith.addi %add3A_122, %add3A_261 : i32
      %lt3A = arith.constant 20 : i32
      %lt3A_263 = arith.cmpi slt, %add3A_262, %lt3A : i32
      %ge3A_264 = arith.constant 1 : i32
      %ge3A_265 = arith.cmpi sge, %add3A_260, %ge3A_264 : i32
      %convert_element_type3A_266 = arith.extui %ge3A_265 : i1 to i32
      %cond3A_267 = arith.constant 0 : i32
      %cond3A_268 = arith.cmpi ne, %convert_element_type3A_266, %cond3A_267 : i32
      scf.if %cond3A_268 {
        %dma_wait3A_339 = arith.constant 0 : i32
        %dma_wait3A_340 = tpu.memref_slice %arg5[%mul3A_2, %dma_wait3A_339] : memref<128000x128xf32, #tpu.memory_space<hbm>> -> memref<200x128xf32, #tpu.memory_space<hbm>>
        %dma_wait3A_341 = arith.constant 0 : i32
        %dma_wait3A_342 = tpu.memref_slice %arg5[%mul3A_2, %dma_wait3A_341] : memref<128000x128xf32, #tpu.memory_space<hbm>> -> memref<200x128xf32, #tpu.memory_space<hbm>>
        tpu.wait_dma2 semaphore(%arg12 : memref<!tpu.dma_semaphore, #tpu.memory_space<semaphore_mem>>) src(%arg8 : memref<200x128xf32, #tpu.memory_space<vmem>>) dst(%dma_wait3A_342 : memref<200x128xf32, #tpu.memory_space<hbm>>)
      } else {
      }
      %convert_element_type3A_269 = arith.extui %lt3A_263 : i1 to i32
      %cond3A_270 = arith.constant 0 : i32
      %cond3A_271 = arith.cmpi ne, %convert_element_type3A_269, %cond3A_270 : i32
      scf.if %cond3A_271 {
        %add3A_339 = arith.constant 1 : i32
        %add3A_340 = arith.addi %add3A_260, %add3A_339 : i32
        %mul3A_341 = arith.constant 5 : i32
        %mul3A_342 = arith.muli %add3A_340, %mul3A_341 : i32
        %add3A_343 = arith.constant 0 : i32
        %add3A_344 = arith.addi %mul3A_342, %add3A_343 : i32
        %dma_start3A_345 = arith.constant 0 : i32
        %dma_start3A_346 = arith.constant 0 : i32
        %dma_start3A_347 = tpu.memref_slice %arg8[%dma_start3A_345, %dma_start3A_346] : memref<200x128xf32, #tpu.memory_space<vmem>> -> memref<40x128xf32, #tpu.memory_space<vmem>>
        %dma_start3A_348 = arith.constant 0 : i32
        %dma_start3A_349 = tpu.memref_slice %arg7[%add3A_344, %dma_start3A_348] : memref<100x40xi32, #tpu.memory_space<vmem>> -> memref<1x40xi32, #tpu.memory_space<vmem>>
        %dma_start3A_350 = tpu.memref_squeeze %dma_start3A_349 : memref<1x40xi32, #tpu.memory_space<vmem>> -> memref<40xi32, #tpu.memory_space<vmem>>
        %dma_start3A_351 = arith.constant 0 : i32
        %dma_start3A_352 = arith.constant 0 : i32
        %dma_start3A_353 = tpu.memref_slice %arg2[%dma_start3A_351, %dma_start3A_352] : memref<10000x128xf32, #tpu.memory_space<hbm>> -> memref<10000x128xf32, #tpu.memory_space<hbm>>
        tpu.enqueue_indirect_dma source(%dma_start3A_353 : memref<10000x128xf32, #tpu.memory_space<hbm>>) target(%dma_start3A_347 : memref<40x128xf32, #tpu.memory_space<vmem>>) offsets(%dma_start3A_350 : memref<40xi32, #tpu.memory_space<vmem>>) semaphore(%arg10 : memref<!tpu.dma_semaphore, #tpu.memory_space<semaphore_mem>>)
        %mul3A_354 = arith.constant 5 : i32
        %mul3A_355 = arith.muli %add3A_340, %mul3A_354 : i32
        %add3A_356 = arith.constant 1 : i32
        %add3A_357 = arith.addi %mul3A_355, %add3A_356 : i32
        %dma_start3A_358 = arith.constant 40 : i32
        %dma_start3A_359 = arith.constant 0 : i32
        %dma_start3A_360 = tpu.memref_slice %arg8[%dma_start3A_358, %dma_start3A_359] : memref<200x128xf32, #tpu.memory_space<vmem>> -> memref<40x128xf32, #tpu.memory_space<vmem>>
        %dma_start3A_361 = arith.constant 0 : i32
        %dma_start3A_362 = tpu.memref_slice %arg7[%add3A_357, %dma_start3A_361] : memref<100x40xi32, #tpu.memory_space<vmem>> -> memref<1x40xi32, #tpu.memory_space<vmem>>
        %dma_start3A_363 = tpu.memref_squeeze %dma_start3A_362 : memref<1x40xi32, #tpu.memory_space<vmem>> -> memref<40xi32, #tpu.memory_space<vmem>>
        %dma_start3A_364 = arith.constant 0 : i32
        %dma_start3A_365 = arith.constant 0 : i32
        %dma_start3A_366 = tpu.memref_slice %arg2[%dma_start3A_364, %dma_start3A_365] : memref<10000x128xf32, #tpu.memory_space<hbm>> -> memref<10000x128xf32, #tpu.memory_space<hbm>>
        tpu.enqueue_indirect_dma source(%dma_start3A_366 : memref<10000x128xf32, #tpu.memory_space<hbm>>) target(%dma_start3A_360 : memref<40x128xf32, #tpu.memory_space<vmem>>) offsets(%dma_start3A_363 : memref<40xi32, #tpu.memory_space<vmem>>) semaphore(%arg10 : memref<!tpu.dma_semaphore, #tpu.memory_space<semaphore_mem>>)
        %mul3A_367 = arith.constant 5 : i32
        %mul3A_368 = arith.muli %add3A_340, %mul3A_367 : i32
        %add3A_369 = arith.constant 2 : i32
        %add3A_370 = arith.addi %mul3A_368, %add3A_369 : i32
        %dma_start3A_371 = arith.constant 80 : i32
        %dma_start3A_372 = arith.constant 0 : i32
        %dma_start3A_373 = tpu.memref_slice %arg8[%dma_start3A_371, %dma_start3A_372] : memref<200x128xf32, #tpu.memory_space<vmem>> -> memref<40x128xf32, #tpu.memory_space<vmem>>
        %dma_start3A_374 = arith.constant 0 : i32
        %dma_start3A_375 = tpu.memref_slice %arg7[%add3A_370, %dma_start3A_374] : memref<100x40xi32, #tpu.memory_space<vmem>> -> memref<1x40xi32, #tpu.memory_space<vmem>>
        %dma_start3A_376 = tpu.memref_squeeze %dma_start3A_375 : memref<1x40xi32, #tpu.memory_space<vmem>> -> memref<40xi32, #tpu.memory_space<vmem>>
        %dma_start3A_377 = arith.constant 0 : i32
        %dma_start3A_378 = arith.constant 0 : i32
        %dma_start3A_379 = tpu.memref_slice %arg2[%dma_start3A_377, %dma_start3A_378] : memref<10000x128xf32, #tpu.memory_space<hbm>> -> memref<10000x128xf32, #tpu.memory_space<hbm>>
        tpu.enqueue_indirect_dma source(%dma_start3A_379 : memref<10000x128xf32, #tpu.memory_space<hbm>>) target(%dma_start3A_373 : memref<40x128xf32, #tpu.memory_space<vmem>>) offsets(%dma_start3A_376 : memref<40xi32, #tpu.memory_space<vmem>>) semaphore(%arg10 : memref<!tpu.dma_semaphore, #tpu.memory_space<semaphore_mem>>)
        %mul3A_380 = arith.constant 5 : i32
        %mul3A_381 = arith.muli %add3A_340, %mul3A_380 : i32
        %add3A_382 = arith.constant 3 : i32
        %add3A_383 = arith.addi %mul3A_381, %add3A_382 : i32
        %dma_start3A_384 = arith.constant 120 : i32
        %dma_start3A_385 = arith.constant 0 : i32
        %dma_start3A_386 = tpu.memref_slice %arg8[%dma_start3A_384, %dma_start3A_385] : memref<200x128xf32, #tpu.memory_space<vmem>> -> memref<40x128xf32, #tpu.memory_space<vmem>>
        %dma_start3A_387 = arith.constant 0 : i32
        %dma_start3A_388 = tpu.memref_slice %arg7[%add3A_383, %dma_start3A_387] : memref<100x40xi32, #tpu.memory_space<vmem>> -> memref<1x40xi32, #tpu.memory_space<vmem>>
        %dma_start3A_389 = tpu.memref_squeeze %dma_start3A_388 : memref<1x40xi32, #tpu.memory_space<vmem>> -> memref<40xi32, #tpu.memory_space<vmem>>
        %dma_start3A_390 = arith.constant 0 : i32
        %dma_start3A_391 = arith.constant 0 : i32
        %dma_start3A_392 = tpu.memref_slice %arg2[%dma_start3A_390, %dma_start3A_391] : memref<10000x128xf32, #tpu.memory_space<hbm>> -> memref<10000x128xf32, #tpu.memory_space<hbm>>
        tpu.enqueue_indirect_dma source(%dma_start3A_392 : memref<10000x128xf32, #tpu.memory_space<hbm>>) target(%dma_start3A_386 : memref<40x128xf32, #tpu.memory_space<vmem>>) offsets(%dma_start3A_389 : memref<40xi32, #tpu.memory_space<vmem>>) semaphore(%arg10 : memref<!tpu.dma_semaphore, #tpu.memory_space<semaphore_mem>>)
        %mul3A_393 = arith.constant 5 : i32
        %mul3A_394 = arith.muli %add3A_340, %mul3A_393 : i32
        %add3A_395 = arith.constant 4 : i32
        %add3A_396 = arith.addi %mul3A_394, %add3A_395 : i32
        %dma_start3A_397 = arith.constant 160 : i32
        %dma_start3A_398 = arith.constant 0 : i32
        %dma_start3A_399 = tpu.memref_slice %arg8[%dma_start3A_397, %dma_start3A_398] : memref<200x128xf32, #tpu.memory_space<vmem>> -> memref<40x128xf32, #tpu.memory_space<vmem>>
        %dma_start3A_400 = arith.constant 0 : i32
        %dma_start3A_401 = tpu.memref_slice %arg7[%add3A_396, %dma_start3A_400] : memref<100x40xi32, #tpu.memory_space<vmem>> -> memref<1x40xi32, #tpu.memory_space<vmem>>
        %dma_start3A_402 = tpu.memref_squeeze %dma_start3A_401 : memref<1x40xi32, #tpu.memory_space<vmem>> -> memref<40xi32, #tpu.memory_space<vmem>>
        %dma_start3A_403 = arith.constant 0 : i32
        %dma_start3A_404 = arith.constant 0 : i32
        %dma_start3A_405 = tpu.memref_slice %arg2[%dma_start3A_403, %dma_start3A_404] : memref<10000x128xf32, #tpu.memory_space<hbm>> -> memref<10000x128xf32, #tpu.memory_space<hbm>>
        tpu.enqueue_indirect_dma source(%dma_start3A_405 : memref<10000x128xf32, #tpu.memory_space<hbm>>) target(%dma_start3A_399 : memref<40x128xf32, #tpu.memory_space<vmem>>) offsets(%dma_start3A_402 : memref<40xi32, #tpu.memory_space<vmem>>) semaphore(%arg10 : memref<!tpu.dma_semaphore, #tpu.memory_space<semaphore_mem>>)
      } else {
      }
      %dma_wait3A_272 = arith.constant 0 : i32
      %dma_wait3A_273 = arith.constant 0 : i32
      %dma_wait3A_274 = tpu.memref_slice %arg9[%dma_wait3A_272, %dma_wait3A_273] : memref<200x128xf32, #tpu.memory_space<vmem>> -> memref<40x128xf32, #tpu.memory_space<vmem>>
      %dma_wait3A_275 = arith.constant 0 : i32
      %dma_wait3A_276 = arith.constant 0 : i32
      %dma_wait3A_277 = tpu.memref_slice %arg2[%dma_wait3A_275, %dma_wait3A_276] : memref<10000x128xf32, #tpu.memory_space<hbm>> -> memref<40x128xf32, #tpu.memory_space<hbm>>
      %dma_wait3A_278 = arith.constant 0 : i32
      %dma_wait3A_279 = arith.constant 0 : i32
      %dma_wait3A_280 = tpu.memref_slice %arg9[%dma_wait3A_278, %dma_wait3A_279] : memref<200x128xf32, #tpu.memory_space<vmem>> -> memref<40x128xf32, #tpu.memory_space<vmem>>
      %dma_wait3A_281 = arith.constant 0 : i32
      %dma_wait3A_282 = arith.constant 0 : i32
      %dma_wait3A_283 = tpu.memref_slice %arg2[%dma_wait3A_281, %dma_wait3A_282] : memref<10000x128xf32, #tpu.memory_space<hbm>> -> memref<40x128xf32, #tpu.memory_space<hbm>>
      tpu.wait_dma2 semaphore(%arg11 : memref<!tpu.dma_semaphore, #tpu.memory_space<semaphore_mem>>) src(%dma_wait3A_283 : memref<40x128xf32, #tpu.memory_space<hbm>>) dst(%dma_wait3A_280 : memref<40x128xf32, #tpu.memory_space<vmem>>)
      %dma_wait3A_284 = arith.constant 40 : i32
      %dma_wait3A_285 = arith.constant 0 : i32
      %dma_wait3A_286 = tpu.memref_slice %arg9[%dma_wait3A_284, %dma_wait3A_285] : memref<200x128xf32, #tpu.memory_space<vmem>> -> memref<40x128xf32, #tpu.memory_space<vmem>>
      %dma_wait3A_287 = arith.constant 0 : i32
      %dma_wait3A_288 = arith.constant 0 : i32
      %dma_wait3A_289 = tpu.memref_slice %arg2[%dma_wait3A_287, %dma_wait3A_288] : memref<10000x128xf32, #tpu.memory_space<hbm>> -> memref<40x128xf32, #tpu.memory_space<hbm>>
      %dma_wait3A_290 = arith.constant 40 : i32
      %dma_wait3A_291 = arith.constant 0 : i32
      %dma_wait3A_292 = tpu.memref_slice %arg9[%dma_wait3A_290, %dma_wait3A_291] : memref<200x128xf32, #tpu.memory_space<vmem>> -> memref<40x128xf32, #tpu.memory_space<vmem>>
      %dma_wait3A_293 = arith.constant 0 : i32
      %dma_wait3A_294 = arith.constant 0 : i32
      %dma_wait3A_295 = tpu.memref_slice %arg2[%dma_wait3A_293, %dma_wait3A_294] : memref<10000x128xf32, #tpu.memory_space<hbm>> -> memref<40x128xf32, #tpu.memory_space<hbm>>
      tpu.wait_dma2 semaphore(%arg11 : memref<!tpu.dma_semaphore, #tpu.memory_space<semaphore_mem>>) src(%dma_wait3A_295 : memref<40x128xf32, #tpu.memory_space<hbm>>) dst(%dma_wait3A_292 : memref<40x128xf32, #tpu.memory_space<vmem>>)
      %dma_wait3A_296 = arith.constant 80 : i32
      %dma_wait3A_297 = arith.constant 0 : i32
      %dma_wait3A_298 = tpu.memref_slice %arg9[%dma_wait3A_296, %dma_wait3A_297] : memref<200x128xf32, #tpu.memory_space<vmem>> -> memref<40x128xf32, #tpu.memory_space<vmem>>
      %dma_wait3A_299 = arith.constant 0 : i32
      %dma_wait3A_300 = arith.constant 0 : i32
      %dma_wait3A_301 = tpu.memref_slice %arg2[%dma_wait3A_299, %dma_wait3A_300] : memref<10000x128xf32, #tpu.memory_space<hbm>> -> memref<40x128xf32, #tpu.memory_space<hbm>>
      %dma_wait3A_302 = arith.constant 80 : i32
      %dma_wait3A_303 = arith.constant 0 : i32
      %dma_wait3A_304 = tpu.memref_slice %arg9[%dma_wait3A_302, %dma_wait3A_303] : memref<200x128xf32, #tpu.memory_space<vmem>> -> memref<40x128xf32, #tpu.memory_space<vmem>>
      %dma_wait3A_305 = arith.constant 0 : i32
      %dma_wait3A_306 = arith.constant 0 : i32
      %dma_wait3A_307 = tpu.memref_slice %arg2[%dma_wait3A_305, %dma_wait3A_306] : memref<10000x128xf32, #tpu.memory_space<hbm>> -> memref<40x128xf32, #tpu.memory_space<hbm>>
      tpu.wait_dma2 semaphore(%arg11 : memref<!tpu.dma_semaphore, #tpu.memory_space<semaphore_mem>>) src(%dma_wait3A_307 : memref<40x128xf32, #tpu.memory_space<hbm>>) dst(%dma_wait3A_304 : memref<40x128xf32, #tpu.memory_space<vmem>>)
      %dma_wait3A_308 = arith.constant 120 : i32
      %dma_wait3A_309 = arith.constant 0 : i32
      %dma_wait3A_310 = tpu.memref_slice %arg9[%dma_wait3A_308, %dma_wait3A_309] : memref<200x128xf32, #tpu.memory_space<vmem>> -> memref<40x128xf32, #tpu.memory_space<vmem>>
      %dma_wait3A_311 = arith.constant 0 : i32
      %dma_wait3A_312 = arith.constant 0 : i32
      %dma_wait3A_313 = tpu.memref_slice %arg2[%dma_wait3A_311, %dma_wait3A_312] : memref<10000x128xf32, #tpu.memory_space<hbm>> -> memref<40x128xf32, #tpu.memory_space<hbm>>
      %dma_wait3A_314 = arith.constant 120 : i32
      %dma_wait3A_315 = arith.constant 0 : i32
      %dma_wait3A_316 = tpu.memref_slice %arg9[%dma_wait3A_314, %dma_wait3A_315] : memref<200x128xf32, #tpu.memory_space<vmem>> -> memref<40x128xf32, #tpu.memory_space<vmem>>
      %dma_wait3A_317 = arith.constant 0 : i32
      %dma_wait3A_318 = arith.constant 0 : i32
      %dma_wait3A_319 = tpu.memref_slice %arg2[%dma_wait3A_317, %dma_wait3A_318] : memref<10000x128xf32, #tpu.memory_space<hbm>> -> memref<40x128xf32, #tpu.memory_space<hbm>>
      tpu.wait_dma2 semaphore(%arg11 : memref<!tpu.dma_semaphore, #tpu.memory_space<semaphore_mem>>) src(%dma_wait3A_319 : memref<40x128xf32, #tpu.memory_space<hbm>>) dst(%dma_wait3A_316 : memref<40x128xf32, #tpu.memory_space<vmem>>)
      %dma_wait3A_320 = arith.constant 160 : i32
      %dma_wait3A_321 = arith.constant 0 : i32
      %dma_wait3A_322 = tpu.memref_slice %arg9[%dma_wait3A_320, %dma_wait3A_321] : memref<200x128xf32, #tpu.memory_space<vmem>> -> memref<40x128xf32, #tpu.memory_space<vmem>>
      %dma_wait3A_323 = arith.constant 0 : i32
      %dma_wait3A_324 = arith.constant 0 : i32
      %dma_wait3A_325 = tpu.memref_slice %arg2[%dma_wait3A_323, %dma_wait3A_324] : memref<10000x128xf32, #tpu.memory_space<hbm>> -> memref<40x128xf32, #tpu.memory_space<hbm>>
      %dma_wait3A_326 = arith.constant 160 : i32
      %dma_wait3A_327 = arith.constant 0 : i32
      %dma_wait3A_328 = tpu.memref_slice %arg9[%dma_wait3A_326, %dma_wait3A_327] : memref<200x128xf32, #tpu.memory_space<vmem>> -> memref<40x128xf32, #tpu.memory_space<vmem>>
      %dma_wait3A_329 = arith.constant 0 : i32
      %dma_wait3A_330 = arith.constant 0 : i32
      %dma_wait3A_331 = tpu.memref_slice %arg2[%dma_wait3A_329, %dma_wait3A_330] : memref<10000x128xf32, #tpu.memory_space<hbm>> -> memref<40x128xf32, #tpu.memory_space<hbm>>
      tpu.wait_dma2 semaphore(%arg11 : memref<!tpu.dma_semaphore, #tpu.memory_space<semaphore_mem>>) src(%dma_wait3A_331 : memref<40x128xf32, #tpu.memory_space<hbm>>) dst(%dma_wait3A_328 : memref<40x128xf32, #tpu.memory_space<vmem>>)
      %mul3A_332 = arith.constant 200 : i32
      %mul3A_333 = arith.muli %add3A_260, %mul3A_332 : i32
      %add3A_334 = arith.addi %mul3A_2, %mul3A_333 : i32
      %dma_start3A_335 = arith.constant 0 : i32
      %dma_start3A_336 = tpu.memref_slice %arg5[%add3A_334, %dma_start3A_335] : memref<128000x128xf32, #tpu.memory_space<hbm>> -> memref<200x128xf32, #tpu.memory_space<hbm>>
      %dma_start3A_337 = arith.constant 0 : i32
      %dma_start3A_338 = tpu.memref_slice %arg5[%add3A_334, %dma_start3A_337] : memref<128000x128xf32, #tpu.memory_space<hbm>> -> memref<200x128xf32, #tpu.memory_space<hbm>>
      tpu.enqueue_dma source(%arg9 : memref<200x128xf32, #tpu.memory_space<vmem>>) target(%dma_start3A_338 : memref<200x128xf32, #tpu.memory_space<hbm>>) target_semaphore(%arg13 : memref<!tpu.dma_semaphore, #tpu.memory_space<semaphore_mem>>)
    }
    %scan3A_55 = arith.constant 10 : i32
    %dma_wait3A = arith.constant 0 : i32
    %dma_wait3A_56 = tpu.memref_slice %arg5[%mul3A_2, %dma_wait3A] : memref<128000x128xf32, #tpu.memory_space<hbm>> -> memref<200x128xf32, #tpu.memory_space<hbm>>
    %dma_wait3A_57 = arith.constant 0 : i32
    %dma_wait3A_58 = tpu.memref_slice %arg5[%mul3A_2, %dma_wait3A_57] : memref<128000x128xf32, #tpu.memory_space<hbm>> -> memref<200x128xf32, #tpu.memory_space<hbm>>
    tpu.wait_dma2 semaphore(%arg13 : memref<!tpu.dma_semaphore, #tpu.memory_space<semaphore_mem>>) src(%arg9 : memref<200x128xf32, #tpu.memory_space<vmem>>) dst(%dma_wait3A_58 : memref<200x128xf32, #tpu.memory_space<hbm>>)
    "tpu.region"() ({
      %run_scoped3A = tpu.sem_alloc : memref<!tpu.dma_semaphore, #tpu.memory_space<semaphore_mem>>
      %dma_start3A_118 = arith.constant 0 : i32
      %dma_start3A_119 = arith.constant 0 : i32
      %dma_start3A_120 = tpu.memref_slice %arg4[%add3A, %dma_start3A_118, %dma_start3A_119] : memref<32x100x40xi32, #tpu.memory_space<hbm>> -> memref<1x100x40xi32, #tpu.memory_space<hbm>>
      %dma_start3A_121 = tpu.memref_squeeze %dma_start3A_120 : memref<1x100x40xi32, #tpu.memory_space<hbm>> -> memref<100x40xi32, #tpu.memory_space<hbm>>
      %dma_start3A_122 = arith.constant 0 : i32
      %dma_start3A_123 = arith.constant 0 : i32
      %dma_start3A_124 = tpu.memref_slice %arg4[%add3A, %dma_start3A_122, %dma_start3A_123] : memref<32x100x40xi32, #tpu.memory_space<hbm>> -> memref<1x100x40xi32, #tpu.memory_space<hbm>>
      %dma_start3A_125 = tpu.memref_squeeze %dma_start3A_124 : memref<1x100x40xi32, #tpu.memory_space<hbm>> -> memref<100x40xi32, #tpu.memory_space<hbm>>
      tpu.enqueue_dma source(%dma_start3A_125 : memref<100x40xi32, #tpu.memory_space<hbm>>) target(%arg7 : memref<100x40xi32, #tpu.memory_space<vmem>>) target_semaphore(%run_scoped3A : memref<!tpu.dma_semaphore, #tpu.memory_space<semaphore_mem>>)
      %dma_wait3A_126 = arith.constant 0 : i32
      %dma_wait3A_127 = arith.constant 0 : i32
      %dma_wait3A_128 = tpu.memref_slice %arg4[%add3A, %dma_wait3A_126, %dma_wait3A_127] : memref<32x100x40xi32, #tpu.memory_space<hbm>> -> memref<1x100x40xi32, #tpu.memory_space<hbm>>
      %dma_wait3A_129 = tpu.memref_squeeze %dma_wait3A_128 : memref<1x100x40xi32, #tpu.memory_space<hbm>> -> memref<100x40xi32, #tpu.memory_space<hbm>>
      %dma_wait3A_130 = arith.constant 0 : i32
      %dma_wait3A_131 = arith.constant 0 : i32
      %dma_wait3A_132 = tpu.memref_slice %arg4[%add3A, %dma_wait3A_130, %dma_wait3A_131] : memref<32x100x40xi32, #tpu.memory_space<hbm>> -> memref<1x100x40xi32, #tpu.memory_space<hbm>>
      %dma_wait3A_133 = tpu.memref_squeeze %dma_wait3A_132 : memref<1x100x40xi32, #tpu.memory_space<hbm>> -> memref<100x40xi32, #tpu.memory_space<hbm>>
      tpu.wait_dma2 semaphore(%run_scoped3A : memref<!tpu.dma_semaphore, #tpu.memory_space<semaphore_mem>>) src(%dma_wait3A_133 : memref<100x40xi32, #tpu.memory_space<hbm>>) dst(%arg7 : memref<100x40xi32, #tpu.memory_space<vmem>>)
      tpu.yield
    }) : () -> ()
    %dma_start3A_59 = arith.constant 0 : i32
    %dma_start3A_60 = arith.constant 0 : i32
    %dma_start3A_61 = arith.constant 0 : i32
    %dma_start3A_62 = tpu.memref_slice %arg8[%dma_start3A_60, %dma_start3A_61] : memref<200x128xf32, #tpu.memory_space<vmem>> -> memref<40x128xf32, #tpu.memory_space<vmem>>
    %dma_start3A_63 = arith.constant 0 : i32
    %dma_start3A_64 = tpu.memref_slice %arg7[%dma_start3A_59, %dma_start3A_63] : memref<100x40xi32, #tpu.memory_space<vmem>> -> memref<1x40xi32, #tpu.memory_space<vmem>>
    %dma_start3A_65 = tpu.memref_squeeze %dma_start3A_64 : memref<1x40xi32, #tpu.memory_space<vmem>> -> memref<40xi32, #tpu.memory_space<vmem>>
    %dma_start3A_66 = arith.constant 0 : i32
    %dma_start3A_67 = arith.constant 0 : i32
    %dma_start3A_68 = tpu.memref_slice %arg2[%dma_start3A_66, %dma_start3A_67] : memref<10000x128xf32, #tpu.memory_space<hbm>> -> memref<10000x128xf32, #tpu.memory_space<hbm>>
    tpu.enqueue_indirect_dma source(%dma_start3A_68 : memref<10000x128xf32, #tpu.memory_space<hbm>>) target(%dma_start3A_62 : memref<40x128xf32, #tpu.memory_space<vmem>>) offsets(%dma_start3A_65 : memref<40xi32, #tpu.memory_space<vmem>>) semaphore(%arg10 : memref<!tpu.dma_semaphore, #tpu.memory_space<semaphore_mem>>)
    %dma_start3A_69 = arith.constant 1 : i32
    %dma_start3A_70 = arith.constant 40 : i32
    %dma_start3A_71 = arith.constant 0 : i32
    %dma_start3A_72 = tpu.memref_slice %arg8[%dma_start3A_70, %dma_start3A_71] : memref<200x128xf32, #tpu.memory_space<vmem>> -> memref<40x128xf32, #tpu.memory_space<vmem>>
    %dma_start3A_73 = arith.constant 0 : i32
    %dma_start3A_74 = tpu.memref_slice %arg7[%dma_start3A_69, %dma_start3A_73] : memref<100x40xi32, #tpu.memory_space<vmem>> -> memref<1x40xi32, #tpu.memory_space<vmem>>
    %dma_start3A_75 = tpu.memref_squeeze %dma_start3A_74 : memref<1x40xi32, #tpu.memory_space<vmem>> -> memref<40xi32, #tpu.memory_space<vmem>>
    %dma_start3A_76 = arith.constant 0 : i32
    %dma_start3A_77 = arith.constant 0 : i32
    %dma_start3A_78 = tpu.memref_slice %arg2[%dma_start3A_76, %dma_start3A_77] : memref<10000x128xf32, #tpu.memory_space<hbm>> -> memref<10000x128xf32, #tpu.memory_space<hbm>>
    tpu.enqueue_indirect_dma source(%dma_start3A_78 : memref<10000x128xf32, #tpu.memory_space<hbm>>) target(%dma_start3A_72 : memref<40x128xf32, #tpu.memory_space<vmem>>) offsets(%dma_start3A_75 : memref<40xi32, #tpu.memory_space<vmem>>) semaphore(%arg10 : memref<!tpu.dma_semaphore, #tpu.memory_space<semaphore_mem>>)
    %dma_start3A_79 = arith.constant 2 : i32
    %dma_start3A_80 = arith.constant 80 : i32
    %dma_start3A_81 = arith.constant 0 : i32
    %dma_start3A_82 = tpu.memref_slice %arg8[%dma_start3A_80, %dma_start3A_81] : memref<200x128xf32, #tpu.memory_space<vmem>> -> memref<40x128xf32, #tpu.memory_space<vmem>>
    %dma_start3A_83 = arith.constant 0 : i32
    %dma_start3A_84 = tpu.memref_slice %arg7[%dma_start3A_79, %dma_start3A_83] : memref<100x40xi32, #tpu.memory_space<vmem>> -> memref<1x40xi32, #tpu.memory_space<vmem>>
    %dma_start3A_85 = tpu.memref_squeeze %dma_start3A_84 : memref<1x40xi32, #tpu.memory_space<vmem>> -> memref<40xi32, #tpu.memory_space<vmem>>
    %dma_start3A_86 = arith.constant 0 : i32
    %dma_start3A_87 = arith.constant 0 : i32
    %dma_start3A_88 = tpu.memref_slice %arg2[%dma_start3A_86, %dma_start3A_87] : memref<10000x128xf32, #tpu.memory_space<hbm>> -> memref<10000x128xf32, #tpu.memory_space<hbm>>
    tpu.enqueue_indirect_dma source(%dma_start3A_88 : memref<10000x128xf32, #tpu.memory_space<hbm>>) target(%dma_start3A_82 : memref<40x128xf32, #tpu.memory_space<vmem>>) offsets(%dma_start3A_85 : memref<40xi32, #tpu.memory_space<vmem>>) semaphore(%arg10 : memref<!tpu.dma_semaphore, #tpu.memory_space<semaphore_mem>>)
    %dma_start3A_89 = arith.constant 3 : i32
    %dma_start3A_90 = arith.constant 120 : i32
    %dma_start3A_91 = arith.constant 0 : i32
    %dma_start3A_92 = tpu.memref_slice %arg8[%dma_start3A_90, %dma_start3A_91] : memref<200x128xf32, #tpu.memory_space<vmem>> -> memref<40x128xf32, #tpu.memory_space<vmem>>
    %dma_start3A_93 = arith.constant 0 : i32
    %dma_start3A_94 = tpu.memref_slice %arg7[%dma_start3A_89, %dma_start3A_93] : memref<100x40xi32, #tpu.memory_space<vmem>> -> memref<1x40xi32, #tpu.memory_space<vmem>>
    %dma_start3A_95 = tpu.memref_squeeze %dma_start3A_94 : memref<1x40xi32, #tpu.memory_space<vmem>> -> memref<40xi32, #tpu.memory_space<vmem>>
    %dma_start3A_96 = arith.constant 0 : i32
    %dma_start3A_97 = arith.constant 0 : i32
    %dma_start3A_98 = tpu.memref_slice %arg2[%dma_start3A_96, %dma_start3A_97] : memref<10000x128xf32, #tpu.memory_space<hbm>> -> memref<10000x128xf32, #tpu.memory_space<hbm>>
    tpu.enqueue_indirect_dma source(%dma_start3A_98 : memref<10000x128xf32, #tpu.memory_space<hbm>>) target(%dma_start3A_92 : memref<40x128xf32, #tpu.memory_space<vmem>>) offsets(%dma_start3A_95 : memref<40xi32, #tpu.memory_space<vmem>>) semaphore(%arg10 : memref<!tpu.dma_semaphore, #tpu.memory_space<semaphore_mem>>)
    %dma_start3A_99 = arith.constant 4 : i32
    %dma_start3A_100 = arith.constant 160 : i32
    %dma_start3A_101 = arith.constant 0 : i32
    %dma_start3A_102 = tpu.memref_slice %arg8[%dma_start3A_100, %dma_start3A_101] : memref<200x128xf32, #tpu.memory_space<vmem>> -> memref<40x128xf32, #tpu.memory_space<vmem>>
    %dma_start3A_103 = arith.constant 0 : i32
    %dma_start3A_104 = tpu.memref_slice %arg7[%dma_start3A_99, %dma_start3A_103] : memref<100x40xi32, #tpu.memory_space<vmem>> -> memref<1x40xi32, #tpu.memory_space<vmem>>
    %dma_start3A_105 = tpu.memref_squeeze %dma_start3A_104 : memref<1x40xi32, #tpu.memory_space<vmem>> -> memref<40xi32, #tpu.memory_space<vmem>>
    %dma_start3A_106 = arith.constant 0 : i32
    %dma_start3A_107 = arith.constant 0 : i32
    %dma_start3A_108 = tpu.memref_slice %arg2[%dma_start3A_106, %dma_start3A_107] : memref<10000x128xf32, #tpu.memory_space<hbm>> -> memref<10000x128xf32, #tpu.memory_space<hbm>>
    tpu.enqueue_indirect_dma source(%dma_start3A_108 : memref<10000x128xf32, #tpu.memory_space<hbm>>) target(%dma_start3A_102 : memref<40x128xf32, #tpu.memory_space<vmem>>) offsets(%dma_start3A_105 : memref<40xi32, #tpu.memory_space<vmem>>) semaphore(%arg10 : memref<!tpu.dma_semaphore, #tpu.memory_space<semaphore_mem>>)
    %scan3A_109 = arith.constant 0 : i32
    %scan3A_110 = arith.constant 10 : i32
    %scan3A_111 = arith.addi %scan3A_109, %scan3A_110 : i32
    %scan3A_112 = arith.constant 1 : i32
    scf.for %scan3A_118 = %scan3A_109 to %scan3A_111 step %scan3A_112  : i32 {
      %mul3A_119 = arith.constant 2 : i32
      %mul3A_120 = arith.muli %scan3A_118, %mul3A_119 : i32
      %add3A_121 = arith.constant 0 : i32
      %add3A_122 = arith.addi %add3A_121, %mul3A_120 : i32
      %ge3A = arith.constant 1 : i32
      %ge3A_123 = arith.cmpi sge, %add3A_122, %ge3A : i32
      %convert_element_type3A = arith.extui %ge3A_123 : i1 to i32
      %cond3A = arith.constant 0 : i32
      %cond3A_124 = arith.cmpi ne, %convert_element_type3A, %cond3A : i32
      scf.if %cond3A_124 {
        %dma_wait3A_339 = arith.constant 0 : i32
        %dma_wait3A_340 = tpu.memref_slice %arg6[%mul3A_2, %dma_wait3A_339] : memref<128000x128xf32, #tpu.memory_space<hbm>> -> memref<200x128xf32, #tpu.memory_space<hbm>>
        %dma_wait3A_341 = arith.constant 0 : i32
        %dma_wait3A_342 = tpu.memref_slice %arg6[%mul3A_2, %dma_wait3A_341] : memref<128000x128xf32, #tpu.memory_space<hbm>> -> memref<200x128xf32, #tpu.memory_space<hbm>>
        tpu.wait_dma2 semaphore(%arg13 : memref<!tpu.dma_semaphore, #tpu.memory_space<semaphore_mem>>) src(%arg9 : memref<200x128xf32, #tpu.memory_space<vmem>>) dst(%dma_wait3A_342 : memref<200x128xf32, #tpu.memory_space<hbm>>)
      } else {
      }
      %add3A_125 = arith.constant 1 : i32
      %add3A_126 = arith.addi %add3A_122, %add3A_125 : i32
      %mul3A_127 = arith.constant 5 : i32
      %mul3A_128 = arith.muli %add3A_126, %mul3A_127 : i32
      %add3A_129 = arith.constant 0 : i32
      %add3A_130 = arith.addi %mul3A_128, %add3A_129 : i32
      %dma_start3A_131 = arith.constant 0 : i32
      %dma_start3A_132 = arith.constant 0 : i32
      %dma_start3A_133 = tpu.memref_slice %arg9[%dma_start3A_131, %dma_start3A_132] : memref<200x128xf32, #tpu.memory_space<vmem>> -> memref<40x128xf32, #tpu.memory_space<vmem>>
      %dma_start3A_134 = arith.constant 0 : i32
      %dma_start3A_135 = tpu.memref_slice %arg7[%add3A_130, %dma_start3A_134] : memref<100x40xi32, #tpu.memory_space<vmem>> -> memref<1x40xi32, #tpu.memory_space<vmem>>
      %dma_start3A_136 = tpu.memref_squeeze %dma_start3A_135 : memref<1x40xi32, #tpu.memory_space<vmem>> -> memref<40xi32, #tpu.memory_space<vmem>>
      %dma_start3A_137 = arith.constant 0 : i32
      %dma_start3A_138 = arith.constant 0 : i32
      %dma_start3A_139 = tpu.memref_slice %arg2[%dma_start3A_137, %dma_start3A_138] : memref<10000x128xf32, #tpu.memory_space<hbm>> -> memref<10000x128xf32, #tpu.memory_space<hbm>>
      tpu.enqueue_indirect_dma source(%dma_start3A_139 : memref<10000x128xf32, #tpu.memory_space<hbm>>) target(%dma_start3A_133 : memref<40x128xf32, #tpu.memory_space<vmem>>) offsets(%dma_start3A_136 : memref<40xi32, #tpu.memory_space<vmem>>) semaphore(%arg11 : memref<!tpu.dma_semaphore, #tpu.memory_space<semaphore_mem>>)
      %mul3A_140 = arith.constant 5 : i32
      %mul3A_141 = arith.muli %add3A_126, %mul3A_140 : i32
      %add3A_142 = arith.constant 1 : i32
      %add3A_143 = arith.addi %mul3A_141, %add3A_142 : i32
      %dma_start3A_144 = arith.constant 40 : i32
      %dma_start3A_145 = arith.constant 0 : i32
      %dma_start3A_146 = tpu.memref_slice %arg9[%dma_start3A_144, %dma_start3A_145] : memref<200x128xf32, #tpu.memory_space<vmem>> -> memref<40x128xf32, #tpu.memory_space<vmem>>
      %dma_start3A_147 = arith.constant 0 : i32
      %dma_start3A_148 = tpu.memref_slice %arg7[%add3A_143, %dma_start3A_147] : memref<100x40xi32, #tpu.memory_space<vmem>> -> memref<1x40xi32, #tpu.memory_space<vmem>>
      %dma_start3A_149 = tpu.memref_squeeze %dma_start3A_148 : memref<1x40xi32, #tpu.memory_space<vmem>> -> memref<40xi32, #tpu.memory_space<vmem>>
      %dma_start3A_150 = arith.constant 0 : i32
      %dma_start3A_151 = arith.constant 0 : i32
      %dma_start3A_152 = tpu.memref_slice %arg2[%dma_start3A_150, %dma_start3A_151] : memref<10000x128xf32, #tpu.memory_space<hbm>> -> memref<10000x128xf32, #tpu.memory_space<hbm>>
      tpu.enqueue_indirect_dma source(%dma_start3A_152 : memref<10000x128xf32, #tpu.memory_space<hbm>>) target(%dma_start3A_146 : memref<40x128xf32, #tpu.memory_space<vmem>>) offsets(%dma_start3A_149 : memref<40xi32, #tpu.memory_space<vmem>>) semaphore(%arg11 : memref<!tpu.dma_semaphore, #tpu.memory_space<semaphore_mem>>)
      %mul3A_153 = arith.constant 5 : i32
      %mul3A_154 = arith.muli %add3A_126, %mul3A_153 : i32
      %add3A_155 = arith.constant 2 : i32
      %add3A_156 = arith.addi %mul3A_154, %add3A_155 : i32
      %dma_start3A_157 = arith.constant 80 : i32
      %dma_start3A_158 = arith.constant 0 : i32
      %dma_start3A_159 = tpu.memref_slice %arg9[%dma_start3A_157, %dma_start3A_158] : memref<200x128xf32, #tpu.memory_space<vmem>> -> memref<40x128xf32, #tpu.memory_space<vmem>>
      %dma_start3A_160 = arith.constant 0 : i32
      %dma_start3A_161 = tpu.memref_slice %arg7[%add3A_156, %dma_start3A_160] : memref<100x40xi32, #tpu.memory_space<vmem>> -> memref<1x40xi32, #tpu.memory_space<vmem>>
      %dma_start3A_162 = tpu.memref_squeeze %dma_start3A_161 : memref<1x40xi32, #tpu.memory_space<vmem>> -> memref<40xi32, #tpu.memory_space<vmem>>
      %dma_start3A_163 = arith.constant 0 : i32
      %dma_start3A_164 = arith.constant 0 : i32
      %dma_start3A_165 = tpu.memref_slice %arg2[%dma_start3A_163, %dma_start3A_164] : memref<10000x128xf32, #tpu.memory_space<hbm>> -> memref<10000x128xf32, #tpu.memory_space<hbm>>
      tpu.enqueue_indirect_dma source(%dma_start3A_165 : memref<10000x128xf32, #tpu.memory_space<hbm>>) target(%dma_start3A_159 : memref<40x128xf32, #tpu.memory_space<vmem>>) offsets(%dma_start3A_162 : memref<40xi32, #tpu.memory_space<vmem>>) semaphore(%arg11 : memref<!tpu.dma_semaphore, #tpu.memory_space<semaphore_mem>>)
      %mul3A_166 = arith.constant 5 : i32
      %mul3A_167 = arith.muli %add3A_126, %mul3A_166 : i32
      %add3A_168 = arith.constant 3 : i32
      %add3A_169 = arith.addi %mul3A_167, %add3A_168 : i32
      %dma_start3A_170 = arith.constant 120 : i32
      %dma_start3A_171 = arith.constant 0 : i32
      %dma_start3A_172 = tpu.memref_slice %arg9[%dma_start3A_170, %dma_start3A_171] : memref<200x128xf32, #tpu.memory_space<vmem>> -> memref<40x128xf32, #tpu.memory_space<vmem>>
      %dma_start3A_173 = arith.constant 0 : i32
      %dma_start3A_174 = tpu.memref_slice %arg7[%add3A_169, %dma_start3A_173] : memref<100x40xi32, #tpu.memory_space<vmem>> -> memref<1x40xi32, #tpu.memory_space<vmem>>
      %dma_start3A_175 = tpu.memref_squeeze %dma_start3A_174 : memref<1x40xi32, #tpu.memory_space<vmem>> -> memref<40xi32, #tpu.memory_space<vmem>>
      %dma_start3A_176 = arith.constant 0 : i32
      %dma_start3A_177 = arith.constant 0 : i32
      %dma_start3A_178 = tpu.memref_slice %arg2[%dma_start3A_176, %dma_start3A_177] : memref<10000x128xf32, #tpu.memory_space<hbm>> -> memref<10000x128xf32, #tpu.memory_space<hbm>>
      tpu.enqueue_indirect_dma source(%dma_start3A_178 : memref<10000x128xf32, #tpu.memory_space<hbm>>) target(%dma_start3A_172 : memref<40x128xf32, #tpu.memory_space<vmem>>) offsets(%dma_start3A_175 : memref<40xi32, #tpu.memory_space<vmem>>) semaphore(%arg11 : memref<!tpu.dma_semaphore, #tpu.memory_space<semaphore_mem>>)
      %mul3A_179 = arith.constant 5 : i32
      %mul3A_180 = arith.muli %add3A_126, %mul3A_179 : i32
      %add3A_181 = arith.constant 4 : i32
      %add3A_182 = arith.addi %mul3A_180, %add3A_181 : i32
      %dma_start3A_183 = arith.constant 160 : i32
      %dma_start3A_184 = arith.constant 0 : i32
      %dma_start3A_185 = tpu.memref_slice %arg9[%dma_start3A_183, %dma_start3A_184] : memref<200x128xf32, #tpu.memory_space<vmem>> -> memref<40x128xf32, #tpu.memory_space<vmem>>
      %dma_start3A_186 = arith.constant 0 : i32
      %dma_start3A_187 = tpu.memref_slice %arg7[%add3A_182, %dma_start3A_186] : memref<100x40xi32, #tpu.memory_space<vmem>> -> memref<1x40xi32, #tpu.memory_space<vmem>>
      %dma_start3A_188 = tpu.memref_squeeze %dma_start3A_187 : memref<1x40xi32, #tpu.memory_space<vmem>> -> memref<40xi32, #tpu.memory_space<vmem>>
      %dma_start3A_189 = arith.constant 0 : i32
      %dma_start3A_190 = arith.constant 0 : i32
      %dma_start3A_191 = tpu.memref_slice %arg2[%dma_start3A_189, %dma_start3A_190] : memref<10000x128xf32, #tpu.memory_space<hbm>> -> memref<10000x128xf32, #tpu.memory_space<hbm>>
      tpu.enqueue_indirect_dma source(%dma_start3A_191 : memref<10000x128xf32, #tpu.memory_space<hbm>>) target(%dma_start3A_185 : memref<40x128xf32, #tpu.memory_space<vmem>>) offsets(%dma_start3A_188 : memref<40xi32, #tpu.memory_space<vmem>>) semaphore(%arg11 : memref<!tpu.dma_semaphore, #tpu.memory_space<semaphore_mem>>)
      %dma_wait3A_192 = arith.constant 0 : i32
      %dma_wait3A_193 = arith.constant 0 : i32
      %dma_wait3A_194 = tpu.memref_slice %arg8[%dma_wait3A_192, %dma_wait3A_193] : memref<200x128xf32, #tpu.memory_space<vmem>> -> memref<40x128xf32, #tpu.memory_space<vmem>>
      %dma_wait3A_195 = arith.constant 0 : i32
      %dma_wait3A_196 = arith.constant 0 : i32
      %dma_wait3A_197 = tpu.memref_slice %arg2[%dma_wait3A_195, %dma_wait3A_196] : memref<10000x128xf32, #tpu.memory_space<hbm>> -> memref<40x128xf32, #tpu.memory_space<hbm>>
      %dma_wait3A_198 = arith.constant 0 : i32
      %dma_wait3A_199 = arith.constant 0 : i32
      %dma_wait3A_200 = tpu.memref_slice %arg8[%dma_wait3A_198, %dma_wait3A_199] : memref<200x128xf32, #tpu.memory_space<vmem>> -> memref<40x128xf32, #tpu.memory_space<vmem>>
      %dma_wait3A_201 = arith.constant 0 : i32
      %dma_wait3A_202 = arith.constant 0 : i32
      %dma_wait3A_203 = tpu.memref_slice %arg2[%dma_wait3A_201, %dma_wait3A_202] : memref<10000x128xf32, #tpu.memory_space<hbm>> -> memref<40x128xf32, #tpu.memory_space<hbm>>
      tpu.wait_dma2 semaphore(%arg10 : memref<!tpu.dma_semaphore, #tpu.memory_space<semaphore_mem>>) src(%dma_wait3A_203 : memref<40x128xf32, #tpu.memory_space<hbm>>) dst(%dma_wait3A_200 : memref<40x128xf32, #tpu.memory_space<vmem>>)
      %dma_wait3A_204 = arith.constant 40 : i32
      %dma_wait3A_205 = arith.constant 0 : i32
      %dma_wait3A_206 = tpu.memref_slice %arg8[%dma_wait3A_204, %dma_wait3A_205] : memref<200x128xf32, #tpu.memory_space<vmem>> -> memref<40x128xf32, #tpu.memory_space<vmem>>
      %dma_wait3A_207 = arith.constant 0 : i32
      %dma_wait3A_208 = arith.constant 0 : i32
      %dma_wait3A_209 = tpu.memref_slice %arg2[%dma_wait3A_207, %dma_wait3A_208] : memref<10000x128xf32, #tpu.memory_space<hbm>> -> memref<40x128xf32, #tpu.memory_space<hbm>>
      %dma_wait3A_210 = arith.constant 40 : i32
      %dma_wait3A_211 = arith.constant 0 : i32
      %dma_wait3A_212 = tpu.memref_slice %arg8[%dma_wait3A_210, %dma_wait3A_211] : memref<200x128xf32, #tpu.memory_space<vmem>> -> memref<40x128xf32, #tpu.memory_space<vmem>>
      %dma_wait3A_213 = arith.constant 0 : i32
      %dma_wait3A_214 = arith.constant 0 : i32
      %dma_wait3A_215 = tpu.memref_slice %arg2[%dma_wait3A_213, %dma_wait3A_214] : memref<10000x128xf32, #tpu.memory_space<hbm>> -> memref<40x128xf32, #tpu.memory_space<hbm>>
      tpu.wait_dma2 semaphore(%arg10 : memref<!tpu.dma_semaphore, #tpu.memory_space<semaphore_mem>>) src(%dma_wait3A_215 : memref<40x128xf32, #tpu.memory_space<hbm>>) dst(%dma_wait3A_212 : memref<40x128xf32, #tpu.memory_space<vmem>>)
      %dma_wait3A_216 = arith.constant 80 : i32
      %dma_wait3A_217 = arith.constant 0 : i32
      %dma_wait3A_218 = tpu.memref_slice %arg8[%dma_wait3A_216, %dma_wait3A_217] : memref<200x128xf32, #tpu.memory_space<vmem>> -> memref<40x128xf32, #tpu.memory_space<vmem>>
      %dma_wait3A_219 = arith.constant 0 : i32
      %dma_wait3A_220 = arith.constant 0 : i32
      %dma_wait3A_221 = tpu.memref_slice %arg2[%dma_wait3A_219, %dma_wait3A_220] : memref<10000x128xf32, #tpu.memory_space<hbm>> -> memref<40x128xf32, #tpu.memory_space<hbm>>
      %dma_wait3A_222 = arith.constant 80 : i32
      %dma_wait3A_223 = arith.constant 0 : i32
      %dma_wait3A_224 = tpu.memref_slice %arg8[%dma_wait3A_222, %dma_wait3A_223] : memref<200x128xf32, #tpu.memory_space<vmem>> -> memref<40x128xf32, #tpu.memory_space<vmem>>
      %dma_wait3A_225 = arith.constant 0 : i32
      %dma_wait3A_226 = arith.constant 0 : i32
      %dma_wait3A_227 = tpu.memref_slice %arg2[%dma_wait3A_225, %dma_wait3A_226] : memref<10000x128xf32, #tpu.memory_space<hbm>> -> memref<40x128xf32, #tpu.memory_space<hbm>>
      tpu.wait_dma2 semaphore(%arg10 : memref<!tpu.dma_semaphore, #tpu.memory_space<semaphore_mem>>) src(%dma_wait3A_227 : memref<40x128xf32, #tpu.memory_space<hbm>>) dst(%dma_wait3A_224 : memref<40x128xf32, #tpu.memory_space<vmem>>)
      %dma_wait3A_228 = arith.constant 120 : i32
      %dma_wait3A_229 = arith.constant 0 : i32
      %dma_wait3A_230 = tpu.memref_slice %arg8[%dma_wait3A_228, %dma_wait3A_229] : memref<200x128xf32, #tpu.memory_space<vmem>> -> memref<40x128xf32, #tpu.memory_space<vmem>>
      %dma_wait3A_231 = arith.constant 0 : i32
      %dma_wait3A_232 = arith.constant 0 : i32
      %dma_wait3A_233 = tpu.memref_slice %arg2[%dma_wait3A_231, %dma_wait3A_232] : memref<10000x128xf32, #tpu.memory_space<hbm>> -> memref<40x128xf32, #tpu.memory_space<hbm>>
      %dma_wait3A_234 = arith.constant 120 : i32
      %dma_wait3A_235 = arith.constant 0 : i32
      %dma_wait3A_236 = tpu.memref_slice %arg8[%dma_wait3A_234, %dma_wait3A_235] : memref<200x128xf32, #tpu.memory_space<vmem>> -> memref<40x128xf32, #tpu.memory_space<vmem>>
      %dma_wait3A_237 = arith.constant 0 : i32
      %dma_wait3A_238 = arith.constant 0 : i32
      %dma_wait3A_239 = tpu.memref_slice %arg2[%dma_wait3A_237, %dma_wait3A_238] : memref<10000x128xf32, #tpu.memory_space<hbm>> -> memref<40x128xf32, #tpu.memory_space<hbm>>
      tpu.wait_dma2 semaphore(%arg10 : memref<!tpu.dma_semaphore, #tpu.memory_space<semaphore_mem>>) src(%dma_wait3A_239 : memref<40x128xf32, #tpu.memory_space<hbm>>) dst(%dma_wait3A_236 : memref<40x128xf32, #tpu.memory_space<vmem>>)
      %dma_wait3A_240 = arith.constant 160 : i32
      %dma_wait3A_241 = arith.constant 0 : i32
      %dma_wait3A_242 = tpu.memref_slice %arg8[%dma_wait3A_240, %dma_wait3A_241] : memref<200x128xf32, #tpu.memory_space<vmem>> -> memref<40x128xf32, #tpu.memory_space<vmem>>
      %dma_wait3A_243 = arith.constant 0 : i32
      %dma_wait3A_244 = arith.constant 0 : i32
      %dma_wait3A_245 = tpu.memref_slice %arg2[%dma_wait3A_243, %dma_wait3A_244] : memref<10000x128xf32, #tpu.memory_space<hbm>> -> memref<40x128xf32, #tpu.memory_space<hbm>>
      %dma_wait3A_246 = arith.constant 160 : i32
      %dma_wait3A_247 = arith.constant 0 : i32
      %dma_wait3A_248 = tpu.memref_slice %arg8[%dma_wait3A_246, %dma_wait3A_247] : memref<200x128xf32, #tpu.memory_space<vmem>> -> memref<40x128xf32, #tpu.memory_space<vmem>>
      %dma_wait3A_249 = arith.constant 0 : i32
      %dma_wait3A_250 = arith.constant 0 : i32
      %dma_wait3A_251 = tpu.memref_slice %arg2[%dma_wait3A_249, %dma_wait3A_250] : memref<10000x128xf32, #tpu.memory_space<hbm>> -> memref<40x128xf32, #tpu.memory_space<hbm>>
      tpu.wait_dma2 semaphore(%arg10 : memref<!tpu.dma_semaphore, #tpu.memory_space<semaphore_mem>>) src(%dma_wait3A_251 : memref<40x128xf32, #tpu.memory_space<hbm>>) dst(%dma_wait3A_248 : memref<40x128xf32, #tpu.memory_space<vmem>>)
      %mul3A_252 = arith.constant 200 : i32
      %mul3A_253 = arith.muli %add3A_122, %mul3A_252 : i32
      %add3A_254 = arith.addi %mul3A_2, %mul3A_253 : i32
      %dma_start3A_255 = arith.constant 0 : i32
      %dma_start3A_256 = tpu.memref_slice %arg6[%add3A_254, %dma_start3A_255] : memref<128000x128xf32, #tpu.memory_space<hbm>> -> memref<200x128xf32, #tpu.memory_space<hbm>>
      %dma_start3A_257 = arith.constant 0 : i32
      %dma_start3A_258 = tpu.memref_slice %arg6[%add3A_254, %dma_start3A_257] : memref<128000x128xf32, #tpu.memory_space<hbm>> -> memref<200x128xf32, #tpu.memory_space<hbm>>
      tpu.enqueue_dma source(%arg8 : memref<200x128xf32, #tpu.memory_space<vmem>>) target(%dma_start3A_258 : memref<200x128xf32, #tpu.memory_space<hbm>>) target_semaphore(%arg12 : memref<!tpu.dma_semaphore, #tpu.memory_space<semaphore_mem>>)
      %add3A_259 = arith.constant 1 : i32
      %add3A_260 = arith.addi %add3A_122, %add3A_259 : i32
      %add3A_261 = arith.constant 2 : i32
      %add3A_262 = arith.addi %add3A_122, %add3A_261 : i32
      %lt3A = arith.constant 20 : i32
      %lt3A_263 = arith.cmpi slt, %add3A_262, %lt3A : i32
      %ge3A_264 = arith.constant 1 : i32
      %ge3A_265 = arith.cmpi sge, %add3A_260, %ge3A_264 : i32
      %convert_element_type3A_266 = arith.extui %ge3A_265 : i1 to i32
      %cond3A_267 = arith.constant 0 : i32
      %cond3A_268 = arith.cmpi ne, %convert_element_type3A_266, %cond3A_267 : i32
      scf.if %cond3A_268 {
        %dma_wait3A_339 = arith.constant 0 : i32
        %dma_wait3A_340 = tpu.memref_slice %arg6[%mul3A_2, %dma_wait3A_339] : memref<128000x128xf32, #tpu.memory_space<hbm>> -> memref<200x128xf32, #tpu.memory_space<hbm>>
        %dma_wait3A_341 = arith.constant 0 : i32
        %dma_wait3A_342 = tpu.memref_slice %arg6[%mul3A_2, %dma_wait3A_341] : memref<128000x128xf32, #tpu.memory_space<hbm>> -> memref<200x128xf32, #tpu.memory_space<hbm>>
        tpu.wait_dma2 semaphore(%arg12 : memref<!tpu.dma_semaphore, #tpu.memory_space<semaphore_mem>>) src(%arg8 : memref<200x128xf32, #tpu.memory_space<vmem>>) dst(%dma_wait3A_342 : memref<200x128xf32, #tpu.memory_space<hbm>>)
      } else {
      }
      %convert_element_type3A_269 = arith.extui %lt3A_263 : i1 to i32
      %cond3A_270 = arith.constant 0 : i32
      %cond3A_271 = arith.cmpi ne, %convert_element_type3A_269, %cond3A_270 : i32
      scf.if %cond3A_271 {
        %add3A_339 = arith.constant 1 : i32
        %add3A_340 = arith.addi %add3A_260, %add3A_339 : i32
        %mul3A_341 = arith.constant 5 : i32
        %mul3A_342 = arith.muli %add3A_340, %mul3A_341 : i32
        %add3A_343 = arith.constant 0 : i32
        %add3A_344 = arith.addi %mul3A_342, %add3A_343 : i32
        %dma_start3A_345 = arith.constant 0 : i32
        %dma_start3A_346 = arith.constant 0 : i32
        %dma_start3A_347 = tpu.memref_slice %arg8[%dma_start3A_345, %dma_start3A_346] : memref<200x128xf32, #tpu.memory_space<vmem>> -> memref<40x128xf32, #tpu.memory_space<vmem>>
        %dma_start3A_348 = arith.constant 0 : i32
        %dma_start3A_349 = tpu.memref_slice %arg7[%add3A_344, %dma_start3A_348] : memref<100x40xi32, #tpu.memory_space<vmem>> -> memref<1x40xi32, #tpu.memory_space<vmem>>
        %dma_start3A_350 = tpu.memref_squeeze %dma_start3A_349 : memref<1x40xi32, #tpu.memory_space<vmem>> -> memref<40xi32, #tpu.memory_space<vmem>>
        %dma_start3A_351 = arith.constant 0 : i32
        %dma_start3A_352 = arith.constant 0 : i32
        %dma_start3A_353 = tpu.memref_slice %arg2[%dma_start3A_351, %dma_start3A_352] : memref<10000x128xf32, #tpu.memory_space<hbm>> -> memref<10000x128xf32, #tpu.memory_space<hbm>>
        tpu.enqueue_indirect_dma source(%dma_start3A_353 : memref<10000x128xf32, #tpu.memory_space<hbm>>) target(%dma_start3A_347 : memref<40x128xf32, #tpu.memory_space<vmem>>) offsets(%dma_start3A_350 : memref<40xi32, #tpu.memory_space<vmem>>) semaphore(%arg10 : memref<!tpu.dma_semaphore, #tpu.memory_space<semaphore_mem>>)
        %mul3A_354 = arith.constant 5 : i32
        %mul3A_355 = arith.muli %add3A_340, %mul3A_354 : i32
        %add3A_356 = arith.constant 1 : i32
        %add3A_357 = arith.addi %mul3A_355, %add3A_356 : i32
        %dma_start3A_358 = arith.constant 40 : i32
        %dma_start3A_359 = arith.constant 0 : i32
        %dma_start3A_360 = tpu.memref_slice %arg8[%dma_start3A_358, %dma_start3A_359] : memref<200x128xf32, #tpu.memory_space<vmem>> -> memref<40x128xf32, #tpu.memory_space<vmem>>
        %dma_start3A_361 = arith.constant 0 : i32
        %dma_start3A_362 = tpu.memref_slice %arg7[%add3A_357, %dma_start3A_361] : memref<100x40xi32, #tpu.memory_space<vmem>> -> memref<1x40xi32, #tpu.memory_space<vmem>>
        %dma_start3A_363 = tpu.memref_squeeze %dma_start3A_362 : memref<1x40xi32, #tpu.memory_space<vmem>> -> memref<40xi32, #tpu.memory_space<vmem>>
        %dma_start3A_364 = arith.constant 0 : i32
        %dma_start3A_365 = arith.constant 0 : i32
        %dma_start3A_366 = tpu.memref_slice %arg2[%dma_start3A_364, %dma_start3A_365] : memref<10000x128xf32, #tpu.memory_space<hbm>> -> memref<10000x128xf32, #tpu.memory_space<hbm>>
        tpu.enqueue_indirect_dma source(%dma_start3A_366 : memref<10000x128xf32, #tpu.memory_space<hbm>>) target(%dma_start3A_360 : memref<40x128xf32, #tpu.memory_space<vmem>>) offsets(%dma_start3A_363 : memref<40xi32, #tpu.memory_space<vmem>>) semaphore(%arg10 : memref<!tpu.dma_semaphore, #tpu.memory_space<semaphore_mem>>)
        %mul3A_367 = arith.constant 5 : i32
        %mul3A_368 = arith.muli %add3A_340, %mul3A_367 : i32
        %add3A_369 = arith.constant 2 : i32
        %add3A_370 = arith.addi %mul3A_368, %add3A_369 : i32
        %dma_start3A_371 = arith.constant 80 : i32
        %dma_start3A_372 = arith.constant 0 : i32
        %dma_start3A_373 = tpu.memref_slice %arg8[%dma_start3A_371, %dma_start3A_372] : memref<200x128xf32, #tpu.memory_space<vmem>> -> memref<40x128xf32, #tpu.memory_space<vmem>>
        %dma_start3A_374 = arith.constant 0 : i32
        %dma_start3A_375 = tpu.memref_slice %arg7[%add3A_370, %dma_start3A_374] : memref<100x40xi32, #tpu.memory_space<vmem>> -> memref<1x40xi32, #tpu.memory_space<vmem>>
        %dma_start3A_376 = tpu.memref_squeeze %dma_start3A_375 : memref<1x40xi32, #tpu.memory_space<vmem>> -> memref<40xi32, #tpu.memory_space<vmem>>
        %dma_start3A_377 = arith.constant 0 : i32
        %dma_start3A_378 = arith.constant 0 : i32
        %dma_start3A_379 = tpu.memref_slice %arg2[%dma_start3A_377, %dma_start3A_378] : memref<10000x128xf32, #tpu.memory_space<hbm>> -> memref<10000x128xf32, #tpu.memory_space<hbm>>
        tpu.enqueue_indirect_dma source(%dma_start3A_379 : memref<10000x128xf32, #tpu.memory_space<hbm>>) target(%dma_start3A_373 : memref<40x128xf32, #tpu.memory_space<vmem>>) offsets(%dma_start3A_376 : memref<40xi32, #tpu.memory_space<vmem>>) semaphore(%arg10 : memref<!tpu.dma_semaphore, #tpu.memory_space<semaphore_mem>>)
        %mul3A_380 = arith.constant 5 : i32
        %mul3A_381 = arith.muli %add3A_340, %mul3A_380 : i32
        %add3A_382 = arith.constant 3 : i32
        %add3A_383 = arith.addi %mul3A_381, %add3A_382 : i32
        %dma_start3A_384 = arith.constant 120 : i32
        %dma_start3A_385 = arith.constant 0 : i32
        %dma_start3A_386 = tpu.memref_slice %arg8[%dma_start3A_384, %dma_start3A_385] : memref<200x128xf32, #tpu.memory_space<vmem>> -> memref<40x128xf32, #tpu.memory_space<vmem>>
        %dma_start3A_387 = arith.constant 0 : i32
        %dma_start3A_388 = tpu.memref_slice %arg7[%add3A_383, %dma_start3A_387] : memref<100x40xi32, #tpu.memory_space<vmem>> -> memref<1x40xi32, #tpu.memory_space<vmem>>
        %dma_start3A_389 = tpu.memref_squeeze %dma_start3A_388 : memref<1x40xi32, #tpu.memory_space<vmem>> -> memref<40xi32, #tpu.memory_space<vmem>>
        %dma_start3A_390 = arith.constant 0 : i32
        %dma_start3A_391 = arith.constant 0 : i32
        %dma_start3A_392 = tpu.memref_slice %arg2[%dma_start3A_390, %dma_start3A_391] : memref<10000x128xf32, #tpu.memory_space<hbm>> -> memref<10000x128xf32, #tpu.memory_space<hbm>>
        tpu.enqueue_indirect_dma source(%dma_start3A_392 : memref<10000x128xf32, #tpu.memory_space<hbm>>) target(%dma_start3A_386 : memref<40x128xf32, #tpu.memory_space<vmem>>) offsets(%dma_start3A_389 : memref<40xi32, #tpu.memory_space<vmem>>) semaphore(%arg10 : memref<!tpu.dma_semaphore, #tpu.memory_space<semaphore_mem>>)
        %mul3A_393 = arith.constant 5 : i32
        %mul3A_394 = arith.muli %add3A_340, %mul3A_393 : i32
        %add3A_395 = arith.constant 4 : i32
        %add3A_396 = arith.addi %mul3A_394, %add3A_395 : i32
        %dma_start3A_397 = arith.constant 160 : i32
        %dma_start3A_398 = arith.constant 0 : i32
        %dma_start3A_399 = tpu.memref_slice %arg8[%dma_start3A_397, %dma_start3A_398] : memref<200x128xf32, #tpu.memory_space<vmem>> -> memref<40x128xf32, #tpu.memory_space<vmem>>
        %dma_start3A_400 = arith.constant 0 : i32
        %dma_start3A_401 = tpu.memref_slice %arg7[%add3A_396, %dma_start3A_400] : memref<100x40xi32, #tpu.memory_space<vmem>> -> memref<1x40xi32, #tpu.memory_space<vmem>>
        %dma_start3A_402 = tpu.memref_squeeze %dma_start3A_401 : memref<1x40xi32, #tpu.memory_space<vmem>> -> memref<40xi32, #tpu.memory_space<vmem>>
        %dma_start3A_403 = arith.constant 0 : i32
        %dma_start3A_404 = arith.constant 0 : i32
        %dma_start3A_405 = tpu.memref_slice %arg2[%dma_start3A_403, %dma_start3A_404] : memref<10000x128xf32, #tpu.memory_space<hbm>> -> memref<10000x128xf32, #tpu.memory_space<hbm>>
        tpu.enqueue_indirect_dma source(%dma_start3A_405 : memref<10000x128xf32, #tpu.memory_space<hbm>>) target(%dma_start3A_399 : memref<40x128xf32, #tpu.memory_space<vmem>>) offsets(%dma_start3A_402 : memref<40xi32, #tpu.memory_space<vmem>>) semaphore(%arg10 : memref<!tpu.dma_semaphore, #tpu.memory_space<semaphore_mem>>)
      } else {
      }
      %dma_wait3A_272 = arith.constant 0 : i32
      %dma_wait3A_273 = arith.constant 0 : i32
      %dma_wait3A_274 = tpu.memref_slice %arg9[%dma_wait3A_272, %dma_wait3A_273] : memref<200x128xf32, #tpu.memory_space<vmem>> -> memref<40x128xf32, #tpu.memory_space<vmem>>
      %dma_wait3A_275 = arith.constant 0 : i32
      %dma_wait3A_276 = arith.constant 0 : i32
      %dma_wait3A_277 = tpu.memref_slice %arg2[%dma_wait3A_275, %dma_wait3A_276] : memref<10000x128xf32, #tpu.memory_space<hbm>> -> memref<40x128xf32, #tpu.memory_space<hbm>>
      %dma_wait3A_278 = arith.constant 0 : i32
      %dma_wait3A_279 = arith.constant 0 : i32
      %dma_wait3A_280 = tpu.memref_slice %arg9[%dma_wait3A_278, %dma_wait3A_279] : memref<200x128xf32, #tpu.memory_space<vmem>> -> memref<40x128xf32, #tpu.memory_space<vmem>>
      %dma_wait3A_281 = arith.constant 0 : i32
      %dma_wait3A_282 = arith.constant 0 : i32
      %dma_wait3A_283 = tpu.memref_slice %arg2[%dma_wait3A_281, %dma_wait3A_282] : memref<10000x128xf32, #tpu.memory_space<hbm>> -> memref<40x128xf32, #tpu.memory_space<hbm>>
      tpu.wait_dma2 semaphore(%arg11 : memref<!tpu.dma_semaphore, #tpu.memory_space<semaphore_mem>>) src(%dma_wait3A_283 : memref<40x128xf32, #tpu.memory_space<hbm>>) dst(%dma_wait3A_280 : memref<40x128xf32, #tpu.memory_space<vmem>>)
      %dma_wait3A_284 = arith.constant 40 : i32
      %dma_wait3A_285 = arith.constant 0 : i32
      %dma_wait3A_286 = tpu.memref_slice %arg9[%dma_wait3A_284, %dma_wait3A_285] : memref<200x128xf32, #tpu.memory_space<vmem>> -> memref<40x128xf32, #tpu.memory_space<vmem>>
      %dma_wait3A_287 = arith.constant 0 : i32
      %dma_wait3A_288 = arith.constant 0 : i32
      %dma_wait3A_289 = tpu.memref_slice %arg2[%dma_wait3A_287, %dma_wait3A_288] : memref<10000x128xf32, #tpu.memory_space<hbm>> -> memref<40x128xf32, #tpu.memory_space<hbm>>
      %dma_wait3A_290 = arith.constant 40 : i32
      %dma_wait3A_291 = arith.constant 0 : i32
      %dma_wait3A_292 = tpu.memref_slice %arg9[%dma_wait3A_290, %dma_wait3A_291] : memref<200x128xf32, #tpu.memory_space<vmem>> -> memref<40x128xf32, #tpu.memory_space<vmem>>
      %dma_wait3A_293 = arith.constant 0 : i32
      %dma_wait3A_294 = arith.constant 0 : i32
      %dma_wait3A_295 = tpu.memref_slice %arg2[%dma_wait3A_293, %dma_wait3A_294] : memref<10000x128xf32, #tpu.memory_space<hbm>> -> memref<40x128xf32, #tpu.memory_space<hbm>>
      tpu.wait_dma2 semaphore(%arg11 : memref<!tpu.dma_semaphore, #tpu.memory_space<semaphore_mem>>) src(%dma_wait3A_295 : memref<40x128xf32, #tpu.memory_space<hbm>>) dst(%dma_wait3A_292 : memref<40x128xf32, #tpu.memory_space<vmem>>)
      %dma_wait3A_296 = arith.constant 80 : i32
      %dma_wait3A_297 = arith.constant 0 : i32
      %dma_wait3A_298 = tpu.memref_slice %arg9[%dma_wait3A_296, %dma_wait3A_297] : memref<200x128xf32, #tpu.memory_space<vmem>> -> memref<40x128xf32, #tpu.memory_space<vmem>>
      %dma_wait3A_299 = arith.constant 0 : i32
      %dma_wait3A_300 = arith.constant 0 : i32
      %dma_wait3A_301 = tpu.memref_slice %arg2[%dma_wait3A_299, %dma_wait3A_300] : memref<10000x128xf32, #tpu.memory_space<hbm>> -> memref<40x128xf32, #tpu.memory_space<hbm>>
      %dma_wait3A_302 = arith.constant 80 : i32
      %dma_wait3A_303 = arith.constant 0 : i32
      %dma_wait3A_304 = tpu.memref_slice %arg9[%dma_wait3A_302, %dma_wait3A_303] : memref<200x128xf32, #tpu.memory_space<vmem>> -> memref<40x128xf32, #tpu.memory_space<vmem>>
      %dma_wait3A_305 = arith.constant 0 : i32
      %dma_wait3A_306 = arith.constant 0 : i32
      %dma_wait3A_307 = tpu.memref_slice %arg2[%dma_wait3A_305, %dma_wait3A_306] : memref<10000x128xf32, #tpu.memory_space<hbm>> -> memref<40x128xf32, #tpu.memory_space<hbm>>
      tpu.wait_dma2 semaphore(%arg11 : memref<!tpu.dma_semaphore, #tpu.memory_space<semaphore_mem>>) src(%dma_wait3A_307 : memref<40x128xf32, #tpu.memory_space<hbm>>) dst(%dma_wait3A_304 : memref<40x128xf32, #tpu.memory_space<vmem>>)
      %dma_wait3A_308 = arith.constant 120 : i32
      %dma_wait3A_309 = arith.constant 0 : i32
      %dma_wait3A_310 = tpu.memref_slice %arg9[%dma_wait3A_308, %dma_wait3A_309] : memref<200x128xf32, #tpu.memory_space<vmem>> -> memref<40x128xf32, #tpu.memory_space<vmem>>
      %dma_wait3A_311 = arith.constant 0 : i32
      %dma_wait3A_312 = arith.constant 0 : i32
      %dma_wait3A_313 = tpu.memref_slice %arg2[%dma_wait3A_311, %dma_wait3A_312] : memref<10000x128xf32, #tpu.memory_space<hbm>> -> memref<40x128xf32, #tpu.memory_space<hbm>>
      %dma_wait3A_314 = arith.constant 120 : i32
      %dma_wait3A_315 = arith.constant 0 : i32
      %dma_wait3A_316 = tpu.memref_slice %arg9[%dma_wait3A_314, %dma_wait3A_315] : memref<200x128xf32, #tpu.memory_space<vmem>> -> memref<40x128xf32, #tpu.memory_space<vmem>>
      %dma_wait3A_317 = arith.constant 0 : i32
      %dma_wait3A_318 = arith.constant 0 : i32
      %dma_wait3A_319 = tpu.memref_slice %arg2[%dma_wait3A_317, %dma_wait3A_318] : memref<10000x128xf32, #tpu.memory_space<hbm>> -> memref<40x128xf32, #tpu.memory_space<hbm>>
      tpu.wait_dma2 semaphore(%arg11 : memref<!tpu.dma_semaphore, #tpu.memory_space<semaphore_mem>>) src(%dma_wait3A_319 : memref<40x128xf32, #tpu.memory_space<hbm>>) dst(%dma_wait3A_316 : memref<40x128xf32, #tpu.memory_space<vmem>>)
      %dma_wait3A_320 = arith.constant 160 : i32
      %dma_wait3A_321 = arith.constant 0 : i32
      %dma_wait3A_322 = tpu.memref_slice %arg9[%dma_wait3A_320, %dma_wait3A_321] : memref<200x128xf32, #tpu.memory_space<vmem>> -> memref<40x128xf32, #tpu.memory_space<vmem>>
      %dma_wait3A_323 = arith.constant 0 : i32
      %dma_wait3A_324 = arith.constant 0 : i32
      %dma_wait3A_325 = tpu.memref_slice %arg2[%dma_wait3A_323, %dma_wait3A_324] : memref<10000x128xf32, #tpu.memory_space<hbm>> -> memref<40x128xf32, #tpu.memory_space<hbm>>
      %dma_wait3A_326 = arith.constant 160 : i32
      %dma_wait3A_327 = arith.constant 0 : i32
      %dma_wait3A_328 = tpu.memref_slice %arg9[%dma_wait3A_326, %dma_wait3A_327] : memref<200x128xf32, #tpu.memory_space<vmem>> -> memref<40x128xf32, #tpu.memory_space<vmem>>
      %dma_wait3A_329 = arith.constant 0 : i32
      %dma_wait3A_330 = arith.constant 0 : i32
      %dma_wait3A_331 = tpu.memref_slice %arg2[%dma_wait3A_329, %dma_wait3A_330] : memref<10000x128xf32, #tpu.memory_space<hbm>> -> memref<40x128xf32, #tpu.memory_space<hbm>>
      tpu.wait_dma2 semaphore(%arg11 : memref<!tpu.dma_semaphore, #tpu.memory_space<semaphore_mem>>) src(%dma_wait3A_331 : memref<40x128xf32, #tpu.memory_space<hbm>>) dst(%dma_wait3A_328 : memref<40x128xf32, #tpu.memory_space<vmem>>)
      %mul3A_332 = arith.constant 200 : i32
      %mul3A_333 = arith.muli %add3A_260, %mul3A_332 : i32
      %add3A_334 = arith.addi %mul3A_2, %mul3A_333 : i32
      %dma_start3A_335 = arith.constant 0 : i32
      %dma_start3A_336 = tpu.memref_slice %arg6[%add3A_334, %dma_start3A_335] : memref<128000x128xf32, #tpu.memory_space<hbm>> -> memref<200x128xf32, #tpu.memory_space<hbm>>
      %dma_start3A_337 = arith.constant 0 : i32
      %dma_start3A_338 = tpu.memref_slice %arg6[%add3A_334, %dma_start3A_337] : memref<128000x128xf32, #tpu.memory_space<hbm>> -> memref<200x128xf32, #tpu.memory_space<hbm>>
      tpu.enqueue_dma source(%arg9 : memref<200x128xf32, #tpu.memory_space<vmem>>) target(%dma_start3A_338 : memref<200x128xf32, #tpu.memory_space<hbm>>) target_semaphore(%arg13 : memref<!tpu.dma_semaphore, #tpu.memory_space<semaphore_mem>>)
    }
    %scan3A_113 = arith.constant 10 : i32
    %dma_wait3A_114 = arith.constant 0 : i32
    %dma_wait3A_115 = tpu.memref_slice %arg6[%mul3A_2, %dma_wait3A_114] : memref<128000x128xf32, #tpu.memory_space<hbm>> -> memref<200x128xf32, #tpu.memory_space<hbm>>
    %dma_wait3A_116 = arith.constant 0 : i32
    %dma_wait3A_117 = tpu.memref_slice %arg6[%mul3A_2, %dma_wait3A_116] : memref<128000x128xf32, #tpu.memory_space<hbm>> -> memref<200x128xf32, #tpu.memory_space<hbm>>
    tpu.wait_dma2 semaphore(%arg13 : memref<!tpu.dma_semaphore, #tpu.memory_space<semaphore_mem>>) src(%arg9 : memref<200x128xf32, #tpu.memory_space<vmem>>) dst(%dma_wait3A_117 : memref<200x128xf32, #tpu.memory_space<hbm>>)
    return
  }
}

module attributes {stable_mosaic.version = 14 : i64} {
  func.func @_edge_mlp_body(%arg0: i32, %arg1: memref<2000x128xf32, #tpu.memory_space<vmem>>, %arg2: memref<2000x128xf32, #tpu.memory_space<vmem>>, %arg3: memref<2000x16xbf16, #tpu.memory_space<vmem>>, %arg4: memref<128x256xbf16, #tpu.memory_space<vmem>>, %arg5: memref<128x256xbf16, #tpu.memory_space<vmem>>, %arg6: memref<16x256xbf16, #tpu.memory_space<vmem>>, %arg7: memref<1x256xf32, #tpu.memory_space<vmem>>, %arg8: memref<256x128xbf16, #tpu.memory_space<vmem>>, %arg9: memref<1x128xf32, #tpu.memory_space<vmem>>, %arg10: memref<2000x128xf32, #tpu.memory_space<vmem>>) attributes {dimension_semantics = [#tpu.dimension_semantics<arbitrary>], iteration_bounds = array<i64: 96>, scalar_prefetch = 0 : i64, scratch_operands = 0 : i64, tpu.core_type = #tpu.core_type<tc>, window_params = [{transform_indices = @transform_0, window_bounds = array<i64: 2000, 128>}, {transform_indices = @transform_1, window_bounds = array<i64: 2000, 128>}, {transform_indices = @transform_2, window_bounds = array<i64: 2000, 16>}, {pipeline_mode = #tpu.pipeline_mode<synchronous>, transform_indices = @transform_3, window_bounds = array<i64: 128, 256>}, {pipeline_mode = #tpu.pipeline_mode<synchronous>, transform_indices = @transform_4, window_bounds = array<i64: 128, 256>}, {pipeline_mode = #tpu.pipeline_mode<synchronous>, transform_indices = @transform_5, window_bounds = array<i64: 16, 256>}, {pipeline_mode = #tpu.pipeline_mode<synchronous>, transform_indices = @transform_6, window_bounds = array<i64: 1, 256>}, {pipeline_mode = #tpu.pipeline_mode<synchronous>, transform_indices = @transform_7, window_bounds = array<i64: 256, 128>}, {pipeline_mode = #tpu.pipeline_mode<synchronous>, transform_indices = @transform_8, window_bounds = array<i64: 1, 128>}, {transform_indices = @transform_9, window_bounds = array<i64: 2000, 128>}]} {
    %get3A = arith.constant 0 : index
    %get3A_0 = arith.constant 0 : index
    %get3A_1 = vector.load %arg1[%get3A, %get3A_0] : memref<2000x128xf32, #tpu.memory_space<vmem>>, vector<2000x128xf32>
    %convert_element_type3A = arith.truncf %get3A_1 : vector<2000x128xf32> to vector<2000x128xbf16>
    %get3A_2 = arith.constant 0 : index
    %get3A_3 = arith.constant 0 : index
    %get3A_4 = vector.load %arg4[%get3A_2, %get3A_3] : memref<128x256xbf16, #tpu.memory_space<vmem>>, vector<128x256xbf16>
    %dot_general3A = arith.constant dense<0.000000e+00> : vector<2000x256xf32>
    %dot_general3A_5 = tpu.matmul %convert_element_type3A, %get3A_4, %dot_general3A {dimension_numbers = #tpu.dot_dimension_numbers<[1], [0], [0], [1], [0, 0, 1, 1], [], []>, transpose_lhs_hint = false} : vector<2000x128xbf16>, vector<128x256xbf16>, vector<2000x256xf32> -> vector<2000x256xf32>
    %get3A_6 = arith.constant 0 : index
    %get3A_7 = arith.constant 0 : index
    %get3A_8 = vector.load %arg2[%get3A_6, %get3A_7] : memref<2000x128xf32, #tpu.memory_space<vmem>>, vector<2000x128xf32>
    %convert_element_type3A_9 = arith.truncf %get3A_8 : vector<2000x128xf32> to vector<2000x128xbf16>
    %get3A_10 = arith.constant 0 : index
    %get3A_11 = arith.constant 0 : index
    %get3A_12 = vector.load %arg5[%get3A_10, %get3A_11] : memref<128x256xbf16, #tpu.memory_space<vmem>>, vector<128x256xbf16>
    %dot_general3A_13 = arith.constant dense<0.000000e+00> : vector<2000x256xf32>
    %dot_general3A_14 = tpu.matmul %convert_element_type3A_9, %get3A_12, %dot_general3A_13 {dimension_numbers = #tpu.dot_dimension_numbers<[1], [0], [0], [1], [0, 0, 1, 1], [], []>, transpose_lhs_hint = false} : vector<2000x128xbf16>, vector<128x256xbf16>, vector<2000x256xf32> -> vector<2000x256xf32>
    %add3A = arith.addf %dot_general3A_5, %dot_general3A_14 : vector<2000x256xf32>
    %get3A_15 = arith.constant 0 : index
    %get3A_16 = arith.constant 0 : index
    %get3A_17 = vector.load %arg3[%get3A_15, %get3A_16] : memref<2000x16xbf16, #tpu.memory_space<vmem>>, vector<2000x16xbf16>
    %get3A_18 = arith.constant 0 : index
    %get3A_19 = arith.constant 0 : index
    %get3A_20 = vector.load %arg6[%get3A_18, %get3A_19] : memref<16x256xbf16, #tpu.memory_space<vmem>>, vector<16x256xbf16>
    %dot_general3A_21 = arith.constant dense<0.000000e+00> : vector<2000x256xf32>
    %dot_general3A_22 = tpu.matmul %get3A_17, %get3A_20, %dot_general3A_21 {dimension_numbers = #tpu.dot_dimension_numbers<[1], [0], [0], [1], [0, 0, 1, 1], [], []>, transpose_lhs_hint = false} : vector<2000x16xbf16>, vector<16x256xbf16>, vector<2000x256xf32> -> vector<2000x256xf32>
    %add3A_23 = arith.addf %add3A, %dot_general3A_22 : vector<2000x256xf32>
    %get3A_24 = arith.constant 0 : index
    %get3A_25 = arith.constant 0 : index
    %get3A_26 = vector.load %arg7[%get3A_24, %get3A_25] : memref<1x256xf32, #tpu.memory_space<vmem>>, vector<1x256xf32>
    %add3A_27 = vector.broadcast %get3A_26 : vector<1x256xf32> to vector<2000x256xf32>
    %add3A_28 = arith.addf %add3A_23, %add3A_27 : vector<2000x256xf32>
    %logistic3A = arith.negf %add3A_28 : vector<2000x256xf32>
    %logistic3A_29 = math.exp %logistic3A : vector<2000x256xf32>
    %logistic3A_30 = arith.constant 1.000000e+00 : f32
    %logistic3A_31 = vector.broadcast %logistic3A_30 : f32 to vector<2000x256xf32>
    %logistic3A_32 = arith.addf %logistic3A_31, %logistic3A_29 : vector<2000x256xf32>
    %logistic3A_33 = arith.divf %logistic3A_31, %logistic3A_32 : vector<2000x256xf32>
    %mul3A = arith.mulf %add3A_28, %logistic3A_33 : vector<2000x256xf32>
    %convert_element_type3A_34 = arith.truncf %mul3A : vector<2000x256xf32> to vector<2000x256xbf16>
    %get3A_35 = arith.constant 0 : index
    %get3A_36 = arith.constant 0 : index
    %get3A_37 = vector.load %arg8[%get3A_35, %get3A_36] : memref<256x128xbf16, #tpu.memory_space<vmem>>, vector<256x128xbf16>
    %dot_general3A_38 = arith.constant dense<0.000000e+00> : vector<2000x128xf32>
    %dot_general3A_39 = tpu.matmul %convert_element_type3A_34, %get3A_37, %dot_general3A_38 {dimension_numbers = #tpu.dot_dimension_numbers<[1], [0], [0], [1], [0, 0, 1, 1], [], []>, transpose_lhs_hint = false} : vector<2000x256xbf16>, vector<256x128xbf16>, vector<2000x128xf32> -> vector<2000x128xf32>
    %get3A_40 = arith.constant 0 : index
    %get3A_41 = arith.constant 0 : index
    %get3A_42 = vector.load %arg9[%get3A_40, %get3A_41] : memref<1x128xf32, #tpu.memory_space<vmem>>, vector<1x128xf32>
    %add3A_43 = vector.broadcast %get3A_42 : vector<1x128xf32> to vector<2000x128xf32>
    %add3A_44 = arith.addf %dot_general3A_39, %add3A_43 : vector<2000x128xf32>
    %swap3A = arith.constant 0 : index
    %swap3A_45 = arith.constant 0 : index
    %swap3A_46 = vector.load %arg10[%swap3A, %swap3A_45] : memref<2000x128xf32, #tpu.memory_space<vmem>>, vector<2000x128xf32>
    tpu.vector_store %arg10[%swap3A, %swap3A_45], %add3A_44 {strides = array<i32>} : memref<2000x128xf32, #tpu.memory_space<vmem>>, vector<2000x128xf32>,
    return
  }
  func.func @transform_0(%arg0: i32) -> (i32, i32) {
    %c0_i32 = arith.constant 0 : i32
    %c0_i32_0 = arith.constant 0 : i32
    return %arg0, %c0_i32 : i32, i32
  }
  func.func @transform_1(%arg0: i32) -> (i32, i32) {
    %c0_i32 = arith.constant 0 : i32
    %c0_i32_0 = arith.constant 0 : i32
    return %arg0, %c0_i32 : i32, i32
  }
  func.func @transform_2(%arg0: i32) -> (i32, i32) {
    %c0_i32 = arith.constant 0 : i32
    %c0_i32_0 = arith.constant 0 : i32
    return %arg0, %c0_i32 : i32, i32
  }
  func.func @transform_3(%arg0: i32) -> (i32, i32) {
    %c0_i32 = arith.constant 0 : i32
    %c0_i32_0 = arith.constant 0 : i32
    %c0_i32_1 = arith.constant 0 : i32
    return %c0_i32, %c0_i32_0 : i32, i32
  }
  func.func @transform_4(%arg0: i32) -> (i32, i32) {
    %c0_i32 = arith.constant 0 : i32
    %c0_i32_0 = arith.constant 0 : i32
    %c0_i32_1 = arith.constant 0 : i32
    return %c0_i32, %c0_i32_0 : i32, i32
  }
  func.func @transform_5(%arg0: i32) -> (i32, i32) {
    %c0_i32 = arith.constant 0 : i32
    %c0_i32_0 = arith.constant 0 : i32
    %c0_i32_1 = arith.constant 0 : i32
    return %c0_i32, %c0_i32_0 : i32, i32
  }
  func.func @transform_6(%arg0: i32) -> (i32, i32) {
    %c0_i32 = arith.constant 0 : i32
    %c0_i32_0 = arith.constant 0 : i32
    %c0_i32_1 = arith.constant 0 : i32
    return %c0_i32, %c0_i32_0 : i32, i32
  }
  func.func @transform_7(%arg0: i32) -> (i32, i32) {
    %c0_i32 = arith.constant 0 : i32
    %c0_i32_0 = arith.constant 0 : i32
    %c0_i32_1 = arith.constant 0 : i32
    return %c0_i32, %c0_i32_0 : i32, i32
  }
  func.func @transform_8(%arg0: i32) -> (i32, i32) {
    %c0_i32 = arith.constant 0 : i32
    %c0_i32_0 = arith.constant 0 : i32
    %c0_i32_1 = arith.constant 0 : i32
    return %c0_i32, %c0_i32_0 : i32, i32
  }
  func.func @transform_9(%arg0: i32) -> (i32, i32) {
    %c0_i32 = arith.constant 0 : i32
    %c0_i32_0 = arith.constant 0 : i32
    return %arg0, %c0_i32 : i32, i32
  }
}

module attributes {stable_mosaic.version = 14 : i64} {
  func.func @_edge_mlp_body(%arg0: i32, %arg1: memref<2000x128xf32, #tpu.memory_space<vmem>>, %arg2: memref<2000x128xf32, #tpu.memory_space<vmem>>, %arg3: memref<2000x16xbf16, #tpu.memory_space<vmem>>, %arg4: memref<128x256xbf16, #tpu.memory_space<vmem>>, %arg5: memref<128x256xbf16, #tpu.memory_space<vmem>>, %arg6: memref<16x256xbf16, #tpu.memory_space<vmem>>, %arg7: memref<1x256xf32, #tpu.memory_space<vmem>>, %arg8: memref<256x128xbf16, #tpu.memory_space<vmem>>, %arg9: memref<1x128xf32, #tpu.memory_space<vmem>>, %arg10: memref<2000x128xf32, #tpu.memory_space<vmem>>) attributes {dimension_semantics = [#tpu.dimension_semantics<arbitrary>], iteration_bounds = array<i64: 64>, scalar_prefetch = 0 : i64, scratch_operands = 0 : i64, tpu.core_type = #tpu.core_type<tc>, window_params = [{transform_indices = @transform_0, window_bounds = array<i64: 2000, 128>}, {transform_indices = @transform_1, window_bounds = array<i64: 2000, 128>}, {transform_indices = @transform_2, window_bounds = array<i64: 2000, 16>}, {pipeline_mode = #tpu.pipeline_mode<synchronous>, transform_indices = @transform_3, window_bounds = array<i64: 128, 256>}, {pipeline_mode = #tpu.pipeline_mode<synchronous>, transform_indices = @transform_4, window_bounds = array<i64: 128, 256>}, {pipeline_mode = #tpu.pipeline_mode<synchronous>, transform_indices = @transform_5, window_bounds = array<i64: 16, 256>}, {pipeline_mode = #tpu.pipeline_mode<synchronous>, transform_indices = @transform_6, window_bounds = array<i64: 1, 256>}, {pipeline_mode = #tpu.pipeline_mode<synchronous>, transform_indices = @transform_7, window_bounds = array<i64: 256, 128>}, {pipeline_mode = #tpu.pipeline_mode<synchronous>, transform_indices = @transform_8, window_bounds = array<i64: 1, 128>}, {transform_indices = @transform_9, window_bounds = array<i64: 2000, 128>}]} {
    %get3A = arith.constant 0 : index
    %get3A_0 = arith.constant 0 : index
    %get3A_1 = vector.load %arg1[%get3A, %get3A_0] : memref<2000x128xf32, #tpu.memory_space<vmem>>, vector<2000x128xf32>
    %convert_element_type3A = arith.truncf %get3A_1 : vector<2000x128xf32> to vector<2000x128xbf16>
    %get3A_2 = arith.constant 0 : index
    %get3A_3 = arith.constant 0 : index
    %get3A_4 = vector.load %arg4[%get3A_2, %get3A_3] : memref<128x256xbf16, #tpu.memory_space<vmem>>, vector<128x256xbf16>
    %dot_general3A = arith.constant dense<0.000000e+00> : vector<2000x256xf32>
    %dot_general3A_5 = tpu.matmul %convert_element_type3A, %get3A_4, %dot_general3A {dimension_numbers = #tpu.dot_dimension_numbers<[1], [0], [0], [1], [0, 0, 1, 1], [], []>, transpose_lhs_hint = false} : vector<2000x128xbf16>, vector<128x256xbf16>, vector<2000x256xf32> -> vector<2000x256xf32>
    %get3A_6 = arith.constant 0 : index
    %get3A_7 = arith.constant 0 : index
    %get3A_8 = vector.load %arg2[%get3A_6, %get3A_7] : memref<2000x128xf32, #tpu.memory_space<vmem>>, vector<2000x128xf32>
    %convert_element_type3A_9 = arith.truncf %get3A_8 : vector<2000x128xf32> to vector<2000x128xbf16>
    %get3A_10 = arith.constant 0 : index
    %get3A_11 = arith.constant 0 : index
    %get3A_12 = vector.load %arg5[%get3A_10, %get3A_11] : memref<128x256xbf16, #tpu.memory_space<vmem>>, vector<128x256xbf16>
    %dot_general3A_13 = arith.constant dense<0.000000e+00> : vector<2000x256xf32>
    %dot_general3A_14 = tpu.matmul %convert_element_type3A_9, %get3A_12, %dot_general3A_13 {dimension_numbers = #tpu.dot_dimension_numbers<[1], [0], [0], [1], [0, 0, 1, 1], [], []>, transpose_lhs_hint = false} : vector<2000x128xbf16>, vector<128x256xbf16>, vector<2000x256xf32> -> vector<2000x256xf32>
    %add3A = arith.addf %dot_general3A_5, %dot_general3A_14 : vector<2000x256xf32>
    %get3A_15 = arith.constant 0 : index
    %get3A_16 = arith.constant 0 : index
    %get3A_17 = vector.load %arg3[%get3A_15, %get3A_16] : memref<2000x16xbf16, #tpu.memory_space<vmem>>, vector<2000x16xbf16>
    %get3A_18 = arith.constant 0 : index
    %get3A_19 = arith.constant 0 : index
    %get3A_20 = vector.load %arg6[%get3A_18, %get3A_19] : memref<16x256xbf16, #tpu.memory_space<vmem>>, vector<16x256xbf16>
    %dot_general3A_21 = arith.constant dense<0.000000e+00> : vector<2000x256xf32>
    %dot_general3A_22 = tpu.matmul %get3A_17, %get3A_20, %dot_general3A_21 {dimension_numbers = #tpu.dot_dimension_numbers<[1], [0], [0], [1], [0, 0, 1, 1], [], []>, transpose_lhs_hint = false} : vector<2000x16xbf16>, vector<16x256xbf16>, vector<2000x256xf32> -> vector<2000x256xf32>
    %add3A_23 = arith.addf %add3A, %dot_general3A_22 : vector<2000x256xf32>
    %get3A_24 = arith.constant 0 : index
    %get3A_25 = arith.constant 0 : index
    %get3A_26 = vector.load %arg7[%get3A_24, %get3A_25] : memref<1x256xf32, #tpu.memory_space<vmem>>, vector<1x256xf32>
    %add3A_27 = vector.broadcast %get3A_26 : vector<1x256xf32> to vector<2000x256xf32>
    %add3A_28 = arith.addf %add3A_23, %add3A_27 : vector<2000x256xf32>
    %logistic3A = arith.negf %add3A_28 : vector<2000x256xf32>
    %logistic3A_29 = math.exp %logistic3A : vector<2000x256xf32>
    %logistic3A_30 = arith.constant 1.000000e+00 : f32
    %logistic3A_31 = vector.broadcast %logistic3A_30 : f32 to vector<2000x256xf32>
    %logistic3A_32 = arith.addf %logistic3A_31, %logistic3A_29 : vector<2000x256xf32>
    %logistic3A_33 = arith.divf %logistic3A_31, %logistic3A_32 : vector<2000x256xf32>
    %mul3A = arith.mulf %add3A_28, %logistic3A_33 : vector<2000x256xf32>
    %convert_element_type3A_34 = arith.truncf %mul3A : vector<2000x256xf32> to vector<2000x256xbf16>
    %get3A_35 = arith.constant 0 : index
    %get3A_36 = arith.constant 0 : index
    %get3A_37 = vector.load %arg8[%get3A_35, %get3A_36] : memref<256x128xbf16, #tpu.memory_space<vmem>>, vector<256x128xbf16>
    %dot_general3A_38 = arith.constant dense<0.000000e+00> : vector<2000x128xf32>
    %dot_general3A_39 = tpu.matmul %convert_element_type3A_34, %get3A_37, %dot_general3A_38 {dimension_numbers = #tpu.dot_dimension_numbers<[1], [0], [0], [1], [0, 0, 1, 1], [], []>, transpose_lhs_hint = false} : vector<2000x256xbf16>, vector<256x128xbf16>, vector<2000x128xf32> -> vector<2000x128xf32>
    %get3A_40 = arith.constant 0 : index
    %get3A_41 = arith.constant 0 : index
    %get3A_42 = vector.load %arg9[%get3A_40, %get3A_41] : memref<1x128xf32, #tpu.memory_space<vmem>>, vector<1x128xf32>
    %add3A_43 = vector.broadcast %get3A_42 : vector<1x128xf32> to vector<2000x128xf32>
    %add3A_44 = arith.addf %dot_general3A_39, %add3A_43 : vector<2000x128xf32>
    %swap3A = arith.constant 0 : index
    %swap3A_45 = arith.constant 0 : index
    %swap3A_46 = vector.load %arg10[%swap3A, %swap3A_45] : memref<2000x128xf32, #tpu.memory_space<vmem>>, vector<2000x128xf32>
    tpu.vector_store %arg10[%swap3A, %swap3A_45], %add3A_44 {strides = array<i32>} : memref<2000x128xf32, #tpu.memory_space<vmem>>, vector<2000x128xf32>,
    return
  }
  func.func @transform_0(%arg0: i32) -> (i32, i32) {
    %c0_i32 = arith.constant 0 : i32
    %c0_i32_0 = arith.constant 0 : i32
    return %arg0, %c0_i32 : i32, i32
  }
  func.func @transform_1(%arg0: i32) -> (i32, i32) {
    %c0_i32 = arith.constant 0 : i32
    %c0_i32_0 = arith.constant 0 : i32
    return %arg0, %c0_i32 : i32, i32
  }
  func.func @transform_2(%arg0: i32) -> (i32, i32) {
    %c0_i32 = arith.constant 0 : i32
    %c0_i32_0 = arith.constant 0 : i32
    return %arg0, %c0_i32 : i32, i32
  }
  func.func @transform_3(%arg0: i32) -> (i32, i32) {
    %c0_i32 = arith.constant 0 : i32
    %c0_i32_0 = arith.constant 0 : i32
    %c0_i32_1 = arith.constant 0 : i32
    return %c0_i32, %c0_i32_0 : i32, i32
  }
  func.func @transform_4(%arg0: i32) -> (i32, i32) {
    %c0_i32 = arith.constant 0 : i32
    %c0_i32_0 = arith.constant 0 : i32
    %c0_i32_1 = arith.constant 0 : i32
    return %c0_i32, %c0_i32_0 : i32, i32
  }
  func.func @transform_5(%arg0: i32) -> (i32, i32) {
    %c0_i32 = arith.constant 0 : i32
    %c0_i32_0 = arith.constant 0 : i32
    %c0_i32_1 = arith.constant 0 : i32
    return %c0_i32, %c0_i32_0 : i32, i32
  }
  func.func @transform_6(%arg0: i32) -> (i32, i32) {
    %c0_i32 = arith.constant 0 : i32
    %c0_i32_0 = arith.constant 0 : i32
    %c0_i32_1 = arith.constant 0 : i32
    return %c0_i32, %c0_i32_0 : i32, i32
  }
  func.func @transform_7(%arg0: i32) -> (i32, i32) {
    %c0_i32 = arith.constant 0 : i32
    %c0_i32_0 = arith.constant 0 : i32
    %c0_i32_1 = arith.constant 0 : i32
    return %c0_i32, %c0_i32_0 : i32, i32
  }
  func.func @transform_8(%arg0: i32) -> (i32, i32) {
    %c0_i32 = arith.constant 0 : i32
    %c0_i32_0 = arith.constant 0 : i32
    %c0_i32_1 = arith.constant 0 : i32
    return %c0_i32, %c0_i32_0 : i32, i32
  }
  func.func @transform_9(%arg0: i32) -> (i32, i32) {
    %c0_i32 = arith.constant 0 : i32
    %c0_i32_0 = arith.constant 0 : i32
    return %arg0, %c0_i32 : i32, i32
  }
}

module attributes {stable_mosaic.version = 14 : i64} {
  func.func @_update_norm_body(%arg0: memref<10000x128xf32, #tpu.memory_space<vmem>>, %arg1: memref<10000x128xf32, #tpu.memory_space<vmem>>, %arg2: memref<10000x128xf32, #tpu.memory_space<vmem>>, %arg3: memref<128x256xf32, #tpu.memory_space<vmem>>, %arg4: memref<128x256xf32, #tpu.memory_space<vmem>>, %arg5: memref<1x256xf32, #tpu.memory_space<vmem>>, %arg6: memref<256x128xf32, #tpu.memory_space<vmem>>, %arg7: memref<1x128xf32, #tpu.memory_space<vmem>>, %arg8: memref<10000x1xi32, #tpu.memory_space<vmem>>, %arg9: memref<1x128xf32, #tpu.memory_space<vmem>>, %arg10: memref<1x128xf32, #tpu.memory_space<vmem>>, %arg11: memref<1x128xf32, #tpu.memory_space<vmem>>, %arg12: memref<10000x128xf32, #tpu.memory_space<vmem>>) attributes {dimension_semantics = [], scalar_prefetch = 0 : i64, scratch_operands = 0 : i64, tpu.core_type = #tpu.core_type<tc>} {
    %get3A = arith.constant 0 : index
    %get3A_0 = arith.constant 0 : index
    %get3A_1 = vector.load %arg0[%get3A, %get3A_0] : memref<10000x128xf32, #tpu.memory_space<vmem>>, vector<10000x128xf32>
    %get3A_2 = arith.constant 0 : index
    %get3A_3 = arith.constant 0 : index
    %get3A_4 = vector.load %arg1[%get3A_2, %get3A_3] : memref<10000x128xf32, #tpu.memory_space<vmem>>, vector<10000x128xf32>
    %get3A_5 = arith.constant 0 : index
    %get3A_6 = arith.constant 0 : index
    %get3A_7 = vector.load %arg2[%get3A_5, %get3A_6] : memref<10000x128xf32, #tpu.memory_space<vmem>>, vector<10000x128xf32>
    %add3A = arith.addf %get3A_4, %get3A_7 : vector<10000x128xf32>
    %get3A_8 = arith.constant 0 : index
    %get3A_9 = arith.constant 0 : index
    %get3A_10 = vector.load %arg3[%get3A_8, %get3A_9] : memref<128x256xf32, #tpu.memory_space<vmem>>, vector<128x256xf32>
    %dot_general3A = arith.constant dense<0.000000e+00> : vector<10000x256xf32>
    %dot_general3A_11 = tpu.matmul %get3A_1, %get3A_10, %dot_general3A {dimension_numbers = #tpu.dot_dimension_numbers<[1], [0], [0], [1], [0, 0, 1, 1], [], []>, transpose_lhs_hint = false} : vector<10000x128xf32>, vector<128x256xf32>, vector<10000x256xf32> -> vector<10000x256xf32>
    %get3A_12 = arith.constant 0 : index
    %get3A_13 = arith.constant 0 : index
    %get3A_14 = vector.load %arg4[%get3A_12, %get3A_13] : memref<128x256xf32, #tpu.memory_space<vmem>>, vector<128x256xf32>
    %dot_general3A_15 = arith.constant dense<0.000000e+00> : vector<10000x256xf32>
    %dot_general3A_16 = tpu.matmul %add3A, %get3A_14, %dot_general3A_15 {dimension_numbers = #tpu.dot_dimension_numbers<[1], [0], [0], [1], [0, 0, 1, 1], [], []>, transpose_lhs_hint = false} : vector<10000x128xf32>, vector<128x256xf32>, vector<10000x256xf32> -> vector<10000x256xf32>
    %add3A_17 = arith.addf %dot_general3A_11, %dot_general3A_16 : vector<10000x256xf32>
    %get3A_18 = arith.constant 0 : index
    %get3A_19 = arith.constant 0 : index
    %get3A_20 = vector.load %arg5[%get3A_18, %get3A_19] : memref<1x256xf32, #tpu.memory_space<vmem>>, vector<1x256xf32>
    %add3A_21 = vector.broadcast %get3A_20 : vector<1x256xf32> to vector<10000x256xf32>
    %add3A_22 = arith.addf %add3A_17, %add3A_21 : vector<10000x256xf32>
    %logistic3A = arith.negf %add3A_22 : vector<10000x256xf32>
    %logistic3A_23 = math.exp %logistic3A : vector<10000x256xf32>
    %logistic3A_24 = arith.constant 1.000000e+00 : f32
    %logistic3A_25 = vector.broadcast %logistic3A_24 : f32 to vector<10000x256xf32>
    %logistic3A_26 = arith.addf %logistic3A_25, %logistic3A_23 : vector<10000x256xf32>
    %logistic3A_27 = arith.divf %logistic3A_25, %logistic3A_26 : vector<10000x256xf32>
    %mul3A = arith.mulf %add3A_22, %logistic3A_27 : vector<10000x256xf32>
    %get3A_28 = arith.constant 0 : index
    %get3A_29 = arith.constant 0 : index
    %get3A_30 = vector.load %arg6[%get3A_28, %get3A_29] : memref<256x128xf32, #tpu.memory_space<vmem>>, vector<256x128xf32>
    %dot_general3A_31 = arith.constant dense<0.000000e+00> : vector<10000x128xf32>
    %dot_general3A_32 = tpu.matmul %mul3A, %get3A_30, %dot_general3A_31 {dimension_numbers = #tpu.dot_dimension_numbers<[1], [0], [0], [1], [0, 0, 1, 1], [], []>, transpose_lhs_hint = false} : vector<10000x256xf32>, vector<256x128xf32>, vector<10000x128xf32> -> vector<10000x128xf32>
    %get3A_33 = arith.constant 0 : index
    %get3A_34 = arith.constant 0 : index
    %get3A_35 = vector.load %arg7[%get3A_33, %get3A_34] : memref<1x128xf32, #tpu.memory_space<vmem>>, vector<1x128xf32>
    %add3A_36 = vector.broadcast %get3A_35 : vector<1x128xf32> to vector<10000x128xf32>
    %add3A_37 = arith.addf %dot_general3A_32, %add3A_36 : vector<10000x128xf32>
    %add3A_38 = arith.addf %get3A_1, %add3A_37 : vector<10000x128xf32>
    %get3A_39 = arith.constant 0 : index
    %get3A_40 = arith.constant 0 : index
    %get3A_41 = vector.load %arg8[%get3A_39, %get3A_40] : memref<10000x1xi32, #tpu.memory_space<vmem>>, vector<10000x1xi32>
    %iota3A = tpu.iota {dimensions = array<i32: 1>} : vector<1x64xi32>
    %eq3A = vector.broadcast %get3A_41 : vector<10000x1xi32> to vector<10000x64xi32>
    %eq3A_42 = vector.broadcast %iota3A : vector<1x64xi32> to vector<10000x64xi32>
    %eq3A_43 = arith.cmpi eq, %eq3A, %eq3A_42 : vector<10000x64xi32>
    %convert_element_type3A = arith.extui %eq3A_43 : vector<10000x64xi1> to vector<10000x64xi32>
    %convert_element_type3A_44 = arith.sitofp %convert_element_type3A : vector<10000x64xi32> to vector<10000x64xf32>
    %reduce_sum3A = arith.constant dense<0.000000e+00> : vector<64xf32>
    %reduce_sum3A_45 = vector.multi_reduction <add>, %convert_element_type3A_44, %reduce_sum3A [0] : vector<10000x64xf32> to vector<64xf32>
    %broadcast_in_dim3A = vector.shape_cast %reduce_sum3A_45 : vector<64xf32> to vector<1x64xf32>
    %max3A = arith.constant 1.000000e+00 : f32
    %max3A_46 = vector.broadcast %max3A : f32 to vector<1x64xf32>
    %max3A_47 = arith.maximumf %broadcast_in_dim3A, %max3A_46 : vector<1x64xf32>
    %div3A = arith.constant 1.000000e+00 : f32
    %div3A_48 = vector.broadcast %div3A : f32 to vector<1x64xf32>
    %div3A_49 = arith.divf %div3A_48, %max3A_47 : vector<1x64xf32>
    %reshape3A = vector.shape_cast %div3A_49 : vector<1x64xf32> to vector<64x1xf32>
    %dot_general3A_50 = arith.constant dense<0.000000e+00> : vector<64x128xf32>
    %dot_general3A_51 = tpu.matmul %convert_element_type3A_44, %add3A_38, %dot_general3A_50 {dimension_numbers = #tpu.dot_dimension_numbers<[0], [0], [1], [1], [0, 1, 1, 1], [], []>, transpose_lhs_hint = false} : vector<10000x64xf32>, vector<10000x128xf32>, vector<64x128xf32> -> vector<64x128xf32>
    %mul3A_52 = vector.broadcast %reshape3A : vector<64x1xf32> to vector<64x128xf32>
    %mul3A_53 = arith.mulf %dot_general3A_51, %mul3A_52 : vector<64x128xf32>
    %get3A_54 = arith.constant 0 : index
    %get3A_55 = arith.constant 0 : index
    %get3A_56 = vector.load %arg11[%get3A_54, %get3A_55] : memref<1x128xf32, #tpu.memory_space<vmem>>, vector<1x128xf32>
    %dot_general3A_57 = arith.constant dense<0.000000e+00> : vector<10000x128xf32>
    %dot_general3A_58 = tpu.matmul %convert_element_type3A_44, %mul3A_53, %dot_general3A_57 {dimension_numbers = #tpu.dot_dimension_numbers<[1], [0], [0], [1], [0, 0, 1, 1], [], []>, transpose_lhs_hint = false} : vector<10000x64xf32>, vector<64x128xf32>, vector<10000x128xf32> -> vector<10000x128xf32>
    %mul3A_59 = vector.broadcast %get3A_56 : vector<1x128xf32> to vector<10000x128xf32>
    %mul3A_60 = arith.mulf %mul3A_59, %dot_general3A_58 : vector<10000x128xf32>
    %sub3A = arith.subf %add3A_38, %mul3A_60 : vector<10000x128xf32>
    %mul3A_61 = arith.mulf %sub3A, %sub3A : vector<10000x128xf32>
    %dot_general3A_62 = arith.constant dense<0.000000e+00> : vector<64x128xf32>
    %dot_general3A_63 = tpu.matmul %convert_element_type3A_44, %mul3A_61, %dot_general3A_62 {dimension_numbers = #tpu.dot_dimension_numbers<[0], [0], [1], [1], [0, 1, 1, 1], [], []>, transpose_lhs_hint = false} : vector<10000x64xf32>, vector<10000x128xf32>, vector<64x128xf32> -> vector<64x128xf32>
    %mul3A_64 = vector.broadcast %reshape3A : vector<64x1xf32> to vector<64x128xf32>
    %mul3A_65 = arith.mulf %dot_general3A_63, %mul3A_64 : vector<64x128xf32>
    %add3A_66 = arith.constant 9.99999974E-6 : f32
    %add3A_67 = vector.broadcast %add3A_66 : f32 to vector<64x128xf32>
    %add3A_68 = arith.addf %mul3A_65, %add3A_67 : vector<64x128xf32>
    %rsqrt3A = math.rsqrt %add3A_68 : vector<64x128xf32>
    %dot_general3A_69 = arith.constant dense<0.000000e+00> : vector<10000x128xf32>
    %dot_general3A_70 = tpu.matmul %convert_element_type3A_44, %rsqrt3A, %dot_general3A_69 {dimension_numbers = #tpu.dot_dimension_numbers<[1], [0], [0], [1], [0, 0, 1, 1], [], []>, transpose_lhs_hint = false} : vector<10000x64xf32>, vector<64x128xf32>, vector<10000x128xf32> -> vector<10000x128xf32>
    %mul3A_71 = arith.mulf %sub3A, %dot_general3A_70 : vector<10000x128xf32>
    %get3A_72 = arith.constant 0 : index
    %get3A_73 = arith.constant 0 : index
    %get3A_74 = vector.load %arg9[%get3A_72, %get3A_73] : memref<1x128xf32, #tpu.memory_space<vmem>>, vector<1x128xf32>
    %mul3A_75 = vector.broadcast %get3A_74 : vector<1x128xf32> to vector<10000x128xf32>
    %mul3A_76 = arith.mulf %mul3A_75, %mul3A_71 : vector<10000x128xf32>
    %get3A_77 = arith.constant 0 : index
    %get3A_78 = arith.constant 0 : index
    %get3A_79 = vector.load %arg10[%get3A_77, %get3A_78] : memref<1x128xf32, #tpu.memory_space<vmem>>, vector<1x128xf32>
    %add3A_80 = vector.broadcast %get3A_79 : vector<1x128xf32> to vector<10000x128xf32>
    %add3A_81 = arith.addf %mul3A_76, %add3A_80 : vector<10000x128xf32>
    %swap3A = arith.constant 0 : index
    %swap3A_82 = arith.constant 0 : index
    %swap3A_83 = vector.load %arg12[%swap3A, %swap3A_82] : memref<10000x128xf32, #tpu.memory_space<vmem>>, vector<10000x128xf32>
    tpu.vector_store %arg12[%swap3A, %swap3A_82], %add3A_81 {strides = array<i32>} : memref<10000x128xf32, #tpu.memory_space<vmem>>, vector<10000x128xf32>,
    return
  }
}

</mosaic_0001>

<sc_bundles>
// kernel: kernel.12.cloned.1.call-start
scs
__scs_entry_jumppad:
0x0: {  	(pc) =	sbr.rel $0x88, $3  }
0x1: {  	(tag) =	ssettag $0x0;
	lr =	simm.s32 $0x1  }
0x2: {  	[smem:$0x3F92] =	sst lr;
	_ =	strace $0xD0000000  }
0x3: {  	_ = 	snop  }
0x4: {  	_ = 	snop  }
0x5: {  	_ = 	snop  }
0x6: {  	_ = 	snop  }
0x7: {  	_ = 	snop  }
__scs_overlays_trampoline_lowered:
0x8: {  	[smem:$0x3FA1] =	sst s0  }
0x9: {  	[smem:$0x3FA2] =	sst s1  }
0xa: {  	[smem:$0x3FA3] =	sst s2  }
0xb: {  	[smem:$0x3FA4] =	sst s3  }
0xc: {  	[smem:$0x3FA5] =	sst s4  }
0xd: {  	[smem:$0x3FA6] =	sst s5  }
0xe: {  	[smem:$0x3FA7] =	sst s6  }
0xf: {  	[smem:$0x3FA8] =	sst s7  }
0x10: {  	[smem:$0x3FA9] =	sst s8  }
0x11: {  	[smem:$0x3FAA] =	sst s9;
	s0 =	simm.s32 @!p0 $0x0  }
0x12: {  	s1 =	sld [smem:$0x3F90];
	s0 =	simm.s32 @p0 $0x1  }
0x13: {  	[smem:$0x3FAB] =	sst s0;
	s0 =	simm.s32 @!p1 $0x0  }
0x14: {  	s2 =	sld [smem:$0x3F8F];
	s0 =	simm.s32 @p1 $0x1  }
0x15: {  	[smem:$0x3FAC] =	sst s0;
	s0 =	simm.s32 @!p2 $0x0  }
0x16: {  	s3 =	sld [smem:$0x3FDB];
	s0 =	simm.s32 @p2 $0x1  }
0x17: {  	s4 =	simm.s32 $0x1BF5;
	[smem:$0x3FAE] =	sst s0  }
0x18: {  	s0 =	sld [smem:$0x3F91];
	_ =	swait.ge [sflag:s4], $0x0  }
0x19: {  	s7 =	sld [smem:$0x3F92]  }
0x1a: {  	s8 =	sadd.s32 $0xFFFFE003, lr  }
0x1b: {  	s9 =	sadd.s32 $0xFFFFFEF7, lr;
	s5 =	simm.s32 $0xFFFFFFFF;
	p2 =	slt.u32 s8, $0xFFFFF086  }
0x1c: {  	p1 =	slt.u32 s9, $0xF7A;
	s5 =	simm.s32 @!p2 $0x0  }
0x1d: {  	s5 =	simm.s32 @p1 $0x1;
	p0 =	seq.s32 s7, s2  }
0x1e: {  	s7 =	smul.u32 @!p0 $0xF7A, s2;
	p2 =	seq.s32 @!p0 s5, $0x0  }
0x1f: {  	s9 =	smul.u32 $0xF7A, s1;
	s8 =	simm.s32 @!p0 $0x1BF5;
	p2 =	por !p2, p0  }
0x20: {  	[sflag:s8] =	ssyncset.s32 @!p0 $0xFFFFF086;
	s6 =	sadd.s32 @!p0 s3, s7;
	s7 =	simm.s32 @!p0 $0x108  }
0x21: {  	s3 =	sadd.s32 s3, s9;
	s6 =	sadd.s32 @!p0 $0x88, s6;
	s7 =	simm.s32 @p2 $0x1082  }
0x22: {  	[simem:s7], [sflag:s8] =	dma.local @!p0 [hbm:s6], $0xF7A  }
0x23: {  	s9 =	sor.u32 $0xD0000000, s2;
	s6 =	simm.s32 $0x108;
	_ =	swait.ge @!p0 [sflag:s8], $0x0  }
0x24: {  	s3 =	sadd.s32 $0x88, s3;
	s6 =	simm.s32 @!p1 $0x1082;
	[sflag:s4] =	ssyncset.s32 $0xFFFFF086  }
0x25: {  	[simem:s6], [sflag:s4] =	dma.local [hbm:s3], $0xF7A  }
0x26: {  	[smem:$0x3F92] =	sst s1;
	(tag) =	ssettag s2;
	_ =	strace s9  }
0x27: {  	s1 =	sld [smem:$0x3FA2]  }
0x28: {  	s2 =	sld [smem:$0x3FA3]  }
0x29: {  	s4 =	sld [smem:$0x3FA5]  }
0x2a: {  	p0 =	seq.s32 s5, $0x0;
	s5 =	sld [smem:$0x3FA6]  }
0x2b: {  	s6 =	sld [smem:$0x3FA7]  }
0x2c: {  	s7 =	sld [smem:$0x3FA8]  }
0x2d: {  	s3 =	simm.s32 $0x108;
	s8 =	sld [smem:$0x3FA9]  }
0x2e: {  	s3 =	simm.s32 @!p0 $0x1082;
	s9 =	sld [smem:$0x3FAA]  }
0x2f: {  	lr =	sadd.s32 s0, s3;
	s0 =	sld [smem:$0x3FA1]  }
0x30: {  	s3 =	sld [smem:$0x3FA4]  }
0x31: {  	[smem:$0x3FAD] =	sst s10  }
0x32: {  	s10 =	sld [smem:$0x3FAB];
	_ =	sdelay $0x3  }
0x33: {  	p0 =	seq.s32 s10, $0x1;
	s10 =	sld [smem:$0x3FAD];
	_ =	sdelay $0x3  }
0x34: {  	[smem:$0x3FAD] =	sst s10  }
0x35: {  	s10 =	sld [smem:$0x3FAC];
	_ =	sdelay $0x3  }
0x36: {  	p1 =	seq.s32 s10, $0x1;
	s10 =	sld [smem:$0x3FAD];
	_ =	sdelay $0x3  }
0x37: {  	[smem:$0x3FAD] =	sst s10  }
0x38: {  	s10 =	sld [smem:$0x3FAE]  }
0x39: {  	_ = 	snop;
	(pc) =	sbr.ind lr, $3  }
0x3a: {  	_ = 	snop  }
0x3b: {  	_ = 	snop  }
0x3c: {  	p2 =	seq.s32 s10, $0x1;
	s10 =	sld [smem:$0x3FAD]  }
0x3d: {  	_ =	shalt  }
0x3e: {  	_ =	shalt  }
0x3f: {  	_ =	shalt  }
0x40: {  	_ =	shalt  }
0x41: {  	_ =	shalt  }
0x42: {  	_ =	shalt  }
0x43: {  	_ =	shalt  }
0x44: {  	_ =	shalt  }
0x45: {  	_ =	shalt  }
0x46: {  	_ =	shalt  }
0x47: {  	_ =	shalt  }
0x48: {  	_ =	shalt  }
0x49: {  	_ =	shalt  }
0x4a: {  	_ =	shalt  }
0x4b: {  	_ =	shalt  }
0x4c: {  	_ =	shalt  }
0x4d: {  	_ =	shalt  }
0x4e: {  	_ =	shalt  }
0x4f: {  	_ =	shalt  }
0x50: {  	_ =	shalt  }
0x51: {  	_ =	shalt  }
0x52: {  	_ =	shalt  }
0x53: {  	_ =	shalt  }
0x54: {  	_ =	shalt  }
0x55: {  	_ =	shalt  }
0x56: {  	_ =	shalt  }
0x57: {  	_ =	shalt  }
0x58: {  	_ =	shalt  }
0x59: {  	_ =	shalt  }
0x5a: {  	_ =	shalt  }
0x5b: {  	_ =	shalt  }
0x5c: {  	_ =	shalt  }
0x5d: {  	_ =	shalt  }
0x5e: {  	_ =	shalt  }
0x5f: {  	_ =	shalt  }
0x60: {  	_ =	shalt  }
0x61: {  	_ =	shalt  }
0x62: {  	_ =	shalt  }
0x63: {  	_ =	shalt  }
0x64: {  	_ =	shalt  }
0x65: {  	_ =	shalt  }
0x66: {  	_ =	shalt  }
0x67: {  	_ =	shalt  }
0x68: {  	_ =	shalt  }
0x69: {  	_ =	shalt  }
0x6a: {  	_ =	shalt  }
0x6b: {  	_ =	shalt  }
0x6c: {  	_ =	shalt  }
0x6d: {  	_ =	shalt  }
0x6e: {  	_ =	shalt  }
0x6f: {  	_ =	shalt  }
0x70: {  	_ =	shalt  }
0x71: {  	_ =	shalt  }
0x72: {  	_ =	shalt  }
0x73: {  	_ =	shalt  }
0x74: {  	_ =	shalt  }
0x75: {  	_ =	shalt  }
0x76: {  	_ =	shalt  }
0x77: {  	_ =	shalt  }
0x78: {  	_ =	shalt  }
0x79: {  	_ =	shalt  }
0x7a: {  	_ =	shalt  }
0x7b: {  	_ =	shalt  }
0x7c: {  	_ =	shalt  }
0x7d: {  	_ =	shalt  }
0x7e: {  	_ =	shalt  }
0x7f: {  	_ =	shalt  }
0x80: {  	_ =	shalt  }
0x81: {  	_ =	shalt  }
0x82: {  	_ =	shalt  }
0x83: {  	_ =	shalt  }
0x84: {  	_ =	shalt  }
0x85: {  	_ =	shalt  }
0x86: {  	_ =	shalt  }
0x87: {  	_ =	shalt  }
.Lfunc_end0:
.L_simem_size_0:
called_computation.1_lowered:
.L_overlay_start_0:
0x88: {  	s2 =	sld [smem:$0x3FD9]  }
0x89: {  	s3 =	sld [smem:$0x3FFE];
	_ =	sdelay $0x1  }
0x8a: {  	s1 =	srdreg.scid  }
0x8b: {  	s0 =	sand.u32 $0x1, s1  }
0x8c: {  	s17 =	sshll.u32 s0, $0xA;
	s2 =	sadd.s32 s3, s2  }
0x8d: {  	s2 =	sadd.s32 s2, s17  }
0x8e: {  	[smem:$0x3FB9] =	sst s2  }
0x8f: {  	_ = 	snop  }
0x90: {  	s18 =	sld [smem:$0x3FC9];
	(tm) =	ssettm $0x1  }
0x91: {  	s19 =	sld [smem:$0x3FFB];
	_ =	sdelay $0x3  }
0x92: {  	_ =	strace s19  }
0x93: {  	s2 =	sld [smem:$0x3FFC];
	_ =	sdelay $0x3  }
0x94: {  	_ =	strace s2  }
0x95: {  	s2 =	sld [smem:$0x3FFD];
	_ =	sdelay $0x3  }
0x96: {  	_ =	strace s2  }
0x97: {  	_ =	strace $0x8FFFFFFF  }
0x98: {  	s20 =	sld [smem:$0x3FDB];
	_ =	sdelay $0x1  }
0x99: {  	s4 =	simm.s32 $_scs_section_size  }
0x9a: {  	s5 =	simm.s32 $_size__tile_overlayer_lowered;
	s6 =	simm.s32 $_tile_overlayer_lowered  }
0x9b: {  	s7 =	simm.s32 $0x1BFF;
	s21 =	sshll.u32 s6, $0x1;
	s4 =	sadd.s32 s4, s20  }
0x9c: {  	s22 =	simm.s32 $0x0;
	s5 =	sshll.u32 s5, $0x1;
	s6 =	sadd.s32 s21, s4  }
0x9d: {  	[timem:s22], [sflag:s7] =	dma.local [hbm:s6], s5  }
0x9e: {  	_ =	swait.ge [sflag:s7], s5  }
0x9f: {  	s5 =	ssub.s32 $0x0, s5;
	[sflag:s7] =	ssyncset.done $0x0  }
0xa0: {  	[sflag:s7] =	ssyncadd.s32 s5;
	_ =	sdelay $0x1  }
0xa1: {  	s23 =	simm.s32 $0x1B8B  }
0xa2: {  	_ =	swait.ge [sflag:s23], $0x1  }
0xa3: {  	[sflag:s23] =	ssyncset.done $0x0  }
0xa4: {  	[sflag:s23] =	ssyncadd.s32 $0xFFFFFFFF  }
0xa5: {  	s5 =	sld [smem:$0x0]  }
0xa6: {  	s6 =	sand.u32 $0xFFFFFFFE, s1  }
0xa7: {  	p0 =	sne.s32 s1, s6  }
0xa8: {  	s6 =	sshll.u32 @p0 s6, $0xE  }
0xa9: {  	s6 =	sadd.s32 @p0 $0x11B8D, s6;
	s7 =	sshll.u32 @p0 s5, $0x11  }
0xaa: {  	s6 =	sor.u32 @p0 s7, s6  }
0xab: {  	[sflag:s6] =	ssyncadd.remote.s32 @p0 $0x1;
	_ =	sdelay $0x1  }
0xac: {  	s6 =	simm.s32 @p0 $0x1B8D  }
0xad: {  	_ =	swait.eq @p0 [sflag:s6], $0x1  }
0xae: {  	[sflag:s6] =	ssyncadd.s32 @p0 $0xFFFFFFFF  }
0xaf: {  	s7 =	sshll.u32 @!p0 s1, $0xE  }
0xb0: {  	s7 =	sor.u32 @!p0 $0x4000, s7;
	s6 =	simm.s32 @!p0 $0x1B8D  }
0xb1: {  	s5 =	sshll.u32 @!p0 s5, $0x11;
	s7 =	sadd.s32 @!p0 $0x11B8D, s7;
	_ =	swait.eq @!p0 [sflag:s6], $0x1  }
0xb2: {  	s5 =	sor.u32 @!p0 s5, s7;
	[sflag:s6] =	ssyncadd.s32 @!p0 $0xFFFFFFFF  }
0xb3: {  	s25 =	simm.s32 $0x1B8E;
	s24 =	sld [smem:$0x3FFE];
	[sflag:s5] =	ssyncadd.remote.s32 @!p0 $0x1  }
0xb4: {  	s26 =	simm.s32 $execute0_lowered;
	[smem:$0x3FD2] =	sst s25  }
0xb5: {  	s6 =	sshll.u32 s26, $0x1;
	_ =	strace $0x80000049;
	[dreg:$0x1] =	wrdreg $0xFFFFFFFF  }
0xb6: {  	s28 =	simm.s32 $_size_execute0_lowered;
	s4 =	sadd.s32 s4, s6;
	[dreg:$0x0] =	wrdreg $0x0  }
0xb7: {  	s6 =	sshll.u32 s28, $0x1;
	[dreg:$0x2] =	wrdreg s4  }
0xb8: {  	[dreg:$0x3] =	wrdreg s6  }
0xb9: {  	[dreg:$0x4] =	wrdreg $0xC0  }
0xba: {  	_ =	task [dreg:s22], $0x5FFFF  }
0xbb: {  	[dreg:$0x1] =	wrdreg $0xFFFFFFFF  }
0xbc: {  	[dreg:$0x0] =	wrdreg $0x60  }
0xbd: {  	[dreg:$0x2] =	wrdreg s18  }
0xbe: {  	[dreg:$0x3] =	wrdreg s24  }
0xbf: {  	[dreg:$0x4] =	wrdreg $0x9  }
0xc0: {  	_ =	task.clear_ibuf [dreg:s22], $0x5FFFF;
	_ =	strace $0x90000049  }
0xc1: {  	s29 =	simm.s32 $0x9;
	_ =	strace $0x8000004B  }
0xc2: {  	_ =	swait.ge [sflag:s29], $0x1  }
0xc3: {  	[sflag:s29] =	ssyncadd.s32 $0xFFFFFFFF  }
0xc4: {  	_ =	strace $0x9000004B  }
0xc5: {  	_ =	sfence  }
0xc6: {  	s30 =	sld [smem:$0x0];
	_ =	sdelay $0x2  }
0xc7: {  	s31 =	sshll.u32 s1, $0xD;
	s1 =	sshrl.u32 s1, $0x2  }
0xc8: {  	s4 =	sand.u32 $0x4000, s31;
	s1 =	sadd.s32 s1, s30  }
0xc9: {  	s0 =	sor.u32 s4, s0;
	s1 =	sshll.u32 s1, $0x11  }
0xca: {  	s0 =	sor.u32 s1, s0  }
0xcb: {  	s0 =	sadd.s32 $0x8F2B, s0  }
0xcc: {  	[sflag:s0] =	ssyncadd.remote.s32 $0x1  }
0xcd: {  	_ =	sfence.sel $0xFFFF  }
0xce: {  	[dreg:$0x0] =	wrdreg $0xFFFFFFFF;
	(pc) =	sbr.abs _section_cstart, $3  }
0xcf: {  	[dreg:$0x1] =	wrdreg $0xFFFFFFFF  }
0xd0: {  	_ =	task.clear_ibuf [dreg:s22], $0x2FFFF;
	_ =	strace $0x9FFFFFFF  }
0xd1: {  	(tm) =	ssettm $0x7FFFFFFF  }
tec
execute0_lowered:
.L_overlay_start_1:
0x0: {  	(tag) =	ssettag $0x1  }
0x1: {  	s0 =	srdreg.scid;
	s2 =	rddreg [dreg:$0x0]  }
0x2: {  	s9 =	stileid.u32;
	s4 =	rddreg [dreg:$0x1];
	s3 =	simm.s32 $0x0  }
0x3: {  	s28 =	simm.s32 $0x8400;
	s30 =	simm.s32 $0x9800;
	s10 =	simm.s32 $0x3  }
0x4: {  	s14 =	simm.s32 $0x2;
	s29 =	simm.s32 $0x3000;
	s31 =	simm.s32 $0x3080  }
0x5: {  	s0 =	sand.u32 $0x1, s0;
	s1 =	sshll.u32 s9, $0x1;
	[smem:$0x7FF] =	sst s3  }
0x6: {  	s7 =	sadd.s32 $0x616200, s4;
	s23 =	smul.u32 $0x1F400, s9;
	s9 =	simm.s32 $0x1  }
0x7: {  	s1 =	sor.u32 s0, s1;
	s6 =	ssub.s32 $0x2, s0;
	s0 =	smul.u32 $0xFA00, s0  }
0x8: {  	_ =	strace $0x8000004A;
	s5 =	smul.u32 $0x680, s1;
	s8 =	sshrl.u32 s6, $0x1  }
0x9: {  	s1 =	smul.u32 $0xFA00, s1;
	s6 =	ssub.s32 s6, s8;
	s8 =	simm.s32 $0xE800  }
0xa: {  	s5 =	sadd.s32 s5, s4;
	s4 =	sadd.s32 $0x80A200, s4;
	s17 =	smax.u32 s6, $0x1  }
0xb: {  	s18 =	sadd.s32 $0xC80, s1;
	s19 =	sadd.s32 s7, s1;
	[dreg:$0x5] =	wrdreg s17  }
0xc: {  	s22 =	sadd.s32 $0xE100, s1;
	s16 =	sadd.s32 $0x609200, s5;
	[dreg:$0x6] =	wrdreg s19  }
0xd: {  	s5 =	sadd.s32 $0x5FC200, s5;
	s20 =	sadd.s32 s7, s18;
	[dreg:$0x3] =	wrdreg s16  }
0xe: {  	s21 =	sadd.s32 s4, s1;
	s24 =	sadd.s32 s7, s22;
	[dreg:$0x4] =	wrdreg s5  }
0xf: {  	s1 =	sadd.s32 $0xED80, s1;
	s6 =	sadd.s32 s23, s4;
	[dreg:$0x7] =	wrdreg s20  }
0x10: {  	s17 =	simm.s32 $0x5;
	s19 =	simm.s32 $0x3400;
	[dreg:$0x8] =	wrdreg s21  }
0x11: {  	s5 =	sadd.s32 s4, s18;
	[dreg:$0xa] =	wrdreg s24;
	s25 =	sadd.s32 s7, s1  }
0x12: {  	s7 =	sadd.s32 s23, s7;
	s1 =	sadd.s32 s4, s1;
	s18 =	simm.s32 $0x28  }
0x13: {  	s21 =	simm.s32 $0x4800;
	s23 =	simm.s32 $0x5C00;
	[dreg:$0x9] =	wrdreg s5  }
0x14: {  	s24 =	simm.s32 $0x4;
	[dreg:$0xb] =	wrdreg s25;
	s5 =	sadd.s32 s4, s22  }
0x15: {  	s26 =	sadd.s32 s0, s7;
	s0 =	sadd.s32 s0, s6;
	[dreg:$0xd] =	wrdreg s1  }
0x16: {  	s25 =	simm.s32 $0x7000;
	s1 =	simm.s32 $0xAC00;
	s4 =	simm.s32 $0xC000  }
0x17: {  	s6 =	simm.s32 $0xD400;
	s22 =	simm.s32 $0x700;
	s7 =	simm.s32 $0x0  }
0x18: {  	[dreg:$0xc] =	wrdreg s5;
	s15 =	sadd.s32 $0x1900, s26;
	s16 =	sadd.s32 $0x1900, s0  }
0x19: {  	s26 =	simm.s32 $0x2F80;
	s0 =	simm.s32 $0x3100;
	s5 =	simm.s32 $0x3180  }
.LBB2_1:
0x1a: {  	s11 =	rddreg [dreg:$0x3]  }
0x1b: {  	[tilespmem:s3], [sflag:$0x5] =	stream.linear.gather [hbm4b:s11+s3], $0x3200, $0x38;
	[tilespmem:$0xFC00] =	vst v63  }
0x1c: {  	_ =	swait.ge [sflag:s17], $0x3200  }
0x1d: {  	[sflag:s17] =	ssyncset.done $0x0  }
0x1e: {  	[sflag:s17] =	ssyncadd.s32 $0xFFFFCE00  }
0x1f: {  	[tilespmem:s19], [sflag:$0x1] =	stream.indirect.gather [hbm4b:s2+s18], $0x80, s3, s18, $0xb8;
	[tilespmem:$0xFC00] =	vst v63  }
0x20: {  	s20 =	simm.s32 $0x80  }
0x21: {  	[tilespmem:s21], [sflag:$0x1] =	stream.indirect.gather [hbm4b:s2+s18], $0x80, s20, s18, $0xb8;
	[tilespmem:$0xFC00] =	vst v63  }
0x22: {  	s12 =	simm.s32 $0x100  }
0x23: {  	[tilespmem:s23], [sflag:$0x1] =	stream.indirect.gather [hbm4b:s2+s18], $0x80, s12, s18, $0xb8;
	[tilespmem:$0xFC00] =	vst v63  }
0x24: {  	s13 =	simm.s32 $0x180  }
0x25: {  	[tilespmem:s25], [sflag:$0x1] =	stream.indirect.gather [hbm4b:s2+s18], $0x80, s13, s18, $0xb8;
	[tilespmem:$0xFC00] =	vst v63  }
0x26: {  	s20 =	simm.s32 $0x200  }
0x27: {  	[tilespmem:s28], [sflag:$0x1] =	stream.indirect.gather [hbm4b:s2+s18], $0x80, s20, s18, $0xb8;
	[tilespmem:$0xFC00] =	vst v63  }
0x28: {  	s12 =	simm.s32 $0x280  }
0x29: {  	[tilespmem:s30], [sflag:$0x2] =	stream.indirect.gather [hbm4b:s2+s18], $0x80, s12, s18, $0xb8;
	[tilespmem:$0xFC00] =	vst v63  }
0x2a: {  	s13 =	simm.s32 $0x300  }
0x2b: {  	[tilespmem:s1], [sflag:$0x2] =	stream.indirect.gather [hbm4b:s2+s18], $0x80, s13, s18, $0xb8;
	[tilespmem:$0xFC00] =	vst v63  }
0x2c: {  	s20 =	simm.s32 $0x380  }
0x2d: {  	[tilespmem:s4], [sflag:$0x2] =	stream.indirect.gather [hbm4b:s2+s18], $0x80, s20, s18, $0xb8;
	[tilespmem:$0xFC00] =	vst v63  }
0x2e: {  	s12 =	simm.s32 $0x400  }
0x2f: {  	[tilespmem:s6], [sflag:$0x2] =	stream.indirect.gather [hbm4b:s2+s18], $0x80, s12, s18, $0xb8;
	[tilespmem:$0xFC00] =	vst v63  }
0x30: {  	s13 =	simm.s32 $0x480  }
0x31: {  	[tilespmem:s8], [sflag:$0x2] =	stream.indirect.gather [hbm4b:s2+s18], $0x80, s13, s18, $0xb8;
	[tilespmem:$0xFC00] =	vst v63  }
0x32: {  	_ =	swait.ge [sflag:s9], $0x1400  }
0x33: {  	[sflag:s9] =	ssyncset.done $0x0  }
0x34: {  	[sflag:s9] =	ssyncadd.s32 $0xFFFFEC00  }
0x35: {  	_ =	swait.ge [sflag:s9], $0x1400  }
0x36: {  	[sflag:s9] =	ssyncset.done $0x0  }
0x37: {  	[sflag:s9] =	ssyncadd.s32 $0xFFFFEC00  }
0x38: {  	_ =	swait.ge [sflag:s9], $0x1400  }
0x39: {  	[sflag:s9] =	ssyncset.done $0x0  }
0x3a: {  	[sflag:s9] =	ssyncadd.s32 $0xFFFFEC00  }
0x3b: {  	_ =	swait.ge [sflag:s9], $0x1400  }
0x3c: {  	[sflag:s9] =	ssyncset.done $0x0  }
0x3d: {  	[sflag:s9] =	ssyncadd.s32 $0xFFFFEC00  }
0x3e: {  	_ =	swait.ge [sflag:s9], $0x1400  }
0x3f: {  	[sflag:s9] =	ssyncset.done $0x0  }
0x40: {  	s20 =	rddreg [dreg:$0x6];
	[sflag:s9] =	ssyncadd.s32 $0xFFFFEC00  }
0x41: {  	[hbm4b:s20+s3] =	stream.linear.scatter [tilespmem:s19], [sflag:$0x3], $0x6400, $0x38;
	[tilespmem:$0xFC00] =	vst v63  }
0x42: {  	_ =	swait.ge [sflag:s10], $0x6400  }
0x43: {  	[sflag:s10] =	ssyncset.done $0x0  }
0x44: {  	s12 =	simm.s32 $0x500;
	[sflag:s10] =	ssyncadd.s32 $0xFFFF9C00  }
0x45: {  	[tilespmem:s19], [sflag:$0x1] =	stream.indirect.gather [hbm4b:s2+s18], $0x80, s12, s18, $0xb8;
	[tilespmem:$0xFC00] =	vst v63  }
0x46: {  	s13 =	simm.s32 $0x580  }
0x47: {  	[tilespmem:s21], [sflag:$0x1] =	stream.indirect.gather [hbm4b:s2+s18], $0x80, s13, s18, $0xb8;
	[tilespmem:$0xFC00] =	vst v63  }
0x48: {  	s20 =	simm.s32 $0x600  }
0x49: {  	[tilespmem:s23], [sflag:$0x1] =	stream.indirect.gather [hbm4b:s2+s18], $0x80, s20, s18, $0xb8;
	[tilespmem:$0xFC00] =	vst v63  }
0x4a: {  	s12 =	simm.s32 $0x680  }
0x4b: {  	[tilespmem:s25], [sflag:$0x1] =	stream.indirect.gather [hbm4b:s2+s18], $0x80, s12, s18, $0xb8;
	[tilespmem:$0xFC00] =	vst v63  }
0x4c: {  	_ = 	snop  }
0x4d: {  	[tilespmem:s28], [sflag:$0x1] =	stream.indirect.gather [hbm4b:s2+s18], $0x80, s22, s18, $0xb8;
	[tilespmem:$0xFC00] =	vst v63  }
0x4e: {  	_ =	swait.ge [sflag:s14], $0x1400  }
0x4f: {  	[sflag:s14] =	ssyncset.done $0x0  }
0x50: {  	[sflag:s14] =	ssyncadd.s32 $0xFFFFEC00  }
0x51: {  	_ =	swait.ge [sflag:s14], $0x1400  }
0x52: {  	[sflag:s14] =	ssyncset.done $0x0  }
0x53: {  	[sflag:s14] =	ssyncadd.s32 $0xFFFFEC00  }
0x54: {  	_ =	swait.ge [sflag:s14], $0x1400  }
0x55: {  	[sflag:s14] =	ssyncset.done $0x0  }
0x56: {  	[sflag:s14] =	ssyncadd.s32 $0xFFFFEC00  }
0x57: {  	_ =	swait.ge [sflag:s14], $0x1400  }
0x58: {  	[sflag:s14] =	ssyncset.done $0x0  }
0x59: {  	[sflag:s14] =	ssyncadd.s32 $0xFFFFEC00  }
0x5a: {  	_ =	swait.ge [sflag:s14], $0x1400  }
0x5b: {  	[sflag:s14] =	ssyncset.done $0x0  }
0x5c: {  	s13 =	rddreg [dreg:$0x7];
	[sflag:s14] =	ssyncadd.s32 $0xFFFFEC00  }
0x5d: {  	[hbm4b:s13+s3] =	stream.linear.scatter [tilespmem:s30], [sflag:$0x4], $0x6400, $0x38;
	[tilespmem:$0xFC00] =	vst v63  }
0x5e: {  	_ =	swait.ge [sflag:s24], $0x6400  }
0x5f: {  	[sflag:s24] =	ssyncset.done $0x0  }
0x60: {  	s20 =	simm.s32 $0x780;
	[sflag:s24] =	ssyncadd.s32 $0xFFFF9C00  }
0x61: {  	[tilespmem:s30], [sflag:$0x2] =	stream.indirect.gather [hbm4b:s2+s18], $0x80, s20, s18, $0xb8;
	[tilespmem:$0xFC00] =	vst v63  }
0x62: {  	s12 =	simm.s32 $0x800  }
0x63: {  	[tilespmem:s1], [sflag:$0x2] =	stream.indirect.gather [hbm4b:s2+s18], $0x80, s12, s18, $0xb8;
	[tilespmem:$0xFC00] =	vst v63  }
0x64: {  	s13 =	simm.s32 $0x880  }
0x65: {  	[tilespmem:s4], [sflag:$0x2] =	stream.indirect.gather [hbm4b:s2+s18], $0x80, s13, s18, $0xb8;
	[tilespmem:$0xFC00] =	vst v63  }
0x66: {  	s20 =	simm.s32 $0x900  }
0x67: {  	[tilespmem:s6], [sflag:$0x2] =	stream.indirect.gather [hbm4b:s2+s18], $0x80, s20, s18, $0xb8;
	[tilespmem:$0xFC00] =	vst v63  }
0x68: {  	s12 =	simm.s32 $0x980  }
0x69: {  	[tilespmem:s8], [sflag:$0x2] =	stream.indirect.gather [hbm4b:s2+s18], $0x80, s12, s18, $0xb8;
	[tilespmem:$0xFC00] =	vst v63  }
0x6a: {  	_ =	swait.ge [sflag:s9], $0x1400  }
0x6b: {  	[sflag:s9] =	ssyncset.done $0x0  }
0x6c: {  	[sflag:s9] =	ssyncadd.s32 $0xFFFFEC00  }
0x6d: {  	_ =	swait.ge [sflag:s9], $0x1400  }
0x6e: {  	[sflag:s9] =	ssyncset.done $0x0  }
0x6f: {  	[sflag:s9] =	ssyncadd.s32 $0xFFFFEC00  }
0x70: {  	_ =	swait.ge [sflag:s9], $0x1400  }
0x71: {  	[sflag:s9] =	ssyncset.done $0x0  }
0x72: {  	[sflag:s9] =	ssyncadd.s32 $0xFFFFEC00  }
0x73: {  	_ =	swait.ge [sflag:s9], $0x1400  }
0x74: {  	[sflag:s9] =	ssyncset.done $0x0  }
0x75: {  	[sflag:s9] =	ssyncadd.s32 $0xFFFFEC00  }
0x76: {  	_ =	swait.ge [sflag:s9], $0x1400  }
0x77: {  	[sflag:s9] =	ssyncset.done $0x0  }
0x78: {  	[sflag:s9] =	ssyncadd.s32 $0xFFFFEC00  }
0x79: {  	[hbm4b:s15+s3] =	stream.linear.scatter [tilespmem:s19], [sflag:$0x3], $0x6400, $0x38;
	[tilespmem:$0xFC00] =	vst v63  }
0x7a: {  	_ =	swait.ge [sflag:s10], $0x6400  }
0x7b: {  	[sflag:s10] =	ssyncset.done $0x0  }
0x7c: {  	s13 =	simm.s32 $0xA00;
	[sflag:s10] =	ssyncadd.s32 $0xFFFF9C00  }
0x7d: {  	[tilespmem:s19], [sflag:$0x1] =	stream.indirect.gather [hbm4b:s2+s18], $0x80, s13, s18, $0xb8;
	[tilespmem:$0xFC00] =	vst v63  }
0x7e: {  	s20 =	simm.s32 $0xA80  }
0x7f: {  	[tilespmem:s21], [sflag:$0x1] =	stream.indirect.gather [hbm4b:s2+s18], $0x80, s20, s18, $0xb8;
	[tilespmem:$0xFC00] =	vst v63  }
0x80: {  	s12 =	simm.s32 $0xB00  }
0x81: {  	[tilespmem:s23], [sflag:$0x1] =	stream.indirect.gather [hbm4b:s2+s18], $0x80, s12, s18, $0xb8;
	[tilespmem:$0xFC00] =	vst v63  }
0x82: {  	s13 =	simm.s32 $0xB80  }
0x83: {  	[tilespmem:s25], [sflag:$0x1] =	stream.indirect.gather [hbm4b:s2+s18], $0x80, s13, s18, $0xb8;
	[tilespmem:$0xFC00] =	vst v63  }
0x84: {  	s20 =	simm.s32 $0xC00  }
0x85: {  	[tilespmem:s28], [sflag:$0x1] =	stream.indirect.gather [hbm4b:s2+s18], $0x80, s20, s18, $0xb8;
	[tilespmem:$0xFC00] =	vst v63  }
0x86: {  	_ =	swait.ge [sflag:s14], $0x1400  }
0x87: {  	[sflag:s14] =	ssyncset.done $0x0  }
0x88: {  	[sflag:s14] =	ssyncadd.s32 $0xFFFFEC00  }
0x89: {  	_ =	swait.ge [sflag:s14], $0x1400  }
0x8a: {  	[sflag:s14] =	ssyncset.done $0x0  }
0x8b: {  	[sflag:s14] =	ssyncadd.s32 $0xFFFFEC00  }
0x8c: {  	_ =	swait.ge [sflag:s14], $0x1400  }
0x8d: {  	[sflag:s14] =	ssyncset.done $0x0  }
0x8e: {  	[sflag:s14] =	ssyncadd.s32 $0xFFFFEC00  }
0x8f: {  	_ =	swait.ge [sflag:s14], $0x1400  }
0x90: {  	[sflag:s14] =	ssyncset.done $0x0  }
0x91: {  	[sflag:s14] =	ssyncadd.s32 $0xFFFFEC00  }
0x92: {  	_ =	swait.ge [sflag:s14], $0x1400  }
0x93: {  	s11 =	simm.s32 $0x1400;
	[sflag:s14] =	ssyncset.done $0x0  }
0x94: {  	s12 =	sadd.s32 $0x1900, s15;
	s20 =	sadd.s32 $0xC80, s15;
	[sflag:s14] =	ssyncadd.s32 $0xFFFFEC00  }
.LBB2_2:
0x95: {  	[hbm4b:s20+s3] =	stream.linear.scatter [tilespmem:s30], [sflag:$0x4], $0x6400, $0x38;
	[tilespmem:$0xFC00] =	vst v63  }
0x96: {  	s20 =	smov.u32 s11  }
0x97: {  	p0 =	sne.s32 s11, $0x8C00;
	s11 =	sadd.s32 $0x1400, s11;
	_ =	swait.ge [sflag:s24], $0x6400  }
0x98: {  	s20 =	sshra.s32 s20, $0x2;
	[sflag:s24] =	ssyncset.done $0x0  }
0x99: {  	s13 =	sadd.s32 $0x780, s20;
	[sflag:s24] =	ssyncadd.s32 $0xFFFF9C00  }
0x9a: {  	[tilespmem:s30], [sflag:$0x2] =	stream.indirect.gather [hbm4b:s2+s18], $0x80, s13, s18, $0xb8;
	[tilespmem:$0xFC00] =	vst v63  }
0x9b: {  	s13 =	sadd.s32 $0x800, s20  }
0x9c: {  	[tilespmem:s1], [sflag:$0x2] =	stream.indirect.gather [hbm4b:s2+s18], $0x80, s13, s18, $0xb8;
	[tilespmem:$0xFC00] =	vst v63  }
0x9d: {  	s13 =	sadd.s32 $0x880, s20  }
0x9e: {  	[tilespmem:s4], [sflag:$0x2] =	stream.indirect.gather [hbm4b:s2+s18], $0x80, s13, s18, $0xb8;
	[tilespmem:$0xFC00] =	vst v63  }
0x9f: {  	s13 =	sadd.s32 $0x900, s20  }
0xa0: {  	[tilespmem:s6], [sflag:$0x2] =	stream.indirect.gather [hbm4b:s2+s18], $0x80, s13, s18, $0xb8;
	[tilespmem:$0xFC00] =	vst v63  }
0xa1: {  	s13 =	sadd.s32 $0x980, s20  }
0xa2: {  	[tilespmem:s8], [sflag:$0x2] =	stream.indirect.gather [hbm4b:s2+s18], $0x80, s13, s18, $0xb8;
	[tilespmem:$0xFC00] =	vst v63  }
0xa3: {  	_ =	swait.ge [sflag:s9], $0x1400  }
0xa4: {  	[sflag:s9] =	ssyncset.done $0x0  }
0xa5: {  	[sflag:s9] =	ssyncadd.s32 $0xFFFFEC00  }
0xa6: {  	_ =	swait.ge [sflag:s9], $0x1400  }
0xa7: {  	[sflag:s9] =	ssyncset.done $0x0  }
0xa8: {  	[sflag:s9] =	ssyncadd.s32 $0xFFFFEC00  }
0xa9: {  	_ =	swait.ge [sflag:s9], $0x1400  }
0xaa: {  	[sflag:s9] =	ssyncset.done $0x0  }
0xab: {  	[sflag:s9] =	ssyncadd.s32 $0xFFFFEC00  }
0xac: {  	_ =	swait.ge [sflag:s9], $0x1400  }
0xad: {  	[sflag:s9] =	ssyncset.done $0x0  }
0xae: {  	[sflag:s9] =	ssyncadd.s32 $0xFFFFEC00  }
0xaf: {  	_ =	swait.ge [sflag:s9], $0x1400  }
0xb0: {  	[sflag:s9] =	ssyncset.done $0x0  }
0xb1: {  	[sflag:s9] =	ssyncadd.s32 $0xFFFFEC00  }
0xb2: {  	[hbm4b:s12+s3] =	stream.linear.scatter [tilespmem:s19], [sflag:$0x3], $0x6400, $0x38;
	[tilespmem:$0xFC00] =	vst v63  }
0xb3: {  	_ =	swait.ge [sflag:s10], $0x6400  }
0xb4: {  	[sflag:s10] =	ssyncset.done $0x0  }
0xb5: {  	s13 =	sadd.s32 $0xA00, s20;
	[sflag:s10] =	ssyncadd.s32 $0xFFFF9C00  }
0xb6: {  	[tilespmem:s19], [sflag:$0x1] =	stream.indirect.gather [hbm4b:s2+s18], $0x80, s13, s18, $0xb8;
	[tilespmem:$0xFC00] =	vst v63  }
0xb7: {  	s13 =	sadd.s32 $0xA80, s20  }
0xb8: {  	[tilespmem:s21], [sflag:$0x1] =	stream.indirect.gather [hbm4b:s2+s18], $0x80, s13, s18, $0xb8;
	[tilespmem:$0xFC00] =	vst v63  }
0xb9: {  	s13 =	sadd.s32 $0xB00, s20  }
0xba: {  	[tilespmem:s23], [sflag:$0x1] =	stream.indirect.gather [hbm4b:s2+s18], $0x80, s13, s18, $0xb8;
	[tilespmem:$0xFC00] =	vst v63  }
0xbb: {  	s13 =	sadd.s32 $0xB80, s20  }
0xbc: {  	[tilespmem:s25], [sflag:$0x1] =	stream.indirect.gather [hbm4b:s2+s18], $0x80, s13, s18, $0xb8;
	[tilespmem:$0xFC00] =	vst v63  }
0xbd: {  	s13 =	sadd.s32 $0xC00, s20  }
0xbe: {  	[tilespmem:s28], [sflag:$0x1] =	stream.indirect.gather [hbm4b:s2+s18], $0x80, s13, s18, $0xb8;
	[tilespmem:$0xFC00] =	vst v63  }
0xbf: {  	_ =	swait.ge [sflag:s14], $0x1400  }
0xc0: {  	[sflag:s14] =	ssyncset.done $0x0  }
0xc1: {  	[sflag:s14] =	ssyncadd.s32 $0xFFFFEC00  }
0xc2: {  	_ =	swait.ge [sflag:s14], $0x1400  }
0xc3: {  	[sflag:s14] =	ssyncset.done $0x0  }
0xc4: {  	[sflag:s14] =	ssyncadd.s32 $0xFFFFEC00  }
0xc5: {  	_ =	swait.ge [sflag:s14], $0x1400  }
0xc6: {  	[sflag:s14] =	ssyncset.done $0x0  }
0xc7: {  	[sflag:s14] =	ssyncadd.s32 $0xFFFFEC00  }
0xc8: {  	_ =	swait.ge [sflag:s14], $0x1400  }
.Ltmp0:
0xc9: {  	[sflag:s14] =	ssyncset.done $0x0;
	(pc) =	sbr.rel @p0 .LBB2_2-.Ltmp0, $4  }
0xca: {  	[sflag:s14] =	ssyncadd.s32 $0xFFFFEC00  }
0xcb: {  	_ =	swait.ge [sflag:s14], $0x1400  }
0xcc: {  	[sflag:s14] =	ssyncset.done $0x0  }
0xcd: {  	s20 =	sadd.s32 $0xC80, s12;
	s12 =	sadd.s32 $0x1900, s12;
	[sflag:s14] =	ssyncadd.s32 $0xFFFFEC00  }
0xce: {  	[hbm4b:s20+s3] =	stream.linear.scatter [tilespmem:s30], [sflag:$0x4], $0x6400, $0x38;
	[tilespmem:$0xFC00] =	vst v63  }
0xcf: {  	_ =	swait.ge [sflag:s24], $0x6400  }
0xd0: {  	[sflag:s24] =	ssyncset.done $0x0  }
0xd1: {  	[sflag:s24] =	ssyncadd.s32 $0xFFFF9C00  }
0xd2: {  	[tilespmem:s30], [sflag:$0x2] =	stream.indirect.gather [hbm4b:s2+s18], $0x80, s26, s18, $0xb8;
	[tilespmem:$0xFC00] =	vst v63  }
0xd3: {  	_ = 	snop  }
0xd4: {  	[tilespmem:s1], [sflag:$0x2] =	stream.indirect.gather [hbm4b:s2+s18], $0x80, s29, s18, $0xb8;
	[tilespmem:$0xFC00] =	vst v63  }
0xd5: {  	_ = 	snop  }
0xd6: {  	[tilespmem:s4], [sflag:$0x2] =	stream.indirect.gather [hbm4b:s2+s18], $0x80, s31, s18, $0xb8;
	[tilespmem:$0xFC00] =	vst v63  }
0xd7: {  	_ = 	snop  }
0xd8: {  	[tilespmem:s6], [sflag:$0x2] =	stream.indirect.gather [hbm4b:s2+s18], $0x80, s0, s18, $0xb8;
	[tilespmem:$0xFC00] =	vst v63  }
0xd9: {  	_ = 	snop  }
0xda: {  	[tilespmem:s8], [sflag:$0x2] =	stream.indirect.gather [hbm4b:s2+s18], $0x80, s5, s18, $0xb8;
	[tilespmem:$0xFC00] =	vst v63  }
0xdb: {  	_ =	swait.ge [sflag:s9], $0x1400  }
0xdc: {  	[sflag:s9] =	ssyncset.done $0x0  }
0xdd: {  	[sflag:s9] =	ssyncadd.s32 $0xFFFFEC00  }
0xde: {  	_ =	swait.ge [sflag:s9], $0x1400  }
0xdf: {  	[sflag:s9] =	ssyncset.done $0x0  }
0xe0: {  	[sflag:s9] =	ssyncadd.s32 $0xFFFFEC00  }
0xe1: {  	_ =	swait.ge [sflag:s9], $0x1400  }
0xe2: {  	[sflag:s9] =	ssyncset.done $0x0  }
0xe3: {  	[sflag:s9] =	ssyncadd.s32 $0xFFFFEC00  }
0xe4: {  	_ =	swait.ge [sflag:s9], $0x1400  }
0xe5: {  	[sflag:s9] =	ssyncset.done $0x0  }
0xe6: {  	[sflag:s9] =	ssyncadd.s32 $0xFFFFEC00  }
0xe7: {  	_ =	swait.ge [sflag:s9], $0x1400  }
0xe8: {  	[sflag:s9] =	ssyncset.done $0x0  }
0xe9: {  	s11 =	simm.s32 $0x0;
	s12 =	rddreg [dreg:$0xa];
	[sflag:s9] =	ssyncadd.s32 $0xFFFFEC00  }
0xea: {  	[hbm4b:s12+s11] =	stream.linear.scatter [tilespmem:s19], [sflag:$0x3], $0x6400, $0x38;
	[tilespmem:$0xFC00] =	vst v63  }
0xeb: {  	_ =	swait.ge [sflag:s10], $0x6400  }
0xec: {  	[sflag:s10] =	ssyncset.done $0x0  }
0xed: {  	[sflag:s10] =	ssyncadd.s32 $0xFFFF9C00  }
0xee: {  	_ =	swait.ge [sflag:s14], $0x1400  }
0xef: {  	[sflag:s14] =	ssyncset.done $0x0  }
0xf0: {  	[sflag:s14] =	ssyncadd.s32 $0xFFFFEC00  }
0xf1: {  	_ =	swait.ge [sflag:s14], $0x1400  }
0xf2: {  	[sflag:s14] =	ssyncset.done $0x0  }
0xf3: {  	[sflag:s14] =	ssyncadd.s32 $0xFFFFEC00  }
0xf4: {  	_ =	swait.ge [sflag:s14], $0x1400  }
0xf5: {  	[sflag:s14] =	ssyncset.done $0x0  }
0xf6: {  	[sflag:s14] =	ssyncadd.s32 $0xFFFFEC00  }
0xf7: {  	_ =	swait.ge [sflag:s14], $0x1400  }
0xf8: {  	[sflag:s14] =	ssyncset.done $0x0  }
0xf9: {  	[sflag:s14] =	ssyncadd.s32 $0xFFFFEC00  }
0xfa: {  	_ =	swait.ge [sflag:s14], $0x1400  }
0xfb: {  	[sflag:s14] =	ssyncset.done $0x0  }
0xfc: {  	s13 =	rddreg [dreg:$0xb];
	[sflag:s14] =	ssyncadd.s32 $0xFFFFEC00  }
0xfd: {  	[hbm4b:s13+s11] =	stream.linear.scatter [tilespmem:s30], [sflag:$0x4], $0x6400, $0x38;
	[tilespmem:$0xFC00] =	vst v63  }
0xfe: {  	_ =	swait.ge [sflag:s24], $0x6400  }
0xff: {  	[sflag:s24] =	ssyncset.done $0x0  }
0x100: {  	s20 =	rddreg [dreg:$0x4];
	[sflag:s24] =	ssyncadd.s32 $0xFFFF9C00  }
0x101: {  	[tilespmem:s11], [sflag:$0x5] =	stream.linear.gather [hbm4b:s20+s11], $0x3200, $0x38;
	[tilespmem:$0xFC00] =	vst v63  }
0x102: {  	_ =	swait.ge [sflag:s17], $0x3200  }
0x103: {  	[sflag:s17] =	ssyncset.done $0x0  }
0x104: {  	[sflag:s17] =	ssyncadd.s32 $0xFFFFCE00  }
0x105: {  	[tilespmem:s19], [sflag:$0x1] =	stream.indirect.gather [hbm4b:s2+s18], $0x80, s11, s18, $0xb8;
	[tilespmem:$0xFC00] =	vst v63  }
0x106: {  	s13 =	simm.s32 $0x80  }
0x107: {  	[tilespmem:s21], [sflag:$0x1] =	stream.indirect.gather [hbm4b:s2+s18], $0x80, s13, s18, $0xb8;
	[tilespmem:$0xFC00] =	vst v63  }
0x108: {  	s20 =	simm.s32 $0x100  }
0x109: {  	[tilespmem:s23], [sflag:$0x1] =	stream.indirect.gather [hbm4b:s2+s18], $0x80, s20, s18, $0xb8;
	[tilespmem:$0xFC00] =	vst v63  }
0x10a: {  	s13 =	simm.s32 $0x180  }
0x10b: {  	[tilespmem:s25], [sflag:$0x1] =	stream.indirect.gather [hbm4b:s2+s18], $0x80, s13, s18, $0xb8;
	[tilespmem:$0xFC00] =	vst v63  }
0x10c: {  	s20 =	simm.s32 $0x200  }
0x10d: {  	[tilespmem:s28], [sflag:$0x1] =	stream.indirect.gather [hbm4b:s2+s18], $0x80, s20, s18, $0xb8;
	[tilespmem:$0xFC00] =	vst v63  }
0x10e: {  	s13 =	simm.s32 $0x280  }
0x10f: {  	[tilespmem:s30], [sflag:$0x2] =	stream.indirect.gather [hbm4b:s2+s18], $0x80, s13, s18, $0xb8;
	[tilespmem:$0xFC00] =	vst v63  }
0x110: {  	s20 =	simm.s32 $0x300  }
0x111: {  	[tilespmem:s1], [sflag:$0x2] =	stream.indirect.gather [hbm4b:s2+s18], $0x80, s20, s18, $0xb8;
	[tilespmem:$0xFC00] =	vst v63  }
0x112: {  	s13 =	simm.s32 $0x380  }
0x113: {  	[tilespmem:s4], [sflag:$0x2] =	stream.indirect.gather [hbm4b:s2+s18], $0x80, s13, s18, $0xb8;
	[tilespmem:$0xFC00] =	vst v63  }
0x114: {  	s20 =	simm.s32 $0x400  }
0x115: {  	[tilespmem:s6], [sflag:$0x2] =	stream.indirect.gather [hbm4b:s2+s18], $0x80, s20, s18, $0xb8;
	[tilespmem:$0xFC00] =	vst v63  }
0x116: {  	s13 =	simm.s32 $0x480  }
0x117: {  	[tilespmem:s8], [sflag:$0x2] =	stream.indirect.gather [hbm4b:s2+s18], $0x80, s13, s18, $0xb8;
	[tilespmem:$0xFC00] =	vst v63  }
0x118: {  	_ =	swait.ge [sflag:s9], $0x1400  }
0x119: {  	[sflag:s9] =	ssyncset.done $0x0  }
0x11a: {  	[sflag:s9] =	ssyncadd.s32 $0xFFFFEC00  }
0x11b: {  	_ =	swait.ge [sflag:s9], $0x1400  }
0x11c: {  	[sflag:s9] =	ssyncset.done $0x0  }
0x11d: {  	[sflag:s9] =	ssyncadd.s32 $0xFFFFEC00  }
0x11e: {  	_ =	swait.ge [sflag:s9], $0x1400  }
0x11f: {  	[sflag:s9] =	ssyncset.done $0x0  }
0x120: {  	[sflag:s9] =	ssyncadd.s32 $0xFFFFEC00  }
0x121: {  	_ =	swait.ge [sflag:s9], $0x1400  }
0x122: {  	[sflag:s9] =	ssyncset.done $0x0  }
0x123: {  	[sflag:s9] =	ssyncadd.s32 $0xFFFFEC00  }
0x124: {  	_ =	swait.ge [sflag:s9], $0x1400  }
0x125: {  	[sflag:s9] =	ssyncset.done $0x0  }
0x126: {  	s20 =	rddreg [dreg:$0x8];
	[sflag:s9] =	ssyncadd.s32 $0xFFFFEC00  }
0x127: {  	[hbm4b:s20+s11] =	stream.linear.scatter [tilespmem:s19], [sflag:$0x3], $0x6400, $0x38;
	[tilespmem:$0xFC00] =	vst v63  }
0x128: {  	_ =	swait.ge [sflag:s10], $0x6400  }
0x129: {  	[sflag:s10] =	ssyncset.done $0x0  }
0x12a: {  	s13 =	simm.s32 $0x500;
	[sflag:s10] =	ssyncadd.s32 $0xFFFF9C00  }
0x12b: {  	[tilespmem:s19], [sflag:$0x1] =	stream.indirect.gather [hbm4b:s2+s18], $0x80, s13, s18, $0xb8;
	[tilespmem:$0xFC00] =	vst v63  }
0x12c: {  	s20 =	simm.s32 $0x580  }
0x12d: {  	[tilespmem:s21], [sflag:$0x1] =	stream.indirect.gather [hbm4b:s2+s18], $0x80, s20, s18, $0xb8;
	[tilespmem:$0xFC00] =	vst v63  }
0x12e: {  	s13 =	simm.s32 $0x600  }
0x12f: {  	[tilespmem:s23], [sflag:$0x1] =	stream.indirect.gather [hbm4b:s2+s18], $0x80, s13, s18, $0xb8;
	[tilespmem:$0xFC00] =	vst v63  }
0x130: {  	s20 =	simm.s32 $0x680  }
0x131: {  	[tilespmem:s25], [sflag:$0x1] =	stream.indirect.gather [hbm4b:s2+s18], $0x80, s20, s18, $0xb8;
	[tilespmem:$0xFC00] =	vst v63  }
0x132: {  	_ = 	snop  }
0x133: {  	[tilespmem:s28], [sflag:$0x1] =	stream.indirect.gather [hbm4b:s2+s18], $0x80, s22, s18, $0xb8;
	[tilespmem:$0xFC00] =	vst v63  }
0x134: {  	_ =	swait.ge [sflag:s14], $0x1400  }
0x135: {  	[sflag:s14] =	ssyncset.done $0x0  }
0x136: {  	[sflag:s14] =	ssyncadd.s32 $0xFFFFEC00  }
0x137: {  	_ =	swait.ge [sflag:s14], $0x1400  }
0x138: {  	[sflag:s14] =	ssyncset.done $0x0  }
0x139: {  	[sflag:s14] =	ssyncadd.s32 $0xFFFFEC00  }
0x13a: {  	_ =	swait.ge [sflag:s14], $0x1400  }
0x13b: {  	[sflag:s14] =	ssyncset.done $0x0  }
0x13c: {  	[sflag:s14] =	ssyncadd.s32 $0xFFFFEC00  }
0x13d: {  	_ =	swait.ge [sflag:s14], $0x1400  }
0x13e: {  	[sflag:s14] =	ssyncset.done $0x0  }
0x13f: {  	[sflag:s14] =	ssyncadd.s32 $0xFFFFEC00  }
0x140: {  	_ =	swait.ge [sflag:s14], $0x1400  }
0x141: {  	[sflag:s14] =	ssyncset.done $0x0  }
0x142: {  	s13 =	rddreg [dreg:$0x9];
	[sflag:s14] =	ssyncadd.s32 $0xFFFFEC00  }
0x143: {  	[hbm4b:s13+s11] =	stream.linear.scatter [tilespmem:s30], [sflag:$0x4], $0x6400, $0x38;
	[tilespmem:$0xFC00] =	vst v63  }
0x144: {  	_ =	swait.ge [sflag:s24], $0x6400  }
0x145: {  	[sflag:s24] =	ssyncset.done $0x0  }
0x146: {  	s20 =	simm.s32 $0x780;
	[sflag:s24] =	ssyncadd.s32 $0xFFFF9C00  }
0x147: {  	[tilespmem:s30], [sflag:$0x2] =	stream.indirect.gather [hbm4b:s2+s18], $0x80, s20, s18, $0xb8;
	[tilespmem:$0xFC00] =	vst v63  }
0x148: {  	s12 =	simm.s32 $0x800  }
0x149: {  	[tilespmem:s1], [sflag:$0x2] =	stream.indirect.gather [hbm4b:s2+s18], $0x80, s12, s18, $0xb8;
	[tilespmem:$0xFC00] =	vst v63  }
0x14a: {  	s13 =	simm.s32 $0x880  }
0x14b: {  	[tilespmem:s4], [sflag:$0x2] =	stream.indirect.gather [hbm4b:s2+s18], $0x80, s13, s18, $0xb8;
	[tilespmem:$0xFC00] =	vst v63  }
0x14c: {  	s20 =	simm.s32 $0x900  }
0x14d: {  	[tilespmem:s6], [sflag:$0x2] =	stream.indirect.gather [hbm4b:s2+s18], $0x80, s20, s18, $0xb8;
	[tilespmem:$0xFC00] =	vst v63  }
0x14e: {  	s12 =	simm.s32 $0x980  }
0x14f: {  	[tilespmem:s8], [sflag:$0x2] =	stream.indirect.gather [hbm4b:s2+s18], $0x80, s12, s18, $0xb8;
	[tilespmem:$0xFC00] =	vst v63  }
0x150: {  	_ =	swait.ge [sflag:s9], $0x1400  }
0x151: {  	[sflag:s9] =	ssyncset.done $0x0  }
0x152: {  	[sflag:s9] =	ssyncadd.s32 $0xFFFFEC00  }
0x153: {  	_ =	swait.ge [sflag:s9], $0x1400  }
0x154: {  	[sflag:s9] =	ssyncset.done $0x0  }
0x155: {  	[sflag:s9] =	ssyncadd.s32 $0xFFFFEC00  }
0x156: {  	_ =	swait.ge [sflag:s9], $0x1400  }
0x157: {  	[sflag:s9] =	ssyncset.done $0x0  }
0x158: {  	[sflag:s9] =	ssyncadd.s32 $0xFFFFEC00  }
0x159: {  	_ =	swait.ge [sflag:s9], $0x1400  }
0x15a: {  	[sflag:s9] =	ssyncset.done $0x0  }
0x15b: {  	[sflag:s9] =	ssyncadd.s32 $0xFFFFEC00  }
0x15c: {  	_ =	swait.ge [sflag:s9], $0x1400  }
0x15d: {  	[sflag:s9] =	ssyncset.done $0x0  }
0x15e: {  	[sflag:s9] =	ssyncadd.s32 $0xFFFFEC00  }
0x15f: {  	[hbm4b:s16+s3] =	stream.linear.scatter [tilespmem:s19], [sflag:$0x3], $0x6400, $0x38;
	[tilespmem:$0xFC00] =	vst v63  }
0x160: {  	_ =	swait.ge [sflag:s10], $0x6400  }
0x161: {  	[sflag:s10] =	ssyncset.done $0x0  }
0x162: {  	s13 =	simm.s32 $0xA00;
	[sflag:s10] =	ssyncadd.s32 $0xFFFF9C00  }
0x163: {  	[tilespmem:s19], [sflag:$0x1] =	stream.indirect.gather [hbm4b:s2+s18], $0x80, s13, s18, $0xb8;
	[tilespmem:$0xFC00] =	vst v63  }
0x164: {  	s20 =	simm.s32 $0xA80  }
0x165: {  	[tilespmem:s21], [sflag:$0x1] =	stream.indirect.gather [hbm4b:s2+s18], $0x80, s20, s18, $0xb8;
	[tilespmem:$0xFC00] =	vst v63  }
0x166: {  	s12 =	simm.s32 $0xB00  }
0x167: {  	[tilespmem:s23], [sflag:$0x1] =	stream.indirect.gather [hbm4b:s2+s18], $0x80, s12, s18, $0xb8;
	[tilespmem:$0xFC00] =	vst v63  }
0x168: {  	s13 =	simm.s32 $0xB80  }
0x169: {  	[tilespmem:s25], [sflag:$0x1] =	stream.indirect.gather [hbm4b:s2+s18], $0x80, s13, s18, $0xb8;
	[tilespmem:$0xFC00] =	vst v63  }
0x16a: {  	s20 =	simm.s32 $0xC00  }
0x16b: {  	[tilespmem:s28], [sflag:$0x1] =	stream.indirect.gather [hbm4b:s2+s18], $0x80, s20, s18, $0xb8;
	[tilespmem:$0xFC00] =	vst v63  }
0x16c: {  	_ =	swait.ge [sflag:s14], $0x1400  }
0x16d: {  	[sflag:s14] =	ssyncset.done $0x0  }
0x16e: {  	[sflag:s14] =	ssyncadd.s32 $0xFFFFEC00  }
0x16f: {  	_ =	swait.ge [sflag:s14], $0x1400  }
0x170: {  	[sflag:s14] =	ssyncset.done $0x0  }
0x171: {  	[sflag:s14] =	ssyncadd.s32 $0xFFFFEC00  }
0x172: {  	_ =	swait.ge [sflag:s14], $0x1400  }
0x173: {  	[sflag:s14] =	ssyncset.done $0x0  }
0x174: {  	[sflag:s14] =	ssyncadd.s32 $0xFFFFEC00  }
0x175: {  	_ =	swait.ge [sflag:s14], $0x1400  }
0x176: {  	[sflag:s14] =	ssyncset.done $0x0  }
0x177: {  	[sflag:s14] =	ssyncadd.s32 $0xFFFFEC00  }
0x178: {  	_ =	swait.ge [sflag:s14], $0x1400  }
0x179: {  	s11 =	simm.s32 $0x1400;
	[sflag:s14] =	ssyncset.done $0x0  }
0x17a: {  	s12 =	sadd.s32 $0x1900, s16;
	s20 =	sadd.s32 $0xC80, s16;
	[sflag:s14] =	ssyncadd.s32 $0xFFFFEC00  }
.LBB2_4:
0x17b: {  	[hbm4b:s20+s3] =	stream.linear.scatter [tilespmem:s30], [sflag:$0x4], $0x6400, $0x38;
	[tilespmem:$0xFC00] =	vst v63  }
0x17c: {  	s13 =	smov.u32 s11  }
0x17d: {  	p0 =	sne.s32 s11, $0x8C00;
	s11 =	sadd.s32 $0x1400, s11;
	_ =	swait.ge [sflag:s24], $0x6400  }
0x17e: {  	s20 =	sshra.s32 s13, $0x2;
	[sflag:s24] =	ssyncset.done $0x0  }
0x17f: {  	s13 =	sadd.s32 $0x780, s20;
	[sflag:s24] =	ssyncadd.s32 $0xFFFF9C00  }
0x180: {  	[tilespmem:s30], [sflag:$0x2] =	stream.indirect.gather [hbm4b:s2+s18], $0x80, s13, s18, $0xb8;
	[tilespmem:$0xFC00] =	vst v63  }
0x181: {  	s13 =	sadd.s32 $0x800, s20  }
0x182: {  	[tilespmem:s1], [sflag:$0x2] =	stream.indirect.gather [hbm4b:s2+s18], $0x80, s13, s18, $0xb8;
	[tilespmem:$0xFC00] =	vst v63  }
0x183: {  	s13 =	sadd.s32 $0x880, s20  }
0x184: {  	[tilespmem:s4], [sflag:$0x2] =	stream.indirect.gather [hbm4b:s2+s18], $0x80, s13, s18, $0xb8;
	[tilespmem:$0xFC00] =	vst v63  }
0x185: {  	s13 =	sadd.s32 $0x900, s20  }
0x186: {  	[tilespmem:s6], [sflag:$0x2] =	stream.indirect.gather [hbm4b:s2+s18], $0x80, s13, s18, $0xb8;
	[tilespmem:$0xFC00] =	vst v63  }
0x187: {  	s13 =	sadd.s32 $0x980, s20  }
0x188: {  	[tilespmem:s8], [sflag:$0x2] =	stream.indirect.gather [hbm4b:s2+s18], $0x80, s13, s18, $0xb8;
	[tilespmem:$0xFC00] =	vst v63  }
0x189: {  	_ =	swait.ge [sflag:s9], $0x1400  }
0x18a: {  	[sflag:s9] =	ssyncset.done $0x0  }
0x18b: {  	[sflag:s9] =	ssyncadd.s32 $0xFFFFEC00  }
0x18c: {  	_ =	swait.ge [sflag:s9], $0x1400  }
0x18d: {  	[sflag:s9] =	ssyncset.done $0x0  }
0x18e: {  	[sflag:s9] =	ssyncadd.s32 $0xFFFFEC00  }
0x18f: {  	_ =	swait.ge [sflag:s9], $0x1400  }
0x190: {  	[sflag:s9] =	ssyncset.done $0x0  }
0x191: {  	[sflag:s9] =	ssyncadd.s32 $0xFFFFEC00  }
0x192: {  	_ =	swait.ge [sflag:s9], $0x1400  }
0x193: {  	[sflag:s9] =	ssyncset.done $0x0  }
0x194: {  	[sflag:s9] =	ssyncadd.s32 $0xFFFFEC00  }
0x195: {  	_ =	swait.ge [sflag:s9], $0x1400  }
0x196: {  	[sflag:s9] =	ssyncset.done $0x0  }
0x197: {  	[sflag:s9] =	ssyncadd.s32 $0xFFFFEC00  }
0x198: {  	[hbm4b:s12+s3] =	stream.linear.scatter [tilespmem:s19], [sflag:$0x3], $0x6400, $0x38;
	[tilespmem:$0xFC00] =	vst v63  }
0x199: {  	_ =	swait.ge [sflag:s10], $0x6400  }
0x19a: {  	[sflag:s10] =	ssyncset.done $0x0  }
0x19b: {  	s13 =	sadd.s32 $0xA00, s20;
	[sflag:s10] =	ssyncadd.s32 $0xFFFF9C00  }
0x19c: {  	[tilespmem:s19], [sflag:$0x1] =	stream.indirect.gather [hbm4b:s2+s18], $0x80, s13, s18, $0xb8;
	[tilespmem:$0xFC00] =	vst v63  }
0x19d: {  	s13 =	sadd.s32 $0xA80, s20  }
0x19e: {  	[tilespmem:s21], [sflag:$0x1] =	stream.indirect.gather [hbm4b:s2+s18], $0x80, s13, s18, $0xb8;
	[tilespmem:$0xFC00] =	vst v63  }
0x19f: {  	s13 =	sadd.s32 $0xB00, s20  }
0x1a0: {  	[tilespmem:s23], [sflag:$0x1] =	stream.indirect.gather [hbm4b:s2+s18], $0x80, s13, s18, $0xb8;
	[tilespmem:$0xFC00] =	vst v63  }
0x1a1: {  	s13 =	sadd.s32 $0xB80, s20  }
0x1a2: {  	[tilespmem:s25], [sflag:$0x1] =	stream.indirect.gather [hbm4b:s2+s18], $0x80, s13, s18, $0xb8;
	[tilespmem:$0xFC00] =	vst v63  }
0x1a3: {  	s13 =	sadd.s32 $0xC00, s20  }
0x1a4: {  	[tilespmem:s28], [sflag:$0x1] =	stream.indirect.gather [hbm4b:s2+s18], $0x80, s13, s18, $0xb8;
	[tilespmem:$0xFC00] =	vst v63  }
0x1a5: {  	_ =	swait.ge [sflag:s14], $0x1400  }
0x1a6: {  	[sflag:s14] =	ssyncset.done $0x0  }
0x1a7: {  	[sflag:s14] =	ssyncadd.s32 $0xFFFFEC00  }
0x1a8: {  	_ =	swait.ge [sflag:s14], $0x1400  }
0x1a9: {  	[sflag:s14] =	ssyncset.done $0x0  }
0x1aa: {  	[sflag:s14] =	ssyncadd.s32 $0xFFFFEC00  }
0x1ab: {  	_ =	swait.ge [sflag:s14], $0x1400  }
0x1ac: {  	[sflag:s14] =	ssyncset.done $0x0  }
0x1ad: {  	[sflag:s14] =	ssyncadd.s32 $0xFFFFEC00  }
0x1ae: {  	_ =	swait.ge [sflag:s14], $0x1400  }
.Ltmp1:
0x1af: {  	[sflag:s14] =	ssyncset.done $0x0;
	(pc) =	sbr.rel @p0 .LBB2_4-.Ltmp1, $4  }
0x1b0: {  	[sflag:s14] =	ssyncadd.s32 $0xFFFFEC00  }
0x1b1: {  	_ =	swait.ge [sflag:s14], $0x1400  }
0x1b2: {  	[sflag:s14] =	ssyncset.done $0x0  }
0x1b3: {  	s20 =	sadd.s32 $0xC80, s12;
	s12 =	sadd.s32 $0x1900, s12;
	[sflag:s14] =	ssyncadd.s32 $0xFFFFEC00  }
0x1b4: {  	[hbm4b:s20+s3] =	stream.linear.scatter [tilespmem:s30], [sflag:$0x4], $0x6400, $0x38;
	[tilespmem:$0xFC00] =	vst v63  }
0x1b5: {  	_ =	swait.ge [sflag:s24], $0x6400  }
0x1b6: {  	[sflag:s24] =	ssyncset.done $0x0  }
0x1b7: {  	[sflag:s24] =	ssyncadd.s32 $0xFFFF9C00  }
0x1b8: {  	[tilespmem:s30], [sflag:$0x2] =	stream.indirect.gather [hbm4b:s2+s18], $0x80, s26, s18, $0xb8;
	[tilespmem:$0xFC00] =	vst v63  }
0x1b9: {  	_ = 	snop  }
0x1ba: {  	[tilespmem:s1], [sflag:$0x2] =	stream.indirect.gather [hbm4b:s2+s18], $0x80, s29, s18, $0xb8;
	[tilespmem:$0xFC00] =	vst v63  }
0x1bb: {  	_ = 	snop  }
0x1bc: {  	[tilespmem:s4], [sflag:$0x2] =	stream.indirect.gather [hbm4b:s2+s18], $0x80, s31, s18, $0xb8;
	[tilespmem:$0xFC00] =	vst v63  }
0x1bd: {  	_ = 	snop  }
0x1be: {  	[tilespmem:s6], [sflag:$0x2] =	stream.indirect.gather [hbm4b:s2+s18], $0x80, s0, s18, $0xb8;
	[tilespmem:$0xFC00] =	vst v63  }
0x1bf: {  	_ = 	snop  }
0x1c0: {  	[tilespmem:s8], [sflag:$0x2] =	stream.indirect.gather [hbm4b:s2+s18], $0x80, s5, s18, $0xb8;
	[tilespmem:$0xFC00] =	vst v63  }
0x1c1: {  	_ =	swait.ge [sflag:s9], $0x1400  }
0x1c2: {  	[sflag:s9] =	ssyncset.done $0x0  }
0x1c3: {  	[sflag:s9] =	ssyncadd.s32 $0xFFFFEC00  }
0x1c4: {  	_ =	swait.ge [sflag:s9], $0x1400  }
0x1c5: {  	[sflag:s9] =	ssyncset.done $0x0  }
0x1c6: {  	[sflag:s9] =	ssyncadd.s32 $0xFFFFEC00  }
0x1c7: {  	_ =	swait.ge [sflag:s9], $0x1400  }
0x1c8: {  	[sflag:s9] =	ssyncset.done $0x0  }
0x1c9: {  	[sflag:s9] =	ssyncadd.s32 $0xFFFFEC00  }
0x1ca: {  	_ =	swait.ge [sflag:s9], $0x1400  }
0x1cb: {  	[sflag:s9] =	ssyncset.done $0x0  }
0x1cc: {  	[sflag:s9] =	ssyncadd.s32 $0xFFFFEC00  }
0x1cd: {  	_ =	swait.ge [sflag:s9], $0x1400  }
0x1ce: {  	[sflag:s9] =	ssyncset.done $0x0  }
0x1cf: {  	s11 =	rddreg [dreg:$0xc];
	[sflag:s9] =	ssyncadd.s32 $0xFFFFEC00  }
0x1d0: {  	[hbm4b:s11+s3] =	stream.linear.scatter [tilespmem:s19], [sflag:$0x3], $0x6400, $0x38;
	[tilespmem:$0xFC00] =	vst v63  }
0x1d1: {  	_ =	swait.ge [sflag:s10], $0x6400  }
0x1d2: {  	[sflag:s10] =	ssyncset.done $0x0  }
0x1d3: {  	[sflag:s10] =	ssyncadd.s32 $0xFFFF9C00  }
0x1d4: {  	_ =	swait.ge [sflag:s14], $0x1400  }
0x1d5: {  	[sflag:s14] =	ssyncset.done $0x0  }
0x1d6: {  	[sflag:s14] =	ssyncadd.s32 $0xFFFFEC00  }
0x1d7: {  	_ =	swait.ge [sflag:s14], $0x1400  }
0x1d8: {  	[sflag:s14] =	ssyncset.done $0x0  }
0x1d9: {  	[sflag:s14] =	ssyncadd.s32 $0xFFFFEC00  }
0x1da: {  	_ =	swait.ge [sflag:s14], $0x1400  }
0x1db: {  	[sflag:s14] =	ssyncset.done $0x0  }
0x1dc: {  	[sflag:s14] =	ssyncadd.s32 $0xFFFFEC00  }
0x1dd: {  	_ =	swait.ge [sflag:s14], $0x1400  }
0x1de: {  	[sflag:s14] =	ssyncset.done $0x0  }
0x1df: {  	[sflag:s14] =	ssyncadd.s32 $0xFFFFEC00  }
0x1e0: {  	_ =	swait.ge [sflag:s14], $0x1400  }
0x1e1: {  	[sflag:s14] =	ssyncset.done $0x0  }
0x1e2: {  	s13 =	rddreg [dreg:$0xd];
	[sflag:s14] =	ssyncadd.s32 $0xFFFFEC00  }
0x1e3: {  	[hbm4b:s13+s3] =	stream.linear.scatter [tilespmem:s30], [sflag:$0x4], $0x6400, $0x38;
	[tilespmem:$0xFC00] =	vst v63  }
0x1e4: {  	_ =	swait.ge [sflag:s24], $0x6400  }
0x1e5: {  	s7 =	sadd.s32 $0x1, s7;
	s20 =	rddreg [dreg:$0x5]  }
0x1e6: {  	p0 =	sne.s32 s7, s20  }
.Ltmp2:
0x1e7: {  	_ = 	snop;
	(pc) =	sbr.rel @p0 .LBB2_1-.Ltmp2, $3  }
0x1e8: {  	_ =	sdelay $0x1  }
0x1e9: {  	[sflag:s24] =	ssyncset.done $0x0  }
0x1ea: {  	[sflag:s24] =	ssyncadd.s32 $0xFFFF9C00  }
0x1eb: {  	_ =	sfence.sel $0x180000  }
0x1ec: {  	[bflag:$0x0] =	sbarrier.arrive $0xFFFF  }
0x1ed: {  	_ =	strace $0x9000004A  }
0x1ee: {  	s0 =	stileid.u32;
	[bflag:$0x2] =	sbarrier.arrive $0xFFFF  }
0x1ef: {  	p0 =	sne.s32 s0, $0x0;
	s0 =	rddreg [dreg:$0x2]  }
0x1f0: {  	s0 =	sadd.s32 @!p0 $0x100000, s0  }
0x1f1: {  	[sflag:s0] =	ssyncadd.tile.s32 @!p0 $0x1;
	_ =	shalt  }
.Lfunc_end2:
_tile_overlayer_lowered:
.L_overlay_start_2:
0x1f2: {  	(tag) =	ssettag $0x2  }
0x1f3: {  	s0 =	rddreg [dreg:$0x0];
	s2 =	stileid.u32  }
0x1f4: {  	s1 =	rddreg [dreg:$0x1];
	p0 =	sne.s32 s2, $0x0  }
0x1f5: {  	s3 =	rddreg [dreg:$0x2];
	[bflag:$0x3] =	sbarrier.arrive $0xFFFF;
	s2 =	simm.s32 @!p0 $0x1C05  }
0x1f6: {  	[timem:s3], [sflag:s2] =	dma.local @!p0 [hbm:s0], s1  }
0x1f7: {  	s0 =	simm.s32 @!p0 $0x5  }
0x1f8: {  	_ =	swait.ge @!p0 [sflag:s0], s1  }
0x1f9: {  	s1 =	ssub.s32 @!p0 $0x0, s1;
	[sflag:s0] =	ssyncset.done @!p0 $0x0  }
0x1fa: {  	[sflag:s0] =	ssyncadd.s32 @!p0 s1  }
0x1fb: {  	[bflag:$0x3] =	sbarrier.arrive $0xFFFF  }
0x1fc: {  	_ =	shalt  }

// kernel: kernel.15.cloned.1.call-start
scs
__scs_entry_jumppad:
0x0: {  	(pc) =	sbr.rel $0x88, $3  }
0x1: {  	(tag) =	ssettag $0x0;
	lr =	simm.s32 $0x1  }
0x2: {  	[smem:$0x3F92] =	sst lr;
	_ =	strace $0xD0000000  }
0x3: {  	_ = 	snop  }
0x4: {  	_ = 	snop  }
0x5: {  	_ = 	snop  }
0x6: {  	_ = 	snop  }
0x7: {  	_ = 	snop  }
__scs_overlays_trampoline_lowered:
0x8: {  	[smem:$0x3FA1] =	sst s0  }
0x9: {  	[smem:$0x3FA2] =	sst s1  }
0xa: {  	[smem:$0x3FA3] =	sst s2  }
0xb: {  	[smem:$0x3FA4] =	sst s3  }
0xc: {  	[smem:$0x3FA5] =	sst s4  }
0xd: {  	[smem:$0x3FA6] =	sst s5  }
0xe: {  	[smem:$0x3FA7] =	sst s6  }
0xf: {  	[smem:$0x3FA8] =	sst s7  }
0x10: {  	[smem:$0x3FA9] =	sst s8  }
0x11: {  	[smem:$0x3FAA] =	sst s9;
	s0 =	simm.s32 @!p0 $0x0  }
0x12: {  	s1 =	sld [smem:$0x3F90];
	s0 =	simm.s32 @p0 $0x1  }
0x13: {  	[smem:$0x3FAB] =	sst s0;
	s0 =	simm.s32 @!p1 $0x0  }
0x14: {  	s2 =	sld [smem:$0x3F8F];
	s0 =	simm.s32 @p1 $0x1  }
0x15: {  	[smem:$0x3FAC] =	sst s0;
	s0 =	simm.s32 @!p2 $0x0  }
0x16: {  	s3 =	sld [smem:$0x3FDB];
	s0 =	simm.s32 @p2 $0x1  }
0x17: {  	s4 =	simm.s32 $0x1BF5;
	[smem:$0x3FAE] =	sst s0  }
0x18: {  	s0 =	sld [smem:$0x3F91];
	_ =	swait.ge [sflag:s4], $0x0  }
0x19: {  	s7 =	sld [smem:$0x3F92]  }
0x1a: {  	s8 =	sadd.s32 $0xFFFFE003, lr  }
0x1b: {  	s9 =	sadd.s32 $0xFFFFFEF7, lr;
	s5 =	simm.s32 $0xFFFFFFFF;
	p2 =	slt.u32 s8, $0xFFFFF086  }
0x1c: {  	p1 =	slt.u32 s9, $0xF7A;
	s5 =	simm.s32 @!p2 $0x0  }
0x1d: {  	s5 =	simm.s32 @p1 $0x1;
	p0 =	seq.s32 s7, s2  }
0x1e: {  	s7 =	smul.u32 @!p0 $0xF7A, s2;
	p2 =	seq.s32 @!p0 s5, $0x0  }
0x1f: {  	s9 =	smul.u32 $0xF7A, s1;
	s8 =	simm.s32 @!p0 $0x1BF5;
	p2 =	por !p2, p0  }
0x20: {  	[sflag:s8] =	ssyncset.s32 @!p0 $0xFFFFF086;
	s6 =	sadd.s32 @!p0 s3, s7;
	s7 =	simm.s32 @!p0 $0x108  }
0x21: {  	s3 =	sadd.s32 s3, s9;
	s6 =	sadd.s32 @!p0 $0x88, s6;
	s7 =	simm.s32 @p2 $0x1082  }
0x22: {  	[simem:s7], [sflag:s8] =	dma.local @!p0 [hbm:s6], $0xF7A  }
0x23: {  	s9 =	sor.u32 $0xD0000000, s2;
	s6 =	simm.s32 $0x108;
	_ =	swait.ge @!p0 [sflag:s8], $0x0  }
0x24: {  	s3 =	sadd.s32 $0x88, s3;
	s6 =	simm.s32 @!p1 $0x1082;
	[sflag:s4] =	ssyncset.s32 $0xFFFFF086  }
0x25: {  	[simem:s6], [sflag:s4] =	dma.local [hbm:s3], $0xF7A  }
0x26: {  	[smem:$0x3F92] =	sst s1;
	(tag) =	ssettag s2;
	_ =	strace s9  }
0x27: {  	s1 =	sld [smem:$0x3FA2]  }
0x28: {  	s2 =	sld [smem:$0x3FA3]  }
0x29: {  	s4 =	sld [smem:$0x3FA5]  }
0x2a: {  	p0 =	seq.s32 s5, $0x0;
	s5 =	sld [smem:$0x3FA6]  }
0x2b: {  	s6 =	sld [smem:$0x3FA7]  }
0x2c: {  	s7 =	sld [smem:$0x3FA8]  }
0x2d: {  	s3 =	simm.s32 $0x108;
	s8 =	sld [smem:$0x3FA9]  }
0x2e: {  	s3 =	simm.s32 @!p0 $0x1082;
	s9 =	sld [smem:$0x3FAA]  }
0x2f: {  	lr =	sadd.s32 s0, s3;
	s0 =	sld [smem:$0x3FA1]  }
0x30: {  	s3 =	sld [smem:$0x3FA4]  }
0x31: {  	[smem:$0x3FAD] =	sst s10  }
0x32: {  	s10 =	sld [smem:$0x3FAB];
	_ =	sdelay $0x3  }
0x33: {  	p0 =	seq.s32 s10, $0x1;
	s10 =	sld [smem:$0x3FAD];
	_ =	sdelay $0x3  }
0x34: {  	[smem:$0x3FAD] =	sst s10  }
0x35: {  	s10 =	sld [smem:$0x3FAC];
	_ =	sdelay $0x3  }
0x36: {  	p1 =	seq.s32 s10, $0x1;
	s10 =	sld [smem:$0x3FAD];
	_ =	sdelay $0x3  }
0x37: {  	[smem:$0x3FAD] =	sst s10  }
0x38: {  	s10 =	sld [smem:$0x3FAE]  }
0x39: {  	_ = 	snop;
	(pc) =	sbr.ind lr, $3  }
0x3a: {  	_ = 	snop  }
0x3b: {  	_ = 	snop  }
0x3c: {  	p2 =	seq.s32 s10, $0x1;
	s10 =	sld [smem:$0x3FAD]  }
0x3d: {  	_ =	shalt  }
0x3e: {  	_ =	shalt  }
0x3f: {  	_ =	shalt  }
0x40: {  	_ =	shalt  }
0x41: {  	_ =	shalt  }
0x42: {  	_ =	shalt  }
0x43: {  	_ =	shalt  }
0x44: {  	_ =	shalt  }
0x45: {  	_ =	shalt  }
0x46: {  	_ =	shalt  }
0x47: {  	_ =	shalt  }
0x48: {  	_ =	shalt  }
0x49: {  	_ =	shalt  }
0x4a: {  	_ =	shalt  }
0x4b: {  	_ =	shalt  }
0x4c: {  	_ =	shalt  }
0x4d: {  	_ =	shalt  }
0x4e: {  	_ =	shalt  }
0x4f: {  	_ =	shalt  }
0x50: {  	_ =	shalt  }
0x51: {  	_ =	shalt  }
0x52: {  	_ =	shalt  }
0x53: {  	_ =	shalt  }
0x54: {  	_ =	shalt  }
0x55: {  	_ =	shalt  }
0x56: {  	_ =	shalt  }
0x57: {  	_ =	shalt  }
0x58: {  	_ =	shalt  }
0x59: {  	_ =	shalt  }
0x5a: {  	_ =	shalt  }
0x5b: {  	_ =	shalt  }
0x5c: {  	_ =	shalt  }
0x5d: {  	_ =	shalt  }
0x5e: {  	_ =	shalt  }
0x5f: {  	_ =	shalt  }
0x60: {  	_ =	shalt  }
0x61: {  	_ =	shalt  }
0x62: {  	_ =	shalt  }
0x63: {  	_ =	shalt  }
0x64: {  	_ =	shalt  }
0x65: {  	_ =	shalt  }
0x66: {  	_ =	shalt  }
0x67: {  	_ =	shalt  }
0x68: {  	_ =	shalt  }
0x69: {  	_ =	shalt  }
0x6a: {  	_ =	shalt  }
0x6b: {  	_ =	shalt  }
0x6c: {  	_ =	shalt  }
0x6d: {  	_ =	shalt  }
0x6e: {  	_ =	shalt  }
0x6f: {  	_ =	shalt  }
0x70: {  	_ =	shalt  }
0x71: {  	_ =	shalt  }
0x72: {  	_ =	shalt  }
0x73: {  	_ =	shalt  }
0x74: {  	_ =	shalt  }
0x75: {  	_ =	shalt  }
0x76: {  	_ =	shalt  }
0x77: {  	_ =	shalt  }
0x78: {  	_ =	shalt  }
0x79: {  	_ =	shalt  }
0x7a: {  	_ =	shalt  }
0x7b: {  	_ =	shalt  }
0x7c: {  	_ =	shalt  }
0x7d: {  	_ =	shalt  }
0x7e: {  	_ =	shalt  }
0x7f: {  	_ =	shalt  }
0x80: {  	_ =	shalt  }
0x81: {  	_ =	shalt  }
0x82: {  	_ =	shalt  }
0x83: {  	_ =	shalt  }
0x84: {  	_ =	shalt  }
0x85: {  	_ =	shalt  }
0x86: {  	_ =	shalt  }
0x87: {  	_ =	shalt  }
.Lfunc_end0:
.L_simem_size_0:
called_computation.2_lowered:
.L_overlay_start_0:
0x88: {  	s2 =	sld [smem:$0x3FD9]  }
0x89: {  	s3 =	sld [smem:$0x3FFE];
	_ =	sdelay $0x1  }
0x8a: {  	s1 =	srdreg.scid  }
0x8b: {  	s0 =	sand.u32 $0x1, s1  }
0x8c: {  	s17 =	sshll.u32 s0, $0xA;
	s2 =	sadd.s32 s3, s2  }
0x8d: {  	s2 =	sadd.s32 s2, s17  }
0x8e: {  	[smem:$0x3FB9] =	sst s2  }
0x8f: {  	_ = 	snop  }
0x90: {  	s18 =	sld [smem:$0x3FD0];
	(tm) =	ssettm $0x1  }
0x91: {  	s19 =	sld [smem:$0x3FFB];
	_ =	sdelay $0x3  }
0x92: {  	_ =	strace s19  }
0x93: {  	s2 =	sld [smem:$0x3FFC];
	_ =	sdelay $0x3  }
0x94: {  	_ =	strace s2  }
0x95: {  	s2 =	sld [smem:$0x3FFD];
	_ =	sdelay $0x3  }
0x96: {  	_ =	strace s2  }
0x97: {  	_ =	strace $0x8FFFFFFF  }
0x98: {  	s20 =	sld [smem:$0x3FDB];
	_ =	sdelay $0x1  }
0x99: {  	s4 =	simm.s32 $_scs_section_size  }
0x9a: {  	s5 =	simm.s32 $_size__tile_overlayer_lowered;
	s6 =	simm.s32 $_tile_overlayer_lowered  }
0x9b: {  	s7 =	simm.s32 $0x1BFF;
	s21 =	sshll.u32 s6, $0x1;
	s4 =	sadd.s32 s4, s20  }
0x9c: {  	s22 =	simm.s32 $0x0;
	s5 =	sshll.u32 s5, $0x1;
	s6 =	sadd.s32 s21, s4  }
0x9d: {  	[timem:s22], [sflag:s7] =	dma.local [hbm:s6], s5  }
0x9e: {  	_ =	swait.ge [sflag:s7], s5  }
0x9f: {  	s5 =	ssub.s32 $0x0, s5;
	[sflag:s7] =	ssyncset.done $0x0  }
0xa0: {  	[sflag:s7] =	ssyncadd.s32 s5;
	_ =	sdelay $0x1  }
0xa1: {  	s23 =	simm.s32 $0x1B8B  }
0xa2: {  	_ =	swait.ge [sflag:s23], $0x1  }
0xa3: {  	[sflag:s23] =	ssyncset.done $0x0  }
0xa4: {  	[sflag:s23] =	ssyncadd.s32 $0xFFFFFFFF  }
0xa5: {  	s5 =	sld [smem:$0x0]  }
0xa6: {  	s6 =	sand.u32 $0xFFFFFFFE, s1  }
0xa7: {  	p0 =	sne.s32 s1, s6  }
0xa8: {  	s6 =	sshll.u32 @p0 s6, $0xE  }
0xa9: {  	s6 =	sadd.s32 @p0 $0x11B8D, s6;
	s7 =	sshll.u32 @p0 s5, $0x11  }
0xaa: {  	s6 =	sor.u32 @p0 s7, s6  }
0xab: {  	[sflag:s6] =	ssyncadd.remote.s32 @p0 $0x1;
	_ =	sdelay $0x1  }
0xac: {  	s6 =	simm.s32 @p0 $0x1B8D  }
0xad: {  	_ =	swait.eq @p0 [sflag:s6], $0x1  }
0xae: {  	[sflag:s6] =	ssyncadd.s32 @p0 $0xFFFFFFFF  }
0xaf: {  	s7 =	sshll.u32 @!p0 s1, $0xE  }
0xb0: {  	s7 =	sor.u32 @!p0 $0x4000, s7;
	s6 =	simm.s32 @!p0 $0x1B8D  }
0xb1: {  	s5 =	sshll.u32 @!p0 s5, $0x11;
	s7 =	sadd.s32 @!p0 $0x11B8D, s7;
	_ =	swait.eq @!p0 [sflag:s6], $0x1  }
0xb2: {  	s5 =	sor.u32 @!p0 s5, s7;
	[sflag:s6] =	ssyncadd.s32 @!p0 $0xFFFFFFFF  }
0xb3: {  	s25 =	simm.s32 $0x1B8E;
	s24 =	sld [smem:$0x3FFE];
	[sflag:s5] =	ssyncadd.remote.s32 @!p0 $0x1  }
0xb4: {  	s26 =	simm.s32 $execute0_lowered;
	[smem:$0x3FD2] =	sst s25  }
0xb5: {  	s6 =	sshll.u32 s26, $0x1;
	_ =	strace $0x8000004C;
	[dreg:$0x1] =	wrdreg $0xFFFFFFFF  }
0xb6: {  	s28 =	simm.s32 $_size_execute0_lowered;
	s4 =	sadd.s32 s4, s6;
	[dreg:$0x0] =	wrdreg $0x0  }
0xb7: {  	s6 =	sshll.u32 s28, $0x1;
	[dreg:$0x2] =	wrdreg s4  }
0xb8: {  	[dreg:$0x3] =	wrdreg s6  }
0xb9: {  	[dreg:$0x4] =	wrdreg $0xC0  }
0xba: {  	_ =	task [dreg:s22], $0x5FFFF  }
0xbb: {  	[dreg:$0x1] =	wrdreg $0xFFFFFFFF  }
0xbc: {  	[dreg:$0x0] =	wrdreg $0x60  }
0xbd: {  	[dreg:$0x2] =	wrdreg s24  }
0xbe: {  	[dreg:$0x3] =	wrdreg s18  }
0xbf: {  	[dreg:$0x4] =	wrdreg $0x6C000  }
0xc0: {  	[dreg:$0x5] =	wrdreg $0xA  }
0xc1: {  	_ =	task.clear_ibuf [dreg:s22], $0x6FFFF;
	_ =	strace $0x9000004C  }
0xc2: {  	s29 =	simm.s32 $0xA;
	_ =	strace $0x8000004E  }
0xc3: {  	_ =	swait.ge [sflag:s29], $0x1  }
0xc4: {  	[sflag:s29] =	ssyncadd.s32 $0xFFFFFFFF  }
0xc5: {  	_ =	strace $0x9000004E  }
0xc6: {  	_ =	sfence  }
0xc7: {  	s30 =	sld [smem:$0x0];
	_ =	sdelay $0x2  }
0xc8: {  	s31 =	sshll.u32 s1, $0xD;
	s1 =	sshrl.u32 s1, $0x2  }
0xc9: {  	s4 =	sand.u32 $0x4000, s31;
	s1 =	sadd.s32 s1, s30  }
0xca: {  	s0 =	sor.u32 s4, s0;
	s1 =	sshll.u32 s1, $0x11  }
0xcb: {  	s0 =	sor.u32 s1, s0  }
0xcc: {  	s0 =	sadd.s32 $0x8F2B, s0  }
0xcd: {  	[sflag:s0] =	ssyncadd.remote.s32 $0x1  }
0xce: {  	_ =	sfence.sel $0xFFFF  }
0xcf: {  	[dreg:$0x0] =	wrdreg $0xFFFFFFFF;
	(pc) =	sbr.abs _section_cstart, $3  }
0xd0: {  	[dreg:$0x1] =	wrdreg $0xFFFFFFFF  }
0xd1: {  	_ =	task.clear_ibuf [dreg:s22], $0x2FFFF;
	_ =	strace $0x9FFFFFFF  }
0xd2: {  	(tm) =	ssettm $0x7FFFFFFF  }
0xd3: {  	_ =	shalt  }
tec
execute0_lowered:
.L_overlay_start_1:
0x0: {  	(tag) =	ssettag $0x1  }
0x1: {  	s0 =	rddreg [dreg:$0x0]  }
0x2: {  	s1 =	rddreg [dreg:$0x1]  }
0x3: {  	s12 =	stileid.u32;
	s2 =	rddreg [dreg:$0x2];
	s3 =	simm.s32 $0x0  }
0x4: {  	s7 =	srdreg.scid;
	s28 =	simm.s32 $0x5;
	s4 =	smul.u32 $0x2EE00, s12  }
0x5: {  	s29 =	simm.s32 $0x1C00;
	s30 =	simm.s32 $0x4400;
	s5 =	smul.u32 $0xA80, s12  }
0x6: {  	s31 =	simm.s32 $0x1;
	[smem:$0x7FF] =	sst s3;
	s6 =	smul.u32 $0x2700, s12  }
0x7: {  	s7 =	sand.u32 $0x1, s7;
	s9 =	smul.u32 $0x4E000, s12;
	s10 =	sadd.s32 $0x27000, s1  }
0x8: {  	p1 =	sne.s32 s12, $0xF;
	_ =	strace $0x8000004D;
	[dreg:$0x4] =	wrdreg s10  }
0x9: {  	s14 =	ssub.s32 $0x2, s7;
	p0 =	sne.s32 s7, $0x0;
	s7 =	simm.s32 $0x4  }
0xa: {  	s10 =	simm.s32 $0x0;
	s4 =	sadd.s32 s4, s0;
	s5 =	sadd.s32 s5, s0  }
0xb: {  	s8 =	sadd.s32 s6, s0;
	s16 =	sshrl.u32 s14, $0x1;
	s0 =	sadd.s32 $0xA2FA00, s0  }
0xc: {  	s21 =	sshrl.u32 s9, $0x2;
	s26 =	sadd.s32 s1, s6;
	[dreg:$0x9] =	wrdreg s0  }
0xd: {  	s1 =	simm.s32 $0x50;
	s11 =	sadd.s32 $0xB7FA00, s4;
	[dreg:$0x10] =	wrdreg s26  }
0xe: {  	s6 =	simm.s32 $0x80;
	s15 =	sadd.s32 $0xB8F400, s4;
	[dreg:$0x5] =	wrdreg s11  }
0xf: {  	s9 =	simm.s32 $0x1880;
	s13 =	sadd.s32 $0xB9EE00, s4;
	[dreg:$0x6] =	wrdreg s15  }
0x10: {  	s5 =	sadd.s32 $0x9FE200, s5;
	s8 =	sadd.s32 $0xA08A00, s8;
	[dreg:$0x7] =	wrdreg s13  }
0x11: {  	s17 =	ssub.s32 s14, s16;
	s20 =	sadd.s32 $0xB7FF00, s4;
	[dreg:$0x8] =	wrdreg s8  }
0x12: {  	s22 =	sadd.s32 $0xB80400, s4;
	s23 =	sadd.s32 $0xB8F900, s4;
	[dreg:$0xa] =	wrdreg s20  }
0x13: {  	s0 =	sadd.s32 s21, s2;
	s24 =	sadd.s32 $0xB8FE00, s4;
	[dreg:$0xb] =	wrdreg s22  }
0x14: {  	s25 =	sadd.s32 $0xB9F300, s4;
	s18 =	sadd.s32 $0xB9F800, s4;
	[dreg:$0xc] =	wrdreg s23  }
.Ltmp0:
0x15: {  	s19 =	sadd.s32 $0xB8EF00, s4;
	[dreg:$0xd] =	wrdreg s0;
	(pc) =	sbr.rel .LBB2_1-.Ltmp0, $4  }
0x16: {  	s21 =	sadd.s32 $0xB9E900, s4;
	s26 =	sadd.s32 $0x138000, s2;
	[dreg:$0xe] =	wrdreg s24  }
0x17: {  	[dreg:$0xf] =	wrdreg s25;
	s22 =	sadd.s32 $0xBAE300, s4;
	s23 =	sadd.s32 $0xB80E00, s4  }
0x18: {  	s20 =	smax.u32 s17, $0x1;
	s24 =	sadd.s32 $0xB90800, s4;
	s25 =	sadd.s32 $0xBA0200, s4  }
0x19: {  	s0 =	simm.s32 $0x3;
	s4 =	simm.s32 $0x2;
	s8 =	simm.s32 $0x1800  }
.LBB2_11:
0x1a: {  	[bflag:$0x0] =	sbarrier.arrive $0xFFFF  }
0x1b: {  	[bflag:$0x0] =	sbarrier.arrive $0xFFFF  }
.LBB2_9:
0x1c: {  	s10 =	sadd.s32 $0x1, s10  }
0x1d: {  	p2 =	sne.s32 s10, s20  }
.Ltmp1:
0x1e: {  	_ = 	snop;
	(pc) =	sbr.rel @!p2 .LBB2_10-.Ltmp1, $1  }
0x1f: {  	_ =	sdelay $0x3  }
.LBB2_1:
.Ltmp2:
0x20: {  	(pc) =	sbr.rel @p0 .LBB2_11-.Ltmp2, $1  }
0x21: {  	_ =	sdelay $0x3  }
0x22: {  	s11 =	stileid.u32  }
0x23: {  	s12 =	rddreg [dreg:$0xd];
	s11 =	sshll.u32 s11, $0x6  }
0x24: {  	s13 =	rddreg [dreg:$0x10];
	s12 =	sshrl.u32 s12, $0x3;
	s11 =	sor.u32 $0x1C05, s11  }
0x25: {  	[spmem:s12], [sflag:s11] =	dma.local [hbm:s13], $0x2700  }
0x26: {  	_ =	swait.ge [sflag:s28], $0x2700  }
0x27: {  	[sflag:s28] =	ssyncset.done $0x0  }
0x28: {  	s13 =	sshrl.u32 @!p1 s26, $0x3;
	s14 =	rddreg [dreg:$0x4];
	[sflag:s28] =	ssyncadd.s32 $0xFFFFD900  }
0x29: {  	[spmem:s13], [sflag:s11] =	dma.local @!p1 [hbm:s14], $0x100  }
0x2a: {  	s14 =	simm.s32 @!p1 $0x5  }
0x2b: {  	_ =	swait.ge @!p1 [sflag:s14], $0x100  }
0x2c: {  	[sflag:s14] =	ssyncset.done @!p1 $0x0  }
0x2d: {  	[sflag:s14] =	ssyncadd.s32 @!p1 $0xFFFFFF00  }
0x2e: {  	[bflag:$0x0] =	sbarrier.arrive $0xFFFF  }
0x2f: {  	[tilespmem:s3], [sflag:$0x5] =	stream.linear.gather [hbm4b:s5+s3], $0x1900, $0x38;
	[tilespmem:$0x1A480] =	vst v63  }
0x30: {  	_ =	swait.ge [sflag:s28], $0x1900  }
0x31: {  	[sflag:s28] =	ssyncset.done $0x0  }
0x32: {  	s16 =	rddreg [dreg:$0x5];
	[sflag:s28] =	ssyncadd.s32 $0xFFFFE700  }
0x33: {  	[tilespmem:s29], [sflag:$0x1] =	stream.linear.gather [hbm4b:s16+s3], $0x2800, $0x38;
	[tilespmem:$0x1A480] =	vst v63  }
0x34: {  	s17 =	rddreg [dreg:$0xa]  }
0x35: {  	[tilespmem:s30], [sflag:$0x2] =	stream.linear.gather [hbm4b:s17+s3], $0x2800, $0x38;
	[tilespmem:$0x1A480] =	vst v63  }
0x36: {  	_ =	swait.ge [sflag:s31], $0x2800  }
0x37: {  	[sflag:s31] =	ssyncset.done $0x0  }
0x38: {  	[sflag:s31] =	ssyncadd.s32 $0xFFFFD800  }
0x39: {  	[spmem:s2] =	stream.indirect.scatter.add.f32 [tilespmem:s29], [sflag:$0x3], $0x80, s3, s1, $0xb8;
	[tilespmem:$0x1A480] =	vst v63  }
0x3a: {  	_ =	swait.ge [sflag:s0], $0x2800  }
0x3b: {  	[sflag:s0] =	ssyncset.done $0x0  }
0x3c: {  	s15 =	rddreg [dreg:$0xb];
	[sflag:s0] =	ssyncadd.s32 $0xFFFFD800  }
0x3d: {  	[tilespmem:s29], [sflag:$0x1] =	stream.linear.gather [hbm4b:s15+s3], $0x2800, $0x38;
	[tilespmem:$0x1A480] =	vst v63  }
0x3e: {  	_ =	swait.ge [sflag:s4], $0x2800  }
0x3f: {  	[sflag:s4] =	ssyncset.done $0x0  }
0x40: {  	[sflag:s4] =	ssyncadd.s32 $0xFFFFD800  }
0x41: {  	[spmem:s2] =	stream.indirect.scatter.add.f32 [tilespmem:s30], [sflag:$0x4], $0x80, s6, s1, $0xb8;
	[tilespmem:$0x1A480] =	vst v63  }
0x42: {  	_ =	swait.ge [sflag:s7], $0x2800  }
0x43: {  	[sflag:s7] =	ssyncset.done $0x0  }
0x44: {  	s16 =	sadd.s32 $0xFFFFFB00, s23;
	[sflag:s7] =	ssyncadd.s32 $0xFFFFD800  }
0x45: {  	[tilespmem:s30], [sflag:$0x2] =	stream.linear.gather [hbm4b:s16+s3], $0x2800, $0x38;
	[tilespmem:$0x1A480] =	vst v63  }
0x46: {  	_ =	swait.ge [sflag:s31], $0x2800  }
0x47: {  	[sflag:s31] =	ssyncset.done $0x0  }
0x48: {  	s17 =	simm.s32 $0x100;
	[sflag:s31] =	ssyncadd.s32 $0xFFFFD800  }
0x49: {  	[spmem:s2] =	stream.indirect.scatter.add.f32 [tilespmem:s29], [sflag:$0x3], $0x80, s17, s1, $0xb8;
	[tilespmem:$0x1A480] =	vst v63  }
0x4a: {  	_ =	swait.ge [sflag:s0], $0x2800  }
0x4b: {  	[sflag:s0] =	ssyncset.done $0x0  }
0x4c: {  	[sflag:s0] =	ssyncadd.s32 $0xFFFFD800  }
0x4d: {  	[tilespmem:s29], [sflag:$0x1] =	stream.linear.gather [hbm4b:s23+s3], $0x2800, $0x38;
	[tilespmem:$0x1A480] =	vst v63  }
0x4e: {  	_ =	swait.ge [sflag:s4], $0x2800  }
0x4f: {  	s14 =	simm.s32 $0xFFFFA800;
	[sflag:s4] =	ssyncset.done $0x0  }
0x50: {  	s15 =	sadd.s32 $0xA00, s23;
	s16 =	simm.s32 $0x180;
	[sflag:s4] =	ssyncadd.s32 $0xFFFFD800  }
.LBB2_3:
0x51: {  	[spmem:s2] =	stream.indirect.scatter.add.f32 [tilespmem:s30], [sflag:$0x4], $0x80, s16, s1, $0xb8;
	[tilespmem:$0x1A480] =	vst v63  }
0x52: {  	s16 =	smov.u32 s14  }
0x53: {  	p2 =	sne.s32 s14, $0xFFFFFC00;
	s14 =	sadd.s32 $0x400, s14;
	_ =	swait.ge [sflag:s7], $0x2800  }
0x54: {  	[sflag:s7] =	ssyncset.done $0x0  }
0x55: {  	s17 =	sadd.s32 $0xFFFFFB00, s15;
	[sflag:s7] =	ssyncadd.s32 $0xFFFFD800  }
0x56: {  	[tilespmem:s30], [sflag:$0x2] =	stream.linear.gather [hbm4b:s17+s3], $0x2800, $0x38;
	[tilespmem:$0x1A480] =	vst v63  }
0x57: {  	_ =	swait.ge [sflag:s31], $0x2800  }
0x58: {  	s16 =	sshra.s32 s16, $0x2;
	[sflag:s31] =	ssyncset.done $0x0  }
0x59: {  	s17 =	sadd.s32 $0x1800, s16;
	[sflag:s31] =	ssyncadd.s32 $0xFFFFD800  }
0x5a: {  	[spmem:s2] =	stream.indirect.scatter.add.f32 [tilespmem:s29], [sflag:$0x3], $0x80, s17, s1, $0xb8;
	[tilespmem:$0x1A480] =	vst v63  }
0x5b: {  	_ =	swait.ge [sflag:s0], $0x2800  }
0x5c: {  	[sflag:s0] =	ssyncset.done $0x0  }
.Ltmp3:
0x5d: {  	[sflag:s0] =	ssyncadd.s32 $0xFFFFD800;
	(pc) =	sbr.rel @p2 .LBB2_3-.Ltmp3, $4  }
0x5e: {  	[tilespmem:s29], [sflag:$0x1] =	stream.linear.gather [hbm4b:s15+s3], $0x2800, $0x38;
	[tilespmem:$0x1A480] =	vst v63  }
0x5f: {  	_ =	swait.ge [sflag:s4], $0x2800  }
0x60: {  	[sflag:s4] =	ssyncset.done $0x0  }
0x61: {  	s16 =	sadd.s32 $0x1880, s16;
	s15 =	sadd.s32 $0xA00, s15;
	[sflag:s4] =	ssyncadd.s32 $0xFFFFD800  }
0x62: {  	[spmem:s2] =	stream.indirect.scatter.add.f32 [tilespmem:s30], [sflag:$0x4], $0x80, s16, s1, $0xb8;
	[tilespmem:$0x1A480] =	vst v63  }
0x63: {  	_ =	swait.ge [sflag:s7], $0x2800  }
0x64: {  	[sflag:s7] =	ssyncset.done $0x0  }
0x65: {  	[sflag:s7] =	ssyncadd.s32 $0xFFFFD800  }
0x66: {  	[tilespmem:s30], [sflag:$0x2] =	stream.linear.gather [hbm4b:s19+s3], $0x2800, $0x38;
	[tilespmem:$0x1A480] =	vst v63  }
0x67: {  	_ =	swait.ge [sflag:s31], $0x2800  }
0x68: {  	[sflag:s31] =	ssyncset.done $0x0  }
0x69: {  	[sflag:s31] =	ssyncadd.s32 $0xFFFFD800  }
0x6a: {  	[spmem:s2] =	stream.indirect.scatter.add.f32 [tilespmem:s29], [sflag:$0x3], $0x80, s8, s1, $0xb8;
	[tilespmem:$0x1A480] =	vst v63  }
0x6b: {  	_ =	swait.ge [sflag:s0], $0x2800  }
0x6c: {  	[sflag:s0] =	ssyncset.done $0x0  }
0x6d: {  	[sflag:s0] =	ssyncadd.s32 $0xFFFFD800  }
0x6e: {  	_ =	swait.ge [sflag:s4], $0x2800  }
0x6f: {  	[sflag:s4] =	ssyncset.done $0x0  }
0x70: {  	[sflag:s4] =	ssyncadd.s32 $0xFFFFD800  }
0x71: {  	[spmem:s2] =	stream.indirect.scatter.add.f32 [tilespmem:s30], [sflag:$0x4], $0x80, s9, s1, $0xb8;
	[tilespmem:$0x1A480] =	vst v63  }
0x72: {  	_ =	swait.ge [sflag:s7], $0x2800  }
0x73: {  	[sflag:s7] =	ssyncset.done $0x0  }
0x74: {  	s14 =	sadd.s32 $0x380, s5;
	[sflag:s7] =	ssyncadd.s32 $0xFFFFD800  }
0x75: {  	[tilespmem:s3], [sflag:$0x5] =	stream.linear.gather [hbm4b:s14+s3], $0x1900, $0x38;
	[tilespmem:$0x1A480] =	vst v63  }
0x76: {  	_ =	swait.ge [sflag:s28], $0x1900  }
0x77: {  	[sflag:s28] =	ssyncset.done $0x0  }
0x78: {  	s16 =	rddreg [dreg:$0x6];
	[sflag:s28] =	ssyncadd.s32 $0xFFFFE700  }
0x79: {  	[tilespmem:s29], [sflag:$0x1] =	stream.linear.gather [hbm4b:s16+s3], $0x2800, $0x38;
	[tilespmem:$0x1A480] =	vst v63  }
0x7a: {  	s17 =	rddreg [dreg:$0xc]  }
0x7b: {  	[tilespmem:s30], [sflag:$0x2] =	stream.linear.gather [hbm4b:s17+s3], $0x2800, $0x38;
	[tilespmem:$0x1A480] =	vst v63  }
0x7c: {  	_ =	swait.ge [sflag:s31], $0x2800  }
0x7d: {  	[sflag:s31] =	ssyncset.done $0x0  }
0x7e: {  	[sflag:s31] =	ssyncadd.s32 $0xFFFFD800  }
0x7f: {  	[spmem:s2] =	stream.indirect.scatter.add.f32 [tilespmem:s29], [sflag:$0x3], $0x80, s3, s1, $0xb8;
	[tilespmem:$0x1A480] =	vst v63  }
0x80: {  	_ =	swait.ge [sflag:s0], $0x2800  }
0x81: {  	[sflag:s0] =	ssyncset.done $0x0  }
0x82: {  	s15 =	rddreg [dreg:$0xe];
	[sflag:s0] =	ssyncadd.s32 $0xFFFFD800  }
0x83: {  	[tilespmem:s29], [sflag:$0x1] =	stream.linear.gather [hbm4b:s15+s3], $0x2800, $0x38;
	[tilespmem:$0x1A480] =	vst v63  }
0x84: {  	_ =	swait.ge [sflag:s4], $0x2800  }
0x85: {  	[sflag:s4] =	ssyncset.done $0x0  }
0x86: {  	[sflag:s4] =	ssyncadd.s32 $0xFFFFD800  }
0x87: {  	[spmem:s2] =	stream.indirect.scatter.add.f32 [tilespmem:s30], [sflag:$0x4], $0x80, s6, s1, $0xb8;
	[tilespmem:$0x1A480] =	vst v63  }
0x88: {  	_ =	swait.ge [sflag:s7], $0x2800  }
0x89: {  	[sflag:s7] =	ssyncset.done $0x0  }
0x8a: {  	s16 =	sadd.s32 $0xFFFFFB00, s24;
	[sflag:s7] =	ssyncadd.s32 $0xFFFFD800  }
0x8b: {  	[tilespmem:s30], [sflag:$0x2] =	stream.linear.gather [hbm4b:s16+s3], $0x2800, $0x38;
	[tilespmem:$0x1A480] =	vst v63  }
0x8c: {  	_ =	swait.ge [sflag:s31], $0x2800  }
0x8d: {  	[sflag:s31] =	ssyncset.done $0x0  }
0x8e: {  	s17 =	simm.s32 $0x100;
	[sflag:s31] =	ssyncadd.s32 $0xFFFFD800  }
0x8f: {  	[spmem:s2] =	stream.indirect.scatter.add.f32 [tilespmem:s29], [sflag:$0x3], $0x80, s17, s1, $0xb8;
	[tilespmem:$0x1A480] =	vst v63  }
0x90: {  	_ =	swait.ge [sflag:s0], $0x2800  }
0x91: {  	[sflag:s0] =	ssyncset.done $0x0  }
0x92: {  	[sflag:s0] =	ssyncadd.s32 $0xFFFFD800  }
0x93: {  	[tilespmem:s29], [sflag:$0x1] =	stream.linear.gather [hbm4b:s24+s3], $0x2800, $0x38;
	[tilespmem:$0x1A480] =	vst v63  }
0x94: {  	_ =	swait.ge [sflag:s4], $0x2800  }
0x95: {  	s14 =	simm.s32 $0xFFFFA800;
	[sflag:s4] =	ssyncset.done $0x0  }
0x96: {  	s15 =	sadd.s32 $0xA00, s24;
	s16 =	simm.s32 $0x180;
	[sflag:s4] =	ssyncadd.s32 $0xFFFFD800  }
.LBB2_5:
0x97: {  	[spmem:s2] =	stream.indirect.scatter.add.f32 [tilespmem:s30], [sflag:$0x4], $0x80, s16, s1, $0xb8;
	[tilespmem:$0x1A480] =	vst v63  }
0x98: {  	s16 =	smov.u32 s14  }
0x99: {  	p2 =	sne.s32 s14, $0xFFFFFC00;
	s14 =	sadd.s32 $0x400, s14;
	_ =	swait.ge [sflag:s7], $0x2800  }
0x9a: {  	[sflag:s7] =	ssyncset.done $0x0  }
0x9b: {  	s17 =	sadd.s32 $0xFFFFFB00, s15;
	[sflag:s7] =	ssyncadd.s32 $0xFFFFD800  }
0x9c: {  	[tilespmem:s30], [sflag:$0x2] =	stream.linear.gather [hbm4b:s17+s3], $0x2800, $0x38;
	[tilespmem:$0x1A480] =	vst v63  }
0x9d: {  	_ =	swait.ge [sflag:s31], $0x2800  }
0x9e: {  	s16 =	sshra.s32 s16, $0x2;
	[sflag:s31] =	ssyncset.done $0x0  }
0x9f: {  	s17 =	sadd.s32 $0x1800, s16;
	[sflag:s31] =	ssyncadd.s32 $0xFFFFD800  }
0xa0: {  	[spmem:s2] =	stream.indirect.scatter.add.f32 [tilespmem:s29], [sflag:$0x3], $0x80, s17, s1, $0xb8;
	[tilespmem:$0x1A480] =	vst v63  }
0xa1: {  	_ =	swait.ge [sflag:s0], $0x2800  }
0xa2: {  	[sflag:s0] =	ssyncset.done $0x0  }
.Ltmp4:
0xa3: {  	[sflag:s0] =	ssyncadd.s32 $0xFFFFD800;
	(pc) =	sbr.rel @p2 .LBB2_5-.Ltmp4, $4  }
0xa4: {  	[tilespmem:s29], [sflag:$0x1] =	stream.linear.gather [hbm4b:s15+s3], $0x2800, $0x38;
	[tilespmem:$0x1A480] =	vst v63  }
0xa5: {  	_ =	swait.ge [sflag:s4], $0x2800  }
0xa6: {  	[sflag:s4] =	ssyncset.done $0x0  }
0xa7: {  	s16 =	sadd.s32 $0x1880, s16;
	s15 =	sadd.s32 $0xA00, s15;
	[sflag:s4] =	ssyncadd.s32 $0xFFFFD800  }
0xa8: {  	[spmem:s2] =	stream.indirect.scatter.add.f32 [tilespmem:s30], [sflag:$0x4], $0x80, s16, s1, $0xb8;
	[tilespmem:$0x1A480] =	vst v63  }
0xa9: {  	_ =	swait.ge [sflag:s7], $0x2800  }
0xaa: {  	[sflag:s7] =	ssyncset.done $0x0  }
0xab: {  	[sflag:s7] =	ssyncadd.s32 $0xFFFFD800  }
0xac: {  	[tilespmem:s30], [sflag:$0x2] =	stream.linear.gather [hbm4b:s21+s3], $0x2800, $0x38;
	[tilespmem:$0x1A480] =	vst v63  }
0xad: {  	_ =	swait.ge [sflag:s31], $0x2800  }
0xae: {  	[sflag:s31] =	ssyncset.done $0x0  }
0xaf: {  	[sflag:s31] =	ssyncadd.s32 $0xFFFFD800  }
0xb0: {  	[spmem:s2] =	stream.indirect.scatter.add.f32 [tilespmem:s29], [sflag:$0x3], $0x80, s8, s1, $0xb8;
	[tilespmem:$0x1A480] =	vst v63  }
0xb1: {  	_ =	swait.ge [sflag:s0], $0x2800  }
0xb2: {  	[sflag:s0] =	ssyncset.done $0x0  }
0xb3: {  	[sflag:s0] =	ssyncadd.s32 $0xFFFFD800  }
0xb4: {  	_ =	swait.ge [sflag:s4], $0x2800  }
0xb5: {  	[sflag:s4] =	ssyncset.done $0x0  }
0xb6: {  	[sflag:s4] =	ssyncadd.s32 $0xFFFFD800  }
0xb7: {  	[spmem:s2] =	stream.indirect.scatter.add.f32 [tilespmem:s30], [sflag:$0x4], $0x80, s9, s1, $0xb8;
	[tilespmem:$0x1A480] =	vst v63  }
0xb8: {  	_ =	swait.ge [sflag:s7], $0x2800  }
0xb9: {  	[sflag:s7] =	ssyncset.done $0x0  }
0xba: {  	s14 =	sadd.s32 $0x700, s5;
	[sflag:s7] =	ssyncadd.s32 $0xFFFFD800  }
0xbb: {  	[tilespmem:s3], [sflag:$0x5] =	stream.linear.gather [hbm4b:s14+s3], $0x1900, $0x38;
	[tilespmem:$0x1A480] =	vst v63  }
0xbc: {  	_ =	swait.ge [sflag:s28], $0x1900  }
0xbd: {  	[sflag:s28] =	ssyncset.done $0x0  }
0xbe: {  	s17 =	rddreg [dreg:$0x7];
	[sflag:s28] =	ssyncadd.s32 $0xFFFFE700  }
0xbf: {  	[tilespmem:s29], [sflag:$0x1] =	stream.linear.gather [hbm4b:s17+s3], $0x2800, $0x38;
	[tilespmem:$0x1A480] =	vst v63  }
0xc0: {  	s15 =	rddreg [dreg:$0xf]  }
0xc1: {  	[tilespmem:s30], [sflag:$0x2] =	stream.linear.gather [hbm4b:s15+s3], $0x2800, $0x38;
	[tilespmem:$0x1A480] =	vst v63  }
0xc2: {  	_ =	swait.ge [sflag:s31], $0x2800  }
0xc3: {  	[sflag:s31] =	ssyncset.done $0x0  }
0xc4: {  	[sflag:s31] =	ssyncadd.s32 $0xFFFFD800  }
0xc5: {  	[spmem:s2] =	stream.indirect.scatter.add.f32 [tilespmem:s29], [sflag:$0x3], $0x80, s3, s1, $0xb8;
	[tilespmem:$0x1A480] =	vst v63  }
0xc6: {  	_ =	swait.ge [sflag:s0], $0x2800  }
0xc7: {  	[sflag:s0] =	ssyncset.done $0x0  }
0xc8: {  	[sflag:s0] =	ssyncadd.s32 $0xFFFFD800  }
0xc9: {  	[tilespmem:s29], [sflag:$0x1] =	stream.linear.gather [hbm4b:s18+s3], $0x2800, $0x38;
	[tilespmem:$0x1A480] =	vst v63  }
0xca: {  	_ =	swait.ge [sflag:s4], $0x2800  }
0xcb: {  	[sflag:s4] =	ssyncset.done $0x0  }
0xcc: {  	[sflag:s4] =	ssyncadd.s32 $0xFFFFD800  }
0xcd: {  	[spmem:s2] =	stream.indirect.scatter.add.f32 [tilespmem:s30], [sflag:$0x4], $0x80, s6, s1, $0xb8;
	[tilespmem:$0x1A480] =	vst v63  }
0xce: {  	_ =	swait.ge [sflag:s7], $0x2800  }
0xcf: {  	[sflag:s7] =	ssyncset.done $0x0  }
0xd0: {  	s16 =	sadd.s32 $0xFFFFFB00, s25;
	[sflag:s7] =	ssyncadd.s32 $0xFFFFD800  }
0xd1: {  	[tilespmem:s30], [sflag:$0x2] =	stream.linear.gather [hbm4b:s16+s3], $0x2800, $0x38;
	[tilespmem:$0x1A480] =	vst v63  }
0xd2: {  	_ =	swait.ge [sflag:s31], $0x2800  }
0xd3: {  	[sflag:s31] =	ssyncset.done $0x0  }
0xd4: {  	s17 =	simm.s32 $0x100;
	[sflag:s31] =	ssyncadd.s32 $0xFFFFD800  }
0xd5: {  	[spmem:s2] =	stream.indirect.scatter.add.f32 [tilespmem:s29], [sflag:$0x3], $0x80, s17, s1, $0xb8;
	[tilespmem:$0x1A480] =	vst v63  }
0xd6: {  	_ =	swait.ge [sflag:s0], $0x2800  }
0xd7: {  	[sflag:s0] =	ssyncset.done $0x0  }
0xd8: {  	[sflag:s0] =	ssyncadd.s32 $0xFFFFD800  }
0xd9: {  	[tilespmem:s29], [sflag:$0x1] =	stream.linear.gather [hbm4b:s25+s3], $0x2800, $0x38;
	[tilespmem:$0x1A480] =	vst v63  }
0xda: {  	_ =	swait.ge [sflag:s4], $0x2800  }
0xdb: {  	s14 =	simm.s32 $0xFFFFA800;
	[sflag:s4] =	ssyncset.done $0x0  }
0xdc: {  	s15 =	sadd.s32 $0xA00, s25;
	s16 =	simm.s32 $0x180;
	[sflag:s4] =	ssyncadd.s32 $0xFFFFD800  }
.LBB2_7:
0xdd: {  	[spmem:s2] =	stream.indirect.scatter.add.f32 [tilespmem:s30], [sflag:$0x4], $0x80, s16, s1, $0xb8;
	[tilespmem:$0x1A480] =	vst v63  }
0xde: {  	s16 =	smov.u32 s14  }
0xdf: {  	p2 =	seq.s32 s14, $0xFFFFFC00;
	s14 =	sadd.s32 $0x400, s14;
	_ =	swait.ge [sflag:s7], $0x2800  }
0xe0: {  	[sflag:s7] =	ssyncset.done $0x0  }
0xe1: {  	s17 =	sadd.s32 $0xFFFFFB00, s15;
	[sflag:s7] =	ssyncadd.s32 $0xFFFFD800  }
0xe2: {  	[tilespmem:s30], [sflag:$0x2] =	stream.linear.gather [hbm4b:s17+s3], $0x2800, $0x38;
	[tilespmem:$0x1A480] =	vst v63  }
0xe3: {  	_ =	swait.ge [sflag:s31], $0x2800  }
0xe4: {  	s16 =	sshra.s32 s16, $0x2;
	[sflag:s31] =	ssyncset.done $0x0  }
0xe5: {  	s17 =	sadd.s32 $0x1800, s16;
	[sflag:s31] =	ssyncadd.s32 $0xFFFFD800  }
0xe6: {  	[spmem:s2] =	stream.indirect.scatter.add.f32 [tilespmem:s29], [sflag:$0x3], $0x80, s17, s1, $0xb8;
	[tilespmem:$0x1A480] =	vst v63  }
0xe7: {  	_ =	swait.ge [sflag:s0], $0x2800  }
0xe8: {  	[sflag:s0] =	ssyncset.done $0x0  }
.Ltmp5:
0xe9: {  	[sflag:s0] =	ssyncadd.s32 $0xFFFFD800;
	(pc) =	sbr.rel @!p2 .LBB2_7-.Ltmp5, $4  }
0xea: {  	[tilespmem:s29], [sflag:$0x1] =	stream.linear.gather [hbm4b:s15+s3], $0x2800, $0x38;
	[tilespmem:$0x1A480] =	vst v63  }
0xeb: {  	_ =	swait.ge [sflag:s4], $0x2800  }
0xec: {  	[sflag:s4] =	ssyncset.done $0x0  }
0xed: {  	s16 =	sadd.s32 $0x1880, s16;
	s15 =	sadd.s32 $0xA00, s15;
	[sflag:s4] =	ssyncadd.s32 $0xFFFFD800  }
0xee: {  	[spmem:s2] =	stream.indirect.scatter.add.f32 [tilespmem:s30], [sflag:$0x4], $0x80, s16, s1, $0xb8;
	[tilespmem:$0x1A480] =	vst v63  }
0xef: {  	_ =	swait.ge [sflag:s7], $0x2800  }
0xf0: {  	[sflag:s7] =	ssyncset.done $0x0  }
0xf1: {  	[sflag:s7] =	ssyncadd.s32 $0xFFFFD800  }
0xf2: {  	[tilespmem:s30], [sflag:$0x2] =	stream.linear.gather [hbm4b:s22+s3], $0x2800, $0x38;
	[tilespmem:$0x1A480] =	vst v63  }
0xf3: {  	_ =	swait.ge [sflag:s31], $0x2800  }
0xf4: {  	[sflag:s31] =	ssyncset.done $0x0  }
0xf5: {  	[sflag:s31] =	ssyncadd.s32 $0xFFFFD800  }
0xf6: {  	[spmem:s2] =	stream.indirect.scatter.add.f32 [tilespmem:s29], [sflag:$0x3], $0x80, s8, s1, $0xb8;
	[tilespmem:$0x1A480] =	vst v63  }
0xf7: {  	_ =	swait.ge [sflag:s0], $0x2800  }
0xf8: {  	[sflag:s0] =	ssyncset.done $0x0  }
0xf9: {  	[sflag:s0] =	ssyncadd.s32 $0xFFFFD800  }
0xfa: {  	_ =	swait.ge [sflag:s4], $0x2800  }
0xfb: {  	[sflag:s4] =	ssyncset.done $0x0  }
0xfc: {  	[sflag:s4] =	ssyncadd.s32 $0xFFFFD800  }
0xfd: {  	[spmem:s2] =	stream.indirect.scatter.add.f32 [tilespmem:s30], [sflag:$0x4], $0x80, s9, s1, $0xb8;
	[tilespmem:$0x1A480] =	vst v63  }
0xfe: {  	_ =	swait.ge [sflag:s7], $0x2800  }
0xff: {  	[sflag:s7] =	ssyncset.done $0x0  }
0x100: {  	[sflag:s7] =	ssyncadd.s32 $0xFFFFD800  }
0x101: {  	[bflag:$0x0] =	sbarrier.arrive $0xFFFF  }
0x102: {  	s14 =	rddreg [dreg:$0x8]  }
0x103: {  	[hbm:s14], [sflag:s11] =	dma.local [spmem:s12], $0x2700  }
0x104: {  	_ =	swait.ge [sflag:s28], $0x2700  }
0x105: {  	[sflag:s28] =	ssyncset.done $0x0  }
0x106: {  	s12 =	rddreg [dreg:$0x9];
	[sflag:s28] =	ssyncadd.s32 $0xFFFFD900  }
0x107: {  	[hbm:s12], [sflag:s11] =	dma.local @!p1 [spmem:s13], $0x100  }
.Ltmp6:
0x108: {  	_ = 	snop;
	(pc) =	sbr.rel .LBB2_9-.Ltmp6, $4  }
0x109: {  	s11 =	simm.s32 @!p1 $0x5  }
0x10a: {  	_ =	swait.ge @!p1 [sflag:s11], $0x100  }
0x10b: {  	[sflag:s11] =	ssyncset.done @!p1 $0x0  }
0x10c: {  	[sflag:s11] =	ssyncadd.s32 @!p1 $0xFFFFFF00  }
.LBB2_10:
0x10d: {  	_ =	sfence.sel $0x180000  }
0x10e: {  	[bflag:$0x0] =	sbarrier.arrive $0xFFFF  }
0x10f: {  	_ =	strace $0x9000004D  }
0x110: {  	s0 =	stileid.u32;
	[bflag:$0x2] =	sbarrier.arrive $0xFFFF  }
0x111: {  	p0 =	sne.s32 s0, $0x0;
	s0 =	rddreg [dreg:$0x3]  }
0x112: {  	s0 =	sadd.s32 @!p0 $0x100000, s0  }
0x113: {  	[sflag:s0] =	ssyncadd.tile.s32 @!p0 $0x1;
	_ =	shalt  }
.Lfunc_end2:
_tile_overlayer_lowered:
.L_overlay_start_2:
0x114: {  	(tag) =	ssettag $0x2  }
0x115: {  	s0 =	rddreg [dreg:$0x0];
	s2 =	stileid.u32  }
0x116: {  	s1 =	rddreg [dreg:$0x1];
	p0 =	sne.s32 s2, $0x0  }
0x117: {  	s3 =	rddreg [dreg:$0x2];
	[bflag:$0x3] =	sbarrier.arrive $0xFFFF;
	s2 =	simm.s32 @!p0 $0x1C05  }
0x118: {  	[timem:s3], [sflag:s2] =	dma.local @!p0 [hbm:s0], s1  }
0x119: {  	s0 =	simm.s32 @!p0 $0x5  }
0x11a: {  	_ =	swait.ge @!p0 [sflag:s0], s1  }
0x11b: {  	s1 =	ssub.s32 @!p0 $0x0, s1;
	[sflag:s0] =	ssyncset.done @!p0 $0x0  }
0x11c: {  	[sflag:s0] =	ssyncadd.s32 @!p0 s1  }
0x11d: {  	[bflag:$0x3] =	sbarrier.arrive $0xFFFF  }
0x11e: {  	_ =	shalt  }

// kernel: kernel.18.cloned.1.call-start
scs
__scs_entry_jumppad:
0x0: {  	(pc) =	sbr.rel $0x88, $3  }
0x1: {  	(tag) =	ssettag $0x0;
	lr =	simm.s32 $0x1  }
0x2: {  	[smem:$0x3F92] =	sst lr;
	_ =	strace $0xD0000000  }
0x3: {  	_ = 	snop  }
0x4: {  	_ = 	snop  }
0x5: {  	_ = 	snop  }
0x6: {  	_ = 	snop  }
0x7: {  	_ = 	snop  }
__scs_overlays_trampoline_lowered:
0x8: {  	[smem:$0x3FA1] =	sst s0  }
0x9: {  	[smem:$0x3FA2] =	sst s1  }
0xa: {  	[smem:$0x3FA3] =	sst s2  }
0xb: {  	[smem:$0x3FA4] =	sst s3  }
0xc: {  	[smem:$0x3FA5] =	sst s4  }
0xd: {  	[smem:$0x3FA6] =	sst s5  }
0xe: {  	[smem:$0x3FA7] =	sst s6  }
0xf: {  	[smem:$0x3FA8] =	sst s7  }
0x10: {  	[smem:$0x3FA9] =	sst s8  }
0x11: {  	[smem:$0x3FAA] =	sst s9;
	s0 =	simm.s32 @!p0 $0x0  }
0x12: {  	s1 =	sld [smem:$0x3F90];
	s0 =	simm.s32 @p0 $0x1  }
0x13: {  	[smem:$0x3FAB] =	sst s0;
	s0 =	simm.s32 @!p1 $0x0  }
0x14: {  	s2 =	sld [smem:$0x3F8F];
	s0 =	simm.s32 @p1 $0x1  }
0x15: {  	[smem:$0x3FAC] =	sst s0;
	s0 =	simm.s32 @!p2 $0x0  }
0x16: {  	s3 =	sld [smem:$0x3FDB];
	s0 =	simm.s32 @p2 $0x1  }
0x17: {  	s4 =	simm.s32 $0x1BF5;
	[smem:$0x3FAE] =	sst s0  }
0x18: {  	s0 =	sld [smem:$0x3F91];
	_ =	swait.ge [sflag:s4], $0x0  }
0x19: {  	s7 =	sld [smem:$0x3F92]  }
0x1a: {  	s8 =	sadd.s32 $0xFFFFE003, lr  }
0x1b: {  	s9 =	sadd.s32 $0xFFFFFEF7, lr;
	s5 =	simm.s32 $0xFFFFFFFF;
	p2 =	slt.u32 s8, $0xFFFFF086  }
0x1c: {  	p1 =	slt.u32 s9, $0xF7A;
	s5 =	simm.s32 @!p2 $0x0  }
0x1d: {  	s5 =	simm.s32 @p1 $0x1;
	p0 =	seq.s32 s7, s2  }
0x1e: {  	s7 =	smul.u32 @!p0 $0xF7A, s2;
	p2 =	seq.s32 @!p0 s5, $0x0  }
0x1f: {  	s9 =	smul.u32 $0xF7A, s1;
	s8 =	simm.s32 @!p0 $0x1BF5;
	p2 =	por !p2, p0  }
0x20: {  	[sflag:s8] =	ssyncset.s32 @!p0 $0xFFFFF086;
	s6 =	sadd.s32 @!p0 s3, s7;
	s7 =	simm.s32 @!p0 $0x108  }
0x21: {  	s3 =	sadd.s32 s3, s9;
	s6 =	sadd.s32 @!p0 $0x88, s6;
	s7 =	simm.s32 @p2 $0x1082  }
0x22: {  	[simem:s7], [sflag:s8] =	dma.local @!p0 [hbm:s6], $0xF7A  }
0x23: {  	s9 =	sor.u32 $0xD0000000, s2;
	s6 =	simm.s32 $0x108;
	_ =	swait.ge @!p0 [sflag:s8], $0x0  }
0x24: {  	s3 =	sadd.s32 $0x88, s3;
	s6 =	simm.s32 @!p1 $0x1082;
	[sflag:s4] =	ssyncset.s32 $0xFFFFF086  }
0x25: {  	[simem:s6], [sflag:s4] =	dma.local [hbm:s3], $0xF7A  }
0x26: {  	[smem:$0x3F92] =	sst s1;
	(tag) =	ssettag s2;
	_ =	strace s9  }
0x27: {  	s1 =	sld [smem:$0x3FA2]  }
0x28: {  	s2 =	sld [smem:$0x3FA3]  }
0x29: {  	s4 =	sld [smem:$0x3FA5]  }
0x2a: {  	p0 =	seq.s32 s5, $0x0;
	s5 =	sld [smem:$0x3FA6]  }
0x2b: {  	s6 =	sld [smem:$0x3FA7]  }
0x2c: {  	s7 =	sld [smem:$0x3FA8]  }
0x2d: {  	s3 =	simm.s32 $0x108;
	s8 =	sld [smem:$0x3FA9]  }
0x2e: {  	s3 =	simm.s32 @!p0 $0x1082;
	s9 =	sld [smem:$0x3FAA]  }
0x2f: {  	lr =	sadd.s32 s0, s3;
	s0 =	sld [smem:$0x3FA1]  }
0x30: {  	s3 =	sld [smem:$0x3FA4]  }
0x31: {  	[smem:$0x3FAD] =	sst s10  }
0x32: {  	s10 =	sld [smem:$0x3FAB];
	_ =	sdelay $0x3  }
0x33: {  	p0 =	seq.s32 s10, $0x1;
	s10 =	sld [smem:$0x3FAD];
	_ =	sdelay $0x3  }
0x34: {  	[smem:$0x3FAD] =	sst s10  }
0x35: {  	s10 =	sld [smem:$0x3FAC];
	_ =	sdelay $0x3  }
0x36: {  	p1 =	seq.s32 s10, $0x1;
	s10 =	sld [smem:$0x3FAD];
	_ =	sdelay $0x3  }
0x37: {  	[smem:$0x3FAD] =	sst s10  }
0x38: {  	s10 =	sld [smem:$0x3FAE]  }
0x39: {  	_ = 	snop;
	(pc) =	sbr.ind lr, $3  }
0x3a: {  	_ = 	snop  }
0x3b: {  	_ = 	snop  }
0x3c: {  	p2 =	seq.s32 s10, $0x1;
	s10 =	sld [smem:$0x3FAD]  }
0x3d: {  	_ =	shalt  }
0x3e: {  	_ =	shalt  }
0x3f: {  	_ =	shalt  }
0x40: {  	_ =	shalt  }
0x41: {  	_ =	shalt  }
0x42: {  	_ =	shalt  }
0x43: {  	_ =	shalt  }
0x44: {  	_ =	shalt  }
0x45: {  	_ =	shalt  }
0x46: {  	_ =	shalt  }
0x47: {  	_ =	shalt  }
0x48: {  	_ =	shalt  }
0x49: {  	_ =	shalt  }
0x4a: {  	_ =	shalt  }
0x4b: {  	_ =	shalt  }
0x4c: {  	_ =	shalt  }
0x4d: {  	_ =	shalt  }
0x4e: {  	_ =	shalt  }
0x4f: {  	_ =	shalt  }
0x50: {  	_ =	shalt  }
0x51: {  	_ =	shalt  }
0x52: {  	_ =	shalt  }
0x53: {  	_ =	shalt  }
0x54: {  	_ =	shalt  }
0x55: {  	_ =	shalt  }
0x56: {  	_ =	shalt  }
0x57: {  	_ =	shalt  }
0x58: {  	_ =	shalt  }
0x59: {  	_ =	shalt  }
0x5a: {  	_ =	shalt  }
0x5b: {  	_ =	shalt  }
0x5c: {  	_ =	shalt  }
0x5d: {  	_ =	shalt  }
0x5e: {  	_ =	shalt  }
0x5f: {  	_ =	shalt  }
0x60: {  	_ =	shalt  }
0x61: {  	_ =	shalt  }
0x62: {  	_ =	shalt  }
0x63: {  	_ =	shalt  }
0x64: {  	_ =	shalt  }
0x65: {  	_ =	shalt  }
0x66: {  	_ =	shalt  }
0x67: {  	_ =	shalt  }
0x68: {  	_ =	shalt  }
0x69: {  	_ =	shalt  }
0x6a: {  	_ =	shalt  }
0x6b: {  	_ =	shalt  }
0x6c: {  	_ =	shalt  }
0x6d: {  	_ =	shalt  }
0x6e: {  	_ =	shalt  }
0x6f: {  	_ =	shalt  }
0x70: {  	_ =	shalt  }
0x71: {  	_ =	shalt  }
0x72: {  	_ =	shalt  }
0x73: {  	_ =	shalt  }
0x74: {  	_ =	shalt  }
0x75: {  	_ =	shalt  }
0x76: {  	_ =	shalt  }
0x77: {  	_ =	shalt  }
0x78: {  	_ =	shalt  }
0x79: {  	_ =	shalt  }
0x7a: {  	_ =	shalt  }
0x7b: {  	_ =	shalt  }
0x7c: {  	_ =	shalt  }
0x7d: {  	_ =	shalt  }
0x7e: {  	_ =	shalt  }
0x7f: {  	_ =	shalt  }
0x80: {  	_ =	shalt  }
0x81: {  	_ =	shalt  }
0x82: {  	_ =	shalt  }
0x83: {  	_ =	shalt  }
0x84: {  	_ =	shalt  }
0x85: {  	_ =	shalt  }
0x86: {  	_ =	shalt  }
0x87: {  	_ =	shalt  }
.Lfunc_end0:
.L_simem_size_0:
called_computation.3_lowered:
.L_overlay_start_0:
0x88: {  	s2 =	sld [smem:$0x3FD9]  }
0x89: {  	s3 =	sld [smem:$0x3FFE];
	_ =	sdelay $0x1  }
0x8a: {  	s1 =	srdreg.scid  }
0x8b: {  	s0 =	sand.u32 $0x1, s1  }
0x8c: {  	s17 =	sshll.u32 s0, $0xA;
	s2 =	sadd.s32 s3, s2  }
0x8d: {  	s2 =	sadd.s32 s2, s17  }
0x8e: {  	[smem:$0x3FB9] =	sst s2  }
0x8f: {  	_ = 	snop  }
0x90: {  	s18 =	sld [smem:$0x3FD0];
	(tm) =	ssettm $0x1  }
0x91: {  	s19 =	sld [smem:$0x3FFB];
	_ =	sdelay $0x3  }
0x92: {  	_ =	strace s19  }
0x93: {  	s2 =	sld [smem:$0x3FFC];
	_ =	sdelay $0x3  }
0x94: {  	_ =	strace s2  }
0x95: {  	s2 =	sld [smem:$0x3FFD];
	_ =	sdelay $0x3  }
0x96: {  	_ =	strace s2  }
0x97: {  	_ =	strace $0x8FFFFFFF  }
0x98: {  	s20 =	sld [smem:$0x3FDB];
	_ =	sdelay $0x1  }
0x99: {  	s4 =	simm.s32 $_scs_section_size  }
0x9a: {  	s5 =	simm.s32 $_size__tile_overlayer_lowered;
	s6 =	simm.s32 $_tile_overlayer_lowered  }
0x9b: {  	s7 =	simm.s32 $0x1BFF;
	s21 =	sshll.u32 s6, $0x1;
	s4 =	sadd.s32 s4, s20  }
0x9c: {  	s22 =	simm.s32 $0x0;
	s5 =	sshll.u32 s5, $0x1;
	s6 =	sadd.s32 s21, s4  }
0x9d: {  	[timem:s22], [sflag:s7] =	dma.local [hbm:s6], s5  }
0x9e: {  	_ =	swait.ge [sflag:s7], s5  }
0x9f: {  	s5 =	ssub.s32 $0x0, s5;
	[sflag:s7] =	ssyncset.done $0x0  }
0xa0: {  	[sflag:s7] =	ssyncadd.s32 s5;
	_ =	sdelay $0x1  }
0xa1: {  	s23 =	simm.s32 $0x1B8B  }
0xa2: {  	_ =	swait.ge [sflag:s23], $0x1  }
0xa3: {  	[sflag:s23] =	ssyncset.done $0x0  }
0xa4: {  	[sflag:s23] =	ssyncadd.s32 $0xFFFFFFFF  }
0xa5: {  	s5 =	sld [smem:$0x0]  }
0xa6: {  	s6 =	sand.u32 $0xFFFFFFFE, s1  }
0xa7: {  	p0 =	sne.s32 s1, s6  }
0xa8: {  	s6 =	sshll.u32 @p0 s6, $0xE  }
0xa9: {  	s6 =	sadd.s32 @p0 $0x11B8D, s6;
	s7 =	sshll.u32 @p0 s5, $0x11  }
0xaa: {  	s6 =	sor.u32 @p0 s7, s6  }
0xab: {  	[sflag:s6] =	ssyncadd.remote.s32 @p0 $0x1;
	_ =	sdelay $0x1  }
0xac: {  	s6 =	simm.s32 @p0 $0x1B8D  }
0xad: {  	_ =	swait.eq @p0 [sflag:s6], $0x1  }
0xae: {  	[sflag:s6] =	ssyncadd.s32 @p0 $0xFFFFFFFF  }
0xaf: {  	s7 =	sshll.u32 @!p0 s1, $0xE  }
0xb0: {  	s7 =	sor.u32 @!p0 $0x4000, s7;
	s6 =	simm.s32 @!p0 $0x1B8D  }
0xb1: {  	s5 =	sshll.u32 @!p0 s5, $0x11;
	s7 =	sadd.s32 @!p0 $0x11B8D, s7;
	_ =	swait.eq @!p0 [sflag:s6], $0x1  }
0xb2: {  	s5 =	sor.u32 @!p0 s5, s7;
	[sflag:s6] =	ssyncadd.s32 @!p0 $0xFFFFFFFF  }
0xb3: {  	s25 =	simm.s32 $0x1B8E;
	s24 =	sld [smem:$0x3FFE];
	[sflag:s5] =	ssyncadd.remote.s32 @!p0 $0x1  }
0xb4: {  	s26 =	simm.s32 $execute0_lowered;
	[smem:$0x3FD2] =	sst s25  }
0xb5: {  	s6 =	sshll.u32 s26, $0x1;
	_ =	strace $0x8000004F;
	[dreg:$0x1] =	wrdreg $0xFFFFFFFF  }
0xb6: {  	s28 =	simm.s32 $_size_execute0_lowered;
	s4 =	sadd.s32 s4, s6;
	[dreg:$0x0] =	wrdreg $0x0  }
0xb7: {  	s6 =	sshll.u32 s28, $0x1;
	[dreg:$0x2] =	wrdreg s4  }
0xb8: {  	[dreg:$0x3] =	wrdreg s6  }
0xb9: {  	[dreg:$0x4] =	wrdreg $0xC0  }
0xba: {  	_ =	task [dreg:s22], $0x5FFFF  }
0xbb: {  	[dreg:$0x1] =	wrdreg $0xFFFFFFFF  }
0xbc: {  	[dreg:$0x0] =	wrdreg $0x60  }
0xbd: {  	[dreg:$0x2] =	wrdreg s24  }
0xbe: {  	[dreg:$0x3] =	wrdreg s18  }
0xbf: {  	[dreg:$0x4] =	wrdreg $0x6C000  }
0xc0: {  	[dreg:$0x5] =	wrdreg $0x9  }
0xc1: {  	_ =	task.clear_ibuf [dreg:s22], $0x6FFFF;
	_ =	strace $0x9000004F  }
0xc2: {  	s29 =	simm.s32 $0x9;
	_ =	strace $0x80000051  }
0xc3: {  	_ =	swait.ge [sflag:s29], $0x1  }
0xc4: {  	[sflag:s29] =	ssyncadd.s32 $0xFFFFFFFF  }
0xc5: {  	_ =	strace $0x90000051  }
0xc6: {  	_ =	sfence  }
0xc7: {  	s30 =	sld [smem:$0x0];
	_ =	sdelay $0x2  }
0xc8: {  	s31 =	sshll.u32 s1, $0xD;
	s1 =	sshrl.u32 s1, $0x2  }
0xc9: {  	s4 =	sand.u32 $0x4000, s31;
	s1 =	sadd.s32 s1, s30  }
0xca: {  	s0 =	sor.u32 s4, s0;
	s1 =	sshll.u32 s1, $0x11  }
0xcb: {  	s0 =	sor.u32 s1, s0  }
0xcc: {  	s0 =	sadd.s32 $0x8F2B, s0  }
0xcd: {  	[sflag:s0] =	ssyncadd.remote.s32 $0x1  }
0xce: {  	_ =	sfence.sel $0xFFFF  }
0xcf: {  	[dreg:$0x0] =	wrdreg $0xFFFFFFFF;
	(pc) =	sbr.abs _section_cstart, $3  }
0xd0: {  	[dreg:$0x1] =	wrdreg $0xFFFFFFFF  }
0xd1: {  	_ =	task.clear_ibuf [dreg:s22], $0x2FFFF;
	_ =	strace $0x9FFFFFFF  }
0xd2: {  	(tm) =	ssettm $0x7FFFFFFF  }
0xd3: {  	_ =	shalt  }
tec
execute0_lowered:
.L_overlay_start_1:
0x0: {  	(tag) =	ssettag $0x1  }
0x1: {  	s0 =	rddreg [dreg:$0x0]  }
0x2: {  	s1 =	rddreg [dreg:$0x1]  }
0x3: {  	s2 =	rddreg [dreg:$0x2]  }
0x4: {  	s21 =	stileid.u32;
	s3 =	simm.s32 $0x0;
	s7 =	srdreg.scid  }
0x5: {  	s28 =	simm.s32 $0x50;
	s29 =	simm.s32 $0x3;
	s4 =	smul.u32 $0x1F400, s21  }
0x6: {  	s30 =	simm.s32 $0x2;
	s31 =	simm.s32 $0x80;
	s5 =	smul.u32 $0x700, s21  }
0x7: {  	[smem:$0x7FF] =	sst s3;
	s6 =	smul.u32 $0x2700, s21;
	s8 =	sand.u32 $0x1, s7  }
0x8: {  	s19 =	smul.u32 $0x4E000, s21;
	s20 =	sadd.s32 $0x138000, s2;
	s26 =	sshll.u32 s21, $0x6  }
0x9: {  	p1 =	sne.s32 s21, $0xF;
	_ =	strace $0x80000050;
	s9 =	ssub.s32 $0x2, s8  }
0xa: {  	[dreg:$0x5] =	wrdreg s20;
	p0 =	sne.s32 s8, $0x0;
	s21 =	sor.u32 $0x1C05, s26  }
0xb: {  	s26 =	simm.s32 $0x1;
	s4 =	sadd.s32 s4, s0;
	s5 =	sadd.s32 s5, s0  }
0xc: {  	s10 =	sadd.s32 s6, s0;
	s11 =	sshrl.u32 s9, $0x1;
	s7 =	sshrl.u32 s19, $0x2  }
0xd: {  	s6 =	sadd.s32 s1, s6;
	s1 =	sadd.s32 $0x27000, s1;
	s0 =	sadd.s32 $0xB57C00, s0  }
0xe: {  	s9 =	ssub.s32 s9, s11;
	s22 =	sadd.s32 s7, s2;
	[dreg:$0x4] =	wrdreg s6  }
0xf: {  	[dreg:$0x6] =	wrdreg s1;
	s7 =	sadd.s32 $0xB29C00, s5;
	s23 =	sadd.s32 $0x3400, s4  }
0x10: {  	s24 =	sadd.s32 $0x12E00, s4;
	s25 =	sadd.s32 $0xB30C00, s10;
	[dreg:$0xa] =	wrdreg s0  }
0x11: {  	s13 =	sadd.s32 $0x3900, s4;
	s14 =	sadd.s32 $0x3E00, s4;
	s15 =	sadd.s32 $0x13300, s4  }
0x12: {  	s16 =	sadd.s32 $0x13800, s4;
	s17 =	sadd.s32 $0x12900, s4;
	s18 =	sadd.s32 $0x22300, s4  }
.Ltmp0:
0x13: {  	s19 =	sadd.s32 $0x4800, s4;
	s20 =	sadd.s32 $0x14200, s4;
	(pc) =	sbr.rel .LBB2_1-.Ltmp0, $4  }
0x14: {  	s0 =	simm.s32 $0x4;
	s1 =	simm.s32 $0x1800;
	[dreg:$0x7] =	wrdreg s23  }
0x15: {  	s4 =	simm.s32 $0x1880;
	s5 =	simm.s32 $0x0;
	[dreg:$0x8] =	wrdreg s24  }
0x16: {  	[dreg:$0x9] =	wrdreg s25;
	s12 =	smax.u32 s9, $0x1;
	s22 =	sshrl.u32 s22, $0x3  }
0x17: {  	s23 =	simm.s32 $0x5;
	s24 =	simm.s32 $0x1C00;
	s25 =	simm.s32 $0x4400  }
.LBB2_9:
0x18: {  	[bflag:$0x0] =	sbarrier.arrive $0xFFFF  }
0x19: {  	[bflag:$0x0] =	sbarrier.arrive $0xFFFF  }
.LBB2_7:
0x1a: {  	s5 =	sadd.s32 $0x1, s5  }
0x1b: {  	p2 =	sne.s32 s5, s12  }
.Ltmp1:
0x1c: {  	_ = 	snop;
	(pc) =	sbr.rel @!p2 .LBB2_8-.Ltmp1, $1  }
0x1d: {  	_ =	sdelay $0x3  }
.LBB2_1:
.Ltmp2:
0x1e: {  	(pc) =	sbr.rel @p0 .LBB2_9-.Ltmp2, $1  }
0x1f: {  	_ =	sdelay $0x3  }
0x20: {  	s6 =	rddreg [dreg:$0x4]  }
0x21: {  	[spmem:s22], [sflag:s21] =	dma.local [hbm:s6], $0x2700  }
0x22: {  	_ =	swait.ge [sflag:s23], $0x2700  }
0x23: {  	[sflag:s23] =	ssyncset.done $0x0;
	s6 =	rddreg [dreg:$0x5]  }
0x24: {  	s8 =	rddreg [dreg:$0x6];
	[sflag:s23] =	ssyncadd.s32 $0xFFFFD900;
	s6 =	sshrl.u32 @!p1 s6, $0x3  }
0x25: {  	[spmem:s6], [sflag:s21] =	dma.local @!p1 [hbm:s8], $0x100  }
0x26: {  	s8 =	simm.s32 @!p1 $0x5  }
0x27: {  	_ =	swait.ge @!p1 [sflag:s8], $0x100  }
0x28: {  	[sflag:s8] =	ssyncset.done @!p1 $0x0  }
0x29: {  	[sflag:s8] =	ssyncadd.s32 @!p1 $0xFFFFFF00  }
0x2a: {  	[bflag:$0x0] =	sbarrier.arrive $0xFFFF  }
0x2b: {  	[tilespmem:s3], [sflag:$0x5] =	stream.linear.gather [hbm4b:s7+s3], $0x1900, $0x38;
	[tilespmem:$0x1A480] =	vst v63  }
0x2c: {  	_ =	swait.ge [sflag:s23], $0x1900  }
0x2d: {  	[sflag:s23] =	ssyncset.done $0x0  }
0x2e: {  	s9 =	rddreg [dreg:$0x7];
	[sflag:s23] =	ssyncadd.s32 $0xFFFFE700  }
0x2f: {  	[tilespmem:s24], [sflag:$0x1] =	stream.linear.gather [hbm4b:s9+s3], $0x2800, $0x38;
	[tilespmem:$0x1A480] =	vst v63  }
0x30: {  	_ = 	snop  }
0x31: {  	[tilespmem:s25], [sflag:$0x2] =	stream.linear.gather [hbm4b:s13+s3], $0x2800, $0x38;
	[tilespmem:$0x1A480] =	vst v63  }
0x32: {  	_ =	swait.ge [sflag:s26], $0x2800  }
0x33: {  	[sflag:s26] =	ssyncset.done $0x0  }
0x34: {  	[sflag:s26] =	ssyncadd.s32 $0xFFFFD800  }
0x35: {  	[spmem:s2] =	stream.indirect.scatter.add.f32 [tilespmem:s24], [sflag:$0x3], $0x80, s3, s28, $0xb8;
	[tilespmem:$0x1A480] =	vst v63  }
0x36: {  	_ =	swait.ge [sflag:s29], $0x2800  }
0x37: {  	[sflag:s29] =	ssyncset.done $0x0  }
0x38: {  	[sflag:s29] =	ssyncadd.s32 $0xFFFFD800  }
0x39: {  	[tilespmem:s24], [sflag:$0x1] =	stream.linear.gather [hbm4b:s14+s3], $0x2800, $0x38;
	[tilespmem:$0x1A480] =	vst v63  }
0x3a: {  	_ =	swait.ge [sflag:s30], $0x2800  }
0x3b: {  	[sflag:s30] =	ssyncset.done $0x0  }
0x3c: {  	[sflag:s30] =	ssyncadd.s32 $0xFFFFD800  }
0x3d: {  	[spmem:s2] =	stream.indirect.scatter.add.f32 [tilespmem:s25], [sflag:$0x4], $0x80, s31, s28, $0xb8;
	[tilespmem:$0x1A480] =	vst v63  }
0x3e: {  	_ =	swait.ge [sflag:s0], $0x2800  }
0x3f: {  	[sflag:s0] =	ssyncset.done $0x0  }
0x40: {  	s10 =	sadd.s32 $0xFFFFFB00, s19;
	[sflag:s0] =	ssyncadd.s32 $0xFFFFD800  }
0x41: {  	[tilespmem:s25], [sflag:$0x2] =	stream.linear.gather [hbm4b:s10+s3], $0x2800, $0x38;
	[tilespmem:$0x1A480] =	vst v63  }
0x42: {  	_ =	swait.ge [sflag:s26], $0x2800  }
0x43: {  	[sflag:s26] =	ssyncset.done $0x0  }
0x44: {  	s11 =	simm.s32 $0x100;
	[sflag:s26] =	ssyncadd.s32 $0xFFFFD800  }
0x45: {  	[spmem:s2] =	stream.indirect.scatter.add.f32 [tilespmem:s24], [sflag:$0x3], $0x80, s11, s28, $0xb8;
	[tilespmem:$0x1A480] =	vst v63  }
0x46: {  	_ =	swait.ge [sflag:s29], $0x2800  }
0x47: {  	[sflag:s29] =	ssyncset.done $0x0  }
0x48: {  	[sflag:s29] =	ssyncadd.s32 $0xFFFFD800  }
0x49: {  	[tilespmem:s24], [sflag:$0x1] =	stream.linear.gather [hbm4b:s19+s3], $0x2800, $0x38;
	[tilespmem:$0x1A480] =	vst v63  }
0x4a: {  	_ =	swait.ge [sflag:s30], $0x2800  }
0x4b: {  	s8 =	simm.s32 $0xFFFFA800;
	[sflag:s30] =	ssyncset.done $0x0  }
0x4c: {  	s9 =	sadd.s32 $0xA00, s19;
	s10 =	simm.s32 $0x180;
	[sflag:s30] =	ssyncadd.s32 $0xFFFFD800  }
.LBB2_3:
0x4d: {  	[spmem:s2] =	stream.indirect.scatter.add.f32 [tilespmem:s25], [sflag:$0x4], $0x80, s10, s28, $0xb8;
	[tilespmem:$0x1A480] =	vst v63  }
0x4e: {  	s10 =	smov.u32 s8  }
0x4f: {  	p2 =	sne.s32 s8, $0xFFFFFC00;
	s8 =	sadd.s32 $0x400, s8;
	_ =	swait.ge [sflag:s0], $0x2800  }
0x50: {  	[sflag:s0] =	ssyncset.done $0x0  }
0x51: {  	s11 =	sadd.s32 $0xFFFFFB00, s9;
	[sflag:s0] =	ssyncadd.s32 $0xFFFFD800  }
0x52: {  	[tilespmem:s25], [sflag:$0x2] =	stream.linear.gather [hbm4b:s11+s3], $0x2800, $0x38;
	[tilespmem:$0x1A480] =	vst v63  }
0x53: {  	_ =	swait.ge [sflag:s26], $0x2800  }
0x54: {  	s10 =	sshra.s32 s10, $0x2;
	[sflag:s26] =	ssyncset.done $0x0  }
0x55: {  	s11 =	sadd.s32 $0x1800, s10;
	[sflag:s26] =	ssyncadd.s32 $0xFFFFD800  }
0x56: {  	[spmem:s2] =	stream.indirect.scatter.add.f32 [tilespmem:s24], [sflag:$0x3], $0x80, s11, s28, $0xb8;
	[tilespmem:$0x1A480] =	vst v63  }
0x57: {  	_ =	swait.ge [sflag:s29], $0x2800  }
0x58: {  	[sflag:s29] =	ssyncset.done $0x0  }
.Ltmp3:
0x59: {  	[sflag:s29] =	ssyncadd.s32 $0xFFFFD800;
	(pc) =	sbr.rel @p2 .LBB2_3-.Ltmp3, $4  }
0x5a: {  	[tilespmem:s24], [sflag:$0x1] =	stream.linear.gather [hbm4b:s9+s3], $0x2800, $0x38;
	[tilespmem:$0x1A480] =	vst v63  }
0x5b: {  	_ =	swait.ge [sflag:s30], $0x2800  }
0x5c: {  	[sflag:s30] =	ssyncset.done $0x0  }
0x5d: {  	s10 =	sadd.s32 $0x1880, s10;
	s9 =	sadd.s32 $0xA00, s9;
	[sflag:s30] =	ssyncadd.s32 $0xFFFFD800  }
0x5e: {  	[spmem:s2] =	stream.indirect.scatter.add.f32 [tilespmem:s25], [sflag:$0x4], $0x80, s10, s28, $0xb8;
	[tilespmem:$0x1A480] =	vst v63  }
0x5f: {  	_ =	swait.ge [sflag:s0], $0x2800  }
0x60: {  	[sflag:s0] =	ssyncset.done $0x0  }
0x61: {  	[sflag:s0] =	ssyncadd.s32 $0xFFFFD800  }
0x62: {  	[tilespmem:s25], [sflag:$0x2] =	stream.linear.gather [hbm4b:s17+s3], $0x2800, $0x38;
	[tilespmem:$0x1A480] =	vst v63  }
0x63: {  	_ =	swait.ge [sflag:s26], $0x2800  }
0x64: {  	[sflag:s26] =	ssyncset.done $0x0  }
0x65: {  	[sflag:s26] =	ssyncadd.s32 $0xFFFFD800  }
0x66: {  	[spmem:s2] =	stream.indirect.scatter.add.f32 [tilespmem:s24], [sflag:$0x3], $0x80, s1, s28, $0xb8;
	[tilespmem:$0x1A480] =	vst v63  }
0x67: {  	_ =	swait.ge [sflag:s29], $0x2800  }
0x68: {  	[sflag:s29] =	ssyncset.done $0x0  }
0x69: {  	[sflag:s29] =	ssyncadd.s32 $0xFFFFD800  }
0x6a: {  	_ =	swait.ge [sflag:s30], $0x2800  }
0x6b: {  	[sflag:s30] =	ssyncset.done $0x0  }
0x6c: {  	[sflag:s30] =	ssyncadd.s32 $0xFFFFD800  }
0x6d: {  	[spmem:s2] =	stream.indirect.scatter.add.f32 [tilespmem:s25], [sflag:$0x4], $0x80, s4, s28, $0xb8;
	[tilespmem:$0x1A480] =	vst v63  }
0x6e: {  	_ =	swait.ge [sflag:s0], $0x2800  }
0x6f: {  	[sflag:s0] =	ssyncset.done $0x0  }
0x70: {  	s8 =	sadd.s32 $0x380, s7;
	[sflag:s0] =	ssyncadd.s32 $0xFFFFD800  }
0x71: {  	[tilespmem:s3], [sflag:$0x5] =	stream.linear.gather [hbm4b:s8+s3], $0x1900, $0x38;
	[tilespmem:$0x1A480] =	vst v63  }
0x72: {  	_ =	swait.ge [sflag:s23], $0x1900  }
0x73: {  	[sflag:s23] =	ssyncset.done $0x0  }
0x74: {  	s9 =	rddreg [dreg:$0x8];
	[sflag:s23] =	ssyncadd.s32 $0xFFFFE700  }
0x75: {  	[tilespmem:s24], [sflag:$0x1] =	stream.linear.gather [hbm4b:s9+s3], $0x2800, $0x38;
	[tilespmem:$0x1A480] =	vst v63  }
0x76: {  	_ = 	snop  }
0x77: {  	[tilespmem:s25], [sflag:$0x2] =	stream.linear.gather [hbm4b:s15+s3], $0x2800, $0x38;
	[tilespmem:$0x1A480] =	vst v63  }
0x78: {  	_ =	swait.ge [sflag:s26], $0x2800  }
0x79: {  	[sflag:s26] =	ssyncset.done $0x0  }
0x7a: {  	[sflag:s26] =	ssyncadd.s32 $0xFFFFD800  }
0x7b: {  	[spmem:s2] =	stream.indirect.scatter.add.f32 [tilespmem:s24], [sflag:$0x3], $0x80, s3, s28, $0xb8;
	[tilespmem:$0x1A480] =	vst v63  }
0x7c: {  	_ =	swait.ge [sflag:s29], $0x2800  }
0x7d: {  	[sflag:s29] =	ssyncset.done $0x0  }
0x7e: {  	[sflag:s29] =	ssyncadd.s32 $0xFFFFD800  }
0x7f: {  	[tilespmem:s24], [sflag:$0x1] =	stream.linear.gather [hbm4b:s16+s3], $0x2800, $0x38;
	[tilespmem:$0x1A480] =	vst v63  }
0x80: {  	_ =	swait.ge [sflag:s30], $0x2800  }
0x81: {  	[sflag:s30] =	ssyncset.done $0x0  }
0x82: {  	[sflag:s30] =	ssyncadd.s32 $0xFFFFD800  }
0x83: {  	[spmem:s2] =	stream.indirect.scatter.add.f32 [tilespmem:s25], [sflag:$0x4], $0x80, s31, s28, $0xb8;
	[tilespmem:$0x1A480] =	vst v63  }
0x84: {  	_ =	swait.ge [sflag:s0], $0x2800  }
0x85: {  	[sflag:s0] =	ssyncset.done $0x0  }
0x86: {  	s10 =	sadd.s32 $0xFFFFFB00, s20;
	[sflag:s0] =	ssyncadd.s32 $0xFFFFD800  }
0x87: {  	[tilespmem:s25], [sflag:$0x2] =	stream.linear.gather [hbm4b:s10+s3], $0x2800, $0x38;
	[tilespmem:$0x1A480] =	vst v63  }
0x88: {  	_ =	swait.ge [sflag:s26], $0x2800  }
0x89: {  	[sflag:s26] =	ssyncset.done $0x0  }
0x8a: {  	s11 =	simm.s32 $0x100;
	[sflag:s26] =	ssyncadd.s32 $0xFFFFD800  }
0x8b: {  	[spmem:s2] =	stream.indirect.scatter.add.f32 [tilespmem:s24], [sflag:$0x3], $0x80, s11, s28, $0xb8;
	[tilespmem:$0x1A480] =	vst v63  }
0x8c: {  	_ =	swait.ge [sflag:s29], $0x2800  }
0x8d: {  	[sflag:s29] =	ssyncset.done $0x0  }
0x8e: {  	[sflag:s29] =	ssyncadd.s32 $0xFFFFD800  }
0x8f: {  	[tilespmem:s24], [sflag:$0x1] =	stream.linear.gather [hbm4b:s20+s3], $0x2800, $0x38;
	[tilespmem:$0x1A480] =	vst v63  }
0x90: {  	_ =	swait.ge [sflag:s30], $0x2800  }
0x91: {  	s8 =	simm.s32 $0xFFFFA800;
	[sflag:s30] =	ssyncset.done $0x0  }
0x92: {  	s9 =	sadd.s32 $0xA00, s20;
	s10 =	simm.s32 $0x180;
	[sflag:s30] =	ssyncadd.s32 $0xFFFFD800  }
.LBB2_5:
0x93: {  	[spmem:s2] =	stream.indirect.scatter.add.f32 [tilespmem:s25], [sflag:$0x4], $0x80, s10, s28, $0xb8;
	[tilespmem:$0x1A480] =	vst v63  }
0x94: {  	s10 =	smov.u32 s8  }
0x95: {  	p2 =	seq.s32 s8, $0xFFFFFC00;
	s8 =	sadd.s32 $0x400, s8;
	_ =	swait.ge [sflag:s0], $0x2800  }
0x96: {  	[sflag:s0] =	ssyncset.done $0x0  }
0x97: {  	s11 =	sadd.s32 $0xFFFFFB00, s9;
	[sflag:s0] =	ssyncadd.s32 $0xFFFFD800  }
0x98: {  	[tilespmem:s25], [sflag:$0x2] =	stream.linear.gather [hbm4b:s11+s3], $0x2800, $0x38;
	[tilespmem:$0x1A480] =	vst v63  }
0x99: {  	_ =	swait.ge [sflag:s26], $0x2800  }
0x9a: {  	s10 =	sshra.s32 s10, $0x2;
	[sflag:s26] =	ssyncset.done $0x0  }
0x9b: {  	s11 =	sadd.s32 $0x1800, s10;
	[sflag:s26] =	ssyncadd.s32 $0xFFFFD800  }
0x9c: {  	[spmem:s2] =	stream.indirect.scatter.add.f32 [tilespmem:s24], [sflag:$0x3], $0x80, s11, s28, $0xb8;
	[tilespmem:$0x1A480] =	vst v63  }
0x9d: {  	_ =	swait.ge [sflag:s29], $0x2800  }
0x9e: {  	[sflag:s29] =	ssyncset.done $0x0  }
.Ltmp4:
0x9f: {  	[sflag:s29] =	ssyncadd.s32 $0xFFFFD800;
	(pc) =	sbr.rel @!p2 .LBB2_5-.Ltmp4, $4  }
0xa0: {  	[tilespmem:s24], [sflag:$0x1] =	stream.linear.gather [hbm4b:s9+s3], $0x2800, $0x38;
	[tilespmem:$0x1A480] =	vst v63  }
0xa1: {  	_ =	swait.ge [sflag:s30], $0x2800  }
0xa2: {  	[sflag:s30] =	ssyncset.done $0x0  }
0xa3: {  	s10 =	sadd.s32 $0x1880, s10;
	s9 =	sadd.s32 $0xA00, s9;
	[sflag:s30] =	ssyncadd.s32 $0xFFFFD800  }
0xa4: {  	[spmem:s2] =	stream.indirect.scatter.add.f32 [tilespmem:s25], [sflag:$0x4], $0x80, s10, s28, $0xb8;
	[tilespmem:$0x1A480] =	vst v63  }
0xa5: {  	_ =	swait.ge [sflag:s0], $0x2800  }
0xa6: {  	[sflag:s0] =	ssyncset.done $0x0  }
0xa7: {  	[sflag:s0] =	ssyncadd.s32 $0xFFFFD800  }
0xa8: {  	[tilespmem:s25], [sflag:$0x2] =	stream.linear.gather [hbm4b:s18+s3], $0x2800, $0x38;
	[tilespmem:$0x1A480] =	vst v63  }
0xa9: {  	_ =	swait.ge [sflag:s26], $0x2800  }
0xaa: {  	[sflag:s26] =	ssyncset.done $0x0  }
0xab: {  	[sflag:s26] =	ssyncadd.s32 $0xFFFFD800  }
0xac: {  	[spmem:s2] =	stream.indirect.scatter.add.f32 [tilespmem:s24], [sflag:$0x3], $0x80, s1, s28, $0xb8;
	[tilespmem:$0x1A480] =	vst v63  }
0xad: {  	_ =	swait.ge [sflag:s29], $0x2800  }
0xae: {  	[sflag:s29] =	ssyncset.done $0x0  }
0xaf: {  	[sflag:s29] =	ssyncadd.s32 $0xFFFFD800  }
0xb0: {  	_ =	swait.ge [sflag:s30], $0x2800  }
0xb1: {  	[sflag:s30] =	ssyncset.done $0x0  }
0xb2: {  	[sflag:s30] =	ssyncadd.s32 $0xFFFFD800  }
0xb3: {  	[spmem:s2] =	stream.indirect.scatter.add.f32 [tilespmem:s25], [sflag:$0x4], $0x80, s4, s28, $0xb8;
	[tilespmem:$0x1A480] =	vst v63  }
0xb4: {  	_ =	swait.ge [sflag:s0], $0x2800  }
0xb5: {  	[sflag:s0] =	ssyncset.done $0x0  }
0xb6: {  	[sflag:s0] =	ssyncadd.s32 $0xFFFFD800  }
0xb7: {  	[bflag:$0x0] =	sbarrier.arrive $0xFFFF  }
0xb8: {  	s8 =	rddreg [dreg:$0x9]  }
0xb9: {  	[hbm:s8], [sflag:s21] =	dma.local [spmem:s22], $0x2700  }
0xba: {  	_ =	swait.ge [sflag:s23], $0x2700  }
0xbb: {  	[sflag:s23] =	ssyncset.done $0x0  }
0xbc: {  	s8 =	rddreg [dreg:$0xa];
	[sflag:s23] =	ssyncadd.s32 $0xFFFFD900  }
0xbd: {  	[hbm:s8], [sflag:s21] =	dma.local @!p1 [spmem:s6], $0x100  }
.Ltmp5:
0xbe: {  	_ = 	snop;
	(pc) =	sbr.rel .LBB2_7-.Ltmp5, $4  }
0xbf: {  	s6 =	simm.s32 @!p1 $0x5  }
0xc0: {  	_ =	swait.ge @!p1 [sflag:s6], $0x100  }
0xc1: {  	[sflag:s6] =	ssyncset.done @!p1 $0x0  }
0xc2: {  	[sflag:s6] =	ssyncadd.s32 @!p1 $0xFFFFFF00  }
.LBB2_8:
0xc3: {  	_ =	sfence.sel $0x180000  }
0xc4: {  	[bflag:$0x0] =	sbarrier.arrive $0xFFFF  }
0xc5: {  	_ =	strace $0x90000050  }
0xc6: {  	s0 =	stileid.u32;
	[bflag:$0x2] =	sbarrier.arrive $0xFFFF  }
0xc7: {  	p0 =	sne.s32 s0, $0x0;
	s0 =	rddreg [dreg:$0x3]  }
0xc8: {  	s0 =	sadd.s32 @!p0 $0x100000, s0  }
0xc9: {  	[sflag:s0] =	ssyncadd.tile.s32 @!p0 $0x1;
	_ =	shalt  }
.Lfunc_end2:
_tile_overlayer_lowered:
.L_overlay_start_2:
0xca: {  	(tag) =	ssettag $0x2  }
0xcb: {  	s0 =	rddreg [dreg:$0x0];
	s2 =	stileid.u32  }
0xcc: {  	s1 =	rddreg [dreg:$0x1];
	p0 =	sne.s32 s2, $0x0  }
0xcd: {  	s3 =	rddreg [dreg:$0x2];
	[bflag:$0x3] =	sbarrier.arrive $0xFFFF;
	s2 =	simm.s32 @!p0 $0x1C05  }
0xce: {  	[timem:s3], [sflag:s2] =	dma.local @!p0 [hbm:s0], s1  }
0xcf: {  	s0 =	simm.s32 @!p0 $0x5  }
0xd0: {  	_ =	swait.ge @!p0 [sflag:s0], s1  }
0xd1: {  	s1 =	ssub.s32 @!p0 $0x0, s1;
	[sflag:s0] =	ssyncset.done @!p0 $0x0  }
0xd2: {  	[sflag:s0] =	ssyncadd.s32 @!p0 s1  }
0xd3: {  	[bflag:$0x3] =	sbarrier.arrive $0xFFFF  }
0xd4: {  	_ =	shalt  }

// kernel: kernel.9.cloned.1.call-start
scs
__scs_entry_jumppad:
0x0: {  	(pc) =	sbr.rel $0x88, $3  }
0x1: {  	(tag) =	ssettag $0x0;
	lr =	simm.s32 $0x1  }
0x2: {  	[smem:$0x3F92] =	sst lr;
	_ =	strace $0xD0000000  }
0x3: {  	_ = 	snop  }
0x4: {  	_ = 	snop  }
0x5: {  	_ = 	snop  }
0x6: {  	_ = 	snop  }
0x7: {  	_ = 	snop  }
__scs_overlays_trampoline_lowered:
0x8: {  	[smem:$0x3FA1] =	sst s0  }
0x9: {  	[smem:$0x3FA2] =	sst s1  }
0xa: {  	[smem:$0x3FA3] =	sst s2  }
0xb: {  	[smem:$0x3FA4] =	sst s3  }
0xc: {  	[smem:$0x3FA5] =	sst s4  }
0xd: {  	[smem:$0x3FA6] =	sst s5  }
0xe: {  	[smem:$0x3FA7] =	sst s6  }
0xf: {  	[smem:$0x3FA8] =	sst s7  }
0x10: {  	[smem:$0x3FA9] =	sst s8  }
0x11: {  	[smem:$0x3FAA] =	sst s9;
	s0 =	simm.s32 @!p0 $0x0  }
0x12: {  	s1 =	sld [smem:$0x3F90];
	s0 =	simm.s32 @p0 $0x1  }
0x13: {  	[smem:$0x3FAB] =	sst s0;
	s0 =	simm.s32 @!p1 $0x0  }
0x14: {  	s2 =	sld [smem:$0x3F8F];
	s0 =	simm.s32 @p1 $0x1  }
0x15: {  	[smem:$0x3FAC] =	sst s0;
	s0 =	simm.s32 @!p2 $0x0  }
0x16: {  	s3 =	sld [smem:$0x3FDB];
	s0 =	simm.s32 @p2 $0x1  }
0x17: {  	s4 =	simm.s32 $0x1BF5;
	[smem:$0x3FAE] =	sst s0  }
0x18: {  	s0 =	sld [smem:$0x3F91];
	_ =	swait.ge [sflag:s4], $0x0  }
0x19: {  	s7 =	sld [smem:$0x3F92]  }
0x1a: {  	s8 =	sadd.s32 $0xFFFFE003, lr  }
0x1b: {  	s9 =	sadd.s32 $0xFFFFFEF7, lr;
	s5 =	simm.s32 $0xFFFFFFFF;
	p2 =	slt.u32 s8, $0xFFFFF086  }
0x1c: {  	p1 =	slt.u32 s9, $0xF7A;
	s5 =	simm.s32 @!p2 $0x0  }
0x1d: {  	s5 =	simm.s32 @p1 $0x1;
	p0 =	seq.s32 s7, s2  }
0x1e: {  	s7 =	smul.u32 @!p0 $0xF7A, s2;
	p2 =	seq.s32 @!p0 s5, $0x0  }
0x1f: {  	s9 =	smul.u32 $0xF7A, s1;
	s8 =	simm.s32 @!p0 $0x1BF5;
	p2 =	por !p2, p0  }
0x20: {  	[sflag:s8] =	ssyncset.s32 @!p0 $0xFFFFF086;
	s6 =	sadd.s32 @!p0 s3, s7;
	s7 =	simm.s32 @!p0 $0x108  }
0x21: {  	s3 =	sadd.s32 s3, s9;
	s6 =	sadd.s32 @!p0 $0x88, s6;
	s7 =	simm.s32 @p2 $0x1082  }
0x22: {  	[simem:s7], [sflag:s8] =	dma.local @!p0 [hbm:s6], $0xF7A  }
0x23: {  	s9 =	sor.u32 $0xD0000000, s2;
	s6 =	simm.s32 $0x108;
	_ =	swait.ge @!p0 [sflag:s8], $0x0  }
0x24: {  	s3 =	sadd.s32 $0x88, s3;
	s6 =	simm.s32 @!p1 $0x1082;
	[sflag:s4] =	ssyncset.s32 $0xFFFFF086  }
0x25: {  	[simem:s6], [sflag:s4] =	dma.local [hbm:s3], $0xF7A  }
0x26: {  	[smem:$0x3F92] =	sst s1;
	(tag) =	ssettag s2;
	_ =	strace s9  }
0x27: {  	s1 =	sld [smem:$0x3FA2]  }
0x28: {  	s2 =	sld [smem:$0x3FA3]  }
0x29: {  	s4 =	sld [smem:$0x3FA5]  }
0x2a: {  	p0 =	seq.s32 s5, $0x0;
	s5 =	sld [smem:$0x3FA6]  }
0x2b: {  	s6 =	sld [smem:$0x3FA7]  }
0x2c: {  	s7 =	sld [smem:$0x3FA8]  }
0x2d: {  	s3 =	simm.s32 $0x108;
	s8 =	sld [smem:$0x3FA9]  }
0x2e: {  	s3 =	simm.s32 @!p0 $0x1082;
	s9 =	sld [smem:$0x3FAA]  }
0x2f: {  	lr =	sadd.s32 s0, s3;
	s0 =	sld [smem:$0x3FA1]  }
0x30: {  	s3 =	sld [smem:$0x3FA4]  }
0x31: {  	[smem:$0x3FAD] =	sst s10  }
0x32: {  	s10 =	sld [smem:$0x3FAB];
	_ =	sdelay $0x3  }
0x33: {  	p0 =	seq.s32 s10, $0x1;
	s10 =	sld [smem:$0x3FAD];
	_ =	sdelay $0x3  }
0x34: {  	[smem:$0x3FAD] =	sst s10  }
0x35: {  	s10 =	sld [smem:$0x3FAC];
	_ =	sdelay $0x3  }
0x36: {  	p1 =	seq.s32 s10, $0x1;
	s10 =	sld [smem:$0x3FAD];
	_ =	sdelay $0x3  }
0x37: {  	[smem:$0x3FAD] =	sst s10  }
0x38: {  	s10 =	sld [smem:$0x3FAE]  }
0x39: {  	_ = 	snop;
	(pc) =	sbr.ind lr, $3  }
0x3a: {  	_ = 	snop  }
0x3b: {  	_ = 	snop  }
0x3c: {  	p2 =	seq.s32 s10, $0x1;
	s10 =	sld [smem:$0x3FAD]  }
0x3d: {  	_ =	shalt  }
0x3e: {  	_ =	shalt  }
0x3f: {  	_ =	shalt  }
0x40: {  	_ =	shalt  }
0x41: {  	_ =	shalt  }
0x42: {  	_ =	shalt  }
0x43: {  	_ =	shalt  }
0x44: {  	_ =	shalt  }
0x45: {  	_ =	shalt  }
0x46: {  	_ =	shalt  }
0x47: {  	_ =	shalt  }
0x48: {  	_ =	shalt  }
0x49: {  	_ =	shalt  }
0x4a: {  	_ =	shalt  }
0x4b: {  	_ =	shalt  }
0x4c: {  	_ =	shalt  }
0x4d: {  	_ =	shalt  }
0x4e: {  	_ =	shalt  }
0x4f: {  	_ =	shalt  }
0x50: {  	_ =	shalt  }
0x51: {  	_ =	shalt  }
0x52: {  	_ =	shalt  }
0x53: {  	_ =	shalt  }
0x54: {  	_ =	shalt  }
0x55: {  	_ =	shalt  }
0x56: {  	_ =	shalt  }
0x57: {  	_ =	shalt  }
0x58: {  	_ =	shalt  }
0x59: {  	_ =	shalt  }
0x5a: {  	_ =	shalt  }
0x5b: {  	_ =	shalt  }
0x5c: {  	_ =	shalt  }
0x5d: {  	_ =	shalt  }
0x5e: {  	_ =	shalt  }
0x5f: {  	_ =	shalt  }
0x60: {  	_ =	shalt  }
0x61: {  	_ =	shalt  }
0x62: {  	_ =	shalt  }
0x63: {  	_ =	shalt  }
0x64: {  	_ =	shalt  }
0x65: {  	_ =	shalt  }
0x66: {  	_ =	shalt  }
0x67: {  	_ =	shalt  }
0x68: {  	_ =	shalt  }
0x69: {  	_ =	shalt  }
0x6a: {  	_ =	shalt  }
0x6b: {  	_ =	shalt  }
0x6c: {  	_ =	shalt  }
0x6d: {  	_ =	shalt  }
0x6e: {  	_ =	shalt  }
0x6f: {  	_ =	shalt  }
0x70: {  	_ =	shalt  }
0x71: {  	_ =	shalt  }
0x72: {  	_ =	shalt  }
0x73: {  	_ =	shalt  }
0x74: {  	_ =	shalt  }
0x75: {  	_ =	shalt  }
0x76: {  	_ =	shalt  }
0x77: {  	_ =	shalt  }
0x78: {  	_ =	shalt  }
0x79: {  	_ =	shalt  }
0x7a: {  	_ =	shalt  }
0x7b: {  	_ =	shalt  }
0x7c: {  	_ =	shalt  }
0x7d: {  	_ =	shalt  }
0x7e: {  	_ =	shalt  }
0x7f: {  	_ =	shalt  }
0x80: {  	_ =	shalt  }
0x81: {  	_ =	shalt  }
0x82: {  	_ =	shalt  }
0x83: {  	_ =	shalt  }
0x84: {  	_ =	shalt  }
0x85: {  	_ =	shalt  }
0x86: {  	_ =	shalt  }
0x87: {  	_ =	shalt  }
.Lfunc_end0:
.L_simem_size_0:
called_computation_lowered:
.L_overlay_start_0:
0x88: {  	s2 =	sld [smem:$0x3FD9]  }
0x89: {  	s3 =	sld [smem:$0x3FFE];
	_ =	sdelay $0x1  }
0x8a: {  	s1 =	srdreg.scid  }
0x8b: {  	s0 =	sand.u32 $0x1, s1  }
0x8c: {  	s17 =	sshll.u32 s0, $0xA;
	s2 =	sadd.s32 s3, s2  }
0x8d: {  	s2 =	sadd.s32 s2, s17  }
0x8e: {  	[smem:$0x3FB9] =	sst s2  }
0x8f: {  	_ = 	snop  }
0x90: {  	s2 =	sld [smem:$0x3FC9]  }
0x91: {  	s18 =	sld [smem:$0x3FD0];
	(tm) =	ssettm $0x1  }
0x92: {  	s4 =	sld [smem:$0x3FFB];
	_ =	sdelay $0x3  }
0x93: {  	_ =	strace s4  }
0x94: {  	s4 =	sld [smem:$0x3FFC];
	_ =	sdelay $0x3  }
0x95: {  	_ =	strace s4  }
0x96: {  	s4 =	sld [smem:$0x3FFD];
	_ =	sdelay $0x3  }
0x97: {  	_ =	strace s4  }
0x98: {  	_ =	strace $0x8FFFFFFF  }
0x99: {  	s19 =	sld [smem:$0x3FDB];
	_ =	sdelay $0x1  }
0x9a: {  	s5 =	simm.s32 $_scs_section_size  }
0x9b: {  	s6 =	simm.s32 $_size__tile_overlayer_lowered;
	s7 =	simm.s32 $_tile_overlayer_lowered  }
0x9c: {  	s22 =	simm.s32 $0x1BFF;
	s21 =	sshll.u32 s7, $0x1;
	s4 =	sadd.s32 s5, s19  }
0x9d: {  	s8 =	simm.s32 $0x0;
	s20 =	sshll.u32 s6, $0x1;
	s6 =	sadd.s32 s21, s4  }
0x9e: {  	[timem:s8], [sflag:s22] =	dma.local [hbm:s6], s20  }
0x9f: {  	_ =	swait.ge [sflag:s22], s20  }
0xa0: {  	s5 =	ssub.s32 $0x0, s20;
	[sflag:s22] =	ssyncset.done $0x0  }
0xa1: {  	[sflag:s22] =	ssyncadd.s32 s5;
	_ =	sdelay $0x1  }
0xa2: {  	s23 =	simm.s32 $0x1B8B  }
0xa3: {  	_ =	swait.ge [sflag:s23], $0x1  }
0xa4: {  	[sflag:s23] =	ssyncset.done $0x0  }
0xa5: {  	s25 =	simm.s32 $0x1B8E;
	s24 =	sld [smem:$0x3FFE];
	[sflag:s23] =	ssyncadd.s32 $0xFFFFFFFF  }
0xa6: {  	s26 =	simm.s32 $execute0_lowered;
	[smem:$0x3FD2] =	sst s25  }
0xa7: {  	s6 =	sshll.u32 s26, $0x1;
	_ =	strace $0x80000046;
	[dreg:$0x1] =	wrdreg $0xFFFFFFFF  }
0xa8: {  	s28 =	simm.s32 $_size_execute0_lowered;
	s4 =	sadd.s32 s4, s6;
	[dreg:$0x0] =	wrdreg $0x0  }
0xa9: {  	s6 =	sshll.u32 s28, $0x1;
	[dreg:$0x2] =	wrdreg s4  }
0xaa: {  	[dreg:$0x3] =	wrdreg s6  }
0xab: {  	[dreg:$0x4] =	wrdreg $0xC0  }
0xac: {  	_ =	task [dreg:s8], $0x5FFFF  }
0xad: {  	[dreg:$0x1] =	wrdreg $0xFFFFFFFF  }
0xae: {  	[dreg:$0x0] =	wrdreg $0x60  }
0xaf: {  	[dreg:$0x2] =	wrdreg s2  }
0xb0: {  	[dreg:$0x3] =	wrdreg s18  }
0xb1: {  	[dreg:$0x4] =	wrdreg s24  }
0xb2: {  	[dreg:$0x5] =	wrdreg $0xA  }
0xb3: {  	_ =	task.clear_ibuf [dreg:s8], $0x6FFFF;
	_ =	strace $0x90000046  }
0xb4: {  	s29 =	simm.s32 $0xA;
	_ =	strace $0x80000048  }
0xb5: {  	_ =	swait.ge [sflag:s29], $0x1  }
0xb6: {  	[sflag:s29] =	ssyncadd.s32 $0xFFFFFFFF  }
0xb7: {  	_ =	strace $0x90000048  }
0xb8: {  	_ =	sfence  }
0xb9: {  	s30 =	sld [smem:$0x0];
	_ =	sdelay $0x2  }
0xba: {  	s31 =	sshll.u32 s1, $0xD;
	s1 =	sshrl.u32 s1, $0x2  }
0xbb: {  	s3 =	sand.u32 $0x4000, s31;
	s1 =	sadd.s32 s1, s30  }
0xbc: {  	s0 =	sor.u32 s3, s0;
	s1 =	sshll.u32 s1, $0x11  }
0xbd: {  	s0 =	sor.u32 s1, s0  }
0xbe: {  	s0 =	sadd.s32 $0x8F2B, s0  }
0xbf: {  	[sflag:s0] =	ssyncadd.remote.s32 $0x1  }
0xc0: {  	_ =	sfence.sel $0xFFFF  }
0xc1: {  	[dreg:$0x0] =	wrdreg $0xFFFFFFFF;
	(pc) =	sbr.abs _section_cstart, $3  }
0xc2: {  	[dreg:$0x1] =	wrdreg $0xFFFFFFFF  }
0xc3: {  	_ =	task.clear_ibuf [dreg:s8], $0x2FFFF;
	_ =	strace $0x9FFFFFFF  }
0xc4: {  	(tm) =	ssettm $0x7FFFFFFF  }
0xc5: {  	_ =	shalt  }
tec
execute0_lowered:
.L_overlay_start_1:
0x0: {  	(tag) =	ssettag $0x1  }
0x1: {  	s1 =	rddreg [dreg:$0x0]  }
0x2: {  	s0 =	srdreg.scid;
	s2 =	rddreg [dreg:$0x1]  }
0x3: {  	s11 =	stileid.u32;
	s4 =	rddreg [dreg:$0x2];
	s28 =	simm.s32 $0x9C00  }
0x4: {  	s30 =	simm.s32 $0xB000;
	s14 =	simm.s32 $0x2;
	s29 =	simm.s32 $0x4900  }
0x5: {  	s31 =	simm.s32 $0x4980;
	s0 =	sand.u32 $0x1, s0;
	s3 =	sshll.u32 s11, $0x1  }
0x6: {  	s9 =	sadd.s32 $0x16400, s4;
	s22 =	smul.u32 $0x2EE00, s11;
	s5 =	sor.u32 s0, s3  }
0x7: {  	s3 =	simm.s32 $0x0;
	s8 =	ssub.s32 $0x2, s0;
	s0 =	smul.u32 $0x17700, s0  }
0x8: {  	s6 =	smul.u32 $0x980, s5;
	[smem:$0x7FF] =	sst s3;
	s10 =	sshrl.u32 s8, $0x1  }
0x9: {  	s5 =	smul.u32 $0x17700, s5;
	s25 =	sadd.s32 s22, s9;
	_ =	strace $0x80000047  }
0xa: {  	s8 =	ssub.s32 s8, s10;
	s26 =	sadd.s32 s0, s25;
	s25 =	simm.s32 $0x8800  }
0xb: {  	s10 =	simm.s32 $0x3;
	s7 =	sadd.s32 s6, s4;
	s4 =	sadd.s32 $0x304400, s4  }
0xc: {  	s2 =	sadd.s32 s2, s6;
	s16 =	smax.u32 s8, $0x1;
	s17 =	sadd.s32 $0xC80, s5  }
0xd: {  	s18 =	sadd.s32 s9, s5;
	s21 =	sadd.s32 $0x15E00, s5;
	[dreg:$0x4] =	wrdreg s2  }
0xe: {  	s8 =	simm.s32 $0x10000;
	s15 =	sadd.s32 $0x3400, s7;
	[dreg:$0x6] =	wrdreg s16  }
0xf: {  	[dreg:$0x7] =	wrdreg s18;
	s19 =	sadd.s32 s9, s17;
	s20 =	sadd.s32 s4, s5  }
0x10: {  	s2 =	sadd.s32 s4, s17;
	s23 =	sadd.s32 s9, s21;
	[dreg:$0x5] =	wrdreg s15  }
0x11: {  	s5 =	sadd.s32 $0x16A80, s5;
	s6 =	sadd.s32 s22, s4;
	[dreg:$0x8] =	wrdreg s19  }
0x12: {  	s17 =	simm.s32 $0x5;
	s18 =	simm.s32 $0x28;
	[dreg:$0x9] =	wrdreg s20  }
0x13: {  	s22 =	simm.s32 $0x700;
	s7 =	simm.s32 $0x0;
	[dreg:$0xa] =	wrdreg s2  }
0x14: {  	[dreg:$0xb] =	wrdreg s23;
	s24 =	sadd.s32 s9, s5;
	s2 =	sadd.s32 s4, s21  }
0x15: {  	s0 =	sadd.s32 s0, s6;
	s4 =	sadd.s32 s4, s5;
	s15 =	sadd.s32 $0x1900, s26  }
0x16: {  	s19 =	simm.s32 $0x4C00;
	s21 =	simm.s32 $0x6000;
	s23 =	simm.s32 $0x7400  }
0x17: {  	s6 =	simm.s32 $0xEC00;
	s9 =	simm.s32 $0x1;
	[dreg:$0xc] =	wrdreg s24  }
0x18: {  	s26 =	simm.s32 $0x4880;
	s5 =	simm.s32 $0x4A80;
	[dreg:$0xd] =	wrdreg s2  }
0x19: {  	[dreg:$0xe] =	wrdreg s4;
	s16 =	sadd.s32 $0x1900, s0;
	s2 =	simm.s32 $0xC400  }
0x1a: {  	s4 =	simm.s32 $0xD800;
	s24 =	simm.s32 $0x4;
	s0 =	simm.s32 $0x4A00  }
.LBB2_1:
0x1b: {  	s11 =	rddreg [dreg:$0x4]  }
0x1c: {  	[tilespmem:s3], [sflag:$0x5] =	stream.linear.gather [hbm4b:s11+s3], $0x4B00, $0x38;
	[tilespmem:$0x11400] =	vst v63  }
0x1d: {  	_ =	swait.ge [sflag:s17], $0x4B00  }
0x1e: {  	[sflag:s17] =	ssyncset.done $0x0  }
0x1f: {  	[sflag:s17] =	ssyncadd.s32 $0xFFFFB500  }
0x20: {  	[tilespmem:s19], [sflag:$0x1] =	stream.indirect.gather [hbm4b:s1+s18], $0x80, s3, s18, $0xb8;
	[tilespmem:$0x11400] =	vst v63  }
0x21: {  	s20 =	simm.s32 $0x80  }
0x22: {  	[tilespmem:s21], [sflag:$0x1] =	stream.indirect.gather [hbm4b:s1+s18], $0x80, s20, s18, $0xb8;
	[tilespmem:$0x11400] =	vst v63  }
0x23: {  	s12 =	simm.s32 $0x100  }
0x24: {  	[tilespmem:s23], [sflag:$0x1] =	stream.indirect.gather [hbm4b:s1+s18], $0x80, s12, s18, $0xb8;
	[tilespmem:$0x11400] =	vst v63  }
0x25: {  	s13 =	simm.s32 $0x180  }
0x26: {  	[tilespmem:s25], [sflag:$0x1] =	stream.indirect.gather [hbm4b:s1+s18], $0x80, s13, s18, $0xb8;
	[tilespmem:$0x11400] =	vst v63  }
0x27: {  	s20 =	simm.s32 $0x200  }
0x28: {  	[tilespmem:s28], [sflag:$0x1] =	stream.indirect.gather [hbm4b:s1+s18], $0x80, s20, s18, $0xb8;
	[tilespmem:$0x11400] =	vst v63  }
0x29: {  	s12 =	simm.s32 $0x280  }
0x2a: {  	[tilespmem:s30], [sflag:$0x2] =	stream.indirect.gather [hbm4b:s1+s18], $0x80, s12, s18, $0xb8;
	[tilespmem:$0x11400] =	vst v63  }
0x2b: {  	s13 =	simm.s32 $0x300  }
0x2c: {  	[tilespmem:s2], [sflag:$0x2] =	stream.indirect.gather [hbm4b:s1+s18], $0x80, s13, s18, $0xb8;
	[tilespmem:$0x11400] =	vst v63  }
0x2d: {  	s20 =	simm.s32 $0x380  }
0x2e: {  	[tilespmem:s4], [sflag:$0x2] =	stream.indirect.gather [hbm4b:s1+s18], $0x80, s20, s18, $0xb8;
	[tilespmem:$0x11400] =	vst v63  }
0x2f: {  	s12 =	simm.s32 $0x400  }
0x30: {  	[tilespmem:s6], [sflag:$0x2] =	stream.indirect.gather [hbm4b:s1+s18], $0x80, s12, s18, $0xb8;
	[tilespmem:$0x11400] =	vst v63  }
0x31: {  	s13 =	simm.s32 $0x480  }
0x32: {  	[tilespmem:s8], [sflag:$0x2] =	stream.indirect.gather [hbm4b:s1+s18], $0x80, s13, s18, $0xb8;
	[tilespmem:$0x11400] =	vst v63  }
0x33: {  	_ =	swait.ge [sflag:s9], $0x1400  }
0x34: {  	[sflag:s9] =	ssyncset.done $0x0  }
0x35: {  	[sflag:s9] =	ssyncadd.s32 $0xFFFFEC00  }
0x36: {  	_ =	swait.ge [sflag:s9], $0x1400  }
0x37: {  	[sflag:s9] =	ssyncset.done $0x0  }
0x38: {  	[sflag:s9] =	ssyncadd.s32 $0xFFFFEC00  }
0x39: {  	_ =	swait.ge [sflag:s9], $0x1400  }
0x3a: {  	[sflag:s9] =	ssyncset.done $0x0  }
0x3b: {  	[sflag:s9] =	ssyncadd.s32 $0xFFFFEC00  }
0x3c: {  	_ =	swait.ge [sflag:s9], $0x1400  }
0x3d: {  	[sflag:s9] =	ssyncset.done $0x0  }
0x3e: {  	[sflag:s9] =	ssyncadd.s32 $0xFFFFEC00  }
0x3f: {  	_ =	swait.ge [sflag:s9], $0x1400  }
0x40: {  	[sflag:s9] =	ssyncset.done $0x0  }
0x41: {  	s20 =	rddreg [dreg:$0x7];
	[sflag:s9] =	ssyncadd.s32 $0xFFFFEC00  }
0x42: {  	[hbm4b:s20+s3] =	stream.linear.scatter [tilespmem:s19], [sflag:$0x3], $0x6400, $0x38;
	[tilespmem:$0x11400] =	vst v63  }
0x43: {  	_ =	swait.ge [sflag:s10], $0x6400  }
0x44: {  	[sflag:s10] =	ssyncset.done $0x0  }
0x45: {  	s12 =	simm.s32 $0x500;
	[sflag:s10] =	ssyncadd.s32 $0xFFFF9C00  }
0x46: {  	[tilespmem:s19], [sflag:$0x1] =	stream.indirect.gather [hbm4b:s1+s18], $0x80, s12, s18, $0xb8;
	[tilespmem:$0x11400] =	vst v63  }
0x47: {  	s13 =	simm.s32 $0x580  }
0x48: {  	[tilespmem:s21], [sflag:$0x1] =	stream.indirect.gather [hbm4b:s1+s18], $0x80, s13, s18, $0xb8;
	[tilespmem:$0x11400] =	vst v63  }
0x49: {  	s20 =	simm.s32 $0x600  }
0x4a: {  	[tilespmem:s23], [sflag:$0x1] =	stream.indirect.gather [hbm4b:s1+s18], $0x80, s20, s18, $0xb8;
	[tilespmem:$0x11400] =	vst v63  }
0x4b: {  	s12 =	simm.s32 $0x680  }
0x4c: {  	[tilespmem:s25], [sflag:$0x1] =	stream.indirect.gather [hbm4b:s1+s18], $0x80, s12, s18, $0xb8;
	[tilespmem:$0x11400] =	vst v63  }
0x4d: {  	_ = 	snop  }
0x4e: {  	[tilespmem:s28], [sflag:$0x1] =	stream.indirect.gather [hbm4b:s1+s18], $0x80, s22, s18, $0xb8;
	[tilespmem:$0x11400] =	vst v63  }
0x4f: {  	_ =	swait.ge [sflag:s14], $0x1400  }
0x50: {  	[sflag:s14] =	ssyncset.done $0x0  }
0x51: {  	[sflag:s14] =	ssyncadd.s32 $0xFFFFEC00  }
0x52: {  	_ =	swait.ge [sflag:s14], $0x1400  }
0x53: {  	[sflag:s14] =	ssyncset.done $0x0  }
0x54: {  	[sflag:s14] =	ssyncadd.s32 $0xFFFFEC00  }
0x55: {  	_ =	swait.ge [sflag:s14], $0x1400  }
0x56: {  	[sflag:s14] =	ssyncset.done $0x0  }
0x57: {  	[sflag:s14] =	ssyncadd.s32 $0xFFFFEC00  }
0x58: {  	_ =	swait.ge [sflag:s14], $0x1400  }
0x59: {  	[sflag:s14] =	ssyncset.done $0x0  }
0x5a: {  	[sflag:s14] =	ssyncadd.s32 $0xFFFFEC00  }
0x5b: {  	_ =	swait.ge [sflag:s14], $0x1400  }
0x5c: {  	[sflag:s14] =	ssyncset.done $0x0  }
0x5d: {  	s13 =	rddreg [dreg:$0x8];
	[sflag:s14] =	ssyncadd.s32 $0xFFFFEC00  }
0x5e: {  	[hbm4b:s13+s3] =	stream.linear.scatter [tilespmem:s30], [sflag:$0x4], $0x6400, $0x38;
	[tilespmem:$0x11400] =	vst v63  }
0x5f: {  	_ =	swait.ge [sflag:s24], $0x6400  }
0x60: {  	[sflag:s24] =	ssyncset.done $0x0  }
0x61: {  	s20 =	simm.s32 $0x780;
	[sflag:s24] =	ssyncadd.s32 $0xFFFF9C00  }
0x62: {  	[tilespmem:s30], [sflag:$0x2] =	stream.indirect.gather [hbm4b:s1+s18], $0x80, s20, s18, $0xb8;
	[tilespmem:$0x11400] =	vst v63  }
0x63: {  	s12 =	simm.s32 $0x800  }
0x64: {  	[tilespmem:s2], [sflag:$0x2] =	stream.indirect.gather [hbm4b:s1+s18], $0x80, s12, s18, $0xb8;
	[tilespmem:$0x11400] =	vst v63  }
0x65: {  	s13 =	simm.s32 $0x880  }
0x66: {  	[tilespmem:s4], [sflag:$0x2] =	stream.indirect.gather [hbm4b:s1+s18], $0x80, s13, s18, $0xb8;
	[tilespmem:$0x11400] =	vst v63  }
0x67: {  	s20 =	simm.s32 $0x900  }
0x68: {  	[tilespmem:s6], [sflag:$0x2] =	stream.indirect.gather [hbm4b:s1+s18], $0x80, s20, s18, $0xb8;
	[tilespmem:$0x11400] =	vst v63  }
0x69: {  	s12 =	simm.s32 $0x980  }
0x6a: {  	[tilespmem:s8], [sflag:$0x2] =	stream.indirect.gather [hbm4b:s1+s18], $0x80, s12, s18, $0xb8;
	[tilespmem:$0x11400] =	vst v63  }
0x6b: {  	_ =	swait.ge [sflag:s9], $0x1400  }
0x6c: {  	[sflag:s9] =	ssyncset.done $0x0  }
0x6d: {  	[sflag:s9] =	ssyncadd.s32 $0xFFFFEC00  }
0x6e: {  	_ =	swait.ge [sflag:s9], $0x1400  }
0x6f: {  	[sflag:s9] =	ssyncset.done $0x0  }
0x70: {  	[sflag:s9] =	ssyncadd.s32 $0xFFFFEC00  }
0x71: {  	_ =	swait.ge [sflag:s9], $0x1400  }
0x72: {  	[sflag:s9] =	ssyncset.done $0x0  }
0x73: {  	[sflag:s9] =	ssyncadd.s32 $0xFFFFEC00  }
0x74: {  	_ =	swait.ge [sflag:s9], $0x1400  }
0x75: {  	[sflag:s9] =	ssyncset.done $0x0  }
0x76: {  	[sflag:s9] =	ssyncadd.s32 $0xFFFFEC00  }
0x77: {  	_ =	swait.ge [sflag:s9], $0x1400  }
0x78: {  	[sflag:s9] =	ssyncset.done $0x0  }
0x79: {  	[sflag:s9] =	ssyncadd.s32 $0xFFFFEC00  }
0x7a: {  	[hbm4b:s15+s3] =	stream.linear.scatter [tilespmem:s19], [sflag:$0x3], $0x6400, $0x38;
	[tilespmem:$0x11400] =	vst v63  }
0x7b: {  	_ =	swait.ge [sflag:s10], $0x6400  }
0x7c: {  	[sflag:s10] =	ssyncset.done $0x0  }
0x7d: {  	s13 =	simm.s32 $0xA00;
	[sflag:s10] =	ssyncadd.s32 $0xFFFF9C00  }
0x7e: {  	[tilespmem:s19], [sflag:$0x1] =	stream.indirect.gather [hbm4b:s1+s18], $0x80, s13, s18, $0xb8;
	[tilespmem:$0x11400] =	vst v63  }
0x7f: {  	s20 =	simm.s32 $0xA80  }
0x80: {  	[tilespmem:s21], [sflag:$0x1] =	stream.indirect.gather [hbm4b:s1+s18], $0x80, s20, s18, $0xb8;
	[tilespmem:$0x11400] =	vst v63  }
0x81: {  	s12 =	simm.s32 $0xB00  }
0x82: {  	[tilespmem:s23], [sflag:$0x1] =	stream.indirect.gather [hbm4b:s1+s18], $0x80, s12, s18, $0xb8;
	[tilespmem:$0x11400] =	vst v63  }
0x83: {  	s13 =	simm.s32 $0xB80  }
0x84: {  	[tilespmem:s25], [sflag:$0x1] =	stream.indirect.gather [hbm4b:s1+s18], $0x80, s13, s18, $0xb8;
	[tilespmem:$0x11400] =	vst v63  }
0x85: {  	s20 =	simm.s32 $0xC00  }
0x86: {  	[tilespmem:s28], [sflag:$0x1] =	stream.indirect.gather [hbm4b:s1+s18], $0x80, s20, s18, $0xb8;
	[tilespmem:$0x11400] =	vst v63  }
0x87: {  	_ =	swait.ge [sflag:s14], $0x1400  }
0x88: {  	[sflag:s14] =	ssyncset.done $0x0  }
0x89: {  	[sflag:s14] =	ssyncadd.s32 $0xFFFFEC00  }
0x8a: {  	_ =	swait.ge [sflag:s14], $0x1400  }
0x8b: {  	[sflag:s14] =	ssyncset.done $0x0  }
0x8c: {  	[sflag:s14] =	ssyncadd.s32 $0xFFFFEC00  }
0x8d: {  	_ =	swait.ge [sflag:s14], $0x1400  }
0x8e: {  	[sflag:s14] =	ssyncset.done $0x0  }
0x8f: {  	[sflag:s14] =	ssyncadd.s32 $0xFFFFEC00  }
0x90: {  	_ =	swait.ge [sflag:s14], $0x1400  }
0x91: {  	[sflag:s14] =	ssyncset.done $0x0  }
0x92: {  	[sflag:s14] =	ssyncadd.s32 $0xFFFFEC00  }
0x93: {  	_ =	swait.ge [sflag:s14], $0x1400  }
0x94: {  	s11 =	simm.s32 $0x1400;
	[sflag:s14] =	ssyncset.done $0x0  }
0x95: {  	s12 =	sadd.s32 $0x1900, s15;
	s20 =	sadd.s32 $0xC80, s15;
	[sflag:s14] =	ssyncadd.s32 $0xFFFFEC00  }
.LBB2_2:
0x96: {  	[hbm4b:s20+s3] =	stream.linear.scatter [tilespmem:s30], [sflag:$0x4], $0x6400, $0x38;
	[tilespmem:$0x11400] =	vst v63  }
0x97: {  	s20 =	smov.u32 s11  }
0x98: {  	p0 =	sne.s32 s11, $0xF000;
	s11 =	sadd.s32 $0x1400, s11;
	_ =	swait.ge [sflag:s24], $0x6400  }
0x99: {  	s20 =	sshra.s32 s20, $0x2;
	[sflag:s24] =	ssyncset.done $0x0  }
0x9a: {  	s13 =	sadd.s32 $0x780, s20;
	[sflag:s24] =	ssyncadd.s32 $0xFFFF9C00  }
0x9b: {  	[tilespmem:s30], [sflag:$0x2] =	stream.indirect.gather [hbm4b:s1+s18], $0x80, s13, s18, $0xb8;
	[tilespmem:$0x11400] =	vst v63  }
0x9c: {  	s13 =	sadd.s32 $0x800, s20  }
0x9d: {  	[tilespmem:s2], [sflag:$0x2] =	stream.indirect.gather [hbm4b:s1+s18], $0x80, s13, s18, $0xb8;
	[tilespmem:$0x11400] =	vst v63  }
0x9e: {  	s13 =	sadd.s32 $0x880, s20  }
0x9f: {  	[tilespmem:s4], [sflag:$0x2] =	stream.indirect.gather [hbm4b:s1+s18], $0x80, s13, s18, $0xb8;
	[tilespmem:$0x11400] =	vst v63  }
0xa0: {  	s13 =	sadd.s32 $0x900, s20  }
0xa1: {  	[tilespmem:s6], [sflag:$0x2] =	stream.indirect.gather [hbm4b:s1+s18], $0x80, s13, s18, $0xb8;
	[tilespmem:$0x11400] =	vst v63  }
0xa2: {  	s13 =	sadd.s32 $0x980, s20  }
0xa3: {  	[tilespmem:s8], [sflag:$0x2] =	stream.indirect.gather [hbm4b:s1+s18], $0x80, s13, s18, $0xb8;
	[tilespmem:$0x11400] =	vst v63  }
0xa4: {  	_ =	swait.ge [sflag:s9], $0x1400  }
0xa5: {  	[sflag:s9] =	ssyncset.done $0x0  }
0xa6: {  	[sflag:s9] =	ssyncadd.s32 $0xFFFFEC00  }
0xa7: {  	_ =	swait.ge [sflag:s9], $0x1400  }
0xa8: {  	[sflag:s9] =	ssyncset.done $0x0  }
0xa9: {  	[sflag:s9] =	ssyncadd.s32 $0xFFFFEC00  }
0xaa: {  	_ =	swait.ge [sflag:s9], $0x1400  }
0xab: {  	[sflag:s9] =	ssyncset.done $0x0  }
0xac: {  	[sflag:s9] =	ssyncadd.s32 $0xFFFFEC00  }
0xad: {  	_ =	swait.ge [sflag:s9], $0x1400  }
0xae: {  	[sflag:s9] =	ssyncset.done $0x0  }
0xaf: {  	[sflag:s9] =	ssyncadd.s32 $0xFFFFEC00  }
0xb0: {  	_ =	swait.ge [sflag:s9], $0x1400  }
0xb1: {  	[sflag:s9] =	ssyncset.done $0x0  }
0xb2: {  	[sflag:s9] =	ssyncadd.s32 $0xFFFFEC00  }
0xb3: {  	[hbm4b:s12+s3] =	stream.linear.scatter [tilespmem:s19], [sflag:$0x3], $0x6400, $0x38;
	[tilespmem:$0x11400] =	vst v63  }
0xb4: {  	_ =	swait.ge [sflag:s10], $0x6400  }
0xb5: {  	[sflag:s10] =	ssyncset.done $0x0  }
0xb6: {  	s13 =	sadd.s32 $0xA00, s20;
	[sflag:s10] =	ssyncadd.s32 $0xFFFF9C00  }
0xb7: {  	[tilespmem:s19], [sflag:$0x1] =	stream.indirect.gather [hbm4b:s1+s18], $0x80, s13, s18, $0xb8;
	[tilespmem:$0x11400] =	vst v63  }
0xb8: {  	s13 =	sadd.s32 $0xA80, s20  }
0xb9: {  	[tilespmem:s21], [sflag:$0x1] =	stream.indirect.gather [hbm4b:s1+s18], $0x80, s13, s18, $0xb8;
	[tilespmem:$0x11400] =	vst v63  }
0xba: {  	s13 =	sadd.s32 $0xB00, s20  }
0xbb: {  	[tilespmem:s23], [sflag:$0x1] =	stream.indirect.gather [hbm4b:s1+s18], $0x80, s13, s18, $0xb8;
	[tilespmem:$0x11400] =	vst v63  }
0xbc: {  	s13 =	sadd.s32 $0xB80, s20  }
0xbd: {  	[tilespmem:s25], [sflag:$0x1] =	stream.indirect.gather [hbm4b:s1+s18], $0x80, s13, s18, $0xb8;
	[tilespmem:$0x11400] =	vst v63  }
0xbe: {  	s13 =	sadd.s32 $0xC00, s20  }
0xbf: {  	[tilespmem:s28], [sflag:$0x1] =	stream.indirect.gather [hbm4b:s1+s18], $0x80, s13, s18, $0xb8;
	[tilespmem:$0x11400] =	vst v63  }
0xc0: {  	_ =	swait.ge [sflag:s14], $0x1400  }
0xc1: {  	[sflag:s14] =	ssyncset.done $0x0  }
0xc2: {  	[sflag:s14] =	ssyncadd.s32 $0xFFFFEC00  }
0xc3: {  	_ =	swait.ge [sflag:s14], $0x1400  }
0xc4: {  	[sflag:s14] =	ssyncset.done $0x0  }
0xc5: {  	[sflag:s14] =	ssyncadd.s32 $0xFFFFEC00  }
0xc6: {  	_ =	swait.ge [sflag:s14], $0x1400  }
0xc7: {  	[sflag:s14] =	ssyncset.done $0x0  }
0xc8: {  	[sflag:s14] =	ssyncadd.s32 $0xFFFFEC00  }
0xc9: {  	_ =	swait.ge [sflag:s14], $0x1400  }
.Ltmp0:
0xca: {  	[sflag:s14] =	ssyncset.done $0x0;
	(pc) =	sbr.rel @p0 .LBB2_2-.Ltmp0, $4  }
0xcb: {  	[sflag:s14] =	ssyncadd.s32 $0xFFFFEC00  }
0xcc: {  	_ =	swait.ge [sflag:s14], $0x1400  }
0xcd: {  	[sflag:s14] =	ssyncset.done $0x0  }
0xce: {  	s20 =	sadd.s32 $0xC80, s12;
	s12 =	sadd.s32 $0x1900, s12;
	[sflag:s14] =	ssyncadd.s32 $0xFFFFEC00  }
0xcf: {  	[hbm4b:s20+s3] =	stream.linear.scatter [tilespmem:s30], [sflag:$0x4], $0x6400, $0x38;
	[tilespmem:$0x11400] =	vst v63  }
0xd0: {  	_ =	swait.ge [sflag:s24], $0x6400  }
0xd1: {  	[sflag:s24] =	ssyncset.done $0x0  }
0xd2: {  	[sflag:s24] =	ssyncadd.s32 $0xFFFF9C00  }
0xd3: {  	[tilespmem:s30], [sflag:$0x2] =	stream.indirect.gather [hbm4b:s1+s18], $0x80, s26, s18, $0xb8;
	[tilespmem:$0x11400] =	vst v63  }
0xd4: {  	_ = 	snop  }
0xd5: {  	[tilespmem:s2], [sflag:$0x2] =	stream.indirect.gather [hbm4b:s1+s18], $0x80, s29, s18, $0xb8;
	[tilespmem:$0x11400] =	vst v63  }
0xd6: {  	_ = 	snop  }
0xd7: {  	[tilespmem:s4], [sflag:$0x2] =	stream.indirect.gather [hbm4b:s1+s18], $0x80, s31, s18, $0xb8;
	[tilespmem:$0x11400] =	vst v63  }
0xd8: {  	_ = 	snop  }
0xd9: {  	[tilespmem:s6], [sflag:$0x2] =	stream.indirect.gather [hbm4b:s1+s18], $0x80, s0, s18, $0xb8;
	[tilespmem:$0x11400] =	vst v63  }
0xda: {  	_ = 	snop  }
0xdb: {  	[tilespmem:s8], [sflag:$0x2] =	stream.indirect.gather [hbm4b:s1+s18], $0x80, s5, s18, $0xb8;
	[tilespmem:$0x11400] =	vst v63  }
0xdc: {  	_ =	swait.ge [sflag:s9], $0x1400  }
0xdd: {  	[sflag:s9] =	ssyncset.done $0x0  }
0xde: {  	[sflag:s9] =	ssyncadd.s32 $0xFFFFEC00  }
0xdf: {  	_ =	swait.ge [sflag:s9], $0x1400  }
0xe0: {  	[sflag:s9] =	ssyncset.done $0x0  }
0xe1: {  	[sflag:s9] =	ssyncadd.s32 $0xFFFFEC00  }
0xe2: {  	_ =	swait.ge [sflag:s9], $0x1400  }
0xe3: {  	[sflag:s9] =	ssyncset.done $0x0  }
0xe4: {  	[sflag:s9] =	ssyncadd.s32 $0xFFFFEC00  }
0xe5: {  	_ =	swait.ge [sflag:s9], $0x1400  }
0xe6: {  	[sflag:s9] =	ssyncset.done $0x0  }
0xe7: {  	[sflag:s9] =	ssyncadd.s32 $0xFFFFEC00  }
0xe8: {  	_ =	swait.ge [sflag:s9], $0x1400  }
0xe9: {  	[sflag:s9] =	ssyncset.done $0x0  }
0xea: {  	s11 =	simm.s32 $0x0;
	s12 =	rddreg [dreg:$0xb];
	[sflag:s9] =	ssyncadd.s32 $0xFFFFEC00  }
0xeb: {  	[hbm4b:s12+s11] =	stream.linear.scatter [tilespmem:s19], [sflag:$0x3], $0x6400, $0x38;
	[tilespmem:$0x11400] =	vst v63  }
0xec: {  	_ =	swait.ge [sflag:s10], $0x6400  }
0xed: {  	[sflag:s10] =	ssyncset.done $0x0  }
0xee: {  	[sflag:s10] =	ssyncadd.s32 $0xFFFF9C00  }
0xef: {  	_ =	swait.ge [sflag:s14], $0x1400  }
0xf0: {  	[sflag:s14] =	ssyncset.done $0x0  }
0xf1: {  	[sflag:s14] =	ssyncadd.s32 $0xFFFFEC00  }
0xf2: {  	_ =	swait.ge [sflag:s14], $0x1400  }
0xf3: {  	[sflag:s14] =	ssyncset.done $0x0  }
0xf4: {  	[sflag:s14] =	ssyncadd.s32 $0xFFFFEC00  }
0xf5: {  	_ =	swait.ge [sflag:s14], $0x1400  }
0xf6: {  	[sflag:s14] =	ssyncset.done $0x0  }
0xf7: {  	[sflag:s14] =	ssyncadd.s32 $0xFFFFEC00  }
0xf8: {  	_ =	swait.ge [sflag:s14], $0x1400  }
0xf9: {  	[sflag:s14] =	ssyncset.done $0x0  }
0xfa: {  	[sflag:s14] =	ssyncadd.s32 $0xFFFFEC00  }
0xfb: {  	_ =	swait.ge [sflag:s14], $0x1400  }
0xfc: {  	[sflag:s14] =	ssyncset.done $0x0  }
0xfd: {  	s13 =	rddreg [dreg:$0xc];
	[sflag:s14] =	ssyncadd.s32 $0xFFFFEC00  }
0xfe: {  	[hbm4b:s13+s11] =	stream.linear.scatter [tilespmem:s30], [sflag:$0x4], $0x6400, $0x38;
	[tilespmem:$0x11400] =	vst v63  }
0xff: {  	_ =	swait.ge [sflag:s24], $0x6400  }
0x100: {  	[sflag:s24] =	ssyncset.done $0x0  }
0x101: {  	s20 =	rddreg [dreg:$0x5];
	[sflag:s24] =	ssyncadd.s32 $0xFFFF9C00  }
0x102: {  	[tilespmem:s11], [sflag:$0x5] =	stream.linear.gather [hbm4b:s20+s11], $0x4B00, $0x38;
	[tilespmem:$0x11400] =	vst v63  }
0x103: {  	_ =	swait.ge [sflag:s17], $0x4B00  }
0x104: {  	[sflag:s17] =	ssyncset.done $0x0  }
0x105: {  	[sflag:s17] =	ssyncadd.s32 $0xFFFFB500  }
0x106: {  	[tilespmem:s19], [sflag:$0x1] =	stream.indirect.gather [hbm4b:s1+s18], $0x80, s11, s18, $0xb8;
	[tilespmem:$0x11400] =	vst v63  }
0x107: {  	s13 =	simm.s32 $0x80  }
0x108: {  	[tilespmem:s21], [sflag:$0x1] =	stream.indirect.gather [hbm4b:s1+s18], $0x80, s13, s18, $0xb8;
	[tilespmem:$0x11400] =	vst v63  }
0x109: {  	s20 =	simm.s32 $0x100  }
0x10a: {  	[tilespmem:s23], [sflag:$0x1] =	stream.indirect.gather [hbm4b:s1+s18], $0x80, s20, s18, $0xb8;
	[tilespmem:$0x11400] =	vst v63  }
0x10b: {  	s13 =	simm.s32 $0x180  }
0x10c: {  	[tilespmem:s25], [sflag:$0x1] =	stream.indirect.gather [hbm4b:s1+s18], $0x80, s13, s18, $0xb8;
	[tilespmem:$0x11400] =	vst v63  }
0x10d: {  	s20 =	simm.s32 $0x200  }
0x10e: {  	[tilespmem:s28], [sflag:$0x1] =	stream.indirect.gather [hbm4b:s1+s18], $0x80, s20, s18, $0xb8;
	[tilespmem:$0x11400] =	vst v63  }
0x10f: {  	s13 =	simm.s32 $0x280  }
0x110: {  	[tilespmem:s30], [sflag:$0x2] =	stream.indirect.gather [hbm4b:s1+s18], $0x80, s13, s18, $0xb8;
	[tilespmem:$0x11400] =	vst v63  }
0x111: {  	s20 =	simm.s32 $0x300  }
0x112: {  	[tilespmem:s2], [sflag:$0x2] =	stream.indirect.gather [hbm4b:s1+s18], $0x80, s20, s18, $0xb8;
	[tilespmem:$0x11400] =	vst v63  }
0x113: {  	s13 =	simm.s32 $0x380  }
0x114: {  	[tilespmem:s4], [sflag:$0x2] =	stream.indirect.gather [hbm4b:s1+s18], $0x80, s13, s18, $0xb8;
	[tilespmem:$0x11400] =	vst v63  }
0x115: {  	s20 =	simm.s32 $0x400  }
0x116: {  	[tilespmem:s6], [sflag:$0x2] =	stream.indirect.gather [hbm4b:s1+s18], $0x80, s20, s18, $0xb8;
	[tilespmem:$0x11400] =	vst v63  }
0x117: {  	s13 =	simm.s32 $0x480  }
0x118: {  	[tilespmem:s8], [sflag:$0x2] =	stream.indirect.gather [hbm4b:s1+s18], $0x80, s13, s18, $0xb8;
	[tilespmem:$0x11400] =	vst v63  }
0x119: {  	_ =	swait.ge [sflag:s9], $0x1400  }
0x11a: {  	[sflag:s9] =	ssyncset.done $0x0  }
0x11b: {  	[sflag:s9] =	ssyncadd.s32 $0xFFFFEC00  }
0x11c: {  	_ =	swait.ge [sflag:s9], $0x1400  }
0x11d: {  	[sflag:s9] =	ssyncset.done $0x0  }
0x11e: {  	[sflag:s9] =	ssyncadd.s32 $0xFFFFEC00  }
0x11f: {  	_ =	swait.ge [sflag:s9], $0x1400  }
0x120: {  	[sflag:s9] =	ssyncset.done $0x0  }
0x121: {  	[sflag:s9] =	ssyncadd.s32 $0xFFFFEC00  }
0x122: {  	_ =	swait.ge [sflag:s9], $0x1400  }
0x123: {  	[sflag:s9] =	ssyncset.done $0x0  }
0x124: {  	[sflag:s9] =	ssyncadd.s32 $0xFFFFEC00  }
0x125: {  	_ =	swait.ge [sflag:s9], $0x1400  }
0x126: {  	[sflag:s9] =	ssyncset.done $0x0  }
0x127: {  	s20 =	rddreg [dreg:$0x9];
	[sflag:s9] =	ssyncadd.s32 $0xFFFFEC00  }
0x128: {  	[hbm4b:s20+s11] =	stream.linear.scatter [tilespmem:s19], [sflag:$0x3], $0x6400, $0x38;
	[tilespmem:$0x11400] =	vst v63  }
0x129: {  	_ =	swait.ge [sflag:s10], $0x6400  }
0x12a: {  	[sflag:s10] =	ssyncset.done $0x0  }
0x12b: {  	s13 =	simm.s32 $0x500;
	[sflag:s10] =	ssyncadd.s32 $0xFFFF9C00  }
0x12c: {  	[tilespmem:s19], [sflag:$0x1] =	stream.indirect.gather [hbm4b:s1+s18], $0x80, s13, s18, $0xb8;
	[tilespmem:$0x11400] =	vst v63  }
0x12d: {  	s20 =	simm.s32 $0x580  }
0x12e: {  	[tilespmem:s21], [sflag:$0x1] =	stream.indirect.gather [hbm4b:s1+s18], $0x80, s20, s18, $0xb8;
	[tilespmem:$0x11400] =	vst v63  }
0x12f: {  	s13 =	simm.s32 $0x600  }
0x130: {  	[tilespmem:s23], [sflag:$0x1] =	stream.indirect.gather [hbm4b:s1+s18], $0x80, s13, s18, $0xb8;
	[tilespmem:$0x11400] =	vst v63  }
0x131: {  	s20 =	simm.s32 $0x680  }
0x132: {  	[tilespmem:s25], [sflag:$0x1] =	stream.indirect.gather [hbm4b:s1+s18], $0x80, s20, s18, $0xb8;
	[tilespmem:$0x11400] =	vst v63  }
0x133: {  	_ = 	snop  }
0x134: {  	[tilespmem:s28], [sflag:$0x1] =	stream.indirect.gather [hbm4b:s1+s18], $0x80, s22, s18, $0xb8;
	[tilespmem:$0x11400] =	vst v63  }
0x135: {  	_ =	swait.ge [sflag:s14], $0x1400  }
0x136: {  	[sflag:s14] =	ssyncset.done $0x0  }
0x137: {  	[sflag:s14] =	ssyncadd.s32 $0xFFFFEC00  }
0x138: {  	_ =	swait.ge [sflag:s14], $0x1400  }
0x139: {  	[sflag:s14] =	ssyncset.done $0x0  }
0x13a: {  	[sflag:s14] =	ssyncadd.s32 $0xFFFFEC00  }
0x13b: {  	_ =	swait.ge [sflag:s14], $0x1400  }
0x13c: {  	[sflag:s14] =	ssyncset.done $0x0  }
0x13d: {  	[sflag:s14] =	ssyncadd.s32 $0xFFFFEC00  }
0x13e: {  	_ =	swait.ge [sflag:s14], $0x1400  }
0x13f: {  	[sflag:s14] =	ssyncset.done $0x0  }
0x140: {  	[sflag:s14] =	ssyncadd.s32 $0xFFFFEC00  }
0x141: {  	_ =	swait.ge [sflag:s14], $0x1400  }
0x142: {  	[sflag:s14] =	ssyncset.done $0x0  }
0x143: {  	s13 =	rddreg [dreg:$0xa];
	[sflag:s14] =	ssyncadd.s32 $0xFFFFEC00  }
0x144: {  	[hbm4b:s13+s11] =	stream.linear.scatter [tilespmem:s30], [sflag:$0x4], $0x6400, $0x38;
	[tilespmem:$0x11400] =	vst v63  }
0x145: {  	_ =	swait.ge [sflag:s24], $0x6400  }
0x146: {  	[sflag:s24] =	ssyncset.done $0x0  }
0x147: {  	s20 =	simm.s32 $0x780;
	[sflag:s24] =	ssyncadd.s32 $0xFFFF9C00  }
0x148: {  	[tilespmem:s30], [sflag:$0x2] =	stream.indirect.gather [hbm4b:s1+s18], $0x80, s20, s18, $0xb8;
	[tilespmem:$0x11400] =	vst v63  }
0x149: {  	s12 =	simm.s32 $0x800  }
0x14a: {  	[tilespmem:s2], [sflag:$0x2] =	stream.indirect.gather [hbm4b:s1+s18], $0x80, s12, s18, $0xb8;
	[tilespmem:$0x11400] =	vst v63  }
0x14b: {  	s13 =	simm.s32 $0x880  }
0x14c: {  	[tilespmem:s4], [sflag:$0x2] =	stream.indirect.gather [hbm4b:s1+s18], $0x80, s13, s18, $0xb8;
	[tilespmem:$0x11400] =	vst v63  }
0x14d: {  	s20 =	simm.s32 $0x900  }
0x14e: {  	[tilespmem:s6], [sflag:$0x2] =	stream.indirect.gather [hbm4b:s1+s18], $0x80, s20, s18, $0xb8;
	[tilespmem:$0x11400] =	vst v63  }
0x14f: {  	s12 =	simm.s32 $0x980  }
0x150: {  	[tilespmem:s8], [sflag:$0x2] =	stream.indirect.gather [hbm4b:s1+s18], $0x80, s12, s18, $0xb8;
	[tilespmem:$0x11400] =	vst v63  }
0x151: {  	_ =	swait.ge [sflag:s9], $0x1400  }
0x152: {  	[sflag:s9] =	ssyncset.done $0x0  }
0x153: {  	[sflag:s9] =	ssyncadd.s32 $0xFFFFEC00  }
0x154: {  	_ =	swait.ge [sflag:s9], $0x1400  }
0x155: {  	[sflag:s9] =	ssyncset.done $0x0  }
0x156: {  	[sflag:s9] =	ssyncadd.s32 $0xFFFFEC00  }
0x157: {  	_ =	swait.ge [sflag:s9], $0x1400  }
0x158: {  	[sflag:s9] =	ssyncset.done $0x0  }
0x159: {  	[sflag:s9] =	ssyncadd.s32 $0xFFFFEC00  }
0x15a: {  	_ =	swait.ge [sflag:s9], $0x1400  }
0x15b: {  	[sflag:s9] =	ssyncset.done $0x0  }
0x15c: {  	[sflag:s9] =	ssyncadd.s32 $0xFFFFEC00  }
0x15d: {  	_ =	swait.ge [sflag:s9], $0x1400  }
0x15e: {  	[sflag:s9] =	ssyncset.done $0x0  }
0x15f: {  	[sflag:s9] =	ssyncadd.s32 $0xFFFFEC00  }
0x160: {  	[hbm4b:s16+s3] =	stream.linear.scatter [tilespmem:s19], [sflag:$0x3], $0x6400, $0x38;
	[tilespmem:$0x11400] =	vst v63  }
0x161: {  	_ =	swait.ge [sflag:s10], $0x6400  }
0x162: {  	[sflag:s10] =	ssyncset.done $0x0  }
0x163: {  	s13 =	simm.s32 $0xA00;
	[sflag:s10] =	ssyncadd.s32 $0xFFFF9C00  }
0x164: {  	[tilespmem:s19], [sflag:$0x1] =	stream.indirect.gather [hbm4b:s1+s18], $0x80, s13, s18, $0xb8;
	[tilespmem:$0x11400] =	vst v63  }
0x165: {  	s20 =	simm.s32 $0xA80  }
0x166: {  	[tilespmem:s21], [sflag:$0x1] =	stream.indirect.gather [hbm4b:s1+s18], $0x80, s20, s18, $0xb8;
	[tilespmem:$0x11400] =	vst v63  }
0x167: {  	s12 =	simm.s32 $0xB00  }
0x168: {  	[tilespmem:s23], [sflag:$0x1] =	stream.indirect.gather [hbm4b:s1+s18], $0x80, s12, s18, $0xb8;
	[tilespmem:$0x11400] =	vst v63  }
0x169: {  	s13 =	simm.s32 $0xB80  }
0x16a: {  	[tilespmem:s25], [sflag:$0x1] =	stream.indirect.gather [hbm4b:s1+s18], $0x80, s13, s18, $0xb8;
	[tilespmem:$0x11400] =	vst v63  }
0x16b: {  	s20 =	simm.s32 $0xC00  }
0x16c: {  	[tilespmem:s28], [sflag:$0x1] =	stream.indirect.gather [hbm4b:s1+s18], $0x80, s20, s18, $0xb8;
	[tilespmem:$0x11400] =	vst v63  }
0x16d: {  	_ =	swait.ge [sflag:s14], $0x1400  }
0x16e: {  	[sflag:s14] =	ssyncset.done $0x0  }
0x16f: {  	[sflag:s14] =	ssyncadd.s32 $0xFFFFEC00  }
0x170: {  	_ =	swait.ge [sflag:s14], $0x1400  }
0x171: {  	[sflag:s14] =	ssyncset.done $0x0  }
0x172: {  	[sflag:s14] =	ssyncadd.s32 $0xFFFFEC00  }
0x173: {  	_ =	swait.ge [sflag:s14], $0x1400  }
0x174: {  	[sflag:s14] =	ssyncset.done $0x0  }
0x175: {  	[sflag:s14] =	ssyncadd.s32 $0xFFFFEC00  }
0x176: {  	_ =	swait.ge [sflag:s14], $0x1400  }
0x177: {  	[sflag:s14] =	ssyncset.done $0x0  }
0x178: {  	[sflag:s14] =	ssyncadd.s32 $0xFFFFEC00  }
0x179: {  	_ =	swait.ge [sflag:s14], $0x1400  }
0x17a: {  	s11 =	simm.s32 $0x1400;
	[sflag:s14] =	ssyncset.done $0x0  }
0x17b: {  	s12 =	sadd.s32 $0x1900, s16;
	s20 =	sadd.s32 $0xC80, s16;
	[sflag:s14] =	ssyncadd.s32 $0xFFFFEC00  }
.LBB2_4:
0x17c: {  	[hbm4b:s20+s3] =	stream.linear.scatter [tilespmem:s30], [sflag:$0x4], $0x6400, $0x38;
	[tilespmem:$0x11400] =	vst v63  }
0x17d: {  	s13 =	smov.u32 s11  }
0x17e: {  	p0 =	sne.s32 s11, $0xF000;
	s11 =	sadd.s32 $0x1400, s11;
	_ =	swait.ge [sflag:s24], $0x6400  }
0x17f: {  	s20 =	sshra.s32 s13, $0x2;
	[sflag:s24] =	ssyncset.done $0x0  }
0x180: {  	s13 =	sadd.s32 $0x780, s20;
	[sflag:s24] =	ssyncadd.s32 $0xFFFF9C00  }
0x181: {  	[tilespmem:s30], [sflag:$0x2] =	stream.indirect.gather [hbm4b:s1+s18], $0x80, s13, s18, $0xb8;
	[tilespmem:$0x11400] =	vst v63  }
0x182: {  	s13 =	sadd.s32 $0x800, s20  }
0x183: {  	[tilespmem:s2], [sflag:$0x2] =	stream.indirect.gather [hbm4b:s1+s18], $0x80, s13, s18, $0xb8;
	[tilespmem:$0x11400] =	vst v63  }
0x184: {  	s13 =	sadd.s32 $0x880, s20  }
0x185: {  	[tilespmem:s4], [sflag:$0x2] =	stream.indirect.gather [hbm4b:s1+s18], $0x80, s13, s18, $0xb8;
	[tilespmem:$0x11400] =	vst v63  }
0x186: {  	s13 =	sadd.s32 $0x900, s20  }
0x187: {  	[tilespmem:s6], [sflag:$0x2] =	stream.indirect.gather [hbm4b:s1+s18], $0x80, s13, s18, $0xb8;
	[tilespmem:$0x11400] =	vst v63  }
0x188: {  	s13 =	sadd.s32 $0x980, s20  }
0x189: {  	[tilespmem:s8], [sflag:$0x2] =	stream.indirect.gather [hbm4b:s1+s18], $0x80, s13, s18, $0xb8;
	[tilespmem:$0x11400] =	vst v63  }
0x18a: {  	_ =	swait.ge [sflag:s9], $0x1400  }
0x18b: {  	[sflag:s9] =	ssyncset.done $0x0  }
0x18c: {  	[sflag:s9] =	ssyncadd.s32 $0xFFFFEC00  }
0x18d: {  	_ =	swait.ge [sflag:s9], $0x1400  }
0x18e: {  	[sflag:s9] =	ssyncset.done $0x0  }
0x18f: {  	[sflag:s9] =	ssyncadd.s32 $0xFFFFEC00  }
0x190: {  	_ =	swait.ge [sflag:s9], $0x1400  }
0x191: {  	[sflag:s9] =	ssyncset.done $0x0  }
0x192: {  	[sflag:s9] =	ssyncadd.s32 $0xFFFFEC00  }
0x193: {  	_ =	swait.ge [sflag:s9], $0x1400  }
0x194: {  	[sflag:s9] =	ssyncset.done $0x0  }
0x195: {  	[sflag:s9] =	ssyncadd.s32 $0xFFFFEC00  }
0x196: {  	_ =	swait.ge [sflag:s9], $0x1400  }
0x197: {  	[sflag:s9] =	ssyncset.done $0x0  }
0x198: {  	[sflag:s9] =	ssyncadd.s32 $0xFFFFEC00  }
0x199: {  	[hbm4b:s12+s3] =	stream.linear.scatter [tilespmem:s19], [sflag:$0x3], $0x6400, $0x38;
	[tilespmem:$0x11400] =	vst v63  }
0x19a: {  	_ =	swait.ge [sflag:s10], $0x6400  }
0x19b: {  	[sflag:s10] =	ssyncset.done $0x0  }
0x19c: {  	s13 =	sadd.s32 $0xA00, s20;
	[sflag:s10] =	ssyncadd.s32 $0xFFFF9C00  }
0x19d: {  	[tilespmem:s19], [sflag:$0x1] =	stream.indirect.gather [hbm4b:s1+s18], $0x80, s13, s18, $0xb8;
	[tilespmem:$0x11400] =	vst v63  }
0x19e: {  	s13 =	sadd.s32 $0xA80, s20  }
0x19f: {  	[tilespmem:s21], [sflag:$0x1] =	stream.indirect.gather [hbm4b:s1+s18], $0x80, s13, s18, $0xb8;
	[tilespmem:$0x11400] =	vst v63  }
0x1a0: {  	s13 =	sadd.s32 $0xB00, s20  }
0x1a1: {  	[tilespmem:s23], [sflag:$0x1] =	stream.indirect.gather [hbm4b:s1+s18], $0x80, s13, s18, $0xb8;
	[tilespmem:$0x11400] =	vst v63  }
0x1a2: {  	s13 =	sadd.s32 $0xB80, s20  }
0x1a3: {  	[tilespmem:s25], [sflag:$0x1] =	stream.indirect.gather [hbm4b:s1+s18], $0x80, s13, s18, $0xb8;
	[tilespmem:$0x11400] =	vst v63  }
0x1a4: {  	s13 =	sadd.s32 $0xC00, s20  }
0x1a5: {  	[tilespmem:s28], [sflag:$0x1] =	stream.indirect.gather [hbm4b:s1+s18], $0x80, s13, s18, $0xb8;
	[tilespmem:$0x11400] =	vst v63  }
0x1a6: {  	_ =	swait.ge [sflag:s14], $0x1400  }
0x1a7: {  	[sflag:s14] =	ssyncset.done $0x0  }
0x1a8: {  	[sflag:s14] =	ssyncadd.s32 $0xFFFFEC00  }
0x1a9: {  	_ =	swait.ge [sflag:s14], $0x1400  }
0x1aa: {  	[sflag:s14] =	ssyncset.done $0x0  }
0x1ab: {  	[sflag:s14] =	ssyncadd.s32 $0xFFFFEC00  }
0x1ac: {  	_ =	swait.ge [sflag:s14], $0x1400  }
0x1ad: {  	[sflag:s14] =	ssyncset.done $0x0  }
0x1ae: {  	[sflag:s14] =	ssyncadd.s32 $0xFFFFEC00  }
0x1af: {  	_ =	swait.ge [sflag:s14], $0x1400  }
.Ltmp1:
0x1b0: {  	[sflag:s14] =	ssyncset.done $0x0;
	(pc) =	sbr.rel @p0 .LBB2_4-.Ltmp1, $4  }
0x1b1: {  	[sflag:s14] =	ssyncadd.s32 $0xFFFFEC00  }
0x1b2: {  	_ =	swait.ge [sflag:s14], $0x1400  }
0x1b3: {  	[sflag:s14] =	ssyncset.done $0x0  }
0x1b4: {  	s20 =	sadd.s32 $0xC80, s12;
	s12 =	sadd.s32 $0x1900, s12;
	[sflag:s14] =	ssyncadd.s32 $0xFFFFEC00  }
0x1b5: {  	[hbm4b:s20+s3] =	stream.linear.scatter [tilespmem:s30], [sflag:$0x4], $0x6400, $0x38;
	[tilespmem:$0x11400] =	vst v63  }
0x1b6: {  	_ =	swait.ge [sflag:s24], $0x6400  }
0x1b7: {  	[sflag:s24] =	ssyncset.done $0x0  }
0x1b8: {  	[sflag:s24] =	ssyncadd.s32 $0xFFFF9C00  }
0x1b9: {  	[tilespmem:s30], [sflag:$0x2] =	stream.indirect.gather [hbm4b:s1+s18], $0x80, s26, s18, $0xb8;
	[tilespmem:$0x11400] =	vst v63  }
0x1ba: {  	_ = 	snop  }
0x1bb: {  	[tilespmem:s2], [sflag:$0x2] =	stream.indirect.gather [hbm4b:s1+s18], $0x80, s29, s18, $0xb8;
	[tilespmem:$0x11400] =	vst v63  }
0x1bc: {  	_ = 	snop  }
0x1bd: {  	[tilespmem:s4], [sflag:$0x2] =	stream.indirect.gather [hbm4b:s1+s18], $0x80, s31, s18, $0xb8;
	[tilespmem:$0x11400] =	vst v63  }
0x1be: {  	_ = 	snop  }
0x1bf: {  	[tilespmem:s6], [sflag:$0x2] =	stream.indirect.gather [hbm4b:s1+s18], $0x80, s0, s18, $0xb8;
	[tilespmem:$0x11400] =	vst v63  }
0x1c0: {  	_ = 	snop  }
0x1c1: {  	[tilespmem:s8], [sflag:$0x2] =	stream.indirect.gather [hbm4b:s1+s18], $0x80, s5, s18, $0xb8;
	[tilespmem:$0x11400] =	vst v63  }
0x1c2: {  	_ =	swait.ge [sflag:s9], $0x1400  }
0x1c3: {  	[sflag:s9] =	ssyncset.done $0x0  }
0x1c4: {  	[sflag:s9] =	ssyncadd.s32 $0xFFFFEC00  }
0x1c5: {  	_ =	swait.ge [sflag:s9], $0x1400  }
0x1c6: {  	[sflag:s9] =	ssyncset.done $0x0  }
0x1c7: {  	[sflag:s9] =	ssyncadd.s32 $0xFFFFEC00  }
0x1c8: {  	_ =	swait.ge [sflag:s9], $0x1400  }
0x1c9: {  	[sflag:s9] =	ssyncset.done $0x0  }
0x1ca: {  	[sflag:s9] =	ssyncadd.s32 $0xFFFFEC00  }
0x1cb: {  	_ =	swait.ge [sflag:s9], $0x1400  }
0x1cc: {  	[sflag:s9] =	ssyncset.done $0x0  }
0x1cd: {  	[sflag:s9] =	ssyncadd.s32 $0xFFFFEC00  }
0x1ce: {  	_ =	swait.ge [sflag:s9], $0x1400  }
0x1cf: {  	[sflag:s9] =	ssyncset.done $0x0  }
0x1d0: {  	s11 =	rddreg [dreg:$0xd];
	[sflag:s9] =	ssyncadd.s32 $0xFFFFEC00  }
0x1d1: {  	[hbm4b:s11+s3] =	stream.linear.scatter [tilespmem:s19], [sflag:$0x3], $0x6400, $0x38;
	[tilespmem:$0x11400] =	vst v63  }
0x1d2: {  	_ =	swait.ge [sflag:s10], $0x6400  }
0x1d3: {  	[sflag:s10] =	ssyncset.done $0x0  }
0x1d4: {  	[sflag:s10] =	ssyncadd.s32 $0xFFFF9C00  }
0x1d5: {  	_ =	swait.ge [sflag:s14], $0x1400  }
0x1d6: {  	[sflag:s14] =	ssyncset.done $0x0  }
0x1d7: {  	[sflag:s14] =	ssyncadd.s32 $0xFFFFEC00  }
0x1d8: {  	_ =	swait.ge [sflag:s14], $0x1400  }
0x1d9: {  	[sflag:s14] =	ssyncset.done $0x0  }
0x1da: {  	[sflag:s14] =	ssyncadd.s32 $0xFFFFEC00  }
0x1db: {  	_ =	swait.ge [sflag:s14], $0x1400  }
0x1dc: {  	[sflag:s14] =	ssyncset.done $0x0  }
0x1dd: {  	[sflag:s14] =	ssyncadd.s32 $0xFFFFEC00  }
0x1de: {  	_ =	swait.ge [sflag:s14], $0x1400  }
0x1df: {  	[sflag:s14] =	ssyncset.done $0x0  }
0x1e0: {  	[sflag:s14] =	ssyncadd.s32 $0xFFFFEC00  }
0x1e1: {  	_ =	swait.ge [sflag:s14], $0x1400  }
0x1e2: {  	[sflag:s14] =	ssyncset.done $0x0  }
0x1e3: {  	s13 =	rddreg [dreg:$0xe];
	[sflag:s14] =	ssyncadd.s32 $0xFFFFEC00  }
0x1e4: {  	[hbm4b:s13+s3] =	stream.linear.scatter [tilespmem:s30], [sflag:$0x4], $0x6400, $0x38;
	[tilespmem:$0x11400] =	vst v63  }
0x1e5: {  	_ =	swait.ge [sflag:s24], $0x6400  }
0x1e6: {  	s7 =	sadd.s32 $0x1, s7;
	s20 =	rddreg [dreg:$0x6]  }
0x1e7: {  	p0 =	sne.s32 s7, s20  }
.Ltmp2:
0x1e8: {  	_ = 	snop;
	(pc) =	sbr.rel @p0 .LBB2_1-.Ltmp2, $3  }
0x1e9: {  	_ =	sdelay $0x1  }
0x1ea: {  	[sflag:s24] =	ssyncset.done $0x0  }
0x1eb: {  	[sflag:s24] =	ssyncadd.s32 $0xFFFF9C00  }
0x1ec: {  	_ =	sfence.sel $0x180000  }
0x1ed: {  	[bflag:$0x0] =	sbarrier.arrive $0xFFFF  }
0x1ee: {  	_ =	strace $0x90000047  }
0x1ef: {  	s0 =	stileid.u32;
	[bflag:$0x2] =	sbarrier.arrive $0xFFFF  }
0x1f0: {  	p0 =	sne.s32 s0, $0x0;
	s0 =	rddreg [dreg:$0x3]  }
0x1f1: {  	s0 =	sadd.s32 @!p0 $0x100000, s0  }
0x1f2: {  	[sflag:s0] =	ssyncadd.tile.s32 @!p0 $0x1;
	_ =	shalt  }
.Lfunc_end2:
_tile_overlayer_lowered:
.L_overlay_start_2:
0x1f3: {  	(tag) =	ssettag $0x2  }
0x1f4: {  	s0 =	rddreg [dreg:$0x0];
	s2 =	stileid.u32  }
0x1f5: {  	s1 =	rddreg [dreg:$0x1];
	p0 =	sne.s32 s2, $0x0  }
0x1f6: {  	s3 =	rddreg [dreg:$0x2];
	[bflag:$0x3] =	sbarrier.arrive $0xFFFF;
	s2 =	simm.s32 @!p0 $0x1C05  }
0x1f7: {  	[timem:s3], [sflag:s2] =	dma.local @!p0 [hbm:s0], s1  }
0x1f8: {  	s0 =	simm.s32 @!p0 $0x5  }
0x1f9: {  	_ =	swait.ge @!p0 [sflag:s0], s1  }
0x1fa: {  	s1 =	ssub.s32 @!p0 $0x0, s1;
	[sflag:s0] =	ssyncset.done @!p0 $0x0  }
0x1fb: {  	[sflag:s0] =	ssyncadd.s32 @!p0 s1  }
0x1fc: {  	[bflag:$0x3] =	sbarrier.arrive $0xFFFF  }
0x1fd: {  	_ =	shalt  }

</sc_bundles>
